<compile_context>
chip_gen: v7x
topology: tpu7x:2x2x1
jax: 0.10.2.dev20260603
libtpu: 0.0.44.dev20260713+nightly
codegen_flags: <defaults>
</compile_context>

<pallas_src>
import functools

import jax
import jax.numpy as jnp
from jax import lax
from jax.experimental import pallas as pl
from jax.experimental.pallas import tpu as pltpu
from jax.experimental.pallas import tpu_sc as plsc

H = 128
N = 10000
E = 320000
EPS = 1e-5

NT = 32
RPT = 313
NPAD = NT * RPT
C = 1280
NCHUNK = E // C
VPC = C // 16
G = 16


def _relu_linear(x, Wt, b2):
    def body(x_ref, wt_ref, b_ref, y_ref):
        y_ref[...] = jnp.maximum(
            jnp.dot(x_ref[...], wt_ref[...],
                    preferred_element_type=jnp.float32) + b_ref[...], 0.0)

    grid = 10
    blk = N // grid
    return pl.pallas_call(
        body,
        grid=(grid,),
        in_specs=[
            pl.BlockSpec((blk, H), lambda i: (i, 0)),
            pl.BlockSpec((H, H), lambda i: (0, 0)),
            pl.BlockSpec((1, H), lambda i: (0, 0)),
        ],
        out_specs=pl.BlockSpec((blk, H), lambda i: (i, 0)),
        out_shape=jax.ShapeDtypeStruct((N, H), jnp.float32),
    )(x, Wt, b2)


def _make_segmax():
    mesh = plsc.VectorSubcoreMesh(core_axis_name="c", subcore_axis_name="s")

    @functools.partial(
        pl.kernel,
        mesh=mesh,
        out_type=jax.ShapeDtypeStruct((NPAD * H,), jnp.float32),
        scratch_types=[
            pltpu.VMEM(((RPT + 1) * H,), jnp.float32),
            pltpu.VMEM((C,), jnp.int32),
            pltpu.VMEM((C,), jnp.int32),
            pltpu.VMEM((C + G,), jnp.int32),
            pltpu.VMEM((C + G,), jnp.int32),
            pltpu.VMEM((G, H), jnp.float32),
            pltpu.SemaphoreType.DMA,
        ],
        compiler_params=pltpu.CompilerParams(needs_layout_passes=False),
    )
    def segmax(y_hbm, src_hbm, dst_hbm, out_hbm,
               acc, dstv, srcv, cdst, csrc, rows, sem):
        wid = lax.axis_index("s") * 2 + lax.axis_index("c")
        lo = wid * RPT
        col = lax.iota(jnp.int32, 16)
        zero16f = jnp.zeros((16,), jnp.float32)
        zero16i = jnp.zeros((16,), jnp.int32)
        dump16 = jnp.full((16,), RPT, jnp.int32)

        def init_body(i, carry):
            acc[pl.ds(i * 16, 16)] = zero16f
            return carry
        lax.fori_loop(0, (RPT + 1) * H // 16, init_body, 0)
        for j in range((C + G) // 16):
            csrc[pl.ds(j * 16, 16)] = zero16i
            cdst[pl.ds(j * 16, 16)] = dump16

        def chunk_body(ci, carry):
            pltpu.sync_copy(dst_hbm.at[pl.ds(ci * C, C)], dstv)
            pltpu.sync_copy(src_hbm.at[pl.ds(ci * C, C)], srcv)

            def scan_body(j, cnt):
                d16 = dstv[pl.ds(j * 16, 16)]
                s16 = srcv[pl.ds(j * 16, 16)]
                dl = d16 - lo
                msk = (dl >= 0) & (dl < RPT)
                pref = plsc.cumsum(msk.astype(jnp.int32))
                pos = pref + (cnt - 1)
                plsc.store_scatter(cdst, [pos], dl, mask=msk)
                plsc.store_scatter(csrc, [pos], s16, mask=msk)
                return cnt + jnp.max(pref)
            cnt = lax.fori_loop(0, VPC, scan_body, jnp.int32(0))

            cdst[pl.ds(cnt, 16)] = dump16

            ng = (cnt + (G - 1)) // G

            def group_body(g, carry2):
                pltpu.async_copy(
                    y_hbm.at[csrc.at[pl.ds(g * G, G)]], rows, sem).wait()
                for r in range(G):
                    d_spl = plsc.load_gather(
                        cdst, [jnp.full((16,), g * G + r, jnp.int32)])
                    base = d_spl * H
                    for q in range(8):
                        idx = base + (col + 16 * q)
                        cur = plsc.load_gather(acc, [idx])
                        plsc.store_scatter(
                            acc, [idx],
                            jnp.maximum(cur, rows[r, pl.ds(16 * q, 16)]))
                return carry2
            lax.fori_loop(0, ng, group_body, 0)
            return carry
        lax.fori_loop(0, NCHUNK, chunk_body, 0)

        pltpu.sync_copy(acc.at[pl.ds(0, RPT * H)],
                        out_hbm.at[pl.ds(lo * H, RPT * H)])

    return segmax


_segmax = _make_segmax()


def _finalize(x, mm, w2, b2):
    def body(x_ref, mm_ref, w_ref, b_ref, o_ref):
        h = x_ref[...] + mm_ref[...]
        ms = jnp.mean(h * h, axis=-1, keepdims=True)
        o_ref[...] = h * lax.rsqrt(ms + EPS) * w_ref[...] + b_ref[...]

    grid = 10
    blk = N // grid
    return pl.pallas_call(
        body,
        grid=(grid,),
        in_specs=[
            pl.BlockSpec((blk, H), lambda i: (i, 0)),
            pl.BlockSpec((blk, H), lambda i: (i, 0)),
            pl.BlockSpec((1, H), lambda i: (0, 0)),
            pl.BlockSpec((1, H), lambda i: (0, 0)),
        ],
        out_specs=pl.BlockSpec((blk, H), lambda i: (i, 0)),
        out_shape=jax.ShapeDtypeStruct((N, H), jnp.float32),
    )(x, mm, w2, b2)


def kernel(x, unused, e, W, b, rms_weight, rms_bias):
    y = _relu_linear(x, W.T, b.reshape(1, H))
    src = e[:, 0]
    dst = e[:, 1]
    mm_flat = _segmax(y, src, dst)
    mm = mm_flat.reshape(NPAD, H)[:N]
    return _finalize(x, mm, rms_weight.reshape(1, H), rms_bias.reshape(1, H))

# --- scband reference (transcript-rebuilt; emitter-appended) ---
"""Pipeline reference for scband-gconv-layer-edges-28071906247357 (READ-ONLY COPY).

The authoritative reference and input builder live on the scoring server;
editing this copy changes nothing except your own understanding.
"""

import jax, jax.numpy as jnp
import numpy as np

HIDDEN = 128
N_NODES = 10000
N_EDGES = 320000
EPS = 1e-5


def setup_inputs(seed: int = 0) -> dict:
    key = jax.random.key(seed)
    kx, ke, kw, kb = jax.random.split(key, 4)
    x = jax.random.normal(kx, (N_NODES, HIDDEN), dtype=jnp.float32)
    e = jax.random.randint(ke, (N_EDGES, 2), 0, N_NODES, dtype=jnp.int64 if jax.config.jax_enable_x64 else jnp.int32).astype(jnp.int32)
    # eqx.nn.Linear(hidden, hidden): weight [out, in], bias [out]
    lim = 1.0 / np.sqrt(HIDDEN)
    W = jax.random.uniform(kw, (HIDDEN, HIDDEN), minval=-lim, maxval=lim, dtype=jnp.float32)
    b = jax.random.uniform(kb, (HIDDEN,), minval=-lim, maxval=lim, dtype=jnp.float32)
    # eqx.nn.RMSNorm(hidden): weight ones, bias zeros by default
    rms_weight = jnp.ones((HIDDEN,), dtype=jnp.float32)
    rms_bias = jnp.zeros((HIDDEN,), dtype=jnp.float32)
    return {"x": x, "unused": 0, "e": e, "W": W, "b": b, "rms_weight": rms_weight, "rms_bias": rms_bias}


def reference(x, unused, e, W, b, rms_weight, rms_bias):
    n = x.shape[0]
    m = x[e[:, 0]]                     # gather source node features [E, H]
    m = m @ W.T + b                    # vmap(linear) == row-wise affine
    m = jax.nn.relu(m)
    d = jax.ops.segment_sum(jnp.ones_like(m), segment_ids=e[:, 1], num_segments=n)
    mm = jax.ops.segment_max(m, segment_ids=e[:, 1], num_segments=n)
    mm = jnp.where(d == 0, 0.0, mm)
    h = x + mm
    ms = jnp.mean(h * h, axis=-1, keepdims=True)
    out = h / jnp.sqrt(ms + EPS) * rms_weight + rms_bias
    return out

if __name__ == "__main__":
    import jax
    _d = setup_inputs()
    print(jax.jit(kernel)(*tuple(_d.values())))

</pallas_src>

<mosaic_0001>
#map = affine_map<(d0, d1) -> (0, 0)>
#map1 = affine_map<(d0, d1) -> (0)>
module attributes {stable_mosaic.version = 14 : i64} {
  func.func @segmax(%arg0: i32, %arg1: i32, %arg2: memref<10000x128xf32, #tpu.memory_space<hbm>>, %arg3: memref<320000xi32, #tpu.memory_space<hbm>>, %arg4: memref<320000xi32, #tpu.memory_space<hbm>>, %arg5: memref<1282048xf32, #tpu.memory_space<hbm>>, %arg6: memref<40192xf32, #tpu.memory_space<vmem>>, %arg7: memref<1280xi32, #tpu.memory_space<vmem>>, %arg8: memref<1280xi32, #tpu.memory_space<vmem>>, %arg9: memref<1296xi32, #tpu.memory_space<vmem>>, %arg10: memref<1296xi32, #tpu.memory_space<vmem>>, %arg11: memref<16x128xf32, #tpu.memory_space<vmem>>, %arg12: memref<!tpu.dma_semaphore, #tpu.memory_space<semaphore_mem>>) attributes {dimension_semantics = [#tpu.dimension_semantics<core_parallel>, #tpu.dimension_semantics<subcore_parallel>], iteration_bounds = array<i64: 2, 16>, scalar_prefetch = 0 : i64, scratch_operands = 7 : i64, tpu.core_type = #tpu.core_type<sc_vector_subcore>, window_params = [{transform_indices = #map}, {transform_indices = #map1}, {transform_indices = #map1}, {transform_indices = #map1}]} {
    %mul3A = arith.constant 2 : i32
    %mul3A_0 = arith.muli %arg1, %mul3A : i32
    %add3A = arith.addi %mul3A_0, %arg0 : i32
    %mul3A_1 = arith.constant 313 : i32
    %mul3A_2 = arith.muli %add3A, %mul3A_1 : i32
    %iota3A = tpu.iota {dimensions = array<i32: 0>} : vector<16xi32>
    %broadcast_in_dim3A = arith.constant 0.000000e+00 : f32
    %broadcast_in_dim3A_3 = vector.broadcast %broadcast_in_dim3A : f32 to vector<16xf32>
    %broadcast_in_dim3A_4 = arith.constant 0 : i32
    %broadcast_in_dim3A_5 = vector.broadcast %broadcast_in_dim3A_4 : i32 to vector<16xi32>
    %broadcast_in_dim3A_6 = arith.constant 313 : i32
    %broadcast_in_dim3A_7 = vector.broadcast %broadcast_in_dim3A_6 : i32 to vector<16xi32>
    %scan3A = arith.constant 0 : i32
    %scan3A_8 = arith.constant 0 : i32
    %scan3A_9 = arith.constant 2512 : i32
    %scan3A_10 = arith.addi %scan3A_8, %scan3A_9 : i32
    %scan3A_11 = arith.constant 1 : i32
    scf.for %scan3A_344 = %scan3A_8 to %scan3A_10 step %scan3A_11  : i32 {
      %mul3A_345 = arith.constant 16 : i32
      %mul3A_346 = arith.muli %scan3A_344, %mul3A_345 : i32
      %swap3A_347 = arith.index_cast %mul3A_346 : i32 to index
      %swap3A_348 = tpu.vector_load %arg6[%swap3A_347] {strides = array<i32>} : memref<40192xf32, #tpu.memory_space<vmem>>, vector<16xf32>,
      tpu.vector_store %arg6[%swap3A_347], %broadcast_in_dim3A_3 {strides = array<i32>} : memref<40192xf32, #tpu.memory_space<vmem>>, vector<16xf32>,
    }
    %scan3A_12 = arith.constant 2512 : i32
    %swap3A = arith.constant 0 : index
    %swap3A_13 = tpu.vector_load %arg10[%swap3A] {strides = array<i32>} : memref<1296xi32, #tpu.memory_space<vmem>>, vector<16xi32>,
    tpu.vector_store %arg10[%swap3A], %broadcast_in_dim3A_5 {strides = array<i32>} : memref<1296xi32, #tpu.memory_space<vmem>>, vector<16xi32>,
    %swap3A_14 = arith.constant 0 : index
    %swap3A_15 = tpu.vector_load %arg9[%swap3A_14] {strides = array<i32>} : memref<1296xi32, #tpu.memory_space<vmem>>, vector<16xi32>,
    tpu.vector_store %arg9[%swap3A_14], %broadcast_in_dim3A_7 {strides = array<i32>} : memref<1296xi32, #tpu.memory_space<vmem>>, vector<16xi32>,
    %swap3A_16 = arith.constant 16 : index
    %swap3A_17 = tpu.vector_load %arg10[%swap3A_16] {strides = array<i32>} : memref<1296xi32, #tpu.memory_space<vmem>>, vector<16xi32>,
    tpu.vector_store %arg10[%swap3A_16], %broadcast_in_dim3A_5 {strides = array<i32>} : memref<1296xi32, #tpu.memory_space<vmem>>, vector<16xi32>,
    %swap3A_18 = arith.constant 16 : index
    %swap3A_19 = tpu.vector_load %arg9[%swap3A_18] {strides = array<i32>} : memref<1296xi32, #tpu.memory_space<vmem>>, vector<16xi32>,
    tpu.vector_store %arg9[%swap3A_18], %broadcast_in_dim3A_7 {strides = array<i32>} : memref<1296xi32, #tpu.memory_space<vmem>>, vector<16xi32>,
    %swap3A_20 = arith.constant 32 : index
    %swap3A_21 = tpu.vector_load %arg10[%swap3A_20] {strides = array<i32>} : memref<1296xi32, #tpu.memory_space<vmem>>, vector<16xi32>,
    tpu.vector_store %arg10[%swap3A_20], %broadcast_in_dim3A_5 {strides = array<i32>} : memref<1296xi32, #tpu.memory_space<vmem>>, vector<16xi32>,
    %swap3A_22 = arith.constant 32 : index
    %swap3A_23 = tpu.vector_load %arg9[%swap3A_22] {strides = array<i32>} : memref<1296xi32, #tpu.memory_space<vmem>>, vector<16xi32>,
    tpu.vector_store %arg9[%swap3A_22], %broadcast_in_dim3A_7 {strides = array<i32>} : memref<1296xi32, #tpu.memory_space<vmem>>, vector<16xi32>,
    %swap3A_24 = arith.constant 48 : index
    %swap3A_25 = tpu.vector_load %arg10[%swap3A_24] {strides = array<i32>} : memref<1296xi32, #tpu.memory_space<vmem>>, vector<16xi32>,
    tpu.vector_store %arg10[%swap3A_24], %broadcast_in_dim3A_5 {strides = array<i32>} : memref<1296xi32, #tpu.memory_space<vmem>>, vector<16xi32>,
    %swap3A_26 = arith.constant 48 : index
    %swap3A_27 = tpu.vector_load %arg9[%swap3A_26] {strides = array<i32>} : memref<1296xi32, #tpu.memory_space<vmem>>, vector<16xi32>,
    tpu.vector_store %arg9[%swap3A_26], %broadcast_in_dim3A_7 {strides = array<i32>} : memref<1296xi32, #tpu.memory_space<vmem>>, vector<16xi32>,
    %swap3A_28 = arith.constant 64 : index
    %swap3A_29 = tpu.vector_load %arg10[%swap3A_28] {strides = array<i32>} : memref<1296xi32, #tpu.memory_space<vmem>>, vector<16xi32>,
    tpu.vector_store %arg10[%swap3A_28], %broadcast_in_dim3A_5 {strides = array<i32>} : memref<1296xi32, #tpu.memory_space<vmem>>, vector<16xi32>,
    %swap3A_30 = arith.constant 64 : index
    %swap3A_31 = tpu.vector_load %arg9[%swap3A_30] {strides = array<i32>} : memref<1296xi32, #tpu.memory_space<vmem>>, vector<16xi32>,
    tpu.vector_store %arg9[%swap3A_30], %broadcast_in_dim3A_7 {strides = array<i32>} : memref<1296xi32, #tpu.memory_space<vmem>>, vector<16xi32>,
    %swap3A_32 = arith.constant 80 : index
    %swap3A_33 = tpu.vector_load %arg10[%swap3A_32] {strides = array<i32>} : memref<1296xi32, #tpu.memory_space<vmem>>, vector<16xi32>,
    tpu.vector_store %arg10[%swap3A_32], %broadcast_in_dim3A_5 {strides = array<i32>} : memref<1296xi32, #tpu.memory_space<vmem>>, vector<16xi32>,
    %swap3A_34 = arith.constant 80 : index
    %swap3A_35 = tpu.vector_load %arg9[%swap3A_34] {strides = array<i32>} : memref<1296xi32, #tpu.memory_space<vmem>>, vector<16xi32>,
    tpu.vector_store %arg9[%swap3A_34], %broadcast_in_dim3A_7 {strides = array<i32>} : memref<1296xi32, #tpu.memory_space<vmem>>, vector<16xi32>,
    %swap3A_36 = arith.constant 96 : index
    %swap3A_37 = tpu.vector_load %arg10[%swap3A_36] {strides = array<i32>} : memref<1296xi32, #tpu.memory_space<vmem>>, vector<16xi32>,
    tpu.vector_store %arg10[%swap3A_36], %broadcast_in_dim3A_5 {strides = array<i32>} : memref<1296xi32, #tpu.memory_space<vmem>>, vector<16xi32>,
    %swap3A_38 = arith.constant 96 : index
    %swap3A_39 = tpu.vector_load %arg9[%swap3A_38] {strides = array<i32>} : memref<1296xi32, #tpu.memory_space<vmem>>, vector<16xi32>,
    tpu.vector_store %arg9[%swap3A_38], %broadcast_in_dim3A_7 {strides = array<i32>} : memref<1296xi32, #tpu.memory_space<vmem>>, vector<16xi32>,
    %swap3A_40 = arith.constant 112 : index
    %swap3A_41 = tpu.vector_load %arg10[%swap3A_40] {strides = array<i32>} : memref<1296xi32, #tpu.memory_space<vmem>>, vector<16xi32>,
    tpu.vector_store %arg10[%swap3A_40], %broadcast_in_dim3A_5 {strides = array<i32>} : memref<1296xi32, #tpu.memory_space<vmem>>, vector<16xi32>,
    %swap3A_42 = arith.constant 112 : index
    %swap3A_43 = tpu.vector_load %arg9[%swap3A_42] {strides = array<i32>} : memref<1296xi32, #tpu.memory_space<vmem>>, vector<16xi32>,
    tpu.vector_store %arg9[%swap3A_42], %broadcast_in_dim3A_7 {strides = array<i32>} : memref<1296xi32, #tpu.memory_space<vmem>>, vector<16xi32>,
    %swap3A_44 = arith.constant 128 : index
    %swap3A_45 = tpu.vector_load %arg10[%swap3A_44] {strides = array<i32>} : memref<1296xi32, #tpu.memory_space<vmem>>, vector<16xi32>,
    tpu.vector_store %arg10[%swap3A_44], %broadcast_in_dim3A_5 {strides = array<i32>} : memref<1296xi32, #tpu.memory_space<vmem>>, vector<16xi32>,
    %swap3A_46 = arith.constant 128 : index
    %swap3A_47 = tpu.vector_load %arg9[%swap3A_46] {strides = array<i32>} : memref<1296xi32, #tpu.memory_space<vmem>>, vector<16xi32>,
    tpu.vector_store %arg9[%swap3A_46], %broadcast_in_dim3A_7 {strides = array<i32>} : memref<1296xi32, #tpu.memory_space<vmem>>, vector<16xi32>,
    %swap3A_48 = arith.constant 144 : index
    %swap3A_49 = tpu.vector_load %arg10[%swap3A_48] {strides = array<i32>} : memref<1296xi32, #tpu.memory_space<vmem>>, vector<16xi32>,
    tpu.vector_store %arg10[%swap3A_48], %broadcast_in_dim3A_5 {strides = array<i32>} : memref<1296xi32, #tpu.memory_space<vmem>>, vector<16xi32>,
    %swap3A_50 = arith.constant 144 : index
    %swap3A_51 = tpu.vector_load %arg9[%swap3A_50] {strides = array<i32>} : memref<1296xi32, #tpu.memory_space<vmem>>, vector<16xi32>,
    tpu.vector_store %arg9[%swap3A_50], %broadcast_in_dim3A_7 {strides = array<i32>} : memref<1296xi32, #tpu.memory_space<vmem>>, vector<16xi32>,
    %swap3A_52 = arith.constant 160 : index
    %swap3A_53 = tpu.vector_load %arg10[%swap3A_52] {strides = array<i32>} : memref<1296xi32, #tpu.memory_space<vmem>>, vector<16xi32>,
    tpu.vector_store %arg10[%swap3A_52], %broadcast_in_dim3A_5 {strides = array<i32>} : memref<1296xi32, #tpu.memory_space<vmem>>, vector<16xi32>,
    %swap3A_54 = arith.constant 160 : index
    %swap3A_55 = tpu.vector_load %arg9[%swap3A_54] {strides = array<i32>} : memref<1296xi32, #tpu.memory_space<vmem>>, vector<16xi32>,
    tpu.vector_store %arg9[%swap3A_54], %broadcast_in_dim3A_7 {strides = array<i32>} : memref<1296xi32, #tpu.memory_space<vmem>>, vector<16xi32>,
    %swap3A_56 = arith.constant 176 : index
    %swap3A_57 = tpu.vector_load %arg10[%swap3A_56] {strides = array<i32>} : memref<1296xi32, #tpu.memory_space<vmem>>, vector<16xi32>,
    tpu.vector_store %arg10[%swap3A_56], %broadcast_in_dim3A_5 {strides = array<i32>} : memref<1296xi32, #tpu.memory_space<vmem>>, vector<16xi32>,
    %swap3A_58 = arith.constant 176 : index
    %swap3A_59 = tpu.vector_load %arg9[%swap3A_58] {strides = array<i32>} : memref<1296xi32, #tpu.memory_space<vmem>>, vector<16xi32>,
    tpu.vector_store %arg9[%swap3A_58], %broadcast_in_dim3A_7 {strides = array<i32>} : memref<1296xi32, #tpu.memory_space<vmem>>, vector<16xi32>,
    %swap3A_60 = arith.constant 192 : index
    %swap3A_61 = tpu.vector_load %arg10[%swap3A_60] {strides = array<i32>} : memref<1296xi32, #tpu.memory_space<vmem>>, vector<16xi32>,
    tpu.vector_store %arg10[%swap3A_60], %broadcast_in_dim3A_5 {strides = array<i32>} : memref<1296xi32, #tpu.memory_space<vmem>>, vector<16xi32>,
    %swap3A_62 = arith.constant 192 : index
    %swap3A_63 = tpu.vector_load %arg9[%swap3A_62] {strides = array<i32>} : memref<1296xi32, #tpu.memory_space<vmem>>, vector<16xi32>,
    tpu.vector_store %arg9[%swap3A_62], %broadcast_in_dim3A_7 {strides = array<i32>} : memref<1296xi32, #tpu.memory_space<vmem>>, vector<16xi32>,
    %swap3A_64 = arith.constant 208 : index
    %swap3A_65 = tpu.vector_load %arg10[%swap3A_64] {strides = array<i32>} : memref<1296xi32, #tpu.memory_space<vmem>>, vector<16xi32>,
    tpu.vector_store %arg10[%swap3A_64], %broadcast_in_dim3A_5 {strides = array<i32>} : memref<1296xi32, #tpu.memory_space<vmem>>, vector<16xi32>,
    %swap3A_66 = arith.constant 208 : index
    %swap3A_67 = tpu.vector_load %arg9[%swap3A_66] {strides = array<i32>} : memref<1296xi32, #tpu.memory_space<vmem>>, vector<16xi32>,
    tpu.vector_store %arg9[%swap3A_66], %broadcast_in_dim3A_7 {strides = array<i32>} : memref<1296xi32, #tpu.memory_space<vmem>>, vector<16xi32>,
    %swap3A_68 = arith.constant 224 : index
    %swap3A_69 = tpu.vector_load %arg10[%swap3A_68] {strides = array<i32>} : memref<1296xi32, #tpu.memory_space<vmem>>, vector<16xi32>,
    tpu.vector_store %arg10[%swap3A_68], %broadcast_in_dim3A_5 {strides = array<i32>} : memref<1296xi32, #tpu.memory_space<vmem>>, vector<16xi32>,
    %swap3A_70 = arith.constant 224 : index
    %swap3A_71 = tpu.vector_load %arg9[%swap3A_70] {strides = array<i32>} : memref<1296xi32, #tpu.memory_space<vmem>>, vector<16xi32>,
    tpu.vector_store %arg9[%swap3A_70], %broadcast_in_dim3A_7 {strides = array<i32>} : memref<1296xi32, #tpu.memory_space<vmem>>, vector<16xi32>,
    %swap3A_72 = arith.constant 240 : index
    %swap3A_73 = tpu.vector_load %arg10[%swap3A_72] {strides = array<i32>} : memref<1296xi32, #tpu.memory_space<vmem>>, vector<16xi32>,
    tpu.vector_store %arg10[%swap3A_72], %broadcast_in_dim3A_5 {strides = array<i32>} : memref<1296xi32, #tpu.memory_space<vmem>>, vector<16xi32>,
    %swap3A_74 = arith.constant 240 : index
    %swap3A_75 = tpu.vector_load %arg9[%swap3A_74] {strides = array<i32>} : memref<1296xi32, #tpu.memory_space<vmem>>, vector<16xi32>,
    tpu.vector_store %arg9[%swap3A_74], %broadcast_in_dim3A_7 {strides = array<i32>} : memref<1296xi32, #tpu.memory_space<vmem>>, vector<16xi32>,
    %swap3A_76 = arith.constant 256 : index
    %swap3A_77 = tpu.vector_load %arg10[%swap3A_76] {strides = array<i32>} : memref<1296xi32, #tpu.memory_space<vmem>>, vector<16xi32>,
    tpu.vector_store %arg10[%swap3A_76], %broadcast_in_dim3A_5 {strides = array<i32>} : memref<1296xi32, #tpu.memory_space<vmem>>, vector<16xi32>,
    %swap3A_78 = arith.constant 256 : index
    %swap3A_79 = tpu.vector_load %arg9[%swap3A_78] {strides = array<i32>} : memref<1296xi32, #tpu.memory_space<vmem>>, vector<16xi32>,
    tpu.vector_store %arg9[%swap3A_78], %broadcast_in_dim3A_7 {strides = array<i32>} : memref<1296xi32, #tpu.memory_space<vmem>>, vector<16xi32>,
    %swap3A_80 = arith.constant 272 : index
    %swap3A_81 = tpu.vector_load %arg10[%swap3A_80] {strides = array<i32>} : memref<1296xi32, #tpu.memory_space<vmem>>, vector<16xi32>,
    tpu.vector_store %arg10[%swap3A_80], %broadcast_in_dim3A_5 {strides = array<i32>} : memref<1296xi32, #tpu.memory_space<vmem>>, vector<16xi32>,
    %swap3A_82 = arith.constant 272 : index
    %swap3A_83 = tpu.vector_load %arg9[%swap3A_82] {strides = array<i32>} : memref<1296xi32, #tpu.memory_space<vmem>>, vector<16xi32>,
    tpu.vector_store %arg9[%swap3A_82], %broadcast_in_dim3A_7 {strides = array<i32>} : memref<1296xi32, #tpu.memory_space<vmem>>, vector<16xi32>,
    %swap3A_84 = arith.constant 288 : index
    %swap3A_85 = tpu.vector_load %arg10[%swap3A_84] {strides = array<i32>} : memref<1296xi32, #tpu.memory_space<vmem>>, vector<16xi32>,
    tpu.vector_store %arg10[%swap3A_84], %broadcast_in_dim3A_5 {strides = array<i32>} : memref<1296xi32, #tpu.memory_space<vmem>>, vector<16xi32>,
    %swap3A_86 = arith.constant 288 : index
    %swap3A_87 = tpu.vector_load %arg9[%swap3A_86] {strides = array<i32>} : memref<1296xi32, #tpu.memory_space<vmem>>, vector<16xi32>,
    tpu.vector_store %arg9[%swap3A_86], %broadcast_in_dim3A_7 {strides = array<i32>} : memref<1296xi32, #tpu.memory_space<vmem>>, vector<16xi32>,
    %swap3A_88 = arith.constant 304 : index
    %swap3A_89 = tpu.vector_load %arg10[%swap3A_88] {strides = array<i32>} : memref<1296xi32, #tpu.memory_space<vmem>>, vector<16xi32>,
    tpu.vector_store %arg10[%swap3A_88], %broadcast_in_dim3A_5 {strides = array<i32>} : memref<1296xi32, #tpu.memory_space<vmem>>, vector<16xi32>,
    %swap3A_90 = arith.constant 304 : index
    %swap3A_91 = tpu.vector_load %arg9[%swap3A_90] {strides = array<i32>} : memref<1296xi32, #tpu.memory_space<vmem>>, vector<16xi32>,
    tpu.vector_store %arg9[%swap3A_90], %broadcast_in_dim3A_7 {strides = array<i32>} : memref<1296xi32, #tpu.memory_space<vmem>>, vector<16xi32>,
    %swap3A_92 = arith.constant 320 : index
    %swap3A_93 = tpu.vector_load %arg10[%swap3A_92] {strides = array<i32>} : memref<1296xi32, #tpu.memory_space<vmem>>, vector<16xi32>,
    tpu.vector_store %arg10[%swap3A_92], %broadcast_in_dim3A_5 {strides = array<i32>} : memref<1296xi32, #tpu.memory_space<vmem>>, vector<16xi32>,
    %swap3A_94 = arith.constant 320 : index
    %swap3A_95 = tpu.vector_load %arg9[%swap3A_94] {strides = array<i32>} : memref<1296xi32, #tpu.memory_space<vmem>>, vector<16xi32>,
    tpu.vector_store %arg9[%swap3A_94], %broadcast_in_dim3A_7 {strides = array<i32>} : memref<1296xi32, #tpu.memory_space<vmem>>, vector<16xi32>,
    %swap3A_96 = arith.constant 336 : index
    %swap3A_97 = tpu.vector_load %arg10[%swap3A_96] {strides = array<i32>} : memref<1296xi32, #tpu.memory_space<vmem>>, vector<16xi32>,
    tpu.vector_store %arg10[%swap3A_96], %broadcast_in_dim3A_5 {strides = array<i32>} : memref<1296xi32, #tpu.memory_space<vmem>>, vector<16xi32>,
    %swap3A_98 = arith.constant 336 : index
    %swap3A_99 = tpu.vector_load %arg9[%swap3A_98] {strides = array<i32>} : memref<1296xi32, #tpu.memory_space<vmem>>, vector<16xi32>,
    tpu.vector_store %arg9[%swap3A_98], %broadcast_in_dim3A_7 {strides = array<i32>} : memref<1296xi32, #tpu.memory_space<vmem>>, vector<16xi32>,
    %swap3A_100 = arith.constant 352 : index
    %swap3A_101 = tpu.vector_load %arg10[%swap3A_100] {strides = array<i32>} : memref<1296xi32, #tpu.memory_space<vmem>>, vector<16xi32>,
    tpu.vector_store %arg10[%swap3A_100], %broadcast_in_dim3A_5 {strides = array<i32>} : memref<1296xi32, #tpu.memory_space<vmem>>, vector<16xi32>,
    %swap3A_102 = arith.constant 352 : index
    %swap3A_103 = tpu.vector_load %arg9[%swap3A_102] {strides = array<i32>} : memref<1296xi32, #tpu.memory_space<vmem>>, vector<16xi32>,
    tpu.vector_store %arg9[%swap3A_102], %broadcast_in_dim3A_7 {strides = array<i32>} : memref<1296xi32, #tpu.memory_space<vmem>>, vector<16xi32>,
    %swap3A_104 = arith.constant 368 : index
    %swap3A_105 = tpu.vector_load %arg10[%swap3A_104] {strides = array<i32>} : memref<1296xi32, #tpu.memory_space<vmem>>, vector<16xi32>,
    tpu.vector_store %arg10[%swap3A_104], %broadcast_in_dim3A_5 {strides = array<i32>} : memref<1296xi32, #tpu.memory_space<vmem>>, vector<16xi32>,
    %swap3A_106 = arith.constant 368 : index
    %swap3A_107 = tpu.vector_load %arg9[%swap3A_106] {strides = array<i32>} : memref<1296xi32, #tpu.memory_space<vmem>>, vector<16xi32>,
    tpu.vector_store %arg9[%swap3A_106], %broadcast_in_dim3A_7 {strides = array<i32>} : memref<1296xi32, #tpu.memory_space<vmem>>, vector<16xi32>,
    %swap3A_108 = arith.constant 384 : index
    %swap3A_109 = tpu.vector_load %arg10[%swap3A_108] {strides = array<i32>} : memref<1296xi32, #tpu.memory_space<vmem>>, vector<16xi32>,
    tpu.vector_store %arg10[%swap3A_108], %broadcast_in_dim3A_5 {strides = array<i32>} : memref<1296xi32, #tpu.memory_space<vmem>>, vector<16xi32>,
    %swap3A_110 = arith.constant 384 : index
    %swap3A_111 = tpu.vector_load %arg9[%swap3A_110] {strides = array<i32>} : memref<1296xi32, #tpu.memory_space<vmem>>, vector<16xi32>,
    tpu.vector_store %arg9[%swap3A_110], %broadcast_in_dim3A_7 {strides = array<i32>} : memref<1296xi32, #tpu.memory_space<vmem>>, vector<16xi32>,
    %swap3A_112 = arith.constant 400 : index
    %swap3A_113 = tpu.vector_load %arg10[%swap3A_112] {strides = array<i32>} : memref<1296xi32, #tpu.memory_space<vmem>>, vector<16xi32>,
    tpu.vector_store %arg10[%swap3A_112], %broadcast_in_dim3A_5 {strides = array<i32>} : memref<1296xi32, #tpu.memory_space<vmem>>, vector<16xi32>,
    %swap3A_114 = arith.constant 400 : index
    %swap3A_115 = tpu.vector_load %arg9[%swap3A_114] {strides = array<i32>} : memref<1296xi32, #tpu.memory_space<vmem>>, vector<16xi32>,
    tpu.vector_store %arg9[%swap3A_114], %broadcast_in_dim3A_7 {strides = array<i32>} : memref<1296xi32, #tpu.memory_space<vmem>>, vector<16xi32>,
    %swap3A_116 = arith.constant 416 : index
    %swap3A_117 = tpu.vector_load %arg10[%swap3A_116] {strides = array<i32>} : memref<1296xi32, #tpu.memory_space<vmem>>, vector<16xi32>,
    tpu.vector_store %arg10[%swap3A_116], %broadcast_in_dim3A_5 {strides = array<i32>} : memref<1296xi32, #tpu.memory_space<vmem>>, vector<16xi32>,
    %swap3A_118 = arith.constant 416 : index
    %swap3A_119 = tpu.vector_load %arg9[%swap3A_118] {strides = array<i32>} : memref<1296xi32, #tpu.memory_space<vmem>>, vector<16xi32>,
    tpu.vector_store %arg9[%swap3A_118], %broadcast_in_dim3A_7 {strides = array<i32>} : memref<1296xi32, #tpu.memory_space<vmem>>, vector<16xi32>,
    %swap3A_120 = arith.constant 432 : index
    %swap3A_121 = tpu.vector_load %arg10[%swap3A_120] {strides = array<i32>} : memref<1296xi32, #tpu.memory_space<vmem>>, vector<16xi32>,
    tpu.vector_store %arg10[%swap3A_120], %broadcast_in_dim3A_5 {strides = array<i32>} : memref<1296xi32, #tpu.memory_space<vmem>>, vector<16xi32>,
    %swap3A_122 = arith.constant 432 : index
    %swap3A_123 = tpu.vector_load %arg9[%swap3A_122] {strides = array<i32>} : memref<1296xi32, #tpu.memory_space<vmem>>, vector<16xi32>,
    tpu.vector_store %arg9[%swap3A_122], %broadcast_in_dim3A_7 {strides = array<i32>} : memref<1296xi32, #tpu.memory_space<vmem>>, vector<16xi32>,
    %swap3A_124 = arith.constant 448 : index
    %swap3A_125 = tpu.vector_load %arg10[%swap3A_124] {strides = array<i32>} : memref<1296xi32, #tpu.memory_space<vmem>>, vector<16xi32>,
    tpu.vector_store %arg10[%swap3A_124], %broadcast_in_dim3A_5 {strides = array<i32>} : memref<1296xi32, #tpu.memory_space<vmem>>, vector<16xi32>,
    %swap3A_126 = arith.constant 448 : index
    %swap3A_127 = tpu.vector_load %arg9[%swap3A_126] {strides = array<i32>} : memref<1296xi32, #tpu.memory_space<vmem>>, vector<16xi32>,
    tpu.vector_store %arg9[%swap3A_126], %broadcast_in_dim3A_7 {strides = array<i32>} : memref<1296xi32, #tpu.memory_space<vmem>>, vector<16xi32>,
    %swap3A_128 = arith.constant 464 : index
    %swap3A_129 = tpu.vector_load %arg10[%swap3A_128] {strides = array<i32>} : memref<1296xi32, #tpu.memory_space<vmem>>, vector<16xi32>,
    tpu.vector_store %arg10[%swap3A_128], %broadcast_in_dim3A_5 {strides = array<i32>} : memref<1296xi32, #tpu.memory_space<vmem>>, vector<16xi32>,
    %swap3A_130 = arith.constant 464 : index
    %swap3A_131 = tpu.vector_load %arg9[%swap3A_130] {strides = array<i32>} : memref<1296xi32, #tpu.memory_space<vmem>>, vector<16xi32>,
    tpu.vector_store %arg9[%swap3A_130], %broadcast_in_dim3A_7 {strides = array<i32>} : memref<1296xi32, #tpu.memory_space<vmem>>, vector<16xi32>,
    %swap3A_132 = arith.constant 480 : index
    %swap3A_133 = tpu.vector_load %arg10[%swap3A_132] {strides = array<i32>} : memref<1296xi32, #tpu.memory_space<vmem>>, vector<16xi32>,
    tpu.vector_store %arg10[%swap3A_132], %broadcast_in_dim3A_5 {strides = array<i32>} : memref<1296xi32, #tpu.memory_space<vmem>>, vector<16xi32>,
    %swap3A_134 = arith.constant 480 : index
    %swap3A_135 = tpu.vector_load %arg9[%swap3A_134] {strides = array<i32>} : memref<1296xi32, #tpu.memory_space<vmem>>, vector<16xi32>,
    tpu.vector_store %arg9[%swap3A_134], %broadcast_in_dim3A_7 {strides = array<i32>} : memref<1296xi32, #tpu.memory_space<vmem>>, vector<16xi32>,
    %swap3A_136 = arith.constant 496 : index
    %swap3A_137 = tpu.vector_load %arg10[%swap3A_136] {strides = array<i32>} : memref<1296xi32, #tpu.memory_space<vmem>>, vector<16xi32>,
    tpu.vector_store %arg10[%swap3A_136], %broadcast_in_dim3A_5 {strides = array<i32>} : memref<1296xi32, #tpu.memory_space<vmem>>, vector<16xi32>,
    %swap3A_138 = arith.constant 496 : index
    %swap3A_139 = tpu.vector_load %arg9[%swap3A_138] {strides = array<i32>} : memref<1296xi32, #tpu.memory_space<vmem>>, vector<16xi32>,
    tpu.vector_store %arg9[%swap3A_138], %broadcast_in_dim3A_7 {strides = array<i32>} : memref<1296xi32, #tpu.memory_space<vmem>>, vector<16xi32>,
    %swap3A_140 = arith.constant 512 : index
    %swap3A_141 = tpu.vector_load %arg10[%swap3A_140] {strides = array<i32>} : memref<1296xi32, #tpu.memory_space<vmem>>, vector<16xi32>,
    tpu.vector_store %arg10[%swap3A_140], %broadcast_in_dim3A_5 {strides = array<i32>} : memref<1296xi32, #tpu.memory_space<vmem>>, vector<16xi32>,
    %swap3A_142 = arith.constant 512 : index
    %swap3A_143 = tpu.vector_load %arg9[%swap3A_142] {strides = array<i32>} : memref<1296xi32, #tpu.memory_space<vmem>>, vector<16xi32>,
    tpu.vector_store %arg9[%swap3A_142], %broadcast_in_dim3A_7 {strides = array<i32>} : memref<1296xi32, #tpu.memory_space<vmem>>, vector<16xi32>,
    %swap3A_144 = arith.constant 528 : index
    %swap3A_145 = tpu.vector_load %arg10[%swap3A_144] {strides = array<i32>} : memref<1296xi32, #tpu.memory_space<vmem>>, vector<16xi32>,
    tpu.vector_store %arg10[%swap3A_144], %broadcast_in_dim3A_5 {strides = array<i32>} : memref<1296xi32, #tpu.memory_space<vmem>>, vector<16xi32>,
    %swap3A_146 = arith.constant 528 : index
    %swap3A_147 = tpu.vector_load %arg9[%swap3A_146] {strides = array<i32>} : memref<1296xi32, #tpu.memory_space<vmem>>, vector<16xi32>,
    tpu.vector_store %arg9[%swap3A_146], %broadcast_in_dim3A_7 {strides = array<i32>} : memref<1296xi32, #tpu.memory_space<vmem>>, vector<16xi32>,
    %swap3A_148 = arith.constant 544 : index
    %swap3A_149 = tpu.vector_load %arg10[%swap3A_148] {strides = array<i32>} : memref<1296xi32, #tpu.memory_space<vmem>>, vector<16xi32>,
    tpu.vector_store %arg10[%swap3A_148], %broadcast_in_dim3A_5 {strides = array<i32>} : memref<1296xi32, #tpu.memory_space<vmem>>, vector<16xi32>,
    %swap3A_150 = arith.constant 544 : index
    %swap3A_151 = tpu.vector_load %arg9[%swap3A_150] {strides = array<i32>} : memref<1296xi32, #tpu.memory_space<vmem>>, vector<16xi32>,
    tpu.vector_store %arg9[%swap3A_150], %broadcast_in_dim3A_7 {strides = array<i32>} : memref<1296xi32, #tpu.memory_space<vmem>>, vector<16xi32>,
    %swap3A_152 = arith.constant 560 : index
    %swap3A_153 = tpu.vector_load %arg10[%swap3A_152] {strides = array<i32>} : memref<1296xi32, #tpu.memory_space<vmem>>, vector<16xi32>,
    tpu.vector_store %arg10[%swap3A_152], %broadcast_in_dim3A_5 {strides = array<i32>} : memref<1296xi32, #tpu.memory_space<vmem>>, vector<16xi32>,
    %swap3A_154 = arith.constant 560 : index
    %swap3A_155 = tpu.vector_load %arg9[%swap3A_154] {strides = array<i32>} : memref<1296xi32, #tpu.memory_space<vmem>>, vector<16xi32>,
    tpu.vector_store %arg9[%swap3A_154], %broadcast_in_dim3A_7 {strides = array<i32>} : memref<1296xi32, #tpu.memory_space<vmem>>, vector<16xi32>,
    %swap3A_156 = arith.constant 576 : index
    %swap3A_157 = tpu.vector_load %arg10[%swap3A_156] {strides = array<i32>} : memref<1296xi32, #tpu.memory_space<vmem>>, vector<16xi32>,
    tpu.vector_store %arg10[%swap3A_156], %broadcast_in_dim3A_5 {strides = array<i32>} : memref<1296xi32, #tpu.memory_space<vmem>>, vector<16xi32>,
    %swap3A_158 = arith.constant 576 : index
    %swap3A_159 = tpu.vector_load %arg9[%swap3A_158] {strides = array<i32>} : memref<1296xi32, #tpu.memory_space<vmem>>, vector<16xi32>,
    tpu.vector_store %arg9[%swap3A_158], %broadcast_in_dim3A_7 {strides = array<i32>} : memref<1296xi32, #tpu.memory_space<vmem>>, vector<16xi32>,
    %swap3A_160 = arith.constant 592 : index
    %swap3A_161 = tpu.vector_load %arg10[%swap3A_160] {strides = array<i32>} : memref<1296xi32, #tpu.memory_space<vmem>>, vector<16xi32>,
    tpu.vector_store %arg10[%swap3A_160], %broadcast_in_dim3A_5 {strides = array<i32>} : memref<1296xi32, #tpu.memory_space<vmem>>, vector<16xi32>,
    %swap3A_162 = arith.constant 592 : index
    %swap3A_163 = tpu.vector_load %arg9[%swap3A_162] {strides = array<i32>} : memref<1296xi32, #tpu.memory_space<vmem>>, vector<16xi32>,
    tpu.vector_store %arg9[%swap3A_162], %broadcast_in_dim3A_7 {strides = array<i32>} : memref<1296xi32, #tpu.memory_space<vmem>>, vector<16xi32>,
    %swap3A_164 = arith.constant 608 : index
    %swap3A_165 = tpu.vector_load %arg10[%swap3A_164] {strides = array<i32>} : memref<1296xi32, #tpu.memory_space<vmem>>, vector<16xi32>,
    tpu.vector_store %arg10[%swap3A_164], %broadcast_in_dim3A_5 {strides = array<i32>} : memref<1296xi32, #tpu.memory_space<vmem>>, vector<16xi32>,
    %swap3A_166 = arith.constant 608 : index
    %swap3A_167 = tpu.vector_load %arg9[%swap3A_166] {strides = array<i32>} : memref<1296xi32, #tpu.memory_space<vmem>>, vector<16xi32>,
    tpu.vector_store %arg9[%swap3A_166], %broadcast_in_dim3A_7 {strides = array<i32>} : memref<1296xi32, #tpu.memory_space<vmem>>, vector<16xi32>,
    %swap3A_168 = arith.constant 624 : index
    %swap3A_169 = tpu.vector_load %arg10[%swap3A_168] {strides = array<i32>} : memref<1296xi32, #tpu.memory_space<vmem>>, vector<16xi32>,
    tpu.vector_store %arg10[%swap3A_168], %broadcast_in_dim3A_5 {strides = array<i32>} : memref<1296xi32, #tpu.memory_space<vmem>>, vector<16xi32>,
    %swap3A_170 = arith.constant 624 : index
    %swap3A_171 = tpu.vector_load %arg9[%swap3A_170] {strides = array<i32>} : memref<1296xi32, #tpu.memory_space<vmem>>, vector<16xi32>,
    tpu.vector_store %arg9[%swap3A_170], %broadcast_in_dim3A_7 {strides = array<i32>} : memref<1296xi32, #tpu.memory_space<vmem>>, vector<16xi32>,
    %swap3A_172 = arith.constant 640 : index
    %swap3A_173 = tpu.vector_load %arg10[%swap3A_172] {strides = array<i32>} : memref<1296xi32, #tpu.memory_space<vmem>>, vector<16xi32>,
    tpu.vector_store %arg10[%swap3A_172], %broadcast_in_dim3A_5 {strides = array<i32>} : memref<1296xi32, #tpu.memory_space<vmem>>, vector<16xi32>,
    %swap3A_174 = arith.constant 640 : index
    %swap3A_175 = tpu.vector_load %arg9[%swap3A_174] {strides = array<i32>} : memref<1296xi32, #tpu.memory_space<vmem>>, vector<16xi32>,
    tpu.vector_store %arg9[%swap3A_174], %broadcast_in_dim3A_7 {strides = array<i32>} : memref<1296xi32, #tpu.memory_space<vmem>>, vector<16xi32>,
    %swap3A_176 = arith.constant 656 : index
    %swap3A_177 = tpu.vector_load %arg10[%swap3A_176] {strides = array<i32>} : memref<1296xi32, #tpu.memory_space<vmem>>, vector<16xi32>,
    tpu.vector_store %arg10[%swap3A_176], %broadcast_in_dim3A_5 {strides = array<i32>} : memref<1296xi32, #tpu.memory_space<vmem>>, vector<16xi32>,
    %swap3A_178 = arith.constant 656 : index
    %swap3A_179 = tpu.vector_load %arg9[%swap3A_178] {strides = array<i32>} : memref<1296xi32, #tpu.memory_space<vmem>>, vector<16xi32>,
    tpu.vector_store %arg9[%swap3A_178], %broadcast_in_dim3A_7 {strides = array<i32>} : memref<1296xi32, #tpu.memory_space<vmem>>, vector<16xi32>,
    %swap3A_180 = arith.constant 672 : index
    %swap3A_181 = tpu.vector_load %arg10[%swap3A_180] {strides = array<i32>} : memref<1296xi32, #tpu.memory_space<vmem>>, vector<16xi32>,
    tpu.vector_store %arg10[%swap3A_180], %broadcast_in_dim3A_5 {strides = array<i32>} : memref<1296xi32, #tpu.memory_space<vmem>>, vector<16xi32>,
    %swap3A_182 = arith.constant 672 : index
    %swap3A_183 = tpu.vector_load %arg9[%swap3A_182] {strides = array<i32>} : memref<1296xi32, #tpu.memory_space<vmem>>, vector<16xi32>,
    tpu.vector_store %arg9[%swap3A_182], %broadcast_in_dim3A_7 {strides = array<i32>} : memref<1296xi32, #tpu.memory_space<vmem>>, vector<16xi32>,
    %swap3A_184 = arith.constant 688 : index
    %swap3A_185 = tpu.vector_load %arg10[%swap3A_184] {strides = array<i32>} : memref<1296xi32, #tpu.memory_space<vmem>>, vector<16xi32>,
    tpu.vector_store %arg10[%swap3A_184], %broadcast_in_dim3A_5 {strides = array<i32>} : memref<1296xi32, #tpu.memory_space<vmem>>, vector<16xi32>,
    %swap3A_186 = arith.constant 688 : index
    %swap3A_187 = tpu.vector_load %arg9[%swap3A_186] {strides = array<i32>} : memref<1296xi32, #tpu.memory_space<vmem>>, vector<16xi32>,
    tpu.vector_store %arg9[%swap3A_186], %broadcast_in_dim3A_7 {strides = array<i32>} : memref<1296xi32, #tpu.memory_space<vmem>>, vector<16xi32>,
    %swap3A_188 = arith.constant 704 : index
    %swap3A_189 = tpu.vector_load %arg10[%swap3A_188] {strides = array<i32>} : memref<1296xi32, #tpu.memory_space<vmem>>, vector<16xi32>,
    tpu.vector_store %arg10[%swap3A_188], %broadcast_in_dim3A_5 {strides = array<i32>} : memref<1296xi32, #tpu.memory_space<vmem>>, vector<16xi32>,
    %swap3A_190 = arith.constant 704 : index
    %swap3A_191 = tpu.vector_load %arg9[%swap3A_190] {strides = array<i32>} : memref<1296xi32, #tpu.memory_space<vmem>>, vector<16xi32>,
    tpu.vector_store %arg9[%swap3A_190], %broadcast_in_dim3A_7 {strides = array<i32>} : memref<1296xi32, #tpu.memory_space<vmem>>, vector<16xi32>,
    %swap3A_192 = arith.constant 720 : index
    %swap3A_193 = tpu.vector_load %arg10[%swap3A_192] {strides = array<i32>} : memref<1296xi32, #tpu.memory_space<vmem>>, vector<16xi32>,
    tpu.vector_store %arg10[%swap3A_192], %broadcast_in_dim3A_5 {strides = array<i32>} : memref<1296xi32, #tpu.memory_space<vmem>>, vector<16xi32>,
    %swap3A_194 = arith.constant 720 : index
    %swap3A_195 = tpu.vector_load %arg9[%swap3A_194] {strides = array<i32>} : memref<1296xi32, #tpu.memory_space<vmem>>, vector<16xi32>,
    tpu.vector_store %arg9[%swap3A_194], %broadcast_in_dim3A_7 {strides = array<i32>} : memref<1296xi32, #tpu.memory_space<vmem>>, vector<16xi32>,
    %swap3A_196 = arith.constant 736 : index
    %swap3A_197 = tpu.vector_load %arg10[%swap3A_196] {strides = array<i32>} : memref<1296xi32, #tpu.memory_space<vmem>>, vector<16xi32>,
    tpu.vector_store %arg10[%swap3A_196], %broadcast_in_dim3A_5 {strides = array<i32>} : memref<1296xi32, #tpu.memory_space<vmem>>, vector<16xi32>,
    %swap3A_198 = arith.constant 736 : index
    %swap3A_199 = tpu.vector_load %arg9[%swap3A_198] {strides = array<i32>} : memref<1296xi32, #tpu.memory_space<vmem>>, vector<16xi32>,
    tpu.vector_store %arg9[%swap3A_198], %broadcast_in_dim3A_7 {strides = array<i32>} : memref<1296xi32, #tpu.memory_space<vmem>>, vector<16xi32>,
    %swap3A_200 = arith.constant 752 : index
    %swap3A_201 = tpu.vector_load %arg10[%swap3A_200] {strides = array<i32>} : memref<1296xi32, #tpu.memory_space<vmem>>, vector<16xi32>,
    tpu.vector_store %arg10[%swap3A_200], %broadcast_in_dim3A_5 {strides = array<i32>} : memref<1296xi32, #tpu.memory_space<vmem>>, vector<16xi32>,
    %swap3A_202 = arith.constant 752 : index
    %swap3A_203 = tpu.vector_load %arg9[%swap3A_202] {strides = array<i32>} : memref<1296xi32, #tpu.memory_space<vmem>>, vector<16xi32>,
    tpu.vector_store %arg9[%swap3A_202], %broadcast_in_dim3A_7 {strides = array<i32>} : memref<1296xi32, #tpu.memory_space<vmem>>, vector<16xi32>,
    %swap3A_204 = arith.constant 768 : index
    %swap3A_205 = tpu.vector_load %arg10[%swap3A_204] {strides = array<i32>} : memref<1296xi32, #tpu.memory_space<vmem>>, vector<16xi32>,
    tpu.vector_store %arg10[%swap3A_204], %broadcast_in_dim3A_5 {strides = array<i32>} : memref<1296xi32, #tpu.memory_space<vmem>>, vector<16xi32>,
    %swap3A_206 = arith.constant 768 : index
    %swap3A_207 = tpu.vector_load %arg9[%swap3A_206] {strides = array<i32>} : memref<1296xi32, #tpu.memory_space<vmem>>, vector<16xi32>,
    tpu.vector_store %arg9[%swap3A_206], %broadcast_in_dim3A_7 {strides = array<i32>} : memref<1296xi32, #tpu.memory_space<vmem>>, vector<16xi32>,
    %swap3A_208 = arith.constant 784 : index
    %swap3A_209 = tpu.vector_load %arg10[%swap3A_208] {strides = array<i32>} : memref<1296xi32, #tpu.memory_space<vmem>>, vector<16xi32>,
    tpu.vector_store %arg10[%swap3A_208], %broadcast_in_dim3A_5 {strides = array<i32>} : memref<1296xi32, #tpu.memory_space<vmem>>, vector<16xi32>,
    %swap3A_210 = arith.constant 784 : index
    %swap3A_211 = tpu.vector_load %arg9[%swap3A_210] {strides = array<i32>} : memref<1296xi32, #tpu.memory_space<vmem>>, vector<16xi32>,
    tpu.vector_store %arg9[%swap3A_210], %broadcast_in_dim3A_7 {strides = array<i32>} : memref<1296xi32, #tpu.memory_space<vmem>>, vector<16xi32>,
    %swap3A_212 = arith.constant 800 : index
    %swap3A_213 = tpu.vector_load %arg10[%swap3A_212] {strides = array<i32>} : memref<1296xi32, #tpu.memory_space<vmem>>, vector<16xi32>,
    tpu.vector_store %arg10[%swap3A_212], %broadcast_in_dim3A_5 {strides = array<i32>} : memref<1296xi32, #tpu.memory_space<vmem>>, vector<16xi32>,
    %swap3A_214 = arith.constant 800 : index
    %swap3A_215 = tpu.vector_load %arg9[%swap3A_214] {strides = array<i32>} : memref<1296xi32, #tpu.memory_space<vmem>>, vector<16xi32>,
    tpu.vector_store %arg9[%swap3A_214], %broadcast_in_dim3A_7 {strides = array<i32>} : memref<1296xi32, #tpu.memory_space<vmem>>, vector<16xi32>,
    %swap3A_216 = arith.constant 816 : index
    %swap3A_217 = tpu.vector_load %arg10[%swap3A_216] {strides = array<i32>} : memref<1296xi32, #tpu.memory_space<vmem>>, vector<16xi32>,
    tpu.vector_store %arg10[%swap3A_216], %broadcast_in_dim3A_5 {strides = array<i32>} : memref<1296xi32, #tpu.memory_space<vmem>>, vector<16xi32>,
    %swap3A_218 = arith.constant 816 : index
    %swap3A_219 = tpu.vector_load %arg9[%swap3A_218] {strides = array<i32>} : memref<1296xi32, #tpu.memory_space<vmem>>, vector<16xi32>,
    tpu.vector_store %arg9[%swap3A_218], %broadcast_in_dim3A_7 {strides = array<i32>} : memref<1296xi32, #tpu.memory_space<vmem>>, vector<16xi32>,
    %swap3A_220 = arith.constant 832 : index
    %swap3A_221 = tpu.vector_load %arg10[%swap3A_220] {strides = array<i32>} : memref<1296xi32, #tpu.memory_space<vmem>>, vector<16xi32>,
    tpu.vector_store %arg10[%swap3A_220], %broadcast_in_dim3A_5 {strides = array<i32>} : memref<1296xi32, #tpu.memory_space<vmem>>, vector<16xi32>,
    %swap3A_222 = arith.constant 832 : index
    %swap3A_223 = tpu.vector_load %arg9[%swap3A_222] {strides = array<i32>} : memref<1296xi32, #tpu.memory_space<vmem>>, vector<16xi32>,
    tpu.vector_store %arg9[%swap3A_222], %broadcast_in_dim3A_7 {strides = array<i32>} : memref<1296xi32, #tpu.memory_space<vmem>>, vector<16xi32>,
    %swap3A_224 = arith.constant 848 : index
    %swap3A_225 = tpu.vector_load %arg10[%swap3A_224] {strides = array<i32>} : memref<1296xi32, #tpu.memory_space<vmem>>, vector<16xi32>,
    tpu.vector_store %arg10[%swap3A_224], %broadcast_in_dim3A_5 {strides = array<i32>} : memref<1296xi32, #tpu.memory_space<vmem>>, vector<16xi32>,
    %swap3A_226 = arith.constant 848 : index
    %swap3A_227 = tpu.vector_load %arg9[%swap3A_226] {strides = array<i32>} : memref<1296xi32, #tpu.memory_space<vmem>>, vector<16xi32>,
    tpu.vector_store %arg9[%swap3A_226], %broadcast_in_dim3A_7 {strides = array<i32>} : memref<1296xi32, #tpu.memory_space<vmem>>, vector<16xi32>,
    %swap3A_228 = arith.constant 864 : index
    %swap3A_229 = tpu.vector_load %arg10[%swap3A_228] {strides = array<i32>} : memref<1296xi32, #tpu.memory_space<vmem>>, vector<16xi32>,
    tpu.vector_store %arg10[%swap3A_228], %broadcast_in_dim3A_5 {strides = array<i32>} : memref<1296xi32, #tpu.memory_space<vmem>>, vector<16xi32>,
    %swap3A_230 = arith.constant 864 : index
    %swap3A_231 = tpu.vector_load %arg9[%swap3A_230] {strides = array<i32>} : memref<1296xi32, #tpu.memory_space<vmem>>, vector<16xi32>,
    tpu.vector_store %arg9[%swap3A_230], %broadcast_in_dim3A_7 {strides = array<i32>} : memref<1296xi32, #tpu.memory_space<vmem>>, vector<16xi32>,
    %swap3A_232 = arith.constant 880 : index
    %swap3A_233 = tpu.vector_load %arg10[%swap3A_232] {strides = array<i32>} : memref<1296xi32, #tpu.memory_space<vmem>>, vector<16xi32>,
    tpu.vector_store %arg10[%swap3A_232], %broadcast_in_dim3A_5 {strides = array<i32>} : memref<1296xi32, #tpu.memory_space<vmem>>, vector<16xi32>,
    %swap3A_234 = arith.constant 880 : index
    %swap3A_235 = tpu.vector_load %arg9[%swap3A_234] {strides = array<i32>} : memref<1296xi32, #tpu.memory_space<vmem>>, vector<16xi32>,
    tpu.vector_store %arg9[%swap3A_234], %broadcast_in_dim3A_7 {strides = array<i32>} : memref<1296xi32, #tpu.memory_space<vmem>>, vector<16xi32>,
    %swap3A_236 = arith.constant 896 : index
    %swap3A_237 = tpu.vector_load %arg10[%swap3A_236] {strides = array<i32>} : memref<1296xi32, #tpu.memory_space<vmem>>, vector<16xi32>,
    tpu.vector_store %arg10[%swap3A_236], %broadcast_in_dim3A_5 {strides = array<i32>} : memref<1296xi32, #tpu.memory_space<vmem>>, vector<16xi32>,
    %swap3A_238 = arith.constant 896 : index
    %swap3A_239 = tpu.vector_load %arg9[%swap3A_238] {strides = array<i32>} : memref<1296xi32, #tpu.memory_space<vmem>>, vector<16xi32>,
    tpu.vector_store %arg9[%swap3A_238], %broadcast_in_dim3A_7 {strides = array<i32>} : memref<1296xi32, #tpu.memory_space<vmem>>, vector<16xi32>,
    %swap3A_240 = arith.constant 912 : index
    %swap3A_241 = tpu.vector_load %arg10[%swap3A_240] {strides = array<i32>} : memref<1296xi32, #tpu.memory_space<vmem>>, vector<16xi32>,
    tpu.vector_store %arg10[%swap3A_240], %broadcast_in_dim3A_5 {strides = array<i32>} : memref<1296xi32, #tpu.memory_space<vmem>>, vector<16xi32>,
    %swap3A_242 = arith.constant 912 : index
    %swap3A_243 = tpu.vector_load %arg9[%swap3A_242] {strides = array<i32>} : memref<1296xi32, #tpu.memory_space<vmem>>, vector<16xi32>,
    tpu.vector_store %arg9[%swap3A_242], %broadcast_in_dim3A_7 {strides = array<i32>} : memref<1296xi32, #tpu.memory_space<vmem>>, vector<16xi32>,
    %swap3A_244 = arith.constant 928 : index
    %swap3A_245 = tpu.vector_load %arg10[%swap3A_244] {strides = array<i32>} : memref<1296xi32, #tpu.memory_space<vmem>>, vector<16xi32>,
    tpu.vector_store %arg10[%swap3A_244], %broadcast_in_dim3A_5 {strides = array<i32>} : memref<1296xi32, #tpu.memory_space<vmem>>, vector<16xi32>,
    %swap3A_246 = arith.constant 928 : index
    %swap3A_247 = tpu.vector_load %arg9[%swap3A_246] {strides = array<i32>} : memref<1296xi32, #tpu.memory_space<vmem>>, vector<16xi32>,
    tpu.vector_store %arg9[%swap3A_246], %broadcast_in_dim3A_7 {strides = array<i32>} : memref<1296xi32, #tpu.memory_space<vmem>>, vector<16xi32>,
    %swap3A_248 = arith.constant 944 : index
    %swap3A_249 = tpu.vector_load %arg10[%swap3A_248] {strides = array<i32>} : memref<1296xi32, #tpu.memory_space<vmem>>, vector<16xi32>,
    tpu.vector_store %arg10[%swap3A_248], %broadcast_in_dim3A_5 {strides = array<i32>} : memref<1296xi32, #tpu.memory_space<vmem>>, vector<16xi32>,
    %swap3A_250 = arith.constant 944 : index
    %swap3A_251 = tpu.vector_load %arg9[%swap3A_250] {strides = array<i32>} : memref<1296xi32, #tpu.memory_space<vmem>>, vector<16xi32>,
    tpu.vector_store %arg9[%swap3A_250], %broadcast_in_dim3A_7 {strides = array<i32>} : memref<1296xi32, #tpu.memory_space<vmem>>, vector<16xi32>,
    %swap3A_252 = arith.constant 960 : index
    %swap3A_253 = tpu.vector_load %arg10[%swap3A_252] {strides = array<i32>} : memref<1296xi32, #tpu.memory_space<vmem>>, vector<16xi32>,
    tpu.vector_store %arg10[%swap3A_252], %broadcast_in_dim3A_5 {strides = array<i32>} : memref<1296xi32, #tpu.memory_space<vmem>>, vector<16xi32>,
    %swap3A_254 = arith.constant 960 : index
    %swap3A_255 = tpu.vector_load %arg9[%swap3A_254] {strides = array<i32>} : memref<1296xi32, #tpu.memory_space<vmem>>, vector<16xi32>,
    tpu.vector_store %arg9[%swap3A_254], %broadcast_in_dim3A_7 {strides = array<i32>} : memref<1296xi32, #tpu.memory_space<vmem>>, vector<16xi32>,
    %swap3A_256 = arith.constant 976 : index
    %swap3A_257 = tpu.vector_load %arg10[%swap3A_256] {strides = array<i32>} : memref<1296xi32, #tpu.memory_space<vmem>>, vector<16xi32>,
    tpu.vector_store %arg10[%swap3A_256], %broadcast_in_dim3A_5 {strides = array<i32>} : memref<1296xi32, #tpu.memory_space<vmem>>, vector<16xi32>,
    %swap3A_258 = arith.constant 976 : index
    %swap3A_259 = tpu.vector_load %arg9[%swap3A_258] {strides = array<i32>} : memref<1296xi32, #tpu.memory_space<vmem>>, vector<16xi32>,
    tpu.vector_store %arg9[%swap3A_258], %broadcast_in_dim3A_7 {strides = array<i32>} : memref<1296xi32, #tpu.memory_space<vmem>>, vector<16xi32>,
    %swap3A_260 = arith.constant 992 : index
    %swap3A_261 = tpu.vector_load %arg10[%swap3A_260] {strides = array<i32>} : memref<1296xi32, #tpu.memory_space<vmem>>, vector<16xi32>,
    tpu.vector_store %arg10[%swap3A_260], %broadcast_in_dim3A_5 {strides = array<i32>} : memref<1296xi32, #tpu.memory_space<vmem>>, vector<16xi32>,
    %swap3A_262 = arith.constant 992 : index
    %swap3A_263 = tpu.vector_load %arg9[%swap3A_262] {strides = array<i32>} : memref<1296xi32, #tpu.memory_space<vmem>>, vector<16xi32>,
    tpu.vector_store %arg9[%swap3A_262], %broadcast_in_dim3A_7 {strides = array<i32>} : memref<1296xi32, #tpu.memory_space<vmem>>, vector<16xi32>,
    %swap3A_264 = arith.constant 1008 : index
    %swap3A_265 = tpu.vector_load %arg10[%swap3A_264] {strides = array<i32>} : memref<1296xi32, #tpu.memory_space<vmem>>, vector<16xi32>,
    tpu.vector_store %arg10[%swap3A_264], %broadcast_in_dim3A_5 {strides = array<i32>} : memref<1296xi32, #tpu.memory_space<vmem>>, vector<16xi32>,
    %swap3A_266 = arith.constant 1008 : index
    %swap3A_267 = tpu.vector_load %arg9[%swap3A_266] {strides = array<i32>} : memref<1296xi32, #tpu.memory_space<vmem>>, vector<16xi32>,
    tpu.vector_store %arg9[%swap3A_266], %broadcast_in_dim3A_7 {strides = array<i32>} : memref<1296xi32, #tpu.memory_space<vmem>>, vector<16xi32>,
    %swap3A_268 = arith.constant 1024 : index
    %swap3A_269 = tpu.vector_load %arg10[%swap3A_268] {strides = array<i32>} : memref<1296xi32, #tpu.memory_space<vmem>>, vector<16xi32>,
    tpu.vector_store %arg10[%swap3A_268], %broadcast_in_dim3A_5 {strides = array<i32>} : memref<1296xi32, #tpu.memory_space<vmem>>, vector<16xi32>,
    %swap3A_270 = arith.constant 1024 : index
    %swap3A_271 = tpu.vector_load %arg9[%swap3A_270] {strides = array<i32>} : memref<1296xi32, #tpu.memory_space<vmem>>, vector<16xi32>,
    tpu.vector_store %arg9[%swap3A_270], %broadcast_in_dim3A_7 {strides = array<i32>} : memref<1296xi32, #tpu.memory_space<vmem>>, vector<16xi32>,
    %swap3A_272 = arith.constant 1040 : index
    %swap3A_273 = tpu.vector_load %arg10[%swap3A_272] {strides = array<i32>} : memref<1296xi32, #tpu.memory_space<vmem>>, vector<16xi32>,
    tpu.vector_store %arg10[%swap3A_272], %broadcast_in_dim3A_5 {strides = array<i32>} : memref<1296xi32, #tpu.memory_space<vmem>>, vector<16xi32>,
    %swap3A_274 = arith.constant 1040 : index
    %swap3A_275 = tpu.vector_load %arg9[%swap3A_274] {strides = array<i32>} : memref<1296xi32, #tpu.memory_space<vmem>>, vector<16xi32>,
    tpu.vector_store %arg9[%swap3A_274], %broadcast_in_dim3A_7 {strides = array<i32>} : memref<1296xi32, #tpu.memory_space<vmem>>, vector<16xi32>,
    %swap3A_276 = arith.constant 1056 : index
    %swap3A_277 = tpu.vector_load %arg10[%swap3A_276] {strides = array<i32>} : memref<1296xi32, #tpu.memory_space<vmem>>, vector<16xi32>,
    tpu.vector_store %arg10[%swap3A_276], %broadcast_in_dim3A_5 {strides = array<i32>} : memref<1296xi32, #tpu.memory_space<vmem>>, vector<16xi32>,
    %swap3A_278 = arith.constant 1056 : index
    %swap3A_279 = tpu.vector_load %arg9[%swap3A_278] {strides = array<i32>} : memref<1296xi32, #tpu.memory_space<vmem>>, vector<16xi32>,
    tpu.vector_store %arg9[%swap3A_278], %broadcast_in_dim3A_7 {strides = array<i32>} : memref<1296xi32, #tpu.memory_space<vmem>>, vector<16xi32>,
    %swap3A_280 = arith.constant 1072 : index
    %swap3A_281 = tpu.vector_load %arg10[%swap3A_280] {strides = array<i32>} : memref<1296xi32, #tpu.memory_space<vmem>>, vector<16xi32>,
    tpu.vector_store %arg10[%swap3A_280], %broadcast_in_dim3A_5 {strides = array<i32>} : memref<1296xi32, #tpu.memory_space<vmem>>, vector<16xi32>,
    %swap3A_282 = arith.constant 1072 : index
    %swap3A_283 = tpu.vector_load %arg9[%swap3A_282] {strides = array<i32>} : memref<1296xi32, #tpu.memory_space<vmem>>, vector<16xi32>,
    tpu.vector_store %arg9[%swap3A_282], %broadcast_in_dim3A_7 {strides = array<i32>} : memref<1296xi32, #tpu.memory_space<vmem>>, vector<16xi32>,
    %swap3A_284 = arith.constant 1088 : index
    %swap3A_285 = tpu.vector_load %arg10[%swap3A_284] {strides = array<i32>} : memref<1296xi32, #tpu.memory_space<vmem>>, vector<16xi32>,
    tpu.vector_store %arg10[%swap3A_284], %broadcast_in_dim3A_5 {strides = array<i32>} : memref<1296xi32, #tpu.memory_space<vmem>>, vector<16xi32>,
    %swap3A_286 = arith.constant 1088 : index
    %swap3A_287 = tpu.vector_load %arg9[%swap3A_286] {strides = array<i32>} : memref<1296xi32, #tpu.memory_space<vmem>>, vector<16xi32>,
    tpu.vector_store %arg9[%swap3A_286], %broadcast_in_dim3A_7 {strides = array<i32>} : memref<1296xi32, #tpu.memory_space<vmem>>, vector<16xi32>,
    %swap3A_288 = arith.constant 1104 : index
    %swap3A_289 = tpu.vector_load %arg10[%swap3A_288] {strides = array<i32>} : memref<1296xi32, #tpu.memory_space<vmem>>, vector<16xi32>,
    tpu.vector_store %arg10[%swap3A_288], %broadcast_in_dim3A_5 {strides = array<i32>} : memref<1296xi32, #tpu.memory_space<vmem>>, vector<16xi32>,
    %swap3A_290 = arith.constant 1104 : index
    %swap3A_291 = tpu.vector_load %arg9[%swap3A_290] {strides = array<i32>} : memref<1296xi32, #tpu.memory_space<vmem>>, vector<16xi32>,
    tpu.vector_store %arg9[%swap3A_290], %broadcast_in_dim3A_7 {strides = array<i32>} : memref<1296xi32, #tpu.memory_space<vmem>>, vector<16xi32>,
    %swap3A_292 = arith.constant 1120 : index
    %swap3A_293 = tpu.vector_load %arg10[%swap3A_292] {strides = array<i32>} : memref<1296xi32, #tpu.memory_space<vmem>>, vector<16xi32>,
    tpu.vector_store %arg10[%swap3A_292], %broadcast_in_dim3A_5 {strides = array<i32>} : memref<1296xi32, #tpu.memory_space<vmem>>, vector<16xi32>,
    %swap3A_294 = arith.constant 1120 : index
    %swap3A_295 = tpu.vector_load %arg9[%swap3A_294] {strides = array<i32>} : memref<1296xi32, #tpu.memory_space<vmem>>, vector<16xi32>,
    tpu.vector_store %arg9[%swap3A_294], %broadcast_in_dim3A_7 {strides = array<i32>} : memref<1296xi32, #tpu.memory_space<vmem>>, vector<16xi32>,
    %swap3A_296 = arith.constant 1136 : index
    %swap3A_297 = tpu.vector_load %arg10[%swap3A_296] {strides = array<i32>} : memref<1296xi32, #tpu.memory_space<vmem>>, vector<16xi32>,
    tpu.vector_store %arg10[%swap3A_296], %broadcast_in_dim3A_5 {strides = array<i32>} : memref<1296xi32, #tpu.memory_space<vmem>>, vector<16xi32>,
    %swap3A_298 = arith.constant 1136 : index
    %swap3A_299 = tpu.vector_load %arg9[%swap3A_298] {strides = array<i32>} : memref<1296xi32, #tpu.memory_space<vmem>>, vector<16xi32>,
    tpu.vector_store %arg9[%swap3A_298], %broadcast_in_dim3A_7 {strides = array<i32>} : memref<1296xi32, #tpu.memory_space<vmem>>, vector<16xi32>,
    %swap3A_300 = arith.constant 1152 : index
    %swap3A_301 = tpu.vector_load %arg10[%swap3A_300] {strides = array<i32>} : memref<1296xi32, #tpu.memory_space<vmem>>, vector<16xi32>,
    tpu.vector_store %arg10[%swap3A_300], %broadcast_in_dim3A_5 {strides = array<i32>} : memref<1296xi32, #tpu.memory_space<vmem>>, vector<16xi32>,
    %swap3A_302 = arith.constant 1152 : index
    %swap3A_303 = tpu.vector_load %arg9[%swap3A_302] {strides = array<i32>} : memref<1296xi32, #tpu.memory_space<vmem>>, vector<16xi32>,
    tpu.vector_store %arg9[%swap3A_302], %broadcast_in_dim3A_7 {strides = array<i32>} : memref<1296xi32, #tpu.memory_space<vmem>>, vector<16xi32>,
    %swap3A_304 = arith.constant 1168 : index
    %swap3A_305 = tpu.vector_load %arg10[%swap3A_304] {strides = array<i32>} : memref<1296xi32, #tpu.memory_space<vmem>>, vector<16xi32>,
    tpu.vector_store %arg10[%swap3A_304], %broadcast_in_dim3A_5 {strides = array<i32>} : memref<1296xi32, #tpu.memory_space<vmem>>, vector<16xi32>,
    %swap3A_306 = arith.constant 1168 : index
    %swap3A_307 = tpu.vector_load %arg9[%swap3A_306] {strides = array<i32>} : memref<1296xi32, #tpu.memory_space<vmem>>, vector<16xi32>,
    tpu.vector_store %arg9[%swap3A_306], %broadcast_in_dim3A_7 {strides = array<i32>} : memref<1296xi32, #tpu.memory_space<vmem>>, vector<16xi32>,
    %swap3A_308 = arith.constant 1184 : index
    %swap3A_309 = tpu.vector_load %arg10[%swap3A_308] {strides = array<i32>} : memref<1296xi32, #tpu.memory_space<vmem>>, vector<16xi32>,
    tpu.vector_store %arg10[%swap3A_308], %broadcast_in_dim3A_5 {strides = array<i32>} : memref<1296xi32, #tpu.memory_space<vmem>>, vector<16xi32>,
    %swap3A_310 = arith.constant 1184 : index
    %swap3A_311 = tpu.vector_load %arg9[%swap3A_310] {strides = array<i32>} : memref<1296xi32, #tpu.memory_space<vmem>>, vector<16xi32>,
    tpu.vector_store %arg9[%swap3A_310], %broadcast_in_dim3A_7 {strides = array<i32>} : memref<1296xi32, #tpu.memory_space<vmem>>, vector<16xi32>,
    %swap3A_312 = arith.constant 1200 : index
    %swap3A_313 = tpu.vector_load %arg10[%swap3A_312] {strides = array<i32>} : memref<1296xi32, #tpu.memory_space<vmem>>, vector<16xi32>,
    tpu.vector_store %arg10[%swap3A_312], %broadcast_in_dim3A_5 {strides = array<i32>} : memref<1296xi32, #tpu.memory_space<vmem>>, vector<16xi32>,
    %swap3A_314 = arith.constant 1200 : index
    %swap3A_315 = tpu.vector_load %arg9[%swap3A_314] {strides = array<i32>} : memref<1296xi32, #tpu.memory_space<vmem>>, vector<16xi32>,
    tpu.vector_store %arg9[%swap3A_314], %broadcast_in_dim3A_7 {strides = array<i32>} : memref<1296xi32, #tpu.memory_space<vmem>>, vector<16xi32>,
    %swap3A_316 = arith.constant 1216 : index
    %swap3A_317 = tpu.vector_load %arg10[%swap3A_316] {strides = array<i32>} : memref<1296xi32, #tpu.memory_space<vmem>>, vector<16xi32>,
    tpu.vector_store %arg10[%swap3A_316], %broadcast_in_dim3A_5 {strides = array<i32>} : memref<1296xi32, #tpu.memory_space<vmem>>, vector<16xi32>,
    %swap3A_318 = arith.constant 1216 : index
    %swap3A_319 = tpu.vector_load %arg9[%swap3A_318] {strides = array<i32>} : memref<1296xi32, #tpu.memory_space<vmem>>, vector<16xi32>,
    tpu.vector_store %arg9[%swap3A_318], %broadcast_in_dim3A_7 {strides = array<i32>} : memref<1296xi32, #tpu.memory_space<vmem>>, vector<16xi32>,
    %swap3A_320 = arith.constant 1232 : index
    %swap3A_321 = tpu.vector_load %arg10[%swap3A_320] {strides = array<i32>} : memref<1296xi32, #tpu.memory_space<vmem>>, vector<16xi32>,
    tpu.vector_store %arg10[%swap3A_320], %broadcast_in_dim3A_5 {strides = array<i32>} : memref<1296xi32, #tpu.memory_space<vmem>>, vector<16xi32>,
    %swap3A_322 = arith.constant 1232 : index
    %swap3A_323 = tpu.vector_load %arg9[%swap3A_322] {strides = array<i32>} : memref<1296xi32, #tpu.memory_space<vmem>>, vector<16xi32>,
    tpu.vector_store %arg9[%swap3A_322], %broadcast_in_dim3A_7 {strides = array<i32>} : memref<1296xi32, #tpu.memory_space<vmem>>, vector<16xi32>,
    %swap3A_324 = arith.constant 1248 : index
    %swap3A_325 = tpu.vector_load %arg10[%swap3A_324] {strides = array<i32>} : memref<1296xi32, #tpu.memory_space<vmem>>, vector<16xi32>,
    tpu.vector_store %arg10[%swap3A_324], %broadcast_in_dim3A_5 {strides = array<i32>} : memref<1296xi32, #tpu.memory_space<vmem>>, vector<16xi32>,
    %swap3A_326 = arith.constant 1248 : index
    %swap3A_327 = tpu.vector_load %arg9[%swap3A_326] {strides = array<i32>} : memref<1296xi32, #tpu.memory_space<vmem>>, vector<16xi32>,
    tpu.vector_store %arg9[%swap3A_326], %broadcast_in_dim3A_7 {strides = array<i32>} : memref<1296xi32, #tpu.memory_space<vmem>>, vector<16xi32>,
    %swap3A_328 = arith.constant 1264 : index
    %swap3A_329 = tpu.vector_load %arg10[%swap3A_328] {strides = array<i32>} : memref<1296xi32, #tpu.memory_space<vmem>>, vector<16xi32>,
    tpu.vector_store %arg10[%swap3A_328], %broadcast_in_dim3A_5 {strides = array<i32>} : memref<1296xi32, #tpu.memory_space<vmem>>, vector<16xi32>,
    %swap3A_330 = arith.constant 1264 : index
    %swap3A_331 = tpu.vector_load %arg9[%swap3A_330] {strides = array<i32>} : memref<1296xi32, #tpu.memory_space<vmem>>, vector<16xi32>,
    tpu.vector_store %arg9[%swap3A_330], %broadcast_in_dim3A_7 {strides = array<i32>} : memref<1296xi32, #tpu.memory_space<vmem>>, vector<16xi32>,
    %swap3A_332 = arith.constant 1280 : index
    %swap3A_333 = tpu.vector_load %arg10[%swap3A_332] {strides = array<i32>} : memref<1296xi32, #tpu.memory_space<vmem>>, vector<16xi32>,
    tpu.vector_store %arg10[%swap3A_332], %broadcast_in_dim3A_5 {strides = array<i32>} : memref<1296xi32, #tpu.memory_space<vmem>>, vector<16xi32>,
    %swap3A_334 = arith.constant 1280 : index
    %swap3A_335 = tpu.vector_load %arg9[%swap3A_334] {strides = array<i32>} : memref<1296xi32, #tpu.memory_space<vmem>>, vector<16xi32>,
    tpu.vector_store %arg9[%swap3A_334], %broadcast_in_dim3A_7 {strides = array<i32>} : memref<1296xi32, #tpu.memory_space<vmem>>, vector<16xi32>,
    %scan3A_336 = arith.constant 0 : i32
    %scan3A_337 = arith.constant 0 : i32
    %scan3A_338 = arith.constant 250 : i32
    %scan3A_339 = arith.addi %scan3A_337, %scan3A_338 : i32
    %scan3A_340 = arith.constant 1 : i32
    scf.for %scan3A_344 = %scan3A_337 to %scan3A_339 step %scan3A_340  : i32 {
      %mul3A_345 = arith.constant 1280 : i32
      %mul3A_346 = arith.muli %scan3A_344, %mul3A_345 : i32
      "tpu.region"() ({
        %run_scoped3A = tpu.sem_alloc : memref<!tpu.dma_semaphore, #tpu.memory_space<semaphore_mem>>
        %dma_start3A = tpu.memref_slice %arg4[%mul3A_346] : memref<320000xi32, #tpu.memory_space<hbm>> -> memref<1280xi32, #tpu.memory_space<hbm>>
        %dma_start3A_385 = tpu.memref_slice %arg4[%mul3A_346] : memref<320000xi32, #tpu.memory_space<hbm>> -> memref<1280xi32, #tpu.memory_space<hbm>>
        tpu.enqueue_dma source(%dma_start3A_385 : memref<1280xi32, #tpu.memory_space<hbm>>) target(%arg7 : memref<1280xi32, #tpu.memory_space<vmem>>) target_semaphore(%run_scoped3A : memref<!tpu.dma_semaphore, #tpu.memory_space<semaphore_mem>>)
        %dma_wait3A = tpu.memref_slice %arg4[%mul3A_346] : memref<320000xi32, #tpu.memory_space<hbm>> -> memref<1280xi32, #tpu.memory_space<hbm>>
        %dma_wait3A_386 = tpu.memref_slice %arg4[%mul3A_346] : memref<320000xi32, #tpu.memory_space<hbm>> -> memref<1280xi32, #tpu.memory_space<hbm>>
        tpu.wait_dma2 semaphore(%run_scoped3A : memref<!tpu.dma_semaphore, #tpu.memory_space<semaphore_mem>>) src(%dma_wait3A_386 : memref<1280xi32, #tpu.memory_space<hbm>>) dst(%arg7 : memref<1280xi32, #tpu.memory_space<vmem>>)
        tpu.yield
      }) : () -> ()
      %mul3A_347 = arith.constant 1280 : i32
      %mul3A_348 = arith.muli %scan3A_344, %mul3A_347 : i32
      "tpu.region"() ({
        %run_scoped3A = tpu.sem_alloc : memref<!tpu.dma_semaphore, #tpu.memory_space<semaphore_mem>>
        %dma_start3A = tpu.memref_slice %arg3[%mul3A_348] : memref<320000xi32, #tpu.memory_space<hbm>> -> memref<1280xi32, #tpu.memory_space<hbm>>
        %dma_start3A_385 = tpu.memref_slice %arg3[%mul3A_348] : memref<320000xi32, #tpu.memory_space<hbm>> -> memref<1280xi32, #tpu.memory_space<hbm>>
        tpu.enqueue_dma source(%dma_start3A_385 : memref<1280xi32, #tpu.memory_space<hbm>>) target(%arg8 : memref<1280xi32, #tpu.memory_space<vmem>>) target_semaphore(%run_scoped3A : memref<!tpu.dma_semaphore, #tpu.memory_space<semaphore_mem>>)
        %dma_wait3A = tpu.memref_slice %arg3[%mul3A_348] : memref<320000xi32, #tpu.memory_space<hbm>> -> memref<1280xi32, #tpu.memory_space<hbm>>
        %dma_wait3A_386 = tpu.memref_slice %arg3[%mul3A_348] : memref<320000xi32, #tpu.memory_space<hbm>> -> memref<1280xi32, #tpu.memory_space<hbm>>
        tpu.wait_dma2 semaphore(%run_scoped3A : memref<!tpu.dma_semaphore, #tpu.memory_space<semaphore_mem>>) src(%dma_wait3A_386 : memref<1280xi32, #tpu.memory_space<hbm>>) dst(%arg8 : memref<1280xi32, #tpu.memory_space<vmem>>)
        tpu.yield
      }) : () -> ()
      %scan3A_349 = arith.constant 0 : i32
      %scan3A_350 = arith.constant 0 : i32
      %scan3A_351 = arith.constant 80 : i32
      %scan3A_352 = arith.addi %scan3A_350, %scan3A_351 : i32
      %scan3A_353 = arith.constant 1 : i32
      %scan3A_354 = scf.for %scan3A_385 = %scan3A_350 to %scan3A_352 step %scan3A_353 iter_args(%scan3A_386 = %scan3A_349) -> (i32)  : i32 {
        %mul3A_387 = arith.constant 16 : i32
        %mul3A_388 = arith.muli %scan3A_385, %mul3A_387 : i32
        %get3A = arith.index_cast %mul3A_388 : i32 to index
        %get3A_389 = tpu.vector_load %arg7[%get3A] {strides = array<i32>} : memref<1280xi32, #tpu.memory_space<vmem>>, vector<16xi32>,
        %mul3A_390 = arith.constant 16 : i32
        %mul3A_391 = arith.muli %scan3A_385, %mul3A_390 : i32
        %get3A_392 = arith.index_cast %mul3A_391 : i32 to index
        %get3A_393 = tpu.vector_load %arg8[%get3A_392] {strides = array<i32>} : memref<1280xi32, #tpu.memory_space<vmem>>, vector<16xi32>,
        %sub3A_394 = vector.broadcast %mul3A_2 : i32 to vector<16xi32>
        %sub3A_395 = arith.subi %get3A_389, %sub3A_394 : vector<16xi32>
        %ge3A = arith.constant 0 : i32
        %ge3A_396 = vector.broadcast %ge3A : i32 to vector<16xi32>
        %ge3A_397 = arith.cmpi sge, %sub3A_395, %ge3A_396 : vector<16xi32>
        %lt3A = arith.constant 313 : i32
        %lt3A_398 = vector.broadcast %lt3A : i32 to vector<16xi32>
        %lt3A_399 = arith.cmpi slt, %sub3A_395, %lt3A_398 : vector<16xi32>
        %and3A_400 = arith.andi %ge3A_397, %lt3A_399 : vector<16xi1>
        %convert_element_type3A = arith.extui %and3A_400 : vector<16xi1> to vector<16xi32>
        %broadcast_in_dim3A_401 = arith.constant true
        %broadcast_in_dim3A_402 = vector.broadcast %broadcast_in_dim3A_401 : i1 to vector<16xi1>
        %masked_cumsum3A = tpu.scan <sum>, %convert_element_type3A masked %broadcast_in_dim3A_402 : vector<16xi32>, vector<16xi1> -> vector<16xi32>
        %sub3A_403 = arith.constant 1 : i32
        %sub3A_404 = arith.subi %scan3A_386, %sub3A_403 : i32
        %add3A_405 = vector.broadcast %sub3A_404 : i32 to vector<16xi32>
        %add3A_406 = arith.addi %masked_cumsum3A, %add3A_405 : vector<16xi32>
        tpu.vector_store_idx %arg9[%add3A_406], %sub3A_395 masked %and3A_400 : memref<1296xi32, #tpu.memory_space<vmem>>[vector<16xi32>], vector<16xi32>, vector<16xi1>
        tpu.vector_store_idx %arg10[%add3A_406], %get3A_393 masked %and3A_400 : memref<1296xi32, #tpu.memory_space<vmem>>[vector<16xi32>], vector<16xi32>, vector<16xi1>
        %reduce_max3A = arith.constant true
        %reduce_max3A_407 = vector.broadcast %reduce_max3A : i1 to vector<16xi1>
        %reduce_max3A_408 = arith.constant -2147483648 : i32
        %reduce_max3A_409 = vector.broadcast %reduce_max3A_408 : i32 to vector<16xi32>
        %reduce_max3A_410 = arith.xori %masked_cumsum3A, %reduce_max3A_409 : vector<16xi32>
        %reduce_max3A_411 = tpu.scan <max>, %reduce_max3A_410 masked %reduce_max3A_407 : vector<16xi32>, vector<16xi1> -> vector<16xi32>
        %reduce_max3A_412 = arith.xori %reduce_max3A_411, %reduce_max3A_409 : vector<16xi32>
        %reduce_max3A_413 = vector.extract %reduce_max3A_412[15] : i32 from vector<16xi32>
        %add3A_414 = arith.addi %scan3A_386, %reduce_max3A_413 : i32
        scf.yield %add3A_414 : i32
      }
      %scan3A_355 = arith.constant 80 : i32
      %swap3A_356 = arith.index_cast %scan3A_354 : i32 to index
      %swap3A_357 = tpu.vector_load %arg9[%swap3A_356] {strides = array<i32>} : memref<1296xi32, #tpu.memory_space<vmem>>, vector<16xi32>,
      tpu.vector_store %arg9[%swap3A_356], %broadcast_in_dim3A_7 {strides = array<i32>} : memref<1296xi32, #tpu.memory_space<vmem>>, vector<16xi32>,
      %add3A_358 = arith.constant 15 : i32
      %add3A_359 = arith.addi %scan3A_354, %add3A_358 : i32
      %jit3A = arith.constant 16 : i32
      %div3A = arith.divsi %add3A_359, %jit3A : i32
      %sign3A = arith.constant 0 : i32
      %sign3A_360 = arith.cmpi sgt, %add3A_359, %sign3A : i32
      %sign3A_361 = arith.extui %sign3A_360 : i1 to i32
      %sign3A_362 = arith.constant 0 : i32
      %sign3A_363 = arith.cmpi slt, %add3A_359, %sign3A_362 : i32
      %sign3A_364 = arith.extui %sign3A_363 : i1 to i32
      %sign3A_365 = arith.subi %sign3A_361, %sign3A_364 : i32
      %sign3A_366 = arith.constant 0 : i32
      %sign3A_367 = arith.cmpi sgt, %jit3A, %sign3A_366 : i32
      %sign3A_368 = arith.extui %sign3A_367 : i1 to i32
      %sign3A_369 = arith.constant 0 : i32
      %sign3A_370 = arith.cmpi slt, %jit3A, %sign3A_369 : i32
      %sign3A_371 = arith.extui %sign3A_370 : i1 to i32
      %sign3A_372 = arith.subi %sign3A_368, %sign3A_371 : i32
      %ne3A = arith.cmpi ne, %sign3A_365, %sign3A_372 : i32
      %rem3A = arith.remsi %add3A_359, %jit3A : i32
      %ne3A_373 = arith.constant 0 : i32
      %ne3A_374 = arith.cmpi ne, %rem3A, %ne3A_373 : i32
      %and3A = arith.andi %ne3A, %ne3A_374 : i1
      %sub3A = arith.constant 1 : i32
      %sub3A_375 = arith.subi %div3A, %sub3A : i32
      %select_n3A = arith.select %and3A, %sub3A_375, %div3A : i32
      %while3A = arith.constant 0 : i32
      %while3A_376 = arith.constant 0 : i32
      %while3A_377 = arith.subi %select_n3A, %while3A_376 : i32
      %while3A_378 = arith.addi %while3A_376, %while3A_377 : i32
      %while3A_379 = arith.constant 1 : i32
      %while3A_380 = arith.divsi %while3A_377, %while3A_379 : i32
      %while3A_381 = arith.muli %while3A_380, %while3A_379 : i32
      %while3A_382 = arith.addi %while3A_376, %while3A_381 : i32
      %while3A_383 = arith.constant 1 : i32
      scf.for %while3A_385 = %while3A_376 to %while3A_382 step %while3A_383  : i32 {
        %mul3A_386 = arith.constant 16 : i32
        %mul3A_387 = arith.muli %while3A_385, %mul3A_386 : i32
        %dma_start3A = tpu.memref_slice %arg10[%mul3A_387] : memref<1296xi32, #tpu.memory_space<vmem>> -> memref<16xi32, #tpu.memory_space<vmem>>
        %dma_start3A_388 = arith.constant 0 : i32
        %dma_start3A_389 = arith.constant 0 : i32
        %dma_start3A_390 = tpu.memref_slice %arg2[%dma_start3A_388, %dma_start3A_389] : memref<10000x128xf32, #tpu.memory_space<hbm>> -> memref<10000x128xf32, #tpu.memory_space<hbm>>
        tpu.enqueue_indirect_dma source(%dma_start3A_390 : memref<10000x128xf32, #tpu.memory_space<hbm>>) target(%arg11 : memref<16x128xf32, #tpu.memory_space<vmem>>) offsets(%dma_start3A : memref<16xi32, #tpu.memory_space<vmem>>) semaphore(%arg12 : memref<!tpu.dma_semaphore, #tpu.memory_space<semaphore_mem>>)
        %dma_wait3A = tpu.memref_slice %arg10[%mul3A_387] : memref<1296xi32, #tpu.memory_space<vmem>> -> memref<16xi32, #tpu.memory_space<vmem>>
        %dma_wait3A_391 = arith.constant 0 : i32
        %dma_wait3A_392 = arith.constant 0 : i32
        %dma_wait3A_393 = tpu.memref_slice %arg2[%dma_wait3A_391, %dma_wait3A_392] : memref<10000x128xf32, #tpu.memory_space<hbm>> -> memref<10000x128xf32, #tpu.memory_space<hbm>>
        tpu.wait_indirect_dma semaphore(%arg12 : memref<!tpu.dma_semaphore, #tpu.memory_space<semaphore_mem>>) src(%dma_wait3A_393 : memref<10000x128xf32, #tpu.memory_space<hbm>>) dst(%arg11 : memref<16x128xf32, #tpu.memory_space<vmem>>)
        %mul3A_394 = arith.constant 16 : i32
        %mul3A_395 = arith.muli %while3A_385, %mul3A_394 : i32
        %add3A_396 = arith.constant 0 : i32
        %add3A_397 = arith.addi %mul3A_395, %add3A_396 : i32
        %broadcast_in_dim3A_398 = vector.broadcast %add3A_397 : i32 to vector<16xi32>
        %gather3A = tpu.vector_load_idx %arg9[%broadcast_in_dim3A_398] : memref<1296xi32, #tpu.memory_space<vmem>>[vector<16xi32>], vector<16xi32>,
        %mul3A_399 = arith.constant 128 : i32
        %mul3A_400 = vector.broadcast %mul3A_399 : i32 to vector<16xi32>
        %mul3A_401 = arith.muli %gather3A, %mul3A_400 : vector<16xi32>
        %add3A_402 = arith.constant 0 : i32
        %add3A_403 = vector.broadcast %add3A_402 : i32 to vector<16xi32>
        %add3A_404 = arith.addi %iota3A, %add3A_403 : vector<16xi32>
        %add3A_405 = arith.addi %mul3A_401, %add3A_404 : vector<16xi32>
        %gather3A_406 = tpu.vector_load_idx %arg6[%add3A_405] : memref<40192xf32, #tpu.memory_space<vmem>>[vector<16xi32>], vector<16xf32>,
        %get3A = arith.constant 0 : i32
        %get3A_407 = arith.index_cast %get3A : i32 to index
        %get3A_408 = arith.constant 0 : index
        %get3A_409 = tpu.vector_load %arg11[%get3A_407, %get3A_408] {strides = array<i32>} : memref<16x128xf32, #tpu.memory_space<vmem>>, vector<16xf32>,
        %max3A = arith.maximumf %gather3A_406, %get3A_409 : vector<16xf32>
        tpu.vector_store_idx %arg6[%add3A_405], %max3A : memref<40192xf32, #tpu.memory_space<vmem>>[vector<16xi32>], vector<16xf32>,
        %add3A_410 = arith.constant 16 : i32
        %add3A_411 = vector.broadcast %add3A_410 : i32 to vector<16xi32>
        %add3A_412 = arith.addi %iota3A, %add3A_411 : vector<16xi32>
        %add3A_413 = arith.addi %mul3A_401, %add3A_412 : vector<16xi32>
        %gather3A_414 = tpu.vector_load_idx %arg6[%add3A_413] : memref<40192xf32, #tpu.memory_space<vmem>>[vector<16xi32>], vector<16xf32>,
        %get3A_415 = arith.constant 0 : i32
        %get3A_416 = arith.index_cast %get3A_415 : i32 to index
        %get3A_417 = arith.constant 16 : index
        %get3A_418 = tpu.vector_load %arg11[%get3A_416, %get3A_417] {strides = array<i32>} : memref<16x128xf32, #tpu.memory_space<vmem>>, vector<16xf32>,
        %max3A_419 = arith.maximumf %gather3A_414, %get3A_418 : vector<16xf32>
        tpu.vector_store_idx %arg6[%add3A_413], %max3A_419 : memref<40192xf32, #tpu.memory_space<vmem>>[vector<16xi32>], vector<16xf32>,
        %add3A_420 = arith.constant 32 : i32
        %add3A_421 = vector.broadcast %add3A_420 : i32 to vector<16xi32>
        %add3A_422 = arith.addi %iota3A, %add3A_421 : vector<16xi32>
        %add3A_423 = arith.addi %mul3A_401, %add3A_422 : vector<16xi32>
        %gather3A_424 = tpu.vector_load_idx %arg6[%add3A_423] : memref<40192xf32, #tpu.memory_space<vmem>>[vector<16xi32>], vector<16xf32>,
        %get3A_425 = arith.constant 0 : i32
        %get3A_426 = arith.index_cast %get3A_425 : i32 to index
        %get3A_427 = arith.constant 32 : index
        %get3A_428 = tpu.vector_load %arg11[%get3A_426, %get3A_427] {strides = array<i32>} : memref<16x128xf32, #tpu.memory_space<vmem>>, vector<16xf32>,
        %max3A_429 = arith.maximumf %gather3A_424, %get3A_428 : vector<16xf32>
        tpu.vector_store_idx %arg6[%add3A_423], %max3A_429 : memref<40192xf32, #tpu.memory_space<vmem>>[vector<16xi32>], vector<16xf32>,
        %add3A_430 = arith.constant 48 : i32
        %add3A_431 = vector.broadcast %add3A_430 : i32 to vector<16xi32>
        %add3A_432 = arith.addi %iota3A, %add3A_431 : vector<16xi32>
        %add3A_433 = arith.addi %mul3A_401, %add3A_432 : vector<16xi32>
        %gather3A_434 = tpu.vector_load_idx %arg6[%add3A_433] : memref<40192xf32, #tpu.memory_space<vmem>>[vector<16xi32>], vector<16xf32>,
        %get3A_435 = arith.constant 0 : i32
        %get3A_436 = arith.index_cast %get3A_435 : i32 to index
        %get3A_437 = arith.constant 48 : index
        %get3A_438 = tpu.vector_load %arg11[%get3A_436, %get3A_437] {strides = array<i32>} : memref<16x128xf32, #tpu.memory_space<vmem>>, vector<16xf32>,
        %max3A_439 = arith.maximumf %gather3A_434, %get3A_438 : vector<16xf32>
        tpu.vector_store_idx %arg6[%add3A_433], %max3A_439 : memref<40192xf32, #tpu.memory_space<vmem>>[vector<16xi32>], vector<16xf32>,
        %add3A_440 = arith.constant 64 : i32
        %add3A_441 = vector.broadcast %add3A_440 : i32 to vector<16xi32>
        %add3A_442 = arith.addi %iota3A, %add3A_441 : vector<16xi32>
        %add3A_443 = arith.addi %mul3A_401, %add3A_442 : vector<16xi32>
        %gather3A_444 = tpu.vector_load_idx %arg6[%add3A_443] : memref<40192xf32, #tpu.memory_space<vmem>>[vector<16xi32>], vector<16xf32>,
        %get3A_445 = arith.constant 0 : i32
        %get3A_446 = arith.index_cast %get3A_445 : i32 to index
        %get3A_447 = arith.constant 64 : index
        %get3A_448 = tpu.vector_load %arg11[%get3A_446, %get3A_447] {strides = array<i32>} : memref<16x128xf32, #tpu.memory_space<vmem>>, vector<16xf32>,
        %max3A_449 = arith.maximumf %gather3A_444, %get3A_448 : vector<16xf32>
        tpu.vector_store_idx %arg6[%add3A_443], %max3A_449 : memref<40192xf32, #tpu.memory_space<vmem>>[vector<16xi32>], vector<16xf32>,
        %add3A_450 = arith.constant 80 : i32
        %add3A_451 = vector.broadcast %add3A_450 : i32 to vector<16xi32>
        %add3A_452 = arith.addi %iota3A, %add3A_451 : vector<16xi32>
        %add3A_453 = arith.addi %mul3A_401, %add3A_452 : vector<16xi32>
        %gather3A_454 = tpu.vector_load_idx %arg6[%add3A_453] : memref<40192xf32, #tpu.memory_space<vmem>>[vector<16xi32>], vector<16xf32>,
        %get3A_455 = arith.constant 0 : i32
        %get3A_456 = arith.index_cast %get3A_455 : i32 to index
        %get3A_457 = arith.constant 80 : index
        %get3A_458 = tpu.vector_load %arg11[%get3A_456, %get3A_457] {strides = array<i32>} : memref<16x128xf32, #tpu.memory_space<vmem>>, vector<16xf32>,
        %max3A_459 = arith.maximumf %gather3A_454, %get3A_458 : vector<16xf32>
        tpu.vector_store_idx %arg6[%add3A_453], %max3A_459 : memref<40192xf32, #tpu.memory_space<vmem>>[vector<16xi32>], vector<16xf32>,
        %add3A_460 = arith.constant 96 : i32
        %add3A_461 = vector.broadcast %add3A_460 : i32 to vector<16xi32>
        %add3A_462 = arith.addi %iota3A, %add3A_461 : vector<16xi32>
        %add3A_463 = arith.addi %mul3A_401, %add3A_462 : vector<16xi32>
        %gather3A_464 = tpu.vector_load_idx %arg6[%add3A_463] : memref<40192xf32, #tpu.memory_space<vmem>>[vector<16xi32>], vector<16xf32>,
        %get3A_465 = arith.constant 0 : i32
        %get3A_466 = arith.index_cast %get3A_465 : i32 to index
        %get3A_467 = arith.constant 96 : index
        %get3A_468 = tpu.vector_load %arg11[%get3A_466, %get3A_467] {strides = array<i32>} : memref<16x128xf32, #tpu.memory_space<vmem>>, vector<16xf32>,
        %max3A_469 = arith.maximumf %gather3A_464, %get3A_468 : vector<16xf32>
        tpu.vector_store_idx %arg6[%add3A_463], %max3A_469 : memref<40192xf32, #tpu.memory_space<vmem>>[vector<16xi32>], vector<16xf32>,
        %add3A_470 = arith.constant 112 : i32
        %add3A_471 = vector.broadcast %add3A_470 : i32 to vector<16xi32>
        %add3A_472 = arith.addi %iota3A, %add3A_471 : vector<16xi32>
        %add3A_473 = arith.addi %mul3A_401, %add3A_472 : vector<16xi32>
        %gather3A_474 = tpu.vector_load_idx %arg6[%add3A_473] : memref<40192xf32, #tpu.memory_space<vmem>>[vector<16xi32>], vector<16xf32>,
        %get3A_475 = arith.constant 0 : i32
        %get3A_476 = arith.index_cast %get3A_475 : i32 to index
        %get3A_477 = arith.constant 112 : index
        %get3A_478 = tpu.vector_load %arg11[%get3A_476, %get3A_477] {strides = array<i32>} : memref<16x128xf32, #tpu.memory_space<vmem>>, vector<16xf32>,
        %max3A_479 = arith.maximumf %gather3A_474, %get3A_478 : vector<16xf32>
        tpu.vector_store_idx %arg6[%add3A_473], %max3A_479 : memref<40192xf32, #tpu.memory_space<vmem>>[vector<16xi32>], vector<16xf32>,
        %mul3A_480 = arith.constant 16 : i32
        %mul3A_481 = arith.muli %while3A_385, %mul3A_480 : i32
        %add3A_482 = arith.constant 1 : i32
        %add3A_483 = arith.addi %mul3A_481, %add3A_482 : i32
        %broadcast_in_dim3A_484 = vector.broadcast %add3A_483 : i32 to vector<16xi32>
        %gather3A_485 = tpu.vector_load_idx %arg9[%broadcast_in_dim3A_484] : memref<1296xi32, #tpu.memory_space<vmem>>[vector<16xi32>], vector<16xi32>,
        %mul3A_486 = arith.constant 128 : i32
        %mul3A_487 = vector.broadcast %mul3A_486 : i32 to vector<16xi32>
        %mul3A_488 = arith.muli %gather3A_485, %mul3A_487 : vector<16xi32>
        %add3A_489 = arith.constant 0 : i32
        %add3A_490 = vector.broadcast %add3A_489 : i32 to vector<16xi32>
        %add3A_491 = arith.addi %iota3A, %add3A_490 : vector<16xi32>
        %add3A_492 = arith.addi %mul3A_488, %add3A_491 : vector<16xi32>
        %gather3A_493 = tpu.vector_load_idx %arg6[%add3A_492] : memref<40192xf32, #tpu.memory_space<vmem>>[vector<16xi32>], vector<16xf32>,
        %get3A_494 = arith.constant 1 : i32
        %get3A_495 = arith.index_cast %get3A_494 : i32 to index
        %get3A_496 = arith.constant 0 : index
        %get3A_497 = tpu.vector_load %arg11[%get3A_495, %get3A_496] {strides = array<i32>} : memref<16x128xf32, #tpu.memory_space<vmem>>, vector<16xf32>,
        %max3A_498 = arith.maximumf %gather3A_493, %get3A_497 : vector<16xf32>
        tpu.vector_store_idx %arg6[%add3A_492], %max3A_498 : memref<40192xf32, #tpu.memory_space<vmem>>[vector<16xi32>], vector<16xf32>,
        %add3A_499 = arith.constant 16 : i32
        %add3A_500 = vector.broadcast %add3A_499 : i32 to vector<16xi32>
        %add3A_501 = arith.addi %iota3A, %add3A_500 : vector<16xi32>
        %add3A_502 = arith.addi %mul3A_488, %add3A_501 : vector<16xi32>
        %gather3A_503 = tpu.vector_load_idx %arg6[%add3A_502] : memref<40192xf32, #tpu.memory_space<vmem>>[vector<16xi32>], vector<16xf32>,
        %get3A_504 = arith.constant 1 : i32
        %get3A_505 = arith.index_cast %get3A_504 : i32 to index
        %get3A_506 = arith.constant 16 : index
        %get3A_507 = tpu.vector_load %arg11[%get3A_505, %get3A_506] {strides = array<i32>} : memref<16x128xf32, #tpu.memory_space<vmem>>, vector<16xf32>,
        %max3A_508 = arith.maximumf %gather3A_503, %get3A_507 : vector<16xf32>
        tpu.vector_store_idx %arg6[%add3A_502], %max3A_508 : memref<40192xf32, #tpu.memory_space<vmem>>[vector<16xi32>], vector<16xf32>,
        %add3A_509 = arith.constant 32 : i32
        %add3A_510 = vector.broadcast %add3A_509 : i32 to vector<16xi32>
        %add3A_511 = arith.addi %iota3A, %add3A_510 : vector<16xi32>
        %add3A_512 = arith.addi %mul3A_488, %add3A_511 : vector<16xi32>
        %gather3A_513 = tpu.vector_load_idx %arg6[%add3A_512] : memref<40192xf32, #tpu.memory_space<vmem>>[vector<16xi32>], vector<16xf32>,
        %get3A_514 = arith.constant 1 : i32
        %get3A_515 = arith.index_cast %get3A_514 : i32 to index
        %get3A_516 = arith.constant 32 : index
        %get3A_517 = tpu.vector_load %arg11[%get3A_515, %get3A_516] {strides = array<i32>} : memref<16x128xf32, #tpu.memory_space<vmem>>, vector<16xf32>,
        %max3A_518 = arith.maximumf %gather3A_513, %get3A_517 : vector<16xf32>
        tpu.vector_store_idx %arg6[%add3A_512], %max3A_518 : memref<40192xf32, #tpu.memory_space<vmem>>[vector<16xi32>], vector<16xf32>,
        %add3A_519 = arith.constant 48 : i32
        %add3A_520 = vector.broadcast %add3A_519 : i32 to vector<16xi32>
        %add3A_521 = arith.addi %iota3A, %add3A_520 : vector<16xi32>
        %add3A_522 = arith.addi %mul3A_488, %add3A_521 : vector<16xi32>
        %gather3A_523 = tpu.vector_load_idx %arg6[%add3A_522] : memref<40192xf32, #tpu.memory_space<vmem>>[vector<16xi32>], vector<16xf32>,
        %get3A_524 = arith.constant 1 : i32
        %get3A_525 = arith.index_cast %get3A_524 : i32 to index
        %get3A_526 = arith.constant 48 : index
        %get3A_527 = tpu.vector_load %arg11[%get3A_525, %get3A_526] {strides = array<i32>} : memref<16x128xf32, #tpu.memory_space<vmem>>, vector<16xf32>,
        %max3A_528 = arith.maximumf %gather3A_523, %get3A_527 : vector<16xf32>
        tpu.vector_store_idx %arg6[%add3A_522], %max3A_528 : memref<40192xf32, #tpu.memory_space<vmem>>[vector<16xi32>], vector<16xf32>,
        %add3A_529 = arith.constant 64 : i32
        %add3A_530 = vector.broadcast %add3A_529 : i32 to vector<16xi32>
        %add3A_531 = arith.addi %iota3A, %add3A_530 : vector<16xi32>
        %add3A_532 = arith.addi %mul3A_488, %add3A_531 : vector<16xi32>
        %gather3A_533 = tpu.vector_load_idx %arg6[%add3A_532] : memref<40192xf32, #tpu.memory_space<vmem>>[vector<16xi32>], vector<16xf32>,
        %get3A_534 = arith.constant 1 : i32
        %get3A_535 = arith.index_cast %get3A_534 : i32 to index
        %get3A_536 = arith.constant 64 : index
        %get3A_537 = tpu.vector_load %arg11[%get3A_535, %get3A_536] {strides = array<i32>} : memref<16x128xf32, #tpu.memory_space<vmem>>, vector<16xf32>,
        %max3A_538 = arith.maximumf %gather3A_533, %get3A_537 : vector<16xf32>
        tpu.vector_store_idx %arg6[%add3A_532], %max3A_538 : memref<40192xf32, #tpu.memory_space<vmem>>[vector<16xi32>], vector<16xf32>,
        %add3A_539 = arith.constant 80 : i32
        %add3A_540 = vector.broadcast %add3A_539 : i32 to vector<16xi32>
        %add3A_541 = arith.addi %iota3A, %add3A_540 : vector<16xi32>
        %add3A_542 = arith.addi %mul3A_488, %add3A_541 : vector<16xi32>
        %gather3A_543 = tpu.vector_load_idx %arg6[%add3A_542] : memref<40192xf32, #tpu.memory_space<vmem>>[vector<16xi32>], vector<16xf32>,
        %get3A_544 = arith.constant 1 : i32
        %get3A_545 = arith.index_cast %get3A_544 : i32 to index
        %get3A_546 = arith.constant 80 : index
        %get3A_547 = tpu.vector_load %arg11[%get3A_545, %get3A_546] {strides = array<i32>} : memref<16x128xf32, #tpu.memory_space<vmem>>, vector<16xf32>,
        %max3A_548 = arith.maximumf %gather3A_543, %get3A_547 : vector<16xf32>
        tpu.vector_store_idx %arg6[%add3A_542], %max3A_548 : memref<40192xf32, #tpu.memory_space<vmem>>[vector<16xi32>], vector<16xf32>,
        %add3A_549 = arith.constant 96 : i32
        %add3A_550 = vector.broadcast %add3A_549 : i32 to vector<16xi32>
        %add3A_551 = arith.addi %iota3A, %add3A_550 : vector<16xi32>
        %add3A_552 = arith.addi %mul3A_488, %add3A_551 : vector<16xi32>
        %gather3A_553 = tpu.vector_load_idx %arg6[%add3A_552] : memref<40192xf32, #tpu.memory_space<vmem>>[vector<16xi32>], vector<16xf32>,
        %get3A_554 = arith.constant 1 : i32
        %get3A_555 = arith.index_cast %get3A_554 : i32 to index
        %get3A_556 = arith.constant 96 : index
        %get3A_557 = tpu.vector_load %arg11[%get3A_555, %get3A_556] {strides = array<i32>} : memref<16x128xf32, #tpu.memory_space<vmem>>, vector<16xf32>,
        %max3A_558 = arith.maximumf %gather3A_553, %get3A_557 : vector<16xf32>
        tpu.vector_store_idx %arg6[%add3A_552], %max3A_558 : memref<40192xf32, #tpu.memory_space<vmem>>[vector<16xi32>], vector<16xf32>,
        %add3A_559 = arith.constant 112 : i32
        %add3A_560 = vector.broadcast %add3A_559 : i32 to vector<16xi32>
        %add3A_561 = arith.addi %iota3A, %add3A_560 : vector<16xi32>
        %add3A_562 = arith.addi %mul3A_488, %add3A_561 : vector<16xi32>
        %gather3A_563 = tpu.vector_load_idx %arg6[%add3A_562] : memref<40192xf32, #tpu.memory_space<vmem>>[vector<16xi32>], vector<16xf32>,
        %get3A_564 = arith.constant 1 : i32
        %get3A_565 = arith.index_cast %get3A_564 : i32 to index
        %get3A_566 = arith.constant 112 : index
        %get3A_567 = tpu.vector_load %arg11[%get3A_565, %get3A_566] {strides = array<i32>} : memref<16x128xf32, #tpu.memory_space<vmem>>, vector<16xf32>,
        %max3A_568 = arith.maximumf %gather3A_563, %get3A_567 : vector<16xf32>
        tpu.vector_store_idx %arg6[%add3A_562], %max3A_568 : memref<40192xf32, #tpu.memory_space<vmem>>[vector<16xi32>], vector<16xf32>,
        %mul3A_569 = arith.constant 16 : i32
        %mul3A_570 = arith.muli %while3A_385, %mul3A_569 : i32
        %add3A_571 = arith.constant 2 : i32
        %add3A_572 = arith.addi %mul3A_570, %add3A_571 : i32
        %broadcast_in_dim3A_573 = vector.broadcast %add3A_572 : i32 to vector<16xi32>
        %gather3A_574 = tpu.vector_load_idx %arg9[%broadcast_in_dim3A_573] : memref<1296xi32, #tpu.memory_space<vmem>>[vector<16xi32>], vector<16xi32>,
        %mul3A_575 = arith.constant 128 : i32
        %mul3A_576 = vector.broadcast %mul3A_575 : i32 to vector<16xi32>
        %mul3A_577 = arith.muli %gather3A_574, %mul3A_576 : vector<16xi32>
        %add3A_578 = arith.constant 0 : i32
        %add3A_579 = vector.broadcast %add3A_578 : i32 to vector<16xi32>
        %add3A_580 = arith.addi %iota3A, %add3A_579 : vector<16xi32>
        %add3A_581 = arith.addi %mul3A_577, %add3A_580 : vector<16xi32>
        %gather3A_582 = tpu.vector_load_idx %arg6[%add3A_581] : memref<40192xf32, #tpu.memory_space<vmem>>[vector<16xi32>], vector<16xf32>,
        %get3A_583 = arith.constant 2 : i32
        %get3A_584 = arith.index_cast %get3A_583 : i32 to index
        %get3A_585 = arith.constant 0 : index
        %get3A_586 = tpu.vector_load %arg11[%get3A_584, %get3A_585] {strides = array<i32>} : memref<16x128xf32, #tpu.memory_space<vmem>>, vector<16xf32>,
        %max3A_587 = arith.maximumf %gather3A_582, %get3A_586 : vector<16xf32>
        tpu.vector_store_idx %arg6[%add3A_581], %max3A_587 : memref<40192xf32, #tpu.memory_space<vmem>>[vector<16xi32>], vector<16xf32>,
        %add3A_588 = arith.constant 16 : i32
        %add3A_589 = vector.broadcast %add3A_588 : i32 to vector<16xi32>
        %add3A_590 = arith.addi %iota3A, %add3A_589 : vector<16xi32>
        %add3A_591 = arith.addi %mul3A_577, %add3A_590 : vector<16xi32>
        %gather3A_592 = tpu.vector_load_idx %arg6[%add3A_591] : memref<40192xf32, #tpu.memory_space<vmem>>[vector<16xi32>], vector<16xf32>,
        %get3A_593 = arith.constant 2 : i32
        %get3A_594 = arith.index_cast %get3A_593 : i32 to index
        %get3A_595 = arith.constant 16 : index
        %get3A_596 = tpu.vector_load %arg11[%get3A_594, %get3A_595] {strides = array<i32>} : memref<16x128xf32, #tpu.memory_space<vmem>>, vector<16xf32>,
        %max3A_597 = arith.maximumf %gather3A_592, %get3A_596 : vector<16xf32>
        tpu.vector_store_idx %arg6[%add3A_591], %max3A_597 : memref<40192xf32, #tpu.memory_space<vmem>>[vector<16xi32>], vector<16xf32>,
        %add3A_598 = arith.constant 32 : i32
        %add3A_599 = vector.broadcast %add3A_598 : i32 to vector<16xi32>
        %add3A_600 = arith.addi %iota3A, %add3A_599 : vector<16xi32>
        %add3A_601 = arith.addi %mul3A_577, %add3A_600 : vector<16xi32>
        %gather3A_602 = tpu.vector_load_idx %arg6[%add3A_601] : memref<40192xf32, #tpu.memory_space<vmem>>[vector<16xi32>], vector<16xf32>,
        %get3A_603 = arith.constant 2 : i32
        %get3A_604 = arith.index_cast %get3A_603 : i32 to index
        %get3A_605 = arith.constant 32 : index
        %get3A_606 = tpu.vector_load %arg11[%get3A_604, %get3A_605] {strides = array<i32>} : memref<16x128xf32, #tpu.memory_space<vmem>>, vector<16xf32>,
        %max3A_607 = arith.maximumf %gather3A_602, %get3A_606 : vector<16xf32>
        tpu.vector_store_idx %arg6[%add3A_601], %max3A_607 : memref<40192xf32, #tpu.memory_space<vmem>>[vector<16xi32>], vector<16xf32>,
        %add3A_608 = arith.constant 48 : i32
        %add3A_609 = vector.broadcast %add3A_608 : i32 to vector<16xi32>
        %add3A_610 = arith.addi %iota3A, %add3A_609 : vector<16xi32>
        %add3A_611 = arith.addi %mul3A_577, %add3A_610 : vector<16xi32>
        %gather3A_612 = tpu.vector_load_idx %arg6[%add3A_611] : memref<40192xf32, #tpu.memory_space<vmem>>[vector<16xi32>], vector<16xf32>,
        %get3A_613 = arith.constant 2 : i32
        %get3A_614 = arith.index_cast %get3A_613 : i32 to index
        %get3A_615 = arith.constant 48 : index
        %get3A_616 = tpu.vector_load %arg11[%get3A_614, %get3A_615] {strides = array<i32>} : memref<16x128xf32, #tpu.memory_space<vmem>>, vector<16xf32>,
        %max3A_617 = arith.maximumf %gather3A_612, %get3A_616 : vector<16xf32>
        tpu.vector_store_idx %arg6[%add3A_611], %max3A_617 : memref<40192xf32, #tpu.memory_space<vmem>>[vector<16xi32>], vector<16xf32>,
        %add3A_618 = arith.constant 64 : i32
        %add3A_619 = vector.broadcast %add3A_618 : i32 to vector<16xi32>
        %add3A_620 = arith.addi %iota3A, %add3A_619 : vector<16xi32>
        %add3A_621 = arith.addi %mul3A_577, %add3A_620 : vector<16xi32>
        %gather3A_622 = tpu.vector_load_idx %arg6[%add3A_621] : memref<40192xf32, #tpu.memory_space<vmem>>[vector<16xi32>], vector<16xf32>,
        %get3A_623 = arith.constant 2 : i32
        %get3A_624 = arith.index_cast %get3A_623 : i32 to index
        %get3A_625 = arith.constant 64 : index
        %get3A_626 = tpu.vector_load %arg11[%get3A_624, %get3A_625] {strides = array<i32>} : memref<16x128xf32, #tpu.memory_space<vmem>>, vector<16xf32>,
        %max3A_627 = arith.maximumf %gather3A_622, %get3A_626 : vector<16xf32>
        tpu.vector_store_idx %arg6[%add3A_621], %max3A_627 : memref<40192xf32, #tpu.memory_space<vmem>>[vector<16xi32>], vector<16xf32>,
        %add3A_628 = arith.constant 80 : i32
        %add3A_629 = vector.broadcast %add3A_628 : i32 to vector<16xi32>
        %add3A_630 = arith.addi %iota3A, %add3A_629 : vector<16xi32>
        %add3A_631 = arith.addi %mul3A_577, %add3A_630 : vector<16xi32>
        %gather3A_632 = tpu.vector_load_idx %arg6[%add3A_631] : memref<40192xf32, #tpu.memory_space<vmem>>[vector<16xi32>], vector<16xf32>,
        %get3A_633 = arith.constant 2 : i32
        %get3A_634 = arith.index_cast %get3A_633 : i32 to index
        %get3A_635 = arith.constant 80 : index
        %get3A_636 = tpu.vector_load %arg11[%get3A_634, %get3A_635] {strides = array<i32>} : memref<16x128xf32, #tpu.memory_space<vmem>>, vector<16xf32>,
        %max3A_637 = arith.maximumf %gather3A_632, %get3A_636 : vector<16xf32>
        tpu.vector_store_idx %arg6[%add3A_631], %max3A_637 : memref<40192xf32, #tpu.memory_space<vmem>>[vector<16xi32>], vector<16xf32>,
        %add3A_638 = arith.constant 96 : i32
        %add3A_639 = vector.broadcast %add3A_638 : i32 to vector<16xi32>
        %add3A_640 = arith.addi %iota3A, %add3A_639 : vector<16xi32>
        %add3A_641 = arith.addi %mul3A_577, %add3A_640 : vector<16xi32>
        %gather3A_642 = tpu.vector_load_idx %arg6[%add3A_641] : memref<40192xf32, #tpu.memory_space<vmem>>[vector<16xi32>], vector<16xf32>,
        %get3A_643 = arith.constant 2 : i32
        %get3A_644 = arith.index_cast %get3A_643 : i32 to index
        %get3A_645 = arith.constant 96 : index
        %get3A_646 = tpu.vector_load %arg11[%get3A_644, %get3A_645] {strides = array<i32>} : memref<16x128xf32, #tpu.memory_space<vmem>>, vector<16xf32>,
        %max3A_647 = arith.maximumf %gather3A_642, %get3A_646 : vector<16xf32>
        tpu.vector_store_idx %arg6[%add3A_641], %max3A_647 : memref<40192xf32, #tpu.memory_space<vmem>>[vector<16xi32>], vector<16xf32>,
        %add3A_648 = arith.constant 112 : i32
        %add3A_649 = vector.broadcast %add3A_648 : i32 to vector<16xi32>
        %add3A_650 = arith.addi %iota3A, %add3A_649 : vector<16xi32>
        %add3A_651 = arith.addi %mul3A_577, %add3A_650 : vector<16xi32>
        %gather3A_652 = tpu.vector_load_idx %arg6[%add3A_651] : memref<40192xf32, #tpu.memory_space<vmem>>[vector<16xi32>], vector<16xf32>,
        %get3A_653 = arith.constant 2 : i32
        %get3A_654 = arith.index_cast %get3A_653 : i32 to index
        %get3A_655 = arith.constant 112 : index
        %get3A_656 = tpu.vector_load %arg11[%get3A_654, %get3A_655] {strides = array<i32>} : memref<16x128xf32, #tpu.memory_space<vmem>>, vector<16xf32>,
        %max3A_657 = arith.maximumf %gather3A_652, %get3A_656 : vector<16xf32>
        tpu.vector_store_idx %arg6[%add3A_651], %max3A_657 : memref<40192xf32, #tpu.memory_space<vmem>>[vector<16xi32>], vector<16xf32>,
        %mul3A_658 = arith.constant 16 : i32
        %mul3A_659 = arith.muli %while3A_385, %mul3A_658 : i32
        %add3A_660 = arith.constant 3 : i32
        %add3A_661 = arith.addi %mul3A_659, %add3A_660 : i32
        %broadcast_in_dim3A_662 = vector.broadcast %add3A_661 : i32 to vector<16xi32>
        %gather3A_663 = tpu.vector_load_idx %arg9[%broadcast_in_dim3A_662] : memref<1296xi32, #tpu.memory_space<vmem>>[vector<16xi32>], vector<16xi32>,
        %mul3A_664 = arith.constant 128 : i32
        %mul3A_665 = vector.broadcast %mul3A_664 : i32 to vector<16xi32>
        %mul3A_666 = arith.muli %gather3A_663, %mul3A_665 : vector<16xi32>
        %add3A_667 = arith.constant 0 : i32
        %add3A_668 = vector.broadcast %add3A_667 : i32 to vector<16xi32>
        %add3A_669 = arith.addi %iota3A, %add3A_668 : vector<16xi32>
        %add3A_670 = arith.addi %mul3A_666, %add3A_669 : vector<16xi32>
        %gather3A_671 = tpu.vector_load_idx %arg6[%add3A_670] : memref<40192xf32, #tpu.memory_space<vmem>>[vector<16xi32>], vector<16xf32>,
        %get3A_672 = arith.constant 3 : i32
        %get3A_673 = arith.index_cast %get3A_672 : i32 to index
        %get3A_674 = arith.constant 0 : index
        %get3A_675 = tpu.vector_load %arg11[%get3A_673, %get3A_674] {strides = array<i32>} : memref<16x128xf32, #tpu.memory_space<vmem>>, vector<16xf32>,
        %max3A_676 = arith.maximumf %gather3A_671, %get3A_675 : vector<16xf32>
        tpu.vector_store_idx %arg6[%add3A_670], %max3A_676 : memref<40192xf32, #tpu.memory_space<vmem>>[vector<16xi32>], vector<16xf32>,
        %add3A_677 = arith.constant 16 : i32
        %add3A_678 = vector.broadcast %add3A_677 : i32 to vector<16xi32>
        %add3A_679 = arith.addi %iota3A, %add3A_678 : vector<16xi32>
        %add3A_680 = arith.addi %mul3A_666, %add3A_679 : vector<16xi32>
        %gather3A_681 = tpu.vector_load_idx %arg6[%add3A_680] : memref<40192xf32, #tpu.memory_space<vmem>>[vector<16xi32>], vector<16xf32>,
        %get3A_682 = arith.constant 3 : i32
        %get3A_683 = arith.index_cast %get3A_682 : i32 to index
        %get3A_684 = arith.constant 16 : index
        %get3A_685 = tpu.vector_load %arg11[%get3A_683, %get3A_684] {strides = array<i32>} : memref<16x128xf32, #tpu.memory_space<vmem>>, vector<16xf32>,
        %max3A_686 = arith.maximumf %gather3A_681, %get3A_685 : vector<16xf32>
        tpu.vector_store_idx %arg6[%add3A_680], %max3A_686 : memref<40192xf32, #tpu.memory_space<vmem>>[vector<16xi32>], vector<16xf32>,
        %add3A_687 = arith.constant 32 : i32
        %add3A_688 = vector.broadcast %add3A_687 : i32 to vector<16xi32>
        %add3A_689 = arith.addi %iota3A, %add3A_688 : vector<16xi32>
        %add3A_690 = arith.addi %mul3A_666, %add3A_689 : vector<16xi32>
        %gather3A_691 = tpu.vector_load_idx %arg6[%add3A_690] : memref<40192xf32, #tpu.memory_space<vmem>>[vector<16xi32>], vector<16xf32>,
        %get3A_692 = arith.constant 3 : i32
        %get3A_693 = arith.index_cast %get3A_692 : i32 to index
        %get3A_694 = arith.constant 32 : index
        %get3A_695 = tpu.vector_load %arg11[%get3A_693, %get3A_694] {strides = array<i32>} : memref<16x128xf32, #tpu.memory_space<vmem>>, vector<16xf32>,
        %max3A_696 = arith.maximumf %gather3A_691, %get3A_695 : vector<16xf32>
        tpu.vector_store_idx %arg6[%add3A_690], %max3A_696 : memref<40192xf32, #tpu.memory_space<vmem>>[vector<16xi32>], vector<16xf32>,
        %add3A_697 = arith.constant 48 : i32
        %add3A_698 = vector.broadcast %add3A_697 : i32 to vector<16xi32>
        %add3A_699 = arith.addi %iota3A, %add3A_698 : vector<16xi32>
        %add3A_700 = arith.addi %mul3A_666, %add3A_699 : vector<16xi32>
        %gather3A_701 = tpu.vector_load_idx %arg6[%add3A_700] : memref<40192xf32, #tpu.memory_space<vmem>>[vector<16xi32>], vector<16xf32>,
        %get3A_702 = arith.constant 3 : i32
        %get3A_703 = arith.index_cast %get3A_702 : i32 to index
        %get3A_704 = arith.constant 48 : index
        %get3A_705 = tpu.vector_load %arg11[%get3A_703, %get3A_704] {strides = array<i32>} : memref<16x128xf32, #tpu.memory_space<vmem>>, vector<16xf32>,
        %max3A_706 = arith.maximumf %gather3A_701, %get3A_705 : vector<16xf32>
        tpu.vector_store_idx %arg6[%add3A_700], %max3A_706 : memref<40192xf32, #tpu.memory_space<vmem>>[vector<16xi32>], vector<16xf32>,
        %add3A_707 = arith.constant 64 : i32
        %add3A_708 = vector.broadcast %add3A_707 : i32 to vector<16xi32>
        %add3A_709 = arith.addi %iota3A, %add3A_708 : vector<16xi32>
        %add3A_710 = arith.addi %mul3A_666, %add3A_709 : vector<16xi32>
        %gather3A_711 = tpu.vector_load_idx %arg6[%add3A_710] : memref<40192xf32, #tpu.memory_space<vmem>>[vector<16xi32>], vector<16xf32>,
        %get3A_712 = arith.constant 3 : i32
        %get3A_713 = arith.index_cast %get3A_712 : i32 to index
        %get3A_714 = arith.constant 64 : index
        %get3A_715 = tpu.vector_load %arg11[%get3A_713, %get3A_714] {strides = array<i32>} : memref<16x128xf32, #tpu.memory_space<vmem>>, vector<16xf32>,
        %max3A_716 = arith.maximumf %gather3A_711, %get3A_715 : vector<16xf32>
        tpu.vector_store_idx %arg6[%add3A_710], %max3A_716 : memref<40192xf32, #tpu.memory_space<vmem>>[vector<16xi32>], vector<16xf32>,
        %add3A_717 = arith.constant 80 : i32
        %add3A_718 = vector.broadcast %add3A_717 : i32 to vector<16xi32>
        %add3A_719 = arith.addi %iota3A, %add3A_718 : vector<16xi32>
        %add3A_720 = arith.addi %mul3A_666, %add3A_719 : vector<16xi32>
        %gather3A_721 = tpu.vector_load_idx %arg6[%add3A_720] : memref<40192xf32, #tpu.memory_space<vmem>>[vector<16xi32>], vector<16xf32>,
        %get3A_722 = arith.constant 3 : i32
        %get3A_723 = arith.index_cast %get3A_722 : i32 to index
        %get3A_724 = arith.constant 80 : index
        %get3A_725 = tpu.vector_load %arg11[%get3A_723, %get3A_724] {strides = array<i32>} : memref<16x128xf32, #tpu.memory_space<vmem>>, vector<16xf32>,
        %max3A_726 = arith.maximumf %gather3A_721, %get3A_725 : vector<16xf32>
        tpu.vector_store_idx %arg6[%add3A_720], %max3A_726 : memref<40192xf32, #tpu.memory_space<vmem>>[vector<16xi32>], vector<16xf32>,
        %add3A_727 = arith.constant 96 : i32
        %add3A_728 = vector.broadcast %add3A_727 : i32 to vector<16xi32>
        %add3A_729 = arith.addi %iota3A, %add3A_728 : vector<16xi32>
        %add3A_730 = arith.addi %mul3A_666, %add3A_729 : vector<16xi32>
        %gather3A_731 = tpu.vector_load_idx %arg6[%add3A_730] : memref<40192xf32, #tpu.memory_space<vmem>>[vector<16xi32>], vector<16xf32>,
        %get3A_732 = arith.constant 3 : i32
        %get3A_733 = arith.index_cast %get3A_732 : i32 to index
        %get3A_734 = arith.constant 96 : index
        %get3A_735 = tpu.vector_load %arg11[%get3A_733, %get3A_734] {strides = array<i32>} : memref<16x128xf32, #tpu.memory_space<vmem>>, vector<16xf32>,
        %max3A_736 = arith.maximumf %gather3A_731, %get3A_735 : vector<16xf32>
        tpu.vector_store_idx %arg6[%add3A_730], %max3A_736 : memref<40192xf32, #tpu.memory_space<vmem>>[vector<16xi32>], vector<16xf32>,
        %add3A_737 = arith.constant 112 : i32
        %add3A_738 = vector.broadcast %add3A_737 : i32 to vector<16xi32>
        %add3A_739 = arith.addi %iota3A, %add3A_738 : vector<16xi32>
        %add3A_740 = arith.addi %mul3A_666, %add3A_739 : vector<16xi32>
        %gather3A_741 = tpu.vector_load_idx %arg6[%add3A_740] : memref<40192xf32, #tpu.memory_space<vmem>>[vector<16xi32>], vector<16xf32>,
        %get3A_742 = arith.constant 3 : i32
        %get3A_743 = arith.index_cast %get3A_742 : i32 to index
        %get3A_744 = arith.constant 112 : index
        %get3A_745 = tpu.vector_load %arg11[%get3A_743, %get3A_744] {strides = array<i32>} : memref<16x128xf32, #tpu.memory_space<vmem>>, vector<16xf32>,
        %max3A_746 = arith.maximumf %gather3A_741, %get3A_745 : vector<16xf32>
        tpu.vector_store_idx %arg6[%add3A_740], %max3A_746 : memref<40192xf32, #tpu.memory_space<vmem>>[vector<16xi32>], vector<16xf32>,
        %mul3A_747 = arith.constant 16 : i32
        %mul3A_748 = arith.muli %while3A_385, %mul3A_747 : i32
        %add3A_749 = arith.constant 4 : i32
        %add3A_750 = arith.addi %mul3A_748, %add3A_749 : i32
        %broadcast_in_dim3A_751 = vector.broadcast %add3A_750 : i32 to vector<16xi32>
        %gather3A_752 = tpu.vector_load_idx %arg9[%broadcast_in_dim3A_751] : memref<1296xi32, #tpu.memory_space<vmem>>[vector<16xi32>], vector<16xi32>,
        %mul3A_753 = arith.constant 128 : i32
        %mul3A_754 = vector.broadcast %mul3A_753 : i32 to vector<16xi32>
        %mul3A_755 = arith.muli %gather3A_752, %mul3A_754 : vector<16xi32>
        %add3A_756 = arith.constant 0 : i32
        %add3A_757 = vector.broadcast %add3A_756 : i32 to vector<16xi32>
        %add3A_758 = arith.addi %iota3A, %add3A_757 : vector<16xi32>
        %add3A_759 = arith.addi %mul3A_755, %add3A_758 : vector<16xi32>
        %gather3A_760 = tpu.vector_load_idx %arg6[%add3A_759] : memref<40192xf32, #tpu.memory_space<vmem>>[vector<16xi32>], vector<16xf32>,
        %get3A_761 = arith.constant 4 : i32
        %get3A_762 = arith.index_cast %get3A_761 : i32 to index
        %get3A_763 = arith.constant 0 : index
        %get3A_764 = tpu.vector_load %arg11[%get3A_762, %get3A_763] {strides = array<i32>} : memref<16x128xf32, #tpu.memory_space<vmem>>, vector<16xf32>,
        %max3A_765 = arith.maximumf %gather3A_760, %get3A_764 : vector<16xf32>
        tpu.vector_store_idx %arg6[%add3A_759], %max3A_765 : memref<40192xf32, #tpu.memory_space<vmem>>[vector<16xi32>], vector<16xf32>,
        %add3A_766 = arith.constant 16 : i32
        %add3A_767 = vector.broadcast %add3A_766 : i32 to vector<16xi32>
        %add3A_768 = arith.addi %iota3A, %add3A_767 : vector<16xi32>
        %add3A_769 = arith.addi %mul3A_755, %add3A_768 : vector<16xi32>
        %gather3A_770 = tpu.vector_load_idx %arg6[%add3A_769] : memref<40192xf32, #tpu.memory_space<vmem>>[vector<16xi32>], vector<16xf32>,
        %get3A_771 = arith.constant 4 : i32
        %get3A_772 = arith.index_cast %get3A_771 : i32 to index
        %get3A_773 = arith.constant 16 : index
        %get3A_774 = tpu.vector_load %arg11[%get3A_772, %get3A_773] {strides = array<i32>} : memref<16x128xf32, #tpu.memory_space<vmem>>, vector<16xf32>,
        %max3A_775 = arith.maximumf %gather3A_770, %get3A_774 : vector<16xf32>
        tpu.vector_store_idx %arg6[%add3A_769], %max3A_775 : memref<40192xf32, #tpu.memory_space<vmem>>[vector<16xi32>], vector<16xf32>,
        %add3A_776 = arith.constant 32 : i32
        %add3A_777 = vector.broadcast %add3A_776 : i32 to vector<16xi32>
        %add3A_778 = arith.addi %iota3A, %add3A_777 : vector<16xi32>
        %add3A_779 = arith.addi %mul3A_755, %add3A_778 : vector<16xi32>
        %gather3A_780 = tpu.vector_load_idx %arg6[%add3A_779] : memref<40192xf32, #tpu.memory_space<vmem>>[vector<16xi32>], vector<16xf32>,
        %get3A_781 = arith.constant 4 : i32
        %get3A_782 = arith.index_cast %get3A_781 : i32 to index
        %get3A_783 = arith.constant 32 : index
        %get3A_784 = tpu.vector_load %arg11[%get3A_782, %get3A_783] {strides = array<i32>} : memref<16x128xf32, #tpu.memory_space<vmem>>, vector<16xf32>,
        %max3A_785 = arith.maximumf %gather3A_780, %get3A_784 : vector<16xf32>
        tpu.vector_store_idx %arg6[%add3A_779], %max3A_785 : memref<40192xf32, #tpu.memory_space<vmem>>[vector<16xi32>], vector<16xf32>,
        %add3A_786 = arith.constant 48 : i32
        %add3A_787 = vector.broadcast %add3A_786 : i32 to vector<16xi32>
        %add3A_788 = arith.addi %iota3A, %add3A_787 : vector<16xi32>
        %add3A_789 = arith.addi %mul3A_755, %add3A_788 : vector<16xi32>
        %gather3A_790 = tpu.vector_load_idx %arg6[%add3A_789] : memref<40192xf32, #tpu.memory_space<vmem>>[vector<16xi32>], vector<16xf32>,
        %get3A_791 = arith.constant 4 : i32
        %get3A_792 = arith.index_cast %get3A_791 : i32 to index
        %get3A_793 = arith.constant 48 : index
        %get3A_794 = tpu.vector_load %arg11[%get3A_792, %get3A_793] {strides = array<i32>} : memref<16x128xf32, #tpu.memory_space<vmem>>, vector<16xf32>,
        %max3A_795 = arith.maximumf %gather3A_790, %get3A_794 : vector<16xf32>
        tpu.vector_store_idx %arg6[%add3A_789], %max3A_795 : memref<40192xf32, #tpu.memory_space<vmem>>[vector<16xi32>], vector<16xf32>,
        %add3A_796 = arith.constant 64 : i32
        %add3A_797 = vector.broadcast %add3A_796 : i32 to vector<16xi32>
        %add3A_798 = arith.addi %iota3A, %add3A_797 : vector<16xi32>
        %add3A_799 = arith.addi %mul3A_755, %add3A_798 : vector<16xi32>
        %gather3A_800 = tpu.vector_load_idx %arg6[%add3A_799] : memref<40192xf32, #tpu.memory_space<vmem>>[vector<16xi32>], vector<16xf32>,
        %get3A_801 = arith.constant 4 : i32
        %get3A_802 = arith.index_cast %get3A_801 : i32 to index
        %get3A_803 = arith.constant 64 : index
        %get3A_804 = tpu.vector_load %arg11[%get3A_802, %get3A_803] {strides = array<i32>} : memref<16x128xf32, #tpu.memory_space<vmem>>, vector<16xf32>,
        %max3A_805 = arith.maximumf %gather3A_800, %get3A_804 : vector<16xf32>
        tpu.vector_store_idx %arg6[%add3A_799], %max3A_805 : memref<40192xf32, #tpu.memory_space<vmem>>[vector<16xi32>], vector<16xf32>,
        %add3A_806 = arith.constant 80 : i32
        %add3A_807 = vector.broadcast %add3A_806 : i32 to vector<16xi32>
        %add3A_808 = arith.addi %iota3A, %add3A_807 : vector<16xi32>
        %add3A_809 = arith.addi %mul3A_755, %add3A_808 : vector<16xi32>
        %gather3A_810 = tpu.vector_load_idx %arg6[%add3A_809] : memref<40192xf32, #tpu.memory_space<vmem>>[vector<16xi32>], vector<16xf32>,
        %get3A_811 = arith.constant 4 : i32
        %get3A_812 = arith.index_cast %get3A_811 : i32 to index
        %get3A_813 = arith.constant 80 : index
        %get3A_814 = tpu.vector_load %arg11[%get3A_812, %get3A_813] {strides = array<i32>} : memref<16x128xf32, #tpu.memory_space<vmem>>, vector<16xf32>,
        %max3A_815 = arith.maximumf %gather3A_810, %get3A_814 : vector<16xf32>
        tpu.vector_store_idx %arg6[%add3A_809], %max3A_815 : memref<40192xf32, #tpu.memory_space<vmem>>[vector<16xi32>], vector<16xf32>,
        %add3A_816 = arith.constant 96 : i32
        %add3A_817 = vector.broadcast %add3A_816 : i32 to vector<16xi32>
        %add3A_818 = arith.addi %iota3A, %add3A_817 : vector<16xi32>
        %add3A_819 = arith.addi %mul3A_755, %add3A_818 : vector<16xi32>
        %gather3A_820 = tpu.vector_load_idx %arg6[%add3A_819] : memref<40192xf32, #tpu.memory_space<vmem>>[vector<16xi32>], vector<16xf32>,
        %get3A_821 = arith.constant 4 : i32
        %get3A_822 = arith.index_cast %get3A_821 : i32 to index
        %get3A_823 = arith.constant 96 : index
        %get3A_824 = tpu.vector_load %arg11[%get3A_822, %get3A_823] {strides = array<i32>} : memref<16x128xf32, #tpu.memory_space<vmem>>, vector<16xf32>,
        %max3A_825 = arith.maximumf %gather3A_820, %get3A_824 : vector<16xf32>
        tpu.vector_store_idx %arg6[%add3A_819], %max3A_825 : memref<40192xf32, #tpu.memory_space<vmem>>[vector<16xi32>], vector<16xf32>,
        %add3A_826 = arith.constant 112 : i32
        %add3A_827 = vector.broadcast %add3A_826 : i32 to vector<16xi32>
        %add3A_828 = arith.addi %iota3A, %add3A_827 : vector<16xi32>
        %add3A_829 = arith.addi %mul3A_755, %add3A_828 : vector<16xi32>
        %gather3A_830 = tpu.vector_load_idx %arg6[%add3A_829] : memref<40192xf32, #tpu.memory_space<vmem>>[vector<16xi32>], vector<16xf32>,
        %get3A_831 = arith.constant 4 : i32
        %get3A_832 = arith.index_cast %get3A_831 : i32 to index
        %get3A_833 = arith.constant 112 : index
        %get3A_834 = tpu.vector_load %arg11[%get3A_832, %get3A_833] {strides = array<i32>} : memref<16x128xf32, #tpu.memory_space<vmem>>, vector<16xf32>,
        %max3A_835 = arith.maximumf %gather3A_830, %get3A_834 : vector<16xf32>
        tpu.vector_store_idx %arg6[%add3A_829], %max3A_835 : memref<40192xf32, #tpu.memory_space<vmem>>[vector<16xi32>], vector<16xf32>,
        %mul3A_836 = arith.constant 16 : i32
        %mul3A_837 = arith.muli %while3A_385, %mul3A_836 : i32
        %add3A_838 = arith.constant 5 : i32
        %add3A_839 = arith.addi %mul3A_837, %add3A_838 : i32
        %broadcast_in_dim3A_840 = vector.broadcast %add3A_839 : i32 to vector<16xi32>
        %gather3A_841 = tpu.vector_load_idx %arg9[%broadcast_in_dim3A_840] : memref<1296xi32, #tpu.memory_space<vmem>>[vector<16xi32>], vector<16xi32>,
        %mul3A_842 = arith.constant 128 : i32
        %mul3A_843 = vector.broadcast %mul3A_842 : i32 to vector<16xi32>
        %mul3A_844 = arith.muli %gather3A_841, %mul3A_843 : vector<16xi32>
        %add3A_845 = arith.constant 0 : i32
        %add3A_846 = vector.broadcast %add3A_845 : i32 to vector<16xi32>
        %add3A_847 = arith.addi %iota3A, %add3A_846 : vector<16xi32>
        %add3A_848 = arith.addi %mul3A_844, %add3A_847 : vector<16xi32>
        %gather3A_849 = tpu.vector_load_idx %arg6[%add3A_848] : memref<40192xf32, #tpu.memory_space<vmem>>[vector<16xi32>], vector<16xf32>,
        %get3A_850 = arith.constant 5 : i32
        %get3A_851 = arith.index_cast %get3A_850 : i32 to index
        %get3A_852 = arith.constant 0 : index
        %get3A_853 = tpu.vector_load %arg11[%get3A_851, %get3A_852] {strides = array<i32>} : memref<16x128xf32, #tpu.memory_space<vmem>>, vector<16xf32>,
        %max3A_854 = arith.maximumf %gather3A_849, %get3A_853 : vector<16xf32>
        tpu.vector_store_idx %arg6[%add3A_848], %max3A_854 : memref<40192xf32, #tpu.memory_space<vmem>>[vector<16xi32>], vector<16xf32>,
        %add3A_855 = arith.constant 16 : i32
        %add3A_856 = vector.broadcast %add3A_855 : i32 to vector<16xi32>
        %add3A_857 = arith.addi %iota3A, %add3A_856 : vector<16xi32>
        %add3A_858 = arith.addi %mul3A_844, %add3A_857 : vector<16xi32>
        %gather3A_859 = tpu.vector_load_idx %arg6[%add3A_858] : memref<40192xf32, #tpu.memory_space<vmem>>[vector<16xi32>], vector<16xf32>,
        %get3A_860 = arith.constant 5 : i32
        %get3A_861 = arith.index_cast %get3A_860 : i32 to index
        %get3A_862 = arith.constant 16 : index
        %get3A_863 = tpu.vector_load %arg11[%get3A_861, %get3A_862] {strides = array<i32>} : memref<16x128xf32, #tpu.memory_space<vmem>>, vector<16xf32>,
        %max3A_864 = arith.maximumf %gather3A_859, %get3A_863 : vector<16xf32>
        tpu.vector_store_idx %arg6[%add3A_858], %max3A_864 : memref<40192xf32, #tpu.memory_space<vmem>>[vector<16xi32>], vector<16xf32>,
        %add3A_865 = arith.constant 32 : i32
        %add3A_866 = vector.broadcast %add3A_865 : i32 to vector<16xi32>
        %add3A_867 = arith.addi %iota3A, %add3A_866 : vector<16xi32>
        %add3A_868 = arith.addi %mul3A_844, %add3A_867 : vector<16xi32>
        %gather3A_869 = tpu.vector_load_idx %arg6[%add3A_868] : memref<40192xf32, #tpu.memory_space<vmem>>[vector<16xi32>], vector<16xf32>,
        %get3A_870 = arith.constant 5 : i32
        %get3A_871 = arith.index_cast %get3A_870 : i32 to index
        %get3A_872 = arith.constant 32 : index
        %get3A_873 = tpu.vector_load %arg11[%get3A_871, %get3A_872] {strides = array<i32>} : memref<16x128xf32, #tpu.memory_space<vmem>>, vector<16xf32>,
        %max3A_874 = arith.maximumf %gather3A_869, %get3A_873 : vector<16xf32>
        tpu.vector_store_idx %arg6[%add3A_868], %max3A_874 : memref<40192xf32, #tpu.memory_space<vmem>>[vector<16xi32>], vector<16xf32>,
        %add3A_875 = arith.constant 48 : i32
        %add3A_876 = vector.broadcast %add3A_875 : i32 to vector<16xi32>
        %add3A_877 = arith.addi %iota3A, %add3A_876 : vector<16xi32>
        %add3A_878 = arith.addi %mul3A_844, %add3A_877 : vector<16xi32>
        %gather3A_879 = tpu.vector_load_idx %arg6[%add3A_878] : memref<40192xf32, #tpu.memory_space<vmem>>[vector<16xi32>], vector<16xf32>,
        %get3A_880 = arith.constant 5 : i32
        %get3A_881 = arith.index_cast %get3A_880 : i32 to index
        %get3A_882 = arith.constant 48 : index
        %get3A_883 = tpu.vector_load %arg11[%get3A_881, %get3A_882] {strides = array<i32>} : memref<16x128xf32, #tpu.memory_space<vmem>>, vector<16xf32>,
        %max3A_884 = arith.maximumf %gather3A_879, %get3A_883 : vector<16xf32>
        tpu.vector_store_idx %arg6[%add3A_878], %max3A_884 : memref<40192xf32, #tpu.memory_space<vmem>>[vector<16xi32>], vector<16xf32>,
        %add3A_885 = arith.constant 64 : i32
        %add3A_886 = vector.broadcast %add3A_885 : i32 to vector<16xi32>
        %add3A_887 = arith.addi %iota3A, %add3A_886 : vector<16xi32>
        %add3A_888 = arith.addi %mul3A_844, %add3A_887 : vector<16xi32>
        %gather3A_889 = tpu.vector_load_idx %arg6[%add3A_888] : memref<40192xf32, #tpu.memory_space<vmem>>[vector<16xi32>], vector<16xf32>,
        %get3A_890 = arith.constant 5 : i32
        %get3A_891 = arith.index_cast %get3A_890 : i32 to index
        %get3A_892 = arith.constant 64 : index
        %get3A_893 = tpu.vector_load %arg11[%get3A_891, %get3A_892] {strides = array<i32>} : memref<16x128xf32, #tpu.memory_space<vmem>>, vector<16xf32>,
        %max3A_894 = arith.maximumf %gather3A_889, %get3A_893 : vector<16xf32>
        tpu.vector_store_idx %arg6[%add3A_888], %max3A_894 : memref<40192xf32, #tpu.memory_space<vmem>>[vector<16xi32>], vector<16xf32>,
        %add3A_895 = arith.constant 80 : i32
        %add3A_896 = vector.broadcast %add3A_895 : i32 to vector<16xi32>
        %add3A_897 = arith.addi %iota3A, %add3A_896 : vector<16xi32>
        %add3A_898 = arith.addi %mul3A_844, %add3A_897 : vector<16xi32>
        %gather3A_899 = tpu.vector_load_idx %arg6[%add3A_898] : memref<40192xf32, #tpu.memory_space<vmem>>[vector<16xi32>], vector<16xf32>,
        %get3A_900 = arith.constant 5 : i32
        %get3A_901 = arith.index_cast %get3A_900 : i32 to index
        %get3A_902 = arith.constant 80 : index
        %get3A_903 = tpu.vector_load %arg11[%get3A_901, %get3A_902] {strides = array<i32>} : memref<16x128xf32, #tpu.memory_space<vmem>>, vector<16xf32>,
        %max3A_904 = arith.maximumf %gather3A_899, %get3A_903 : vector<16xf32>
        tpu.vector_store_idx %arg6[%add3A_898], %max3A_904 : memref<40192xf32, #tpu.memory_space<vmem>>[vector<16xi32>], vector<16xf32>,
        %add3A_905 = arith.constant 96 : i32
        %add3A_906 = vector.broadcast %add3A_905 : i32 to vector<16xi32>
        %add3A_907 = arith.addi %iota3A, %add3A_906 : vector<16xi32>
        %add3A_908 = arith.addi %mul3A_844, %add3A_907 : vector<16xi32>
        %gather3A_909 = tpu.vector_load_idx %arg6[%add3A_908] : memref<40192xf32, #tpu.memory_space<vmem>>[vector<16xi32>], vector<16xf32>,
        %get3A_910 = arith.constant 5 : i32
        %get3A_911 = arith.index_cast %get3A_910 : i32 to index
        %get3A_912 = arith.constant 96 : index
        %get3A_913 = tpu.vector_load %arg11[%get3A_911, %get3A_912] {strides = array<i32>} : memref<16x128xf32, #tpu.memory_space<vmem>>, vector<16xf32>,
        %max3A_914 = arith.maximumf %gather3A_909, %get3A_913 : vector<16xf32>
        tpu.vector_store_idx %arg6[%add3A_908], %max3A_914 : memref<40192xf32, #tpu.memory_space<vmem>>[vector<16xi32>], vector<16xf32>,
        %add3A_915 = arith.constant 112 : i32
        %add3A_916 = vector.broadcast %add3A_915 : i32 to vector<16xi32>
        %add3A_917 = arith.addi %iota3A, %add3A_916 : vector<16xi32>
        %add3A_918 = arith.addi %mul3A_844, %add3A_917 : vector<16xi32>
        %gather3A_919 = tpu.vector_load_idx %arg6[%add3A_918] : memref<40192xf32, #tpu.memory_space<vmem>>[vector<16xi32>], vector<16xf32>,
        %get3A_920 = arith.constant 5 : i32
        %get3A_921 = arith.index_cast %get3A_920 : i32 to index
        %get3A_922 = arith.constant 112 : index
        %get3A_923 = tpu.vector_load %arg11[%get3A_921, %get3A_922] {strides = array<i32>} : memref<16x128xf32, #tpu.memory_space<vmem>>, vector<16xf32>,
        %max3A_924 = arith.maximumf %gather3A_919, %get3A_923 : vector<16xf32>
        tpu.vector_store_idx %arg6[%add3A_918], %max3A_924 : memref<40192xf32, #tpu.memory_space<vmem>>[vector<16xi32>], vector<16xf32>,
        %mul3A_925 = arith.constant 16 : i32
        %mul3A_926 = arith.muli %while3A_385, %mul3A_925 : i32
        %add3A_927 = arith.constant 6 : i32
        %add3A_928 = arith.addi %mul3A_926, %add3A_927 : i32
        %broadcast_in_dim3A_929 = vector.broadcast %add3A_928 : i32 to vector<16xi32>
        %gather3A_930 = tpu.vector_load_idx %arg9[%broadcast_in_dim3A_929] : memref<1296xi32, #tpu.memory_space<vmem>>[vector<16xi32>], vector<16xi32>,
        %mul3A_931 = arith.constant 128 : i32
        %mul3A_932 = vector.broadcast %mul3A_931 : i32 to vector<16xi32>
        %mul3A_933 = arith.muli %gather3A_930, %mul3A_932 : vector<16xi32>
        %add3A_934 = arith.constant 0 : i32
        %add3A_935 = vector.broadcast %add3A_934 : i32 to vector<16xi32>
        %add3A_936 = arith.addi %iota3A, %add3A_935 : vector<16xi32>
        %add3A_937 = arith.addi %mul3A_933, %add3A_936 : vector<16xi32>
        %gather3A_938 = tpu.vector_load_idx %arg6[%add3A_937] : memref<40192xf32, #tpu.memory_space<vmem>>[vector<16xi32>], vector<16xf32>,
        %get3A_939 = arith.constant 6 : i32
        %get3A_940 = arith.index_cast %get3A_939 : i32 to index
        %get3A_941 = arith.constant 0 : index
        %get3A_942 = tpu.vector_load %arg11[%get3A_940, %get3A_941] {strides = array<i32>} : memref<16x128xf32, #tpu.memory_space<vmem>>, vector<16xf32>,
        %max3A_943 = arith.maximumf %gather3A_938, %get3A_942 : vector<16xf32>
        tpu.vector_store_idx %arg6[%add3A_937], %max3A_943 : memref<40192xf32, #tpu.memory_space<vmem>>[vector<16xi32>], vector<16xf32>,
        %add3A_944 = arith.constant 16 : i32
        %add3A_945 = vector.broadcast %add3A_944 : i32 to vector<16xi32>
        %add3A_946 = arith.addi %iota3A, %add3A_945 : vector<16xi32>
        %add3A_947 = arith.addi %mul3A_933, %add3A_946 : vector<16xi32>
        %gather3A_948 = tpu.vector_load_idx %arg6[%add3A_947] : memref<40192xf32, #tpu.memory_space<vmem>>[vector<16xi32>], vector<16xf32>,
        %get3A_949 = arith.constant 6 : i32
        %get3A_950 = arith.index_cast %get3A_949 : i32 to index
        %get3A_951 = arith.constant 16 : index
        %get3A_952 = tpu.vector_load %arg11[%get3A_950, %get3A_951] {strides = array<i32>} : memref<16x128xf32, #tpu.memory_space<vmem>>, vector<16xf32>,
        %max3A_953 = arith.maximumf %gather3A_948, %get3A_952 : vector<16xf32>
        tpu.vector_store_idx %arg6[%add3A_947], %max3A_953 : memref<40192xf32, #tpu.memory_space<vmem>>[vector<16xi32>], vector<16xf32>,
        %add3A_954 = arith.constant 32 : i32
        %add3A_955 = vector.broadcast %add3A_954 : i32 to vector<16xi32>
        %add3A_956 = arith.addi %iota3A, %add3A_955 : vector<16xi32>
        %add3A_957 = arith.addi %mul3A_933, %add3A_956 : vector<16xi32>
        %gather3A_958 = tpu.vector_load_idx %arg6[%add3A_957] : memref<40192xf32, #tpu.memory_space<vmem>>[vector<16xi32>], vector<16xf32>,
        %get3A_959 = arith.constant 6 : i32
        %get3A_960 = arith.index_cast %get3A_959 : i32 to index
        %get3A_961 = arith.constant 32 : index
        %get3A_962 = tpu.vector_load %arg11[%get3A_960, %get3A_961] {strides = array<i32>} : memref<16x128xf32, #tpu.memory_space<vmem>>, vector<16xf32>,
        %max3A_963 = arith.maximumf %gather3A_958, %get3A_962 : vector<16xf32>
        tpu.vector_store_idx %arg6[%add3A_957], %max3A_963 : memref<40192xf32, #tpu.memory_space<vmem>>[vector<16xi32>], vector<16xf32>,
        %add3A_964 = arith.constant 48 : i32
        %add3A_965 = vector.broadcast %add3A_964 : i32 to vector<16xi32>
        %add3A_966 = arith.addi %iota3A, %add3A_965 : vector<16xi32>
        %add3A_967 = arith.addi %mul3A_933, %add3A_966 : vector<16xi32>
        %gather3A_968 = tpu.vector_load_idx %arg6[%add3A_967] : memref<40192xf32, #tpu.memory_space<vmem>>[vector<16xi32>], vector<16xf32>,
        %get3A_969 = arith.constant 6 : i32
        %get3A_970 = arith.index_cast %get3A_969 : i32 to index
        %get3A_971 = arith.constant 48 : index
        %get3A_972 = tpu.vector_load %arg11[%get3A_970, %get3A_971] {strides = array<i32>} : memref<16x128xf32, #tpu.memory_space<vmem>>, vector<16xf32>,
        %max3A_973 = arith.maximumf %gather3A_968, %get3A_972 : vector<16xf32>
        tpu.vector_store_idx %arg6[%add3A_967], %max3A_973 : memref<40192xf32, #tpu.memory_space<vmem>>[vector<16xi32>], vector<16xf32>,
        %add3A_974 = arith.constant 64 : i32
        %add3A_975 = vector.broadcast %add3A_974 : i32 to vector<16xi32>
        %add3A_976 = arith.addi %iota3A, %add3A_975 : vector<16xi32>
        %add3A_977 = arith.addi %mul3A_933, %add3A_976 : vector<16xi32>
        %gather3A_978 = tpu.vector_load_idx %arg6[%add3A_977] : memref<40192xf32, #tpu.memory_space<vmem>>[vector<16xi32>], vector<16xf32>,
        %get3A_979 = arith.constant 6 : i32
        %get3A_980 = arith.index_cast %get3A_979 : i32 to index
        %get3A_981 = arith.constant 64 : index
        %get3A_982 = tpu.vector_load %arg11[%get3A_980, %get3A_981] {strides = array<i32>} : memref<16x128xf32, #tpu.memory_space<vmem>>, vector<16xf32>,
        %max3A_983 = arith.maximumf %gather3A_978, %get3A_982 : vector<16xf32>
        tpu.vector_store_idx %arg6[%add3A_977], %max3A_983 : memref<40192xf32, #tpu.memory_space<vmem>>[vector<16xi32>], vector<16xf32>,
        %add3A_984 = arith.constant 80 : i32
        %add3A_985 = vector.broadcast %add3A_984 : i32 to vector<16xi32>
        %add3A_986 = arith.addi %iota3A, %add3A_985 : vector<16xi32>
        %add3A_987 = arith.addi %mul3A_933, %add3A_986 : vector<16xi32>
        %gather3A_988 = tpu.vector_load_idx %arg6[%add3A_987] : memref<40192xf32, #tpu.memory_space<vmem>>[vector<16xi32>], vector<16xf32>,
        %get3A_989 = arith.constant 6 : i32
        %get3A_990 = arith.index_cast %get3A_989 : i32 to index
        %get3A_991 = arith.constant 80 : index
        %get3A_992 = tpu.vector_load %arg11[%get3A_990, %get3A_991] {strides = array<i32>} : memref<16x128xf32, #tpu.memory_space<vmem>>, vector<16xf32>,
        %max3A_993 = arith.maximumf %gather3A_988, %get3A_992 : vector<16xf32>
        tpu.vector_store_idx %arg6[%add3A_987], %max3A_993 : memref<40192xf32, #tpu.memory_space<vmem>>[vector<16xi32>], vector<16xf32>,
        %add3A_994 = arith.constant 96 : i32
        %add3A_995 = vector.broadcast %add3A_994 : i32 to vector<16xi32>
        %add3A_996 = arith.addi %iota3A, %add3A_995 : vector<16xi32>
        %add3A_997 = arith.addi %mul3A_933, %add3A_996 : vector<16xi32>
        %gather3A_998 = tpu.vector_load_idx %arg6[%add3A_997] : memref<40192xf32, #tpu.memory_space<vmem>>[vector<16xi32>], vector<16xf32>,
        %get3A_999 = arith.constant 6 : i32
        %get3A_1000 = arith.index_cast %get3A_999 : i32 to index
        %get3A_1001 = arith.constant 96 : index
        %get3A_1002 = tpu.vector_load %arg11[%get3A_1000, %get3A_1001] {strides = array<i32>} : memref<16x128xf32, #tpu.memory_space<vmem>>, vector<16xf32>,
        %max3A_1003 = arith.maximumf %gather3A_998, %get3A_1002 : vector<16xf32>
        tpu.vector_store_idx %arg6[%add3A_997], %max3A_1003 : memref<40192xf32, #tpu.memory_space<vmem>>[vector<16xi32>], vector<16xf32>,
        %add3A_1004 = arith.constant 112 : i32
        %add3A_1005 = vector.broadcast %add3A_1004 : i32 to vector<16xi32>
        %add3A_1006 = arith.addi %iota3A, %add3A_1005 : vector<16xi32>
        %add3A_1007 = arith.addi %mul3A_933, %add3A_1006 : vector<16xi32>
        %gather3A_1008 = tpu.vector_load_idx %arg6[%add3A_1007] : memref<40192xf32, #tpu.memory_space<vmem>>[vector<16xi32>], vector<16xf32>,
        %get3A_1009 = arith.constant 6 : i32
        %get3A_1010 = arith.index_cast %get3A_1009 : i32 to index
        %get3A_1011 = arith.constant 112 : index
        %get3A_1012 = tpu.vector_load %arg11[%get3A_1010, %get3A_1011] {strides = array<i32>} : memref<16x128xf32, #tpu.memory_space<vmem>>, vector<16xf32>,
        %max3A_1013 = arith.maximumf %gather3A_1008, %get3A_1012 : vector<16xf32>
        tpu.vector_store_idx %arg6[%add3A_1007], %max3A_1013 : memref<40192xf32, #tpu.memory_space<vmem>>[vector<16xi32>], vector<16xf32>,
        %mul3A_1014 = arith.constant 16 : i32
        %mul3A_1015 = arith.muli %while3A_385, %mul3A_1014 : i32
        %add3A_1016 = arith.constant 7 : i32
        %add3A_1017 = arith.addi %mul3A_1015, %add3A_1016 : i32
        %broadcast_in_dim3A_1018 = vector.broadcast %add3A_1017 : i32 to vector<16xi32>
        %gather3A_1019 = tpu.vector_load_idx %arg9[%broadcast_in_dim3A_1018] : memref<1296xi32, #tpu.memory_space<vmem>>[vector<16xi32>], vector<16xi32>,
        %mul3A_1020 = arith.constant 128 : i32
        %mul3A_1021 = vector.broadcast %mul3A_1020 : i32 to vector<16xi32>
        %mul3A_1022 = arith.muli %gather3A_1019, %mul3A_1021 : vector<16xi32>
        %add3A_1023 = arith.constant 0 : i32
        %add3A_1024 = vector.broadcast %add3A_1023 : i32 to vector<16xi32>
        %add3A_1025 = arith.addi %iota3A, %add3A_1024 : vector<16xi32>
        %add3A_1026 = arith.addi %mul3A_1022, %add3A_1025 : vector<16xi32>
        %gather3A_1027 = tpu.vector_load_idx %arg6[%add3A_1026] : memref<40192xf32, #tpu.memory_space<vmem>>[vector<16xi32>], vector<16xf32>,
        %get3A_1028 = arith.constant 7 : i32
        %get3A_1029 = arith.index_cast %get3A_1028 : i32 to index
        %get3A_1030 = arith.constant 0 : index
        %get3A_1031 = tpu.vector_load %arg11[%get3A_1029, %get3A_1030] {strides = array<i32>} : memref<16x128xf32, #tpu.memory_space<vmem>>, vector<16xf32>,
        %max3A_1032 = arith.maximumf %gather3A_1027, %get3A_1031 : vector<16xf32>
        tpu.vector_store_idx %arg6[%add3A_1026], %max3A_1032 : memref<40192xf32, #tpu.memory_space<vmem>>[vector<16xi32>], vector<16xf32>,
        %add3A_1033 = arith.constant 16 : i32
        %add3A_1034 = vector.broadcast %add3A_1033 : i32 to vector<16xi32>
        %add3A_1035 = arith.addi %iota3A, %add3A_1034 : vector<16xi32>
        %add3A_1036 = arith.addi %mul3A_1022, %add3A_1035 : vector<16xi32>
        %gather3A_1037 = tpu.vector_load_idx %arg6[%add3A_1036] : memref<40192xf32, #tpu.memory_space<vmem>>[vector<16xi32>], vector<16xf32>,
        %get3A_1038 = arith.constant 7 : i32
        %get3A_1039 = arith.index_cast %get3A_1038 : i32 to index
        %get3A_1040 = arith.constant 16 : index
        %get3A_1041 = tpu.vector_load %arg11[%get3A_1039, %get3A_1040] {strides = array<i32>} : memref<16x128xf32, #tpu.memory_space<vmem>>, vector<16xf32>,
        %max3A_1042 = arith.maximumf %gather3A_1037, %get3A_1041 : vector<16xf32>
        tpu.vector_store_idx %arg6[%add3A_1036], %max3A_1042 : memref<40192xf32, #tpu.memory_space<vmem>>[vector<16xi32>], vector<16xf32>,
        %add3A_1043 = arith.constant 32 : i32
        %add3A_1044 = vector.broadcast %add3A_1043 : i32 to vector<16xi32>
        %add3A_1045 = arith.addi %iota3A, %add3A_1044 : vector<16xi32>
        %add3A_1046 = arith.addi %mul3A_1022, %add3A_1045 : vector<16xi32>
        %gather3A_1047 = tpu.vector_load_idx %arg6[%add3A_1046] : memref<40192xf32, #tpu.memory_space<vmem>>[vector<16xi32>], vector<16xf32>,
        %get3A_1048 = arith.constant 7 : i32
        %get3A_1049 = arith.index_cast %get3A_1048 : i32 to index
        %get3A_1050 = arith.constant 32 : index
        %get3A_1051 = tpu.vector_load %arg11[%get3A_1049, %get3A_1050] {strides = array<i32>} : memref<16x128xf32, #tpu.memory_space<vmem>>, vector<16xf32>,
        %max3A_1052 = arith.maximumf %gather3A_1047, %get3A_1051 : vector<16xf32>
        tpu.vector_store_idx %arg6[%add3A_1046], %max3A_1052 : memref<40192xf32, #tpu.memory_space<vmem>>[vector<16xi32>], vector<16xf32>,
        %add3A_1053 = arith.constant 48 : i32
        %add3A_1054 = vector.broadcast %add3A_1053 : i32 to vector<16xi32>
        %add3A_1055 = arith.addi %iota3A, %add3A_1054 : vector<16xi32>
        %add3A_1056 = arith.addi %mul3A_1022, %add3A_1055 : vector<16xi32>
        %gather3A_1057 = tpu.vector_load_idx %arg6[%add3A_1056] : memref<40192xf32, #tpu.memory_space<vmem>>[vector<16xi32>], vector<16xf32>,
        %get3A_1058 = arith.constant 7 : i32
        %get3A_1059 = arith.index_cast %get3A_1058 : i32 to index
        %get3A_1060 = arith.constant 48 : index
        %get3A_1061 = tpu.vector_load %arg11[%get3A_1059, %get3A_1060] {strides = array<i32>} : memref<16x128xf32, #tpu.memory_space<vmem>>, vector<16xf32>,
        %max3A_1062 = arith.maximumf %gather3A_1057, %get3A_1061 : vector<16xf32>
        tpu.vector_store_idx %arg6[%add3A_1056], %max3A_1062 : memref<40192xf32, #tpu.memory_space<vmem>>[vector<16xi32>], vector<16xf32>,
        %add3A_1063 = arith.constant 64 : i32
        %add3A_1064 = vector.broadcast %add3A_1063 : i32 to vector<16xi32>
        %add3A_1065 = arith.addi %iota3A, %add3A_1064 : vector<16xi32>
        %add3A_1066 = arith.addi %mul3A_1022, %add3A_1065 : vector<16xi32>
        %gather3A_1067 = tpu.vector_load_idx %arg6[%add3A_1066] : memref<40192xf32, #tpu.memory_space<vmem>>[vector<16xi32>], vector<16xf32>,
        %get3A_1068 = arith.constant 7 : i32
        %get3A_1069 = arith.index_cast %get3A_1068 : i32 to index
        %get3A_1070 = arith.constant 64 : index
        %get3A_1071 = tpu.vector_load %arg11[%get3A_1069, %get3A_1070] {strides = array<i32>} : memref<16x128xf32, #tpu.memory_space<vmem>>, vector<16xf32>,
        %max3A_1072 = arith.maximumf %gather3A_1067, %get3A_1071 : vector<16xf32>
        tpu.vector_store_idx %arg6[%add3A_1066], %max3A_1072 : memref<40192xf32, #tpu.memory_space<vmem>>[vector<16xi32>], vector<16xf32>,
        %add3A_1073 = arith.constant 80 : i32
        %add3A_1074 = vector.broadcast %add3A_1073 : i32 to vector<16xi32>
        %add3A_1075 = arith.addi %iota3A, %add3A_1074 : vector<16xi32>
        %add3A_1076 = arith.addi %mul3A_1022, %add3A_1075 : vector<16xi32>
        %gather3A_1077 = tpu.vector_load_idx %arg6[%add3A_1076] : memref<40192xf32, #tpu.memory_space<vmem>>[vector<16xi32>], vector<16xf32>,
        %get3A_1078 = arith.constant 7 : i32
        %get3A_1079 = arith.index_cast %get3A_1078 : i32 to index
        %get3A_1080 = arith.constant 80 : index
        %get3A_1081 = tpu.vector_load %arg11[%get3A_1079, %get3A_1080] {strides = array<i32>} : memref<16x128xf32, #tpu.memory_space<vmem>>, vector<16xf32>,
        %max3A_1082 = arith.maximumf %gather3A_1077, %get3A_1081 : vector<16xf32>
        tpu.vector_store_idx %arg6[%add3A_1076], %max3A_1082 : memref<40192xf32, #tpu.memory_space<vmem>>[vector<16xi32>], vector<16xf32>,
        %add3A_1083 = arith.constant 96 : i32
        %add3A_1084 = vector.broadcast %add3A_1083 : i32 to vector<16xi32>
        %add3A_1085 = arith.addi %iota3A, %add3A_1084 : vector<16xi32>
        %add3A_1086 = arith.addi %mul3A_1022, %add3A_1085 : vector<16xi32>
        %gather3A_1087 = tpu.vector_load_idx %arg6[%add3A_1086] : memref<40192xf32, #tpu.memory_space<vmem>>[vector<16xi32>], vector<16xf32>,
        %get3A_1088 = arith.constant 7 : i32
        %get3A_1089 = arith.index_cast %get3A_1088 : i32 to index
        %get3A_1090 = arith.constant 96 : index
        %get3A_1091 = tpu.vector_load %arg11[%get3A_1089, %get3A_1090] {strides = array<i32>} : memref<16x128xf32, #tpu.memory_space<vmem>>, vector<16xf32>,
        %max3A_1092 = arith.maximumf %gather3A_1087, %get3A_1091 : vector<16xf32>
        tpu.vector_store_idx %arg6[%add3A_1086], %max3A_1092 : memref<40192xf32, #tpu.memory_space<vmem>>[vector<16xi32>], vector<16xf32>,
        %add3A_1093 = arith.constant 112 : i32
        %add3A_1094 = vector.broadcast %add3A_1093 : i32 to vector<16xi32>
        %add3A_1095 = arith.addi %iota3A, %add3A_1094 : vector<16xi32>
        %add3A_1096 = arith.addi %mul3A_1022, %add3A_1095 : vector<16xi32>
        %gather3A_1097 = tpu.vector_load_idx %arg6[%add3A_1096] : memref<40192xf32, #tpu.memory_space<vmem>>[vector<16xi32>], vector<16xf32>,
        %get3A_1098 = arith.constant 7 : i32
        %get3A_1099 = arith.index_cast %get3A_1098 : i32 to index
        %get3A_1100 = arith.constant 112 : index
        %get3A_1101 = tpu.vector_load %arg11[%get3A_1099, %get3A_1100] {strides = array<i32>} : memref<16x128xf32, #tpu.memory_space<vmem>>, vector<16xf32>,
        %max3A_1102 = arith.maximumf %gather3A_1097, %get3A_1101 : vector<16xf32>
        tpu.vector_store_idx %arg6[%add3A_1096], %max3A_1102 : memref<40192xf32, #tpu.memory_space<vmem>>[vector<16xi32>], vector<16xf32>,
        %mul3A_1103 = arith.constant 16 : i32
        %mul3A_1104 = arith.muli %while3A_385, %mul3A_1103 : i32
        %add3A_1105 = arith.constant 8 : i32
        %add3A_1106 = arith.addi %mul3A_1104, %add3A_1105 : i32
        %broadcast_in_dim3A_1107 = vector.broadcast %add3A_1106 : i32 to vector<16xi32>
        %gather3A_1108 = tpu.vector_load_idx %arg9[%broadcast_in_dim3A_1107] : memref<1296xi32, #tpu.memory_space<vmem>>[vector<16xi32>], vector<16xi32>,
        %mul3A_1109 = arith.constant 128 : i32
        %mul3A_1110 = vector.broadcast %mul3A_1109 : i32 to vector<16xi32>
        %mul3A_1111 = arith.muli %gather3A_1108, %mul3A_1110 : vector<16xi32>
        %add3A_1112 = arith.constant 0 : i32
        %add3A_1113 = vector.broadcast %add3A_1112 : i32 to vector<16xi32>
        %add3A_1114 = arith.addi %iota3A, %add3A_1113 : vector<16xi32>
        %add3A_1115 = arith.addi %mul3A_1111, %add3A_1114 : vector<16xi32>
        %gather3A_1116 = tpu.vector_load_idx %arg6[%add3A_1115] : memref<40192xf32, #tpu.memory_space<vmem>>[vector<16xi32>], vector<16xf32>,
        %get3A_1117 = arith.constant 8 : i32
        %get3A_1118 = arith.index_cast %get3A_1117 : i32 to index
        %get3A_1119 = arith.constant 0 : index
        %get3A_1120 = tpu.vector_load %arg11[%get3A_1118, %get3A_1119] {strides = array<i32>} : memref<16x128xf32, #tpu.memory_space<vmem>>, vector<16xf32>,
        %max3A_1121 = arith.maximumf %gather3A_1116, %get3A_1120 : vector<16xf32>
        tpu.vector_store_idx %arg6[%add3A_1115], %max3A_1121 : memref<40192xf32, #tpu.memory_space<vmem>>[vector<16xi32>], vector<16xf32>,
        %add3A_1122 = arith.constant 16 : i32
        %add3A_1123 = vector.broadcast %add3A_1122 : i32 to vector<16xi32>
        %add3A_1124 = arith.addi %iota3A, %add3A_1123 : vector<16xi32>
        %add3A_1125 = arith.addi %mul3A_1111, %add3A_1124 : vector<16xi32>
        %gather3A_1126 = tpu.vector_load_idx %arg6[%add3A_1125] : memref<40192xf32, #tpu.memory_space<vmem>>[vector<16xi32>], vector<16xf32>,
        %get3A_1127 = arith.constant 8 : i32
        %get3A_1128 = arith.index_cast %get3A_1127 : i32 to index
        %get3A_1129 = arith.constant 16 : index
        %get3A_1130 = tpu.vector_load %arg11[%get3A_1128, %get3A_1129] {strides = array<i32>} : memref<16x128xf32, #tpu.memory_space<vmem>>, vector<16xf32>,
        %max3A_1131 = arith.maximumf %gather3A_1126, %get3A_1130 : vector<16xf32>
        tpu.vector_store_idx %arg6[%add3A_1125], %max3A_1131 : memref<40192xf32, #tpu.memory_space<vmem>>[vector<16xi32>], vector<16xf32>,
        %add3A_1132 = arith.constant 32 : i32
        %add3A_1133 = vector.broadcast %add3A_1132 : i32 to vector<16xi32>
        %add3A_1134 = arith.addi %iota3A, %add3A_1133 : vector<16xi32>
        %add3A_1135 = arith.addi %mul3A_1111, %add3A_1134 : vector<16xi32>
        %gather3A_1136 = tpu.vector_load_idx %arg6[%add3A_1135] : memref<40192xf32, #tpu.memory_space<vmem>>[vector<16xi32>], vector<16xf32>,
        %get3A_1137 = arith.constant 8 : i32
        %get3A_1138 = arith.index_cast %get3A_1137 : i32 to index
        %get3A_1139 = arith.constant 32 : index
        %get3A_1140 = tpu.vector_load %arg11[%get3A_1138, %get3A_1139] {strides = array<i32>} : memref<16x128xf32, #tpu.memory_space<vmem>>, vector<16xf32>,
        %max3A_1141 = arith.maximumf %gather3A_1136, %get3A_1140 : vector<16xf32>
        tpu.vector_store_idx %arg6[%add3A_1135], %max3A_1141 : memref<40192xf32, #tpu.memory_space<vmem>>[vector<16xi32>], vector<16xf32>,
        %add3A_1142 = arith.constant 48 : i32
        %add3A_1143 = vector.broadcast %add3A_1142 : i32 to vector<16xi32>
        %add3A_1144 = arith.addi %iota3A, %add3A_1143 : vector<16xi32>
        %add3A_1145 = arith.addi %mul3A_1111, %add3A_1144 : vector<16xi32>
        %gather3A_1146 = tpu.vector_load_idx %arg6[%add3A_1145] : memref<40192xf32, #tpu.memory_space<vmem>>[vector<16xi32>], vector<16xf32>,
        %get3A_1147 = arith.constant 8 : i32
        %get3A_1148 = arith.index_cast %get3A_1147 : i32 to index
        %get3A_1149 = arith.constant 48 : index
        %get3A_1150 = tpu.vector_load %arg11[%get3A_1148, %get3A_1149] {strides = array<i32>} : memref<16x128xf32, #tpu.memory_space<vmem>>, vector<16xf32>,
        %max3A_1151 = arith.maximumf %gather3A_1146, %get3A_1150 : vector<16xf32>
        tpu.vector_store_idx %arg6[%add3A_1145], %max3A_1151 : memref<40192xf32, #tpu.memory_space<vmem>>[vector<16xi32>], vector<16xf32>,
        %add3A_1152 = arith.constant 64 : i32
        %add3A_1153 = vector.broadcast %add3A_1152 : i32 to vector<16xi32>
        %add3A_1154 = arith.addi %iota3A, %add3A_1153 : vector<16xi32>
        %add3A_1155 = arith.addi %mul3A_1111, %add3A_1154 : vector<16xi32>
        %gather3A_1156 = tpu.vector_load_idx %arg6[%add3A_1155] : memref<40192xf32, #tpu.memory_space<vmem>>[vector<16xi32>], vector<16xf32>,
        %get3A_1157 = arith.constant 8 : i32
        %get3A_1158 = arith.index_cast %get3A_1157 : i32 to index
        %get3A_1159 = arith.constant 64 : index
        %get3A_1160 = tpu.vector_load %arg11[%get3A_1158, %get3A_1159] {strides = array<i32>} : memref<16x128xf32, #tpu.memory_space<vmem>>, vector<16xf32>,
        %max3A_1161 = arith.maximumf %gather3A_1156, %get3A_1160 : vector<16xf32>
        tpu.vector_store_idx %arg6[%add3A_1155], %max3A_1161 : memref<40192xf32, #tpu.memory_space<vmem>>[vector<16xi32>], vector<16xf32>,
        %add3A_1162 = arith.constant 80 : i32
        %add3A_1163 = vector.broadcast %add3A_1162 : i32 to vector<16xi32>
        %add3A_1164 = arith.addi %iota3A, %add3A_1163 : vector<16xi32>
        %add3A_1165 = arith.addi %mul3A_1111, %add3A_1164 : vector<16xi32>
        %gather3A_1166 = tpu.vector_load_idx %arg6[%add3A_1165] : memref<40192xf32, #tpu.memory_space<vmem>>[vector<16xi32>], vector<16xf32>,
        %get3A_1167 = arith.constant 8 : i32
        %get3A_1168 = arith.index_cast %get3A_1167 : i32 to index
        %get3A_1169 = arith.constant 80 : index
        %get3A_1170 = tpu.vector_load %arg11[%get3A_1168, %get3A_1169] {strides = array<i32>} : memref<16x128xf32, #tpu.memory_space<vmem>>, vector<16xf32>,
        %max3A_1171 = arith.maximumf %gather3A_1166, %get3A_1170 : vector<16xf32>
        tpu.vector_store_idx %arg6[%add3A_1165], %max3A_1171 : memref<40192xf32, #tpu.memory_space<vmem>>[vector<16xi32>], vector<16xf32>,
        %add3A_1172 = arith.constant 96 : i32
        %add3A_1173 = vector.broadcast %add3A_1172 : i32 to vector<16xi32>
        %add3A_1174 = arith.addi %iota3A, %add3A_1173 : vector<16xi32>
        %add3A_1175 = arith.addi %mul3A_1111, %add3A_1174 : vector<16xi32>
        %gather3A_1176 = tpu.vector_load_idx %arg6[%add3A_1175] : memref<40192xf32, #tpu.memory_space<vmem>>[vector<16xi32>], vector<16xf32>,
        %get3A_1177 = arith.constant 8 : i32
        %get3A_1178 = arith.index_cast %get3A_1177 : i32 to index
        %get3A_1179 = arith.constant 96 : index
        %get3A_1180 = tpu.vector_load %arg11[%get3A_1178, %get3A_1179] {strides = array<i32>} : memref<16x128xf32, #tpu.memory_space<vmem>>, vector<16xf32>,
        %max3A_1181 = arith.maximumf %gather3A_1176, %get3A_1180 : vector<16xf32>
        tpu.vector_store_idx %arg6[%add3A_1175], %max3A_1181 : memref<40192xf32, #tpu.memory_space<vmem>>[vector<16xi32>], vector<16xf32>,
        %add3A_1182 = arith.constant 112 : i32
        %add3A_1183 = vector.broadcast %add3A_1182 : i32 to vector<16xi32>
        %add3A_1184 = arith.addi %iota3A, %add3A_1183 : vector<16xi32>
        %add3A_1185 = arith.addi %mul3A_1111, %add3A_1184 : vector<16xi32>
        %gather3A_1186 = tpu.vector_load_idx %arg6[%add3A_1185] : memref<40192xf32, #tpu.memory_space<vmem>>[vector<16xi32>], vector<16xf32>,
        %get3A_1187 = arith.constant 8 : i32
        %get3A_1188 = arith.index_cast %get3A_1187 : i32 to index
        %get3A_1189 = arith.constant 112 : index
        %get3A_1190 = tpu.vector_load %arg11[%get3A_1188, %get3A_1189] {strides = array<i32>} : memref<16x128xf32, #tpu.memory_space<vmem>>, vector<16xf32>,
        %max3A_1191 = arith.maximumf %gather3A_1186, %get3A_1190 : vector<16xf32>
        tpu.vector_store_idx %arg6[%add3A_1185], %max3A_1191 : memref<40192xf32, #tpu.memory_space<vmem>>[vector<16xi32>], vector<16xf32>,
        %mul3A_1192 = arith.constant 16 : i32
        %mul3A_1193 = arith.muli %while3A_385, %mul3A_1192 : i32
        %add3A_1194 = arith.constant 9 : i32
        %add3A_1195 = arith.addi %mul3A_1193, %add3A_1194 : i32
        %broadcast_in_dim3A_1196 = vector.broadcast %add3A_1195 : i32 to vector<16xi32>
        %gather3A_1197 = tpu.vector_load_idx %arg9[%broadcast_in_dim3A_1196] : memref<1296xi32, #tpu.memory_space<vmem>>[vector<16xi32>], vector<16xi32>,
        %mul3A_1198 = arith.constant 128 : i32
        %mul3A_1199 = vector.broadcast %mul3A_1198 : i32 to vector<16xi32>
        %mul3A_1200 = arith.muli %gather3A_1197, %mul3A_1199 : vector<16xi32>
        %add3A_1201 = arith.constant 0 : i32
        %add3A_1202 = vector.broadcast %add3A_1201 : i32 to vector<16xi32>
        %add3A_1203 = arith.addi %iota3A, %add3A_1202 : vector<16xi32>
        %add3A_1204 = arith.addi %mul3A_1200, %add3A_1203 : vector<16xi32>
        %gather3A_1205 = tpu.vector_load_idx %arg6[%add3A_1204] : memref<40192xf32, #tpu.memory_space<vmem>>[vector<16xi32>], vector<16xf32>,
        %get3A_1206 = arith.constant 9 : i32
        %get3A_1207 = arith.index_cast %get3A_1206 : i32 to index
        %get3A_1208 = arith.constant 0 : index
        %get3A_1209 = tpu.vector_load %arg11[%get3A_1207, %get3A_1208] {strides = array<i32>} : memref<16x128xf32, #tpu.memory_space<vmem>>, vector<16xf32>,
        %max3A_1210 = arith.maximumf %gather3A_1205, %get3A_1209 : vector<16xf32>
        tpu.vector_store_idx %arg6[%add3A_1204], %max3A_1210 : memref<40192xf32, #tpu.memory_space<vmem>>[vector<16xi32>], vector<16xf32>,
        %add3A_1211 = arith.constant 16 : i32
        %add3A_1212 = vector.broadcast %add3A_1211 : i32 to vector<16xi32>
        %add3A_1213 = arith.addi %iota3A, %add3A_1212 : vector<16xi32>
        %add3A_1214 = arith.addi %mul3A_1200, %add3A_1213 : vector<16xi32>
        %gather3A_1215 = tpu.vector_load_idx %arg6[%add3A_1214] : memref<40192xf32, #tpu.memory_space<vmem>>[vector<16xi32>], vector<16xf32>,
        %get3A_1216 = arith.constant 9 : i32
        %get3A_1217 = arith.index_cast %get3A_1216 : i32 to index
        %get3A_1218 = arith.constant 16 : index
        %get3A_1219 = tpu.vector_load %arg11[%get3A_1217, %get3A_1218] {strides = array<i32>} : memref<16x128xf32, #tpu.memory_space<vmem>>, vector<16xf32>,
        %max3A_1220 = arith.maximumf %gather3A_1215, %get3A_1219 : vector<16xf32>
        tpu.vector_store_idx %arg6[%add3A_1214], %max3A_1220 : memref<40192xf32, #tpu.memory_space<vmem>>[vector<16xi32>], vector<16xf32>,
        %add3A_1221 = arith.constant 32 : i32
        %add3A_1222 = vector.broadcast %add3A_1221 : i32 to vector<16xi32>
        %add3A_1223 = arith.addi %iota3A, %add3A_1222 : vector<16xi32>
        %add3A_1224 = arith.addi %mul3A_1200, %add3A_1223 : vector<16xi32>
        %gather3A_1225 = tpu.vector_load_idx %arg6[%add3A_1224] : memref<40192xf32, #tpu.memory_space<vmem>>[vector<16xi32>], vector<16xf32>,
        %get3A_1226 = arith.constant 9 : i32
        %get3A_1227 = arith.index_cast %get3A_1226 : i32 to index
        %get3A_1228 = arith.constant 32 : index
        %get3A_1229 = tpu.vector_load %arg11[%get3A_1227, %get3A_1228] {strides = array<i32>} : memref<16x128xf32, #tpu.memory_space<vmem>>, vector<16xf32>,
        %max3A_1230 = arith.maximumf %gather3A_1225, %get3A_1229 : vector<16xf32>
        tpu.vector_store_idx %arg6[%add3A_1224], %max3A_1230 : memref<40192xf32, #tpu.memory_space<vmem>>[vector<16xi32>], vector<16xf32>,
        %add3A_1231 = arith.constant 48 : i32
        %add3A_1232 = vector.broadcast %add3A_1231 : i32 to vector<16xi32>
        %add3A_1233 = arith.addi %iota3A, %add3A_1232 : vector<16xi32>
        %add3A_1234 = arith.addi %mul3A_1200, %add3A_1233 : vector<16xi32>
        %gather3A_1235 = tpu.vector_load_idx %arg6[%add3A_1234] : memref<40192xf32, #tpu.memory_space<vmem>>[vector<16xi32>], vector<16xf32>,
        %get3A_1236 = arith.constant 9 : i32
        %get3A_1237 = arith.index_cast %get3A_1236 : i32 to index
        %get3A_1238 = arith.constant 48 : index
        %get3A_1239 = tpu.vector_load %arg11[%get3A_1237, %get3A_1238] {strides = array<i32>} : memref<16x128xf32, #tpu.memory_space<vmem>>, vector<16xf32>,
        %max3A_1240 = arith.maximumf %gather3A_1235, %get3A_1239 : vector<16xf32>
        tpu.vector_store_idx %arg6[%add3A_1234], %max3A_1240 : memref<40192xf32, #tpu.memory_space<vmem>>[vector<16xi32>], vector<16xf32>,
        %add3A_1241 = arith.constant 64 : i32
        %add3A_1242 = vector.broadcast %add3A_1241 : i32 to vector<16xi32>
        %add3A_1243 = arith.addi %iota3A, %add3A_1242 : vector<16xi32>
        %add3A_1244 = arith.addi %mul3A_1200, %add3A_1243 : vector<16xi32>
        %gather3A_1245 = tpu.vector_load_idx %arg6[%add3A_1244] : memref<40192xf32, #tpu.memory_space<vmem>>[vector<16xi32>], vector<16xf32>,
        %get3A_1246 = arith.constant 9 : i32
        %get3A_1247 = arith.index_cast %get3A_1246 : i32 to index
        %get3A_1248 = arith.constant 64 : index
        %get3A_1249 = tpu.vector_load %arg11[%get3A_1247, %get3A_1248] {strides = array<i32>} : memref<16x128xf32, #tpu.memory_space<vmem>>, vector<16xf32>,
        %max3A_1250 = arith.maximumf %gather3A_1245, %get3A_1249 : vector<16xf32>
        tpu.vector_store_idx %arg6[%add3A_1244], %max3A_1250 : memref<40192xf32, #tpu.memory_space<vmem>>[vector<16xi32>], vector<16xf32>,
        %add3A_1251 = arith.constant 80 : i32
        %add3A_1252 = vector.broadcast %add3A_1251 : i32 to vector<16xi32>
        %add3A_1253 = arith.addi %iota3A, %add3A_1252 : vector<16xi32>
        %add3A_1254 = arith.addi %mul3A_1200, %add3A_1253 : vector<16xi32>
        %gather3A_1255 = tpu.vector_load_idx %arg6[%add3A_1254] : memref<40192xf32, #tpu.memory_space<vmem>>[vector<16xi32>], vector<16xf32>,
        %get3A_1256 = arith.constant 9 : i32
        %get3A_1257 = arith.index_cast %get3A_1256 : i32 to index
        %get3A_1258 = arith.constant 80 : index
        %get3A_1259 = tpu.vector_load %arg11[%get3A_1257, %get3A_1258] {strides = array<i32>} : memref<16x128xf32, #tpu.memory_space<vmem>>, vector<16xf32>,
        %max3A_1260 = arith.maximumf %gather3A_1255, %get3A_1259 : vector<16xf32>
        tpu.vector_store_idx %arg6[%add3A_1254], %max3A_1260 : memref<40192xf32, #tpu.memory_space<vmem>>[vector<16xi32>], vector<16xf32>,
        %add3A_1261 = arith.constant 96 : i32
        %add3A_1262 = vector.broadcast %add3A_1261 : i32 to vector<16xi32>
        %add3A_1263 = arith.addi %iota3A, %add3A_1262 : vector<16xi32>
        %add3A_1264 = arith.addi %mul3A_1200, %add3A_1263 : vector<16xi32>
        %gather3A_1265 = tpu.vector_load_idx %arg6[%add3A_1264] : memref<40192xf32, #tpu.memory_space<vmem>>[vector<16xi32>], vector<16xf32>,
        %get3A_1266 = arith.constant 9 : i32
        %get3A_1267 = arith.index_cast %get3A_1266 : i32 to index
        %get3A_1268 = arith.constant 96 : index
        %get3A_1269 = tpu.vector_load %arg11[%get3A_1267, %get3A_1268] {strides = array<i32>} : memref<16x128xf32, #tpu.memory_space<vmem>>, vector<16xf32>,
        %max3A_1270 = arith.maximumf %gather3A_1265, %get3A_1269 : vector<16xf32>
        tpu.vector_store_idx %arg6[%add3A_1264], %max3A_1270 : memref<40192xf32, #tpu.memory_space<vmem>>[vector<16xi32>], vector<16xf32>,
        %add3A_1271 = arith.constant 112 : i32
        %add3A_1272 = vector.broadcast %add3A_1271 : i32 to vector<16xi32>
        %add3A_1273 = arith.addi %iota3A, %add3A_1272 : vector<16xi32>
        %add3A_1274 = arith.addi %mul3A_1200, %add3A_1273 : vector<16xi32>
        %gather3A_1275 = tpu.vector_load_idx %arg6[%add3A_1274] : memref<40192xf32, #tpu.memory_space<vmem>>[vector<16xi32>], vector<16xf32>,
        %get3A_1276 = arith.constant 9 : i32
        %get3A_1277 = arith.index_cast %get3A_1276 : i32 to index
        %get3A_1278 = arith.constant 112 : index
        %get3A_1279 = tpu.vector_load %arg11[%get3A_1277, %get3A_1278] {strides = array<i32>} : memref<16x128xf32, #tpu.memory_space<vmem>>, vector<16xf32>,
        %max3A_1280 = arith.maximumf %gather3A_1275, %get3A_1279 : vector<16xf32>
        tpu.vector_store_idx %arg6[%add3A_1274], %max3A_1280 : memref<40192xf32, #tpu.memory_space<vmem>>[vector<16xi32>], vector<16xf32>,
        %mul3A_1281 = arith.constant 16 : i32
        %mul3A_1282 = arith.muli %while3A_385, %mul3A_1281 : i32
        %add3A_1283 = arith.constant 10 : i32
        %add3A_1284 = arith.addi %mul3A_1282, %add3A_1283 : i32
        %broadcast_in_dim3A_1285 = vector.broadcast %add3A_1284 : i32 to vector<16xi32>
        %gather3A_1286 = tpu.vector_load_idx %arg9[%broadcast_in_dim3A_1285] : memref<1296xi32, #tpu.memory_space<vmem>>[vector<16xi32>], vector<16xi32>,
        %mul3A_1287 = arith.constant 128 : i32
        %mul3A_1288 = vector.broadcast %mul3A_1287 : i32 to vector<16xi32>
        %mul3A_1289 = arith.muli %gather3A_1286, %mul3A_1288 : vector<16xi32>
        %add3A_1290 = arith.constant 0 : i32
        %add3A_1291 = vector.broadcast %add3A_1290 : i32 to vector<16xi32>
        %add3A_1292 = arith.addi %iota3A, %add3A_1291 : vector<16xi32>
        %add3A_1293 = arith.addi %mul3A_1289, %add3A_1292 : vector<16xi32>
        %gather3A_1294 = tpu.vector_load_idx %arg6[%add3A_1293] : memref<40192xf32, #tpu.memory_space<vmem>>[vector<16xi32>], vector<16xf32>,
        %get3A_1295 = arith.constant 10 : i32
        %get3A_1296 = arith.index_cast %get3A_1295 : i32 to index
        %get3A_1297 = arith.constant 0 : index
        %get3A_1298 = tpu.vector_load %arg11[%get3A_1296, %get3A_1297] {strides = array<i32>} : memref<16x128xf32, #tpu.memory_space<vmem>>, vector<16xf32>,
        %max3A_1299 = arith.maximumf %gather3A_1294, %get3A_1298 : vector<16xf32>
        tpu.vector_store_idx %arg6[%add3A_1293], %max3A_1299 : memref<40192xf32, #tpu.memory_space<vmem>>[vector<16xi32>], vector<16xf32>,
        %add3A_1300 = arith.constant 16 : i32
        %add3A_1301 = vector.broadcast %add3A_1300 : i32 to vector<16xi32>
        %add3A_1302 = arith.addi %iota3A, %add3A_1301 : vector<16xi32>
        %add3A_1303 = arith.addi %mul3A_1289, %add3A_1302 : vector<16xi32>
        %gather3A_1304 = tpu.vector_load_idx %arg6[%add3A_1303] : memref<40192xf32, #tpu.memory_space<vmem>>[vector<16xi32>], vector<16xf32>,
        %get3A_1305 = arith.constant 10 : i32
        %get3A_1306 = arith.index_cast %get3A_1305 : i32 to index
        %get3A_1307 = arith.constant 16 : index
        %get3A_1308 = tpu.vector_load %arg11[%get3A_1306, %get3A_1307] {strides = array<i32>} : memref<16x128xf32, #tpu.memory_space<vmem>>, vector<16xf32>,
        %max3A_1309 = arith.maximumf %gather3A_1304, %get3A_1308 : vector<16xf32>
        tpu.vector_store_idx %arg6[%add3A_1303], %max3A_1309 : memref<40192xf32, #tpu.memory_space<vmem>>[vector<16xi32>], vector<16xf32>,
        %add3A_1310 = arith.constant 32 : i32
        %add3A_1311 = vector.broadcast %add3A_1310 : i32 to vector<16xi32>
        %add3A_1312 = arith.addi %iota3A, %add3A_1311 : vector<16xi32>
        %add3A_1313 = arith.addi %mul3A_1289, %add3A_1312 : vector<16xi32>
        %gather3A_1314 = tpu.vector_load_idx %arg6[%add3A_1313] : memref<40192xf32, #tpu.memory_space<vmem>>[vector<16xi32>], vector<16xf32>,
        %get3A_1315 = arith.constant 10 : i32
        %get3A_1316 = arith.index_cast %get3A_1315 : i32 to index
        %get3A_1317 = arith.constant 32 : index
        %get3A_1318 = tpu.vector_load %arg11[%get3A_1316, %get3A_1317] {strides = array<i32>} : memref<16x128xf32, #tpu.memory_space<vmem>>, vector<16xf32>,
        %max3A_1319 = arith.maximumf %gather3A_1314, %get3A_1318 : vector<16xf32>
        tpu.vector_store_idx %arg6[%add3A_1313], %max3A_1319 : memref<40192xf32, #tpu.memory_space<vmem>>[vector<16xi32>], vector<16xf32>,
        %add3A_1320 = arith.constant 48 : i32
        %add3A_1321 = vector.broadcast %add3A_1320 : i32 to vector<16xi32>
        %add3A_1322 = arith.addi %iota3A, %add3A_1321 : vector<16xi32>
        %add3A_1323 = arith.addi %mul3A_1289, %add3A_1322 : vector<16xi32>
        %gather3A_1324 = tpu.vector_load_idx %arg6[%add3A_1323] : memref<40192xf32, #tpu.memory_space<vmem>>[vector<16xi32>], vector<16xf32>,
        %get3A_1325 = arith.constant 10 : i32
        %get3A_1326 = arith.index_cast %get3A_1325 : i32 to index
        %get3A_1327 = arith.constant 48 : index
        %get3A_1328 = tpu.vector_load %arg11[%get3A_1326, %get3A_1327] {strides = array<i32>} : memref<16x128xf32, #tpu.memory_space<vmem>>, vector<16xf32>,
        %max3A_1329 = arith.maximumf %gather3A_1324, %get3A_1328 : vector<16xf32>
        tpu.vector_store_idx %arg6[%add3A_1323], %max3A_1329 : memref<40192xf32, #tpu.memory_space<vmem>>[vector<16xi32>], vector<16xf32>,
        %add3A_1330 = arith.constant 64 : i32
        %add3A_1331 = vector.broadcast %add3A_1330 : i32 to vector<16xi32>
        %add3A_1332 = arith.addi %iota3A, %add3A_1331 : vector<16xi32>
        %add3A_1333 = arith.addi %mul3A_1289, %add3A_1332 : vector<16xi32>
        %gather3A_1334 = tpu.vector_load_idx %arg6[%add3A_1333] : memref<40192xf32, #tpu.memory_space<vmem>>[vector<16xi32>], vector<16xf32>,
        %get3A_1335 = arith.constant 10 : i32
        %get3A_1336 = arith.index_cast %get3A_1335 : i32 to index
        %get3A_1337 = arith.constant 64 : index
        %get3A_1338 = tpu.vector_load %arg11[%get3A_1336, %get3A_1337] {strides = array<i32>} : memref<16x128xf32, #tpu.memory_space<vmem>>, vector<16xf32>,
        %max3A_1339 = arith.maximumf %gather3A_1334, %get3A_1338 : vector<16xf32>
        tpu.vector_store_idx %arg6[%add3A_1333], %max3A_1339 : memref<40192xf32, #tpu.memory_space<vmem>>[vector<16xi32>], vector<16xf32>,
        %add3A_1340 = arith.constant 80 : i32
        %add3A_1341 = vector.broadcast %add3A_1340 : i32 to vector<16xi32>
        %add3A_1342 = arith.addi %iota3A, %add3A_1341 : vector<16xi32>
        %add3A_1343 = arith.addi %mul3A_1289, %add3A_1342 : vector<16xi32>
        %gather3A_1344 = tpu.vector_load_idx %arg6[%add3A_1343] : memref<40192xf32, #tpu.memory_space<vmem>>[vector<16xi32>], vector<16xf32>,
        %get3A_1345 = arith.constant 10 : i32
        %get3A_1346 = arith.index_cast %get3A_1345 : i32 to index
        %get3A_1347 = arith.constant 80 : index
        %get3A_1348 = tpu.vector_load %arg11[%get3A_1346, %get3A_1347] {strides = array<i32>} : memref<16x128xf32, #tpu.memory_space<vmem>>, vector<16xf32>,
        %max3A_1349 = arith.maximumf %gather3A_1344, %get3A_1348 : vector<16xf32>
        tpu.vector_store_idx %arg6[%add3A_1343], %max3A_1349 : memref<40192xf32, #tpu.memory_space<vmem>>[vector<16xi32>], vector<16xf32>,
        %add3A_1350 = arith.constant 96 : i32
        %add3A_1351 = vector.broadcast %add3A_1350 : i32 to vector<16xi32>
        %add3A_1352 = arith.addi %iota3A, %add3A_1351 : vector<16xi32>
        %add3A_1353 = arith.addi %mul3A_1289, %add3A_1352 : vector<16xi32>
        %gather3A_1354 = tpu.vector_load_idx %arg6[%add3A_1353] : memref<40192xf32, #tpu.memory_space<vmem>>[vector<16xi32>], vector<16xf32>,
        %get3A_1355 = arith.constant 10 : i32
        %get3A_1356 = arith.index_cast %get3A_1355 : i32 to index
        %get3A_1357 = arith.constant 96 : index
        %get3A_1358 = tpu.vector_load %arg11[%get3A_1356, %get3A_1357] {strides = array<i32>} : memref<16x128xf32, #tpu.memory_space<vmem>>, vector<16xf32>,
        %max3A_1359 = arith.maximumf %gather3A_1354, %get3A_1358 : vector<16xf32>
        tpu.vector_store_idx %arg6[%add3A_1353], %max3A_1359 : memref<40192xf32, #tpu.memory_space<vmem>>[vector<16xi32>], vector<16xf32>,
        %add3A_1360 = arith.constant 112 : i32
        %add3A_1361 = vector.broadcast %add3A_1360 : i32 to vector<16xi32>
        %add3A_1362 = arith.addi %iota3A, %add3A_1361 : vector<16xi32>
        %add3A_1363 = arith.addi %mul3A_1289, %add3A_1362 : vector<16xi32>
        %gather3A_1364 = tpu.vector_load_idx %arg6[%add3A_1363] : memref<40192xf32, #tpu.memory_space<vmem>>[vector<16xi32>], vector<16xf32>,
        %get3A_1365 = arith.constant 10 : i32
        %get3A_1366 = arith.index_cast %get3A_1365 : i32 to index
        %get3A_1367 = arith.constant 112 : index
        %get3A_1368 = tpu.vector_load %arg11[%get3A_1366, %get3A_1367] {strides = array<i32>} : memref<16x128xf32, #tpu.memory_space<vmem>>, vector<16xf32>,
        %max3A_1369 = arith.maximumf %gather3A_1364, %get3A_1368 : vector<16xf32>
        tpu.vector_store_idx %arg6[%add3A_1363], %max3A_1369 : memref<40192xf32, #tpu.memory_space<vmem>>[vector<16xi32>], vector<16xf32>,
        %mul3A_1370 = arith.constant 16 : i32
        %mul3A_1371 = arith.muli %while3A_385, %mul3A_1370 : i32
        %add3A_1372 = arith.constant 11 : i32
        %add3A_1373 = arith.addi %mul3A_1371, %add3A_1372 : i32
        %broadcast_in_dim3A_1374 = vector.broadcast %add3A_1373 : i32 to vector<16xi32>
        %gather3A_1375 = tpu.vector_load_idx %arg9[%broadcast_in_dim3A_1374] : memref<1296xi32, #tpu.memory_space<vmem>>[vector<16xi32>], vector<16xi32>,
        %mul3A_1376 = arith.constant 128 : i32
        %mul3A_1377 = vector.broadcast %mul3A_1376 : i32 to vector<16xi32>
        %mul3A_1378 = arith.muli %gather3A_1375, %mul3A_1377 : vector<16xi32>
        %add3A_1379 = arith.constant 0 : i32
        %add3A_1380 = vector.broadcast %add3A_1379 : i32 to vector<16xi32>
        %add3A_1381 = arith.addi %iota3A, %add3A_1380 : vector<16xi32>
        %add3A_1382 = arith.addi %mul3A_1378, %add3A_1381 : vector<16xi32>
        %gather3A_1383 = tpu.vector_load_idx %arg6[%add3A_1382] : memref<40192xf32, #tpu.memory_space<vmem>>[vector<16xi32>], vector<16xf32>,
        %get3A_1384 = arith.constant 11 : i32
        %get3A_1385 = arith.index_cast %get3A_1384 : i32 to index
        %get3A_1386 = arith.constant 0 : index
        %get3A_1387 = tpu.vector_load %arg11[%get3A_1385, %get3A_1386] {strides = array<i32>} : memref<16x128xf32, #tpu.memory_space<vmem>>, vector<16xf32>,
        %max3A_1388 = arith.maximumf %gather3A_1383, %get3A_1387 : vector<16xf32>
        tpu.vector_store_idx %arg6[%add3A_1382], %max3A_1388 : memref<40192xf32, #tpu.memory_space<vmem>>[vector<16xi32>], vector<16xf32>,
        %add3A_1389 = arith.constant 16 : i32
        %add3A_1390 = vector.broadcast %add3A_1389 : i32 to vector<16xi32>
        %add3A_1391 = arith.addi %iota3A, %add3A_1390 : vector<16xi32>
        %add3A_1392 = arith.addi %mul3A_1378, %add3A_1391 : vector<16xi32>
        %gather3A_1393 = tpu.vector_load_idx %arg6[%add3A_1392] : memref<40192xf32, #tpu.memory_space<vmem>>[vector<16xi32>], vector<16xf32>,
        %get3A_1394 = arith.constant 11 : i32
        %get3A_1395 = arith.index_cast %get3A_1394 : i32 to index
        %get3A_1396 = arith.constant 16 : index
        %get3A_1397 = tpu.vector_load %arg11[%get3A_1395, %get3A_1396] {strides = array<i32>} : memref<16x128xf32, #tpu.memory_space<vmem>>, vector<16xf32>,
        %max3A_1398 = arith.maximumf %gather3A_1393, %get3A_1397 : vector<16xf32>
        tpu.vector_store_idx %arg6[%add3A_1392], %max3A_1398 : memref<40192xf32, #tpu.memory_space<vmem>>[vector<16xi32>], vector<16xf32>,
        %add3A_1399 = arith.constant 32 : i32
        %add3A_1400 = vector.broadcast %add3A_1399 : i32 to vector<16xi32>
        %add3A_1401 = arith.addi %iota3A, %add3A_1400 : vector<16xi32>
        %add3A_1402 = arith.addi %mul3A_1378, %add3A_1401 : vector<16xi32>
        %gather3A_1403 = tpu.vector_load_idx %arg6[%add3A_1402] : memref<40192xf32, #tpu.memory_space<vmem>>[vector<16xi32>], vector<16xf32>,
        %get3A_1404 = arith.constant 11 : i32
        %get3A_1405 = arith.index_cast %get3A_1404 : i32 to index
        %get3A_1406 = arith.constant 32 : index
        %get3A_1407 = tpu.vector_load %arg11[%get3A_1405, %get3A_1406] {strides = array<i32>} : memref<16x128xf32, #tpu.memory_space<vmem>>, vector<16xf32>,
        %max3A_1408 = arith.maximumf %gather3A_1403, %get3A_1407 : vector<16xf32>
        tpu.vector_store_idx %arg6[%add3A_1402], %max3A_1408 : memref<40192xf32, #tpu.memory_space<vmem>>[vector<16xi32>], vector<16xf32>,
        %add3A_1409 = arith.constant 48 : i32
        %add3A_1410 = vector.broadcast %add3A_1409 : i32 to vector<16xi32>
        %add3A_1411 = arith.addi %iota3A, %add3A_1410 : vector<16xi32>
        %add3A_1412 = arith.addi %mul3A_1378, %add3A_1411 : vector<16xi32>
        %gather3A_1413 = tpu.vector_load_idx %arg6[%add3A_1412] : memref<40192xf32, #tpu.memory_space<vmem>>[vector<16xi32>], vector<16xf32>,
        %get3A_1414 = arith.constant 11 : i32
        %get3A_1415 = arith.index_cast %get3A_1414 : i32 to index
        %get3A_1416 = arith.constant 48 : index
        %get3A_1417 = tpu.vector_load %arg11[%get3A_1415, %get3A_1416] {strides = array<i32>} : memref<16x128xf32, #tpu.memory_space<vmem>>, vector<16xf32>,
        %max3A_1418 = arith.maximumf %gather3A_1413, %get3A_1417 : vector<16xf32>
        tpu.vector_store_idx %arg6[%add3A_1412], %max3A_1418 : memref<40192xf32, #tpu.memory_space<vmem>>[vector<16xi32>], vector<16xf32>,
        %add3A_1419 = arith.constant 64 : i32
        %add3A_1420 = vector.broadcast %add3A_1419 : i32 to vector<16xi32>
        %add3A_1421 = arith.addi %iota3A, %add3A_1420 : vector<16xi32>
        %add3A_1422 = arith.addi %mul3A_1378, %add3A_1421 : vector<16xi32>
        %gather3A_1423 = tpu.vector_load_idx %arg6[%add3A_1422] : memref<40192xf32, #tpu.memory_space<vmem>>[vector<16xi32>], vector<16xf32>,
        %get3A_1424 = arith.constant 11 : i32
        %get3A_1425 = arith.index_cast %get3A_1424 : i32 to index
        %get3A_1426 = arith.constant 64 : index
        %get3A_1427 = tpu.vector_load %arg11[%get3A_1425, %get3A_1426] {strides = array<i32>} : memref<16x128xf32, #tpu.memory_space<vmem>>, vector<16xf32>,
        %max3A_1428 = arith.maximumf %gather3A_1423, %get3A_1427 : vector<16xf32>
        tpu.vector_store_idx %arg6[%add3A_1422], %max3A_1428 : memref<40192xf32, #tpu.memory_space<vmem>>[vector<16xi32>], vector<16xf32>,
        %add3A_1429 = arith.constant 80 : i32
        %add3A_1430 = vector.broadcast %add3A_1429 : i32 to vector<16xi32>
        %add3A_1431 = arith.addi %iota3A, %add3A_1430 : vector<16xi32>
        %add3A_1432 = arith.addi %mul3A_1378, %add3A_1431 : vector<16xi32>
        %gather3A_1433 = tpu.vector_load_idx %arg6[%add3A_1432] : memref<40192xf32, #tpu.memory_space<vmem>>[vector<16xi32>], vector<16xf32>,
        %get3A_1434 = arith.constant 11 : i32
        %get3A_1435 = arith.index_cast %get3A_1434 : i32 to index
        %get3A_1436 = arith.constant 80 : index
        %get3A_1437 = tpu.vector_load %arg11[%get3A_1435, %get3A_1436] {strides = array<i32>} : memref<16x128xf32, #tpu.memory_space<vmem>>, vector<16xf32>,
        %max3A_1438 = arith.maximumf %gather3A_1433, %get3A_1437 : vector<16xf32>
        tpu.vector_store_idx %arg6[%add3A_1432], %max3A_1438 : memref<40192xf32, #tpu.memory_space<vmem>>[vector<16xi32>], vector<16xf32>,
        %add3A_1439 = arith.constant 96 : i32
        %add3A_1440 = vector.broadcast %add3A_1439 : i32 to vector<16xi32>
        %add3A_1441 = arith.addi %iota3A, %add3A_1440 : vector<16xi32>
        %add3A_1442 = arith.addi %mul3A_1378, %add3A_1441 : vector<16xi32>
        %gather3A_1443 = tpu.vector_load_idx %arg6[%add3A_1442] : memref<40192xf32, #tpu.memory_space<vmem>>[vector<16xi32>], vector<16xf32>,
        %get3A_1444 = arith.constant 11 : i32
        %get3A_1445 = arith.index_cast %get3A_1444 : i32 to index
        %get3A_1446 = arith.constant 96 : index
        %get3A_1447 = tpu.vector_load %arg11[%get3A_1445, %get3A_1446] {strides = array<i32>} : memref<16x128xf32, #tpu.memory_space<vmem>>, vector<16xf32>,
        %max3A_1448 = arith.maximumf %gather3A_1443, %get3A_1447 : vector<16xf32>
        tpu.vector_store_idx %arg6[%add3A_1442], %max3A_1448 : memref<40192xf32, #tpu.memory_space<vmem>>[vector<16xi32>], vector<16xf32>,
        %add3A_1449 = arith.constant 112 : i32
        %add3A_1450 = vector.broadcast %add3A_1449 : i32 to vector<16xi32>
        %add3A_1451 = arith.addi %iota3A, %add3A_1450 : vector<16xi32>
        %add3A_1452 = arith.addi %mul3A_1378, %add3A_1451 : vector<16xi32>
        %gather3A_1453 = tpu.vector_load_idx %arg6[%add3A_1452] : memref<40192xf32, #tpu.memory_space<vmem>>[vector<16xi32>], vector<16xf32>,
        %get3A_1454 = arith.constant 11 : i32
        %get3A_1455 = arith.index_cast %get3A_1454 : i32 to index
        %get3A_1456 = arith.constant 112 : index
        %get3A_1457 = tpu.vector_load %arg11[%get3A_1455, %get3A_1456] {strides = array<i32>} : memref<16x128xf32, #tpu.memory_space<vmem>>, vector<16xf32>,
        %max3A_1458 = arith.maximumf %gather3A_1453, %get3A_1457 : vector<16xf32>
        tpu.vector_store_idx %arg6[%add3A_1452], %max3A_1458 : memref<40192xf32, #tpu.memory_space<vmem>>[vector<16xi32>], vector<16xf32>,
        %mul3A_1459 = arith.constant 16 : i32
        %mul3A_1460 = arith.muli %while3A_385, %mul3A_1459 : i32
        %add3A_1461 = arith.constant 12 : i32
        %add3A_1462 = arith.addi %mul3A_1460, %add3A_1461 : i32
        %broadcast_in_dim3A_1463 = vector.broadcast %add3A_1462 : i32 to vector<16xi32>
        %gather3A_1464 = tpu.vector_load_idx %arg9[%broadcast_in_dim3A_1463] : memref<1296xi32, #tpu.memory_space<vmem>>[vector<16xi32>], vector<16xi32>,
        %mul3A_1465 = arith.constant 128 : i32
        %mul3A_1466 = vector.broadcast %mul3A_1465 : i32 to vector<16xi32>
        %mul3A_1467 = arith.muli %gather3A_1464, %mul3A_1466 : vector<16xi32>
        %add3A_1468 = arith.constant 0 : i32
        %add3A_1469 = vector.broadcast %add3A_1468 : i32 to vector<16xi32>
        %add3A_1470 = arith.addi %iota3A, %add3A_1469 : vector<16xi32>
        %add3A_1471 = arith.addi %mul3A_1467, %add3A_1470 : vector<16xi32>
        %gather3A_1472 = tpu.vector_load_idx %arg6[%add3A_1471] : memref<40192xf32, #tpu.memory_space<vmem>>[vector<16xi32>], vector<16xf32>,
        %get3A_1473 = arith.constant 12 : i32
        %get3A_1474 = arith.index_cast %get3A_1473 : i32 to index
        %get3A_1475 = arith.constant 0 : index
        %get3A_1476 = tpu.vector_load %arg11[%get3A_1474, %get3A_1475] {strides = array<i32>} : memref<16x128xf32, #tpu.memory_space<vmem>>, vector<16xf32>,
        %max3A_1477 = arith.maximumf %gather3A_1472, %get3A_1476 : vector<16xf32>
        tpu.vector_store_idx %arg6[%add3A_1471], %max3A_1477 : memref<40192xf32, #tpu.memory_space<vmem>>[vector<16xi32>], vector<16xf32>,
        %add3A_1478 = arith.constant 16 : i32
        %add3A_1479 = vector.broadcast %add3A_1478 : i32 to vector<16xi32>
        %add3A_1480 = arith.addi %iota3A, %add3A_1479 : vector<16xi32>
        %add3A_1481 = arith.addi %mul3A_1467, %add3A_1480 : vector<16xi32>
        %gather3A_1482 = tpu.vector_load_idx %arg6[%add3A_1481] : memref<40192xf32, #tpu.memory_space<vmem>>[vector<16xi32>], vector<16xf32>,
        %get3A_1483 = arith.constant 12 : i32
        %get3A_1484 = arith.index_cast %get3A_1483 : i32 to index
        %get3A_1485 = arith.constant 16 : index
        %get3A_1486 = tpu.vector_load %arg11[%get3A_1484, %get3A_1485] {strides = array<i32>} : memref<16x128xf32, #tpu.memory_space<vmem>>, vector<16xf32>,
        %max3A_1487 = arith.maximumf %gather3A_1482, %get3A_1486 : vector<16xf32>
        tpu.vector_store_idx %arg6[%add3A_1481], %max3A_1487 : memref<40192xf32, #tpu.memory_space<vmem>>[vector<16xi32>], vector<16xf32>,
        %add3A_1488 = arith.constant 32 : i32
        %add3A_1489 = vector.broadcast %add3A_1488 : i32 to vector<16xi32>
        %add3A_1490 = arith.addi %iota3A, %add3A_1489 : vector<16xi32>
        %add3A_1491 = arith.addi %mul3A_1467, %add3A_1490 : vector<16xi32>
        %gather3A_1492 = tpu.vector_load_idx %arg6[%add3A_1491] : memref<40192xf32, #tpu.memory_space<vmem>>[vector<16xi32>], vector<16xf32>,
        %get3A_1493 = arith.constant 12 : i32
        %get3A_1494 = arith.index_cast %get3A_1493 : i32 to index
        %get3A_1495 = arith.constant 32 : index
        %get3A_1496 = tpu.vector_load %arg11[%get3A_1494, %get3A_1495] {strides = array<i32>} : memref<16x128xf32, #tpu.memory_space<vmem>>, vector<16xf32>,
        %max3A_1497 = arith.maximumf %gather3A_1492, %get3A_1496 : vector<16xf32>
        tpu.vector_store_idx %arg6[%add3A_1491], %max3A_1497 : memref<40192xf32, #tpu.memory_space<vmem>>[vector<16xi32>], vector<16xf32>,
        %add3A_1498 = arith.constant 48 : i32
        %add3A_1499 = vector.broadcast %add3A_1498 : i32 to vector<16xi32>
        %add3A_1500 = arith.addi %iota3A, %add3A_1499 : vector<16xi32>
        %add3A_1501 = arith.addi %mul3A_1467, %add3A_1500 : vector<16xi32>
        %gather3A_1502 = tpu.vector_load_idx %arg6[%add3A_1501] : memref<40192xf32, #tpu.memory_space<vmem>>[vector<16xi32>], vector<16xf32>,
        %get3A_1503 = arith.constant 12 : i32
        %get3A_1504 = arith.index_cast %get3A_1503 : i32 to index
        %get3A_1505 = arith.constant 48 : index
        %get3A_1506 = tpu.vector_load %arg11[%get3A_1504, %get3A_1505] {strides = array<i32>} : memref<16x128xf32, #tpu.memory_space<vmem>>, vector<16xf32>,
        %max3A_1507 = arith.maximumf %gather3A_1502, %get3A_1506 : vector<16xf32>
        tpu.vector_store_idx %arg6[%add3A_1501], %max3A_1507 : memref<40192xf32, #tpu.memory_space<vmem>>[vector<16xi32>], vector<16xf32>,
        %add3A_1508 = arith.constant 64 : i32
        %add3A_1509 = vector.broadcast %add3A_1508 : i32 to vector<16xi32>
        %add3A_1510 = arith.addi %iota3A, %add3A_1509 : vector<16xi32>
        %add3A_1511 = arith.addi %mul3A_1467, %add3A_1510 : vector<16xi32>
        %gather3A_1512 = tpu.vector_load_idx %arg6[%add3A_1511] : memref<40192xf32, #tpu.memory_space<vmem>>[vector<16xi32>], vector<16xf32>,
        %get3A_1513 = arith.constant 12 : i32
        %get3A_1514 = arith.index_cast %get3A_1513 : i32 to index
        %get3A_1515 = arith.constant 64 : index
        %get3A_1516 = tpu.vector_load %arg11[%get3A_1514, %get3A_1515] {strides = array<i32>} : memref<16x128xf32, #tpu.memory_space<vmem>>, vector<16xf32>,
        %max3A_1517 = arith.maximumf %gather3A_1512, %get3A_1516 : vector<16xf32>
        tpu.vector_store_idx %arg6[%add3A_1511], %max3A_1517 : memref<40192xf32, #tpu.memory_space<vmem>>[vector<16xi32>], vector<16xf32>,
        %add3A_1518 = arith.constant 80 : i32
        %add3A_1519 = vector.broadcast %add3A_1518 : i32 to vector<16xi32>
        %add3A_1520 = arith.addi %iota3A, %add3A_1519 : vector<16xi32>
        %add3A_1521 = arith.addi %mul3A_1467, %add3A_1520 : vector<16xi32>
        %gather3A_1522 = tpu.vector_load_idx %arg6[%add3A_1521] : memref<40192xf32, #tpu.memory_space<vmem>>[vector<16xi32>], vector<16xf32>,
        %get3A_1523 = arith.constant 12 : i32
        %get3A_1524 = arith.index_cast %get3A_1523 : i32 to index
        %get3A_1525 = arith.constant 80 : index
        %get3A_1526 = tpu.vector_load %arg11[%get3A_1524, %get3A_1525] {strides = array<i32>} : memref<16x128xf32, #tpu.memory_space<vmem>>, vector<16xf32>,
        %max3A_1527 = arith.maximumf %gather3A_1522, %get3A_1526 : vector<16xf32>
        tpu.vector_store_idx %arg6[%add3A_1521], %max3A_1527 : memref<40192xf32, #tpu.memory_space<vmem>>[vector<16xi32>], vector<16xf32>,
        %add3A_1528 = arith.constant 96 : i32
        %add3A_1529 = vector.broadcast %add3A_1528 : i32 to vector<16xi32>
        %add3A_1530 = arith.addi %iota3A, %add3A_1529 : vector<16xi32>
        %add3A_1531 = arith.addi %mul3A_1467, %add3A_1530 : vector<16xi32>
        %gather3A_1532 = tpu.vector_load_idx %arg6[%add3A_1531] : memref<40192xf32, #tpu.memory_space<vmem>>[vector<16xi32>], vector<16xf32>,
        %get3A_1533 = arith.constant 12 : i32
        %get3A_1534 = arith.index_cast %get3A_1533 : i32 to index
        %get3A_1535 = arith.constant 96 : index
        %get3A_1536 = tpu.vector_load %arg11[%get3A_1534, %get3A_1535] {strides = array<i32>} : memref<16x128xf32, #tpu.memory_space<vmem>>, vector<16xf32>,
        %max3A_1537 = arith.maximumf %gather3A_1532, %get3A_1536 : vector<16xf32>
        tpu.vector_store_idx %arg6[%add3A_1531], %max3A_1537 : memref<40192xf32, #tpu.memory_space<vmem>>[vector<16xi32>], vector<16xf32>,
        %add3A_1538 = arith.constant 112 : i32
        %add3A_1539 = vector.broadcast %add3A_1538 : i32 to vector<16xi32>
        %add3A_1540 = arith.addi %iota3A, %add3A_1539 : vector<16xi32>
        %add3A_1541 = arith.addi %mul3A_1467, %add3A_1540 : vector<16xi32>
        %gather3A_1542 = tpu.vector_load_idx %arg6[%add3A_1541] : memref<40192xf32, #tpu.memory_space<vmem>>[vector<16xi32>], vector<16xf32>,
        %get3A_1543 = arith.constant 12 : i32
        %get3A_1544 = arith.index_cast %get3A_1543 : i32 to index
        %get3A_1545 = arith.constant 112 : index
        %get3A_1546 = tpu.vector_load %arg11[%get3A_1544, %get3A_1545] {strides = array<i32>} : memref<16x128xf32, #tpu.memory_space<vmem>>, vector<16xf32>,
        %max3A_1547 = arith.maximumf %gather3A_1542, %get3A_1546 : vector<16xf32>
        tpu.vector_store_idx %arg6[%add3A_1541], %max3A_1547 : memref<40192xf32, #tpu.memory_space<vmem>>[vector<16xi32>], vector<16xf32>,
        %mul3A_1548 = arith.constant 16 : i32
        %mul3A_1549 = arith.muli %while3A_385, %mul3A_1548 : i32
        %add3A_1550 = arith.constant 13 : i32
        %add3A_1551 = arith.addi %mul3A_1549, %add3A_1550 : i32
        %broadcast_in_dim3A_1552 = vector.broadcast %add3A_1551 : i32 to vector<16xi32>
        %gather3A_1553 = tpu.vector_load_idx %arg9[%broadcast_in_dim3A_1552] : memref<1296xi32, #tpu.memory_space<vmem>>[vector<16xi32>], vector<16xi32>,
        %mul3A_1554 = arith.constant 128 : i32
        %mul3A_1555 = vector.broadcast %mul3A_1554 : i32 to vector<16xi32>
        %mul3A_1556 = arith.muli %gather3A_1553, %mul3A_1555 : vector<16xi32>
        %add3A_1557 = arith.constant 0 : i32
        %add3A_1558 = vector.broadcast %add3A_1557 : i32 to vector<16xi32>
        %add3A_1559 = arith.addi %iota3A, %add3A_1558 : vector<16xi32>
        %add3A_1560 = arith.addi %mul3A_1556, %add3A_1559 : vector<16xi32>
        %gather3A_1561 = tpu.vector_load_idx %arg6[%add3A_1560] : memref<40192xf32, #tpu.memory_space<vmem>>[vector<16xi32>], vector<16xf32>,
        %get3A_1562 = arith.constant 13 : i32
        %get3A_1563 = arith.index_cast %get3A_1562 : i32 to index
        %get3A_1564 = arith.constant 0 : index
        %get3A_1565 = tpu.vector_load %arg11[%get3A_1563, %get3A_1564] {strides = array<i32>} : memref<16x128xf32, #tpu.memory_space<vmem>>, vector<16xf32>,
        %max3A_1566 = arith.maximumf %gather3A_1561, %get3A_1565 : vector<16xf32>
        tpu.vector_store_idx %arg6[%add3A_1560], %max3A_1566 : memref<40192xf32, #tpu.memory_space<vmem>>[vector<16xi32>], vector<16xf32>,
        %add3A_1567 = arith.constant 16 : i32
        %add3A_1568 = vector.broadcast %add3A_1567 : i32 to vector<16xi32>
        %add3A_1569 = arith.addi %iota3A, %add3A_1568 : vector<16xi32>
        %add3A_1570 = arith.addi %mul3A_1556, %add3A_1569 : vector<16xi32>
        %gather3A_1571 = tpu.vector_load_idx %arg6[%add3A_1570] : memref<40192xf32, #tpu.memory_space<vmem>>[vector<16xi32>], vector<16xf32>,
        %get3A_1572 = arith.constant 13 : i32
        %get3A_1573 = arith.index_cast %get3A_1572 : i32 to index
        %get3A_1574 = arith.constant 16 : index
        %get3A_1575 = tpu.vector_load %arg11[%get3A_1573, %get3A_1574] {strides = array<i32>} : memref<16x128xf32, #tpu.memory_space<vmem>>, vector<16xf32>,
        %max3A_1576 = arith.maximumf %gather3A_1571, %get3A_1575 : vector<16xf32>
        tpu.vector_store_idx %arg6[%add3A_1570], %max3A_1576 : memref<40192xf32, #tpu.memory_space<vmem>>[vector<16xi32>], vector<16xf32>,
        %add3A_1577 = arith.constant 32 : i32
        %add3A_1578 = vector.broadcast %add3A_1577 : i32 to vector<16xi32>
        %add3A_1579 = arith.addi %iota3A, %add3A_1578 : vector<16xi32>
        %add3A_1580 = arith.addi %mul3A_1556, %add3A_1579 : vector<16xi32>
        %gather3A_1581 = tpu.vector_load_idx %arg6[%add3A_1580] : memref<40192xf32, #tpu.memory_space<vmem>>[vector<16xi32>], vector<16xf32>,
        %get3A_1582 = arith.constant 13 : i32
        %get3A_1583 = arith.index_cast %get3A_1582 : i32 to index
        %get3A_1584 = arith.constant 32 : index
        %get3A_1585 = tpu.vector_load %arg11[%get3A_1583, %get3A_1584] {strides = array<i32>} : memref<16x128xf32, #tpu.memory_space<vmem>>, vector<16xf32>,
        %max3A_1586 = arith.maximumf %gather3A_1581, %get3A_1585 : vector<16xf32>
        tpu.vector_store_idx %arg6[%add3A_1580], %max3A_1586 : memref<40192xf32, #tpu.memory_space<vmem>>[vector<16xi32>], vector<16xf32>,
        %add3A_1587 = arith.constant 48 : i32
        %add3A_1588 = vector.broadcast %add3A_1587 : i32 to vector<16xi32>
        %add3A_1589 = arith.addi %iota3A, %add3A_1588 : vector<16xi32>
        %add3A_1590 = arith.addi %mul3A_1556, %add3A_1589 : vector<16xi32>
        %gather3A_1591 = tpu.vector_load_idx %arg6[%add3A_1590] : memref<40192xf32, #tpu.memory_space<vmem>>[vector<16xi32>], vector<16xf32>,
        %get3A_1592 = arith.constant 13 : i32
        %get3A_1593 = arith.index_cast %get3A_1592 : i32 to index
        %get3A_1594 = arith.constant 48 : index
        %get3A_1595 = tpu.vector_load %arg11[%get3A_1593, %get3A_1594] {strides = array<i32>} : memref<16x128xf32, #tpu.memory_space<vmem>>, vector<16xf32>,
        %max3A_1596 = arith.maximumf %gather3A_1591, %get3A_1595 : vector<16xf32>
        tpu.vector_store_idx %arg6[%add3A_1590], %max3A_1596 : memref<40192xf32, #tpu.memory_space<vmem>>[vector<16xi32>], vector<16xf32>,
        %add3A_1597 = arith.constant 64 : i32
        %add3A_1598 = vector.broadcast %add3A_1597 : i32 to vector<16xi32>
        %add3A_1599 = arith.addi %iota3A, %add3A_1598 : vector<16xi32>
        %add3A_1600 = arith.addi %mul3A_1556, %add3A_1599 : vector<16xi32>
        %gather3A_1601 = tpu.vector_load_idx %arg6[%add3A_1600] : memref<40192xf32, #tpu.memory_space<vmem>>[vector<16xi32>], vector<16xf32>,
        %get3A_1602 = arith.constant 13 : i32
        %get3A_1603 = arith.index_cast %get3A_1602 : i32 to index
        %get3A_1604 = arith.constant 64 : index
        %get3A_1605 = tpu.vector_load %arg11[%get3A_1603, %get3A_1604] {strides = array<i32>} : memref<16x128xf32, #tpu.memory_space<vmem>>, vector<16xf32>,
        %max3A_1606 = arith.maximumf %gather3A_1601, %get3A_1605 : vector<16xf32>
        tpu.vector_store_idx %arg6[%add3A_1600], %max3A_1606 : memref<40192xf32, #tpu.memory_space<vmem>>[vector<16xi32>], vector<16xf32>,
        %add3A_1607 = arith.constant 80 : i32
        %add3A_1608 = vector.broadcast %add3A_1607 : i32 to vector<16xi32>
        %add3A_1609 = arith.addi %iota3A, %add3A_1608 : vector<16xi32>
        %add3A_1610 = arith.addi %mul3A_1556, %add3A_1609 : vector<16xi32>
        %gather3A_1611 = tpu.vector_load_idx %arg6[%add3A_1610] : memref<40192xf32, #tpu.memory_space<vmem>>[vector<16xi32>], vector<16xf32>,
        %get3A_1612 = arith.constant 13 : i32
        %get3A_1613 = arith.index_cast %get3A_1612 : i32 to index
        %get3A_1614 = arith.constant 80 : index
        %get3A_1615 = tpu.vector_load %arg11[%get3A_1613, %get3A_1614] {strides = array<i32>} : memref<16x128xf32, #tpu.memory_space<vmem>>, vector<16xf32>,
        %max3A_1616 = arith.maximumf %gather3A_1611, %get3A_1615 : vector<16xf32>
        tpu.vector_store_idx %arg6[%add3A_1610], %max3A_1616 : memref<40192xf32, #tpu.memory_space<vmem>>[vector<16xi32>], vector<16xf32>,
        %add3A_1617 = arith.constant 96 : i32
        %add3A_1618 = vector.broadcast %add3A_1617 : i32 to vector<16xi32>
        %add3A_1619 = arith.addi %iota3A, %add3A_1618 : vector<16xi32>
        %add3A_1620 = arith.addi %mul3A_1556, %add3A_1619 : vector<16xi32>
        %gather3A_1621 = tpu.vector_load_idx %arg6[%add3A_1620] : memref<40192xf32, #tpu.memory_space<vmem>>[vector<16xi32>], vector<16xf32>,
        %get3A_1622 = arith.constant 13 : i32
        %get3A_1623 = arith.index_cast %get3A_1622 : i32 to index
        %get3A_1624 = arith.constant 96 : index
        %get3A_1625 = tpu.vector_load %arg11[%get3A_1623, %get3A_1624] {strides = array<i32>} : memref<16x128xf32, #tpu.memory_space<vmem>>, vector<16xf32>,
        %max3A_1626 = arith.maximumf %gather3A_1621, %get3A_1625 : vector<16xf32>
        tpu.vector_store_idx %arg6[%add3A_1620], %max3A_1626 : memref<40192xf32, #tpu.memory_space<vmem>>[vector<16xi32>], vector<16xf32>,
        %add3A_1627 = arith.constant 112 : i32
        %add3A_1628 = vector.broadcast %add3A_1627 : i32 to vector<16xi32>
        %add3A_1629 = arith.addi %iota3A, %add3A_1628 : vector<16xi32>
        %add3A_1630 = arith.addi %mul3A_1556, %add3A_1629 : vector<16xi32>
        %gather3A_1631 = tpu.vector_load_idx %arg6[%add3A_1630] : memref<40192xf32, #tpu.memory_space<vmem>>[vector<16xi32>], vector<16xf32>,
        %get3A_1632 = arith.constant 13 : i32
        %get3A_1633 = arith.index_cast %get3A_1632 : i32 to index
        %get3A_1634 = arith.constant 112 : index
        %get3A_1635 = tpu.vector_load %arg11[%get3A_1633, %get3A_1634] {strides = array<i32>} : memref<16x128xf32, #tpu.memory_space<vmem>>, vector<16xf32>,
        %max3A_1636 = arith.maximumf %gather3A_1631, %get3A_1635 : vector<16xf32>
        tpu.vector_store_idx %arg6[%add3A_1630], %max3A_1636 : memref<40192xf32, #tpu.memory_space<vmem>>[vector<16xi32>], vector<16xf32>,
        %mul3A_1637 = arith.constant 16 : i32
        %mul3A_1638 = arith.muli %while3A_385, %mul3A_1637 : i32
        %add3A_1639 = arith.constant 14 : i32
        %add3A_1640 = arith.addi %mul3A_1638, %add3A_1639 : i32
        %broadcast_in_dim3A_1641 = vector.broadcast %add3A_1640 : i32 to vector<16xi32>
        %gather3A_1642 = tpu.vector_load_idx %arg9[%broadcast_in_dim3A_1641] : memref<1296xi32, #tpu.memory_space<vmem>>[vector<16xi32>], vector<16xi32>,
        %mul3A_1643 = arith.constant 128 : i32
        %mul3A_1644 = vector.broadcast %mul3A_1643 : i32 to vector<16xi32>
        %mul3A_1645 = arith.muli %gather3A_1642, %mul3A_1644 : vector<16xi32>
        %add3A_1646 = arith.constant 0 : i32
        %add3A_1647 = vector.broadcast %add3A_1646 : i32 to vector<16xi32>
        %add3A_1648 = arith.addi %iota3A, %add3A_1647 : vector<16xi32>
        %add3A_1649 = arith.addi %mul3A_1645, %add3A_1648 : vector<16xi32>
        %gather3A_1650 = tpu.vector_load_idx %arg6[%add3A_1649] : memref<40192xf32, #tpu.memory_space<vmem>>[vector<16xi32>], vector<16xf32>,
        %get3A_1651 = arith.constant 14 : i32
        %get3A_1652 = arith.index_cast %get3A_1651 : i32 to index
        %get3A_1653 = arith.constant 0 : index
        %get3A_1654 = tpu.vector_load %arg11[%get3A_1652, %get3A_1653] {strides = array<i32>} : memref<16x128xf32, #tpu.memory_space<vmem>>, vector<16xf32>,
        %max3A_1655 = arith.maximumf %gather3A_1650, %get3A_1654 : vector<16xf32>
        tpu.vector_store_idx %arg6[%add3A_1649], %max3A_1655 : memref<40192xf32, #tpu.memory_space<vmem>>[vector<16xi32>], vector<16xf32>,
        %add3A_1656 = arith.constant 16 : i32
        %add3A_1657 = vector.broadcast %add3A_1656 : i32 to vector<16xi32>
        %add3A_1658 = arith.addi %iota3A, %add3A_1657 : vector<16xi32>
        %add3A_1659 = arith.addi %mul3A_1645, %add3A_1658 : vector<16xi32>
        %gather3A_1660 = tpu.vector_load_idx %arg6[%add3A_1659] : memref<40192xf32, #tpu.memory_space<vmem>>[vector<16xi32>], vector<16xf32>,
        %get3A_1661 = arith.constant 14 : i32
        %get3A_1662 = arith.index_cast %get3A_1661 : i32 to index
        %get3A_1663 = arith.constant 16 : index
        %get3A_1664 = tpu.vector_load %arg11[%get3A_1662, %get3A_1663] {strides = array<i32>} : memref<16x128xf32, #tpu.memory_space<vmem>>, vector<16xf32>,
        %max3A_1665 = arith.maximumf %gather3A_1660, %get3A_1664 : vector<16xf32>
        tpu.vector_store_idx %arg6[%add3A_1659], %max3A_1665 : memref<40192xf32, #tpu.memory_space<vmem>>[vector<16xi32>], vector<16xf32>,
        %add3A_1666 = arith.constant 32 : i32
        %add3A_1667 = vector.broadcast %add3A_1666 : i32 to vector<16xi32>
        %add3A_1668 = arith.addi %iota3A, %add3A_1667 : vector<16xi32>
        %add3A_1669 = arith.addi %mul3A_1645, %add3A_1668 : vector<16xi32>
        %gather3A_1670 = tpu.vector_load_idx %arg6[%add3A_1669] : memref<40192xf32, #tpu.memory_space<vmem>>[vector<16xi32>], vector<16xf32>,
        %get3A_1671 = arith.constant 14 : i32
        %get3A_1672 = arith.index_cast %get3A_1671 : i32 to index
        %get3A_1673 = arith.constant 32 : index
        %get3A_1674 = tpu.vector_load %arg11[%get3A_1672, %get3A_1673] {strides = array<i32>} : memref<16x128xf32, #tpu.memory_space<vmem>>, vector<16xf32>,
        %max3A_1675 = arith.maximumf %gather3A_1670, %get3A_1674 : vector<16xf32>
        tpu.vector_store_idx %arg6[%add3A_1669], %max3A_1675 : memref<40192xf32, #tpu.memory_space<vmem>>[vector<16xi32>], vector<16xf32>,
        %add3A_1676 = arith.constant 48 : i32
        %add3A_1677 = vector.broadcast %add3A_1676 : i32 to vector<16xi32>
        %add3A_1678 = arith.addi %iota3A, %add3A_1677 : vector<16xi32>
        %add3A_1679 = arith.addi %mul3A_1645, %add3A_1678 : vector<16xi32>
        %gather3A_1680 = tpu.vector_load_idx %arg6[%add3A_1679] : memref<40192xf32, #tpu.memory_space<vmem>>[vector<16xi32>], vector<16xf32>,
        %get3A_1681 = arith.constant 14 : i32
        %get3A_1682 = arith.index_cast %get3A_1681 : i32 to index
        %get3A_1683 = arith.constant 48 : index
        %get3A_1684 = tpu.vector_load %arg11[%get3A_1682, %get3A_1683] {strides = array<i32>} : memref<16x128xf32, #tpu.memory_space<vmem>>, vector<16xf32>,
        %max3A_1685 = arith.maximumf %gather3A_1680, %get3A_1684 : vector<16xf32>
        tpu.vector_store_idx %arg6[%add3A_1679], %max3A_1685 : memref<40192xf32, #tpu.memory_space<vmem>>[vector<16xi32>], vector<16xf32>,
        %add3A_1686 = arith.constant 64 : i32
        %add3A_1687 = vector.broadcast %add3A_1686 : i32 to vector<16xi32>
        %add3A_1688 = arith.addi %iota3A, %add3A_1687 : vector<16xi32>
        %add3A_1689 = arith.addi %mul3A_1645, %add3A_1688 : vector<16xi32>
        %gather3A_1690 = tpu.vector_load_idx %arg6[%add3A_1689] : memref<40192xf32, #tpu.memory_space<vmem>>[vector<16xi32>], vector<16xf32>,
        %get3A_1691 = arith.constant 14 : i32
        %get3A_1692 = arith.index_cast %get3A_1691 : i32 to index
        %get3A_1693 = arith.constant 64 : index
        %get3A_1694 = tpu.vector_load %arg11[%get3A_1692, %get3A_1693] {strides = array<i32>} : memref<16x128xf32, #tpu.memory_space<vmem>>, vector<16xf32>,
        %max3A_1695 = arith.maximumf %gather3A_1690, %get3A_1694 : vector<16xf32>
        tpu.vector_store_idx %arg6[%add3A_1689], %max3A_1695 : memref<40192xf32, #tpu.memory_space<vmem>>[vector<16xi32>], vector<16xf32>,
        %add3A_1696 = arith.constant 80 : i32
        %add3A_1697 = vector.broadcast %add3A_1696 : i32 to vector<16xi32>
        %add3A_1698 = arith.addi %iota3A, %add3A_1697 : vector<16xi32>
        %add3A_1699 = arith.addi %mul3A_1645, %add3A_1698 : vector<16xi32>
        %gather3A_1700 = tpu.vector_load_idx %arg6[%add3A_1699] : memref<40192xf32, #tpu.memory_space<vmem>>[vector<16xi32>], vector<16xf32>,
        %get3A_1701 = arith.constant 14 : i32
        %get3A_1702 = arith.index_cast %get3A_1701 : i32 to index
        %get3A_1703 = arith.constant 80 : index
        %get3A_1704 = tpu.vector_load %arg11[%get3A_1702, %get3A_1703] {strides = array<i32>} : memref<16x128xf32, #tpu.memory_space<vmem>>, vector<16xf32>,
        %max3A_1705 = arith.maximumf %gather3A_1700, %get3A_1704 : vector<16xf32>
        tpu.vector_store_idx %arg6[%add3A_1699], %max3A_1705 : memref<40192xf32, #tpu.memory_space<vmem>>[vector<16xi32>], vector<16xf32>,
        %add3A_1706 = arith.constant 96 : i32
        %add3A_1707 = vector.broadcast %add3A_1706 : i32 to vector<16xi32>
        %add3A_1708 = arith.addi %iota3A, %add3A_1707 : vector<16xi32>
        %add3A_1709 = arith.addi %mul3A_1645, %add3A_1708 : vector<16xi32>
        %gather3A_1710 = tpu.vector_load_idx %arg6[%add3A_1709] : memref<40192xf32, #tpu.memory_space<vmem>>[vector<16xi32>], vector<16xf32>,
        %get3A_1711 = arith.constant 14 : i32
        %get3A_1712 = arith.index_cast %get3A_1711 : i32 to index
        %get3A_1713 = arith.constant 96 : index
        %get3A_1714 = tpu.vector_load %arg11[%get3A_1712, %get3A_1713] {strides = array<i32>} : memref<16x128xf32, #tpu.memory_space<vmem>>, vector<16xf32>,
        %max3A_1715 = arith.maximumf %gather3A_1710, %get3A_1714 : vector<16xf32>
        tpu.vector_store_idx %arg6[%add3A_1709], %max3A_1715 : memref<40192xf32, #tpu.memory_space<vmem>>[vector<16xi32>], vector<16xf32>,
        %add3A_1716 = arith.constant 112 : i32
        %add3A_1717 = vector.broadcast %add3A_1716 : i32 to vector<16xi32>
        %add3A_1718 = arith.addi %iota3A, %add3A_1717 : vector<16xi32>
        %add3A_1719 = arith.addi %mul3A_1645, %add3A_1718 : vector<16xi32>
        %gather3A_1720 = tpu.vector_load_idx %arg6[%add3A_1719] : memref<40192xf32, #tpu.memory_space<vmem>>[vector<16xi32>], vector<16xf32>,
        %get3A_1721 = arith.constant 14 : i32
        %get3A_1722 = arith.index_cast %get3A_1721 : i32 to index
        %get3A_1723 = arith.constant 112 : index
        %get3A_1724 = tpu.vector_load %arg11[%get3A_1722, %get3A_1723] {strides = array<i32>} : memref<16x128xf32, #tpu.memory_space<vmem>>, vector<16xf32>,
        %max3A_1725 = arith.maximumf %gather3A_1720, %get3A_1724 : vector<16xf32>
        tpu.vector_store_idx %arg6[%add3A_1719], %max3A_1725 : memref<40192xf32, #tpu.memory_space<vmem>>[vector<16xi32>], vector<16xf32>,
        %mul3A_1726 = arith.constant 16 : i32
        %mul3A_1727 = arith.muli %while3A_385, %mul3A_1726 : i32
        %add3A_1728 = arith.constant 15 : i32
        %add3A_1729 = arith.addi %mul3A_1727, %add3A_1728 : i32
        %broadcast_in_dim3A_1730 = vector.broadcast %add3A_1729 : i32 to vector<16xi32>
        %gather3A_1731 = tpu.vector_load_idx %arg9[%broadcast_in_dim3A_1730] : memref<1296xi32, #tpu.memory_space<vmem>>[vector<16xi32>], vector<16xi32>,
        %mul3A_1732 = arith.constant 128 : i32
        %mul3A_1733 = vector.broadcast %mul3A_1732 : i32 to vector<16xi32>
        %mul3A_1734 = arith.muli %gather3A_1731, %mul3A_1733 : vector<16xi32>
        %add3A_1735 = arith.constant 0 : i32
        %add3A_1736 = vector.broadcast %add3A_1735 : i32 to vector<16xi32>
        %add3A_1737 = arith.addi %iota3A, %add3A_1736 : vector<16xi32>
        %add3A_1738 = arith.addi %mul3A_1734, %add3A_1737 : vector<16xi32>
        %gather3A_1739 = tpu.vector_load_idx %arg6[%add3A_1738] : memref<40192xf32, #tpu.memory_space<vmem>>[vector<16xi32>], vector<16xf32>,
        %get3A_1740 = arith.constant 15 : i32
        %get3A_1741 = arith.index_cast %get3A_1740 : i32 to index
        %get3A_1742 = arith.constant 0 : index
        %get3A_1743 = tpu.vector_load %arg11[%get3A_1741, %get3A_1742] {strides = array<i32>} : memref<16x128xf32, #tpu.memory_space<vmem>>, vector<16xf32>,
        %max3A_1744 = arith.maximumf %gather3A_1739, %get3A_1743 : vector<16xf32>
        tpu.vector_store_idx %arg6[%add3A_1738], %max3A_1744 : memref<40192xf32, #tpu.memory_space<vmem>>[vector<16xi32>], vector<16xf32>,
        %add3A_1745 = arith.constant 16 : i32
        %add3A_1746 = vector.broadcast %add3A_1745 : i32 to vector<16xi32>
        %add3A_1747 = arith.addi %iota3A, %add3A_1746 : vector<16xi32>
        %add3A_1748 = arith.addi %mul3A_1734, %add3A_1747 : vector<16xi32>
        %gather3A_1749 = tpu.vector_load_idx %arg6[%add3A_1748] : memref<40192xf32, #tpu.memory_space<vmem>>[vector<16xi32>], vector<16xf32>,
        %get3A_1750 = arith.constant 15 : i32
        %get3A_1751 = arith.index_cast %get3A_1750 : i32 to index
        %get3A_1752 = arith.constant 16 : index
        %get3A_1753 = tpu.vector_load %arg11[%get3A_1751, %get3A_1752] {strides = array<i32>} : memref<16x128xf32, #tpu.memory_space<vmem>>, vector<16xf32>,
        %max3A_1754 = arith.maximumf %gather3A_1749, %get3A_1753 : vector<16xf32>
        tpu.vector_store_idx %arg6[%add3A_1748], %max3A_1754 : memref<40192xf32, #tpu.memory_space<vmem>>[vector<16xi32>], vector<16xf32>,
        %add3A_1755 = arith.constant 32 : i32
        %add3A_1756 = vector.broadcast %add3A_1755 : i32 to vector<16xi32>
        %add3A_1757 = arith.addi %iota3A, %add3A_1756 : vector<16xi32>
        %add3A_1758 = arith.addi %mul3A_1734, %add3A_1757 : vector<16xi32>
        %gather3A_1759 = tpu.vector_load_idx %arg6[%add3A_1758] : memref<40192xf32, #tpu.memory_space<vmem>>[vector<16xi32>], vector<16xf32>,
        %get3A_1760 = arith.constant 15 : i32
        %get3A_1761 = arith.index_cast %get3A_1760 : i32 to index
        %get3A_1762 = arith.constant 32 : index
        %get3A_1763 = tpu.vector_load %arg11[%get3A_1761, %get3A_1762] {strides = array<i32>} : memref<16x128xf32, #tpu.memory_space<vmem>>, vector<16xf32>,
        %max3A_1764 = arith.maximumf %gather3A_1759, %get3A_1763 : vector<16xf32>
        tpu.vector_store_idx %arg6[%add3A_1758], %max3A_1764 : memref<40192xf32, #tpu.memory_space<vmem>>[vector<16xi32>], vector<16xf32>,
        %add3A_1765 = arith.constant 48 : i32
        %add3A_1766 = vector.broadcast %add3A_1765 : i32 to vector<16xi32>
        %add3A_1767 = arith.addi %iota3A, %add3A_1766 : vector<16xi32>
        %add3A_1768 = arith.addi %mul3A_1734, %add3A_1767 : vector<16xi32>
        %gather3A_1769 = tpu.vector_load_idx %arg6[%add3A_1768] : memref<40192xf32, #tpu.memory_space<vmem>>[vector<16xi32>], vector<16xf32>,
        %get3A_1770 = arith.constant 15 : i32
        %get3A_1771 = arith.index_cast %get3A_1770 : i32 to index
        %get3A_1772 = arith.constant 48 : index
        %get3A_1773 = tpu.vector_load %arg11[%get3A_1771, %get3A_1772] {strides = array<i32>} : memref<16x128xf32, #tpu.memory_space<vmem>>, vector<16xf32>,
        %max3A_1774 = arith.maximumf %gather3A_1769, %get3A_1773 : vector<16xf32>
        tpu.vector_store_idx %arg6[%add3A_1768], %max3A_1774 : memref<40192xf32, #tpu.memory_space<vmem>>[vector<16xi32>], vector<16xf32>,
        %add3A_1775 = arith.constant 64 : i32
        %add3A_1776 = vector.broadcast %add3A_1775 : i32 to vector<16xi32>
        %add3A_1777 = arith.addi %iota3A, %add3A_1776 : vector<16xi32>
        %add3A_1778 = arith.addi %mul3A_1734, %add3A_1777 : vector<16xi32>
        %gather3A_1779 = tpu.vector_load_idx %arg6[%add3A_1778] : memref<40192xf32, #tpu.memory_space<vmem>>[vector<16xi32>], vector<16xf32>,
        %get3A_1780 = arith.constant 15 : i32
        %get3A_1781 = arith.index_cast %get3A_1780 : i32 to index
        %get3A_1782 = arith.constant 64 : index
        %get3A_1783 = tpu.vector_load %arg11[%get3A_1781, %get3A_1782] {strides = array<i32>} : memref<16x128xf32, #tpu.memory_space<vmem>>, vector<16xf32>,
        %max3A_1784 = arith.maximumf %gather3A_1779, %get3A_1783 : vector<16xf32>
        tpu.vector_store_idx %arg6[%add3A_1778], %max3A_1784 : memref<40192xf32, #tpu.memory_space<vmem>>[vector<16xi32>], vector<16xf32>,
        %add3A_1785 = arith.constant 80 : i32
        %add3A_1786 = vector.broadcast %add3A_1785 : i32 to vector<16xi32>
        %add3A_1787 = arith.addi %iota3A, %add3A_1786 : vector<16xi32>
        %add3A_1788 = arith.addi %mul3A_1734, %add3A_1787 : vector<16xi32>
        %gather3A_1789 = tpu.vector_load_idx %arg6[%add3A_1788] : memref<40192xf32, #tpu.memory_space<vmem>>[vector<16xi32>], vector<16xf32>,
        %get3A_1790 = arith.constant 15 : i32
        %get3A_1791 = arith.index_cast %get3A_1790 : i32 to index
        %get3A_1792 = arith.constant 80 : index
        %get3A_1793 = tpu.vector_load %arg11[%get3A_1791, %get3A_1792] {strides = array<i32>} : memref<16x128xf32, #tpu.memory_space<vmem>>, vector<16xf32>,
        %max3A_1794 = arith.maximumf %gather3A_1789, %get3A_1793 : vector<16xf32>
        tpu.vector_store_idx %arg6[%add3A_1788], %max3A_1794 : memref<40192xf32, #tpu.memory_space<vmem>>[vector<16xi32>], vector<16xf32>,
        %add3A_1795 = arith.constant 96 : i32
        %add3A_1796 = vector.broadcast %add3A_1795 : i32 to vector<16xi32>
        %add3A_1797 = arith.addi %iota3A, %add3A_1796 : vector<16xi32>
        %add3A_1798 = arith.addi %mul3A_1734, %add3A_1797 : vector<16xi32>
        %gather3A_1799 = tpu.vector_load_idx %arg6[%add3A_1798] : memref<40192xf32, #tpu.memory_space<vmem>>[vector<16xi32>], vector<16xf32>,
        %get3A_1800 = arith.constant 15 : i32
        %get3A_1801 = arith.index_cast %get3A_1800 : i32 to index
        %get3A_1802 = arith.constant 96 : index
        %get3A_1803 = tpu.vector_load %arg11[%get3A_1801, %get3A_1802] {strides = array<i32>} : memref<16x128xf32, #tpu.memory_space<vmem>>, vector<16xf32>,
        %max3A_1804 = arith.maximumf %gather3A_1799, %get3A_1803 : vector<16xf32>
        tpu.vector_store_idx %arg6[%add3A_1798], %max3A_1804 : memref<40192xf32, #tpu.memory_space<vmem>>[vector<16xi32>], vector<16xf32>,
        %add3A_1805 = arith.constant 112 : i32
        %add3A_1806 = vector.broadcast %add3A_1805 : i32 to vector<16xi32>
        %add3A_1807 = arith.addi %iota3A, %add3A_1806 : vector<16xi32>
        %add3A_1808 = arith.addi %mul3A_1734, %add3A_1807 : vector<16xi32>
        %gather3A_1809 = tpu.vector_load_idx %arg6[%add3A_1808] : memref<40192xf32, #tpu.memory_space<vmem>>[vector<16xi32>], vector<16xf32>,
        %get3A_1810 = arith.constant 15 : i32
        %get3A_1811 = arith.index_cast %get3A_1810 : i32 to index
        %get3A_1812 = arith.constant 112 : index
        %get3A_1813 = tpu.vector_load %arg11[%get3A_1811, %get3A_1812] {strides = array<i32>} : memref<16x128xf32, #tpu.memory_space<vmem>>, vector<16xf32>,
        %max3A_1814 = arith.maximumf %gather3A_1809, %get3A_1813 : vector<16xf32>
        tpu.vector_store_idx %arg6[%add3A_1808], %max3A_1814 : memref<40192xf32, #tpu.memory_space<vmem>>[vector<16xi32>], vector<16xf32>,
      }
      %while3A_384 = arith.constant 1 : i32
      scf.for %while3A_385 = %while3A_382 to %while3A_378 step %while3A_384  : i32 {
        %mul3A_386 = arith.constant 16 : i32
        %mul3A_387 = arith.muli %while3A_385, %mul3A_386 : i32
        %dma_start3A = tpu.memref_slice %arg10[%mul3A_387] : memref<1296xi32, #tpu.memory_space<vmem>> -> memref<16xi32, #tpu.memory_space<vmem>>
        %dma_start3A_388 = arith.constant 0 : i32
        %dma_start3A_389 = arith.constant 0 : i32
        %dma_start3A_390 = tpu.memref_slice %arg2[%dma_start3A_388, %dma_start3A_389] : memref<10000x128xf32, #tpu.memory_space<hbm>> -> memref<10000x128xf32, #tpu.memory_space<hbm>>
        tpu.enqueue_indirect_dma source(%dma_start3A_390 : memref<10000x128xf32, #tpu.memory_space<hbm>>) target(%arg11 : memref<16x128xf32, #tpu.memory_space<vmem>>) offsets(%dma_start3A : memref<16xi32, #tpu.memory_space<vmem>>) semaphore(%arg12 : memref<!tpu.dma_semaphore, #tpu.memory_space<semaphore_mem>>)
        %dma_wait3A = tpu.memref_slice %arg10[%mul3A_387] : memref<1296xi32, #tpu.memory_space<vmem>> -> memref<16xi32, #tpu.memory_space<vmem>>
        %dma_wait3A_391 = arith.constant 0 : i32
        %dma_wait3A_392 = arith.constant 0 : i32
        %dma_wait3A_393 = tpu.memref_slice %arg2[%dma_wait3A_391, %dma_wait3A_392] : memref<10000x128xf32, #tpu.memory_space<hbm>> -> memref<10000x128xf32, #tpu.memory_space<hbm>>
        tpu.wait_indirect_dma semaphore(%arg12 : memref<!tpu.dma_semaphore, #tpu.memory_space<semaphore_mem>>) src(%dma_wait3A_393 : memref<10000x128xf32, #tpu.memory_space<hbm>>) dst(%arg11 : memref<16x128xf32, #tpu.memory_space<vmem>>)
        %mul3A_394 = arith.constant 16 : i32
        %mul3A_395 = arith.muli %while3A_385, %mul3A_394 : i32
        %add3A_396 = arith.constant 0 : i32
        %add3A_397 = arith.addi %mul3A_395, %add3A_396 : i32
        %broadcast_in_dim3A_398 = vector.broadcast %add3A_397 : i32 to vector<16xi32>
        %gather3A = tpu.vector_load_idx %arg9[%broadcast_in_dim3A_398] : memref<1296xi32, #tpu.memory_space<vmem>>[vector<16xi32>], vector<16xi32>,
        %mul3A_399 = arith.constant 128 : i32
        %mul3A_400 = vector.broadcast %mul3A_399 : i32 to vector<16xi32>
        %mul3A_401 = arith.muli %gather3A, %mul3A_400 : vector<16xi32>
        %add3A_402 = arith.constant 0 : i32
        %add3A_403 = vector.broadcast %add3A_402 : i32 to vector<16xi32>
        %add3A_404 = arith.addi %iota3A, %add3A_403 : vector<16xi32>
        %add3A_405 = arith.addi %mul3A_401, %add3A_404 : vector<16xi32>
        %gather3A_406 = tpu.vector_load_idx %arg6[%add3A_405] : memref<40192xf32, #tpu.memory_space<vmem>>[vector<16xi32>], vector<16xf32>,
        %get3A = arith.constant 0 : i32
        %get3A_407 = arith.index_cast %get3A : i32 to index
        %get3A_408 = arith.constant 0 : index
        %get3A_409 = tpu.vector_load %arg11[%get3A_407, %get3A_408] {strides = array<i32>} : memref<16x128xf32, #tpu.memory_space<vmem>>, vector<16xf32>,
        %max3A = arith.maximumf %gather3A_406, %get3A_409 : vector<16xf32>
        tpu.vector_store_idx %arg6[%add3A_405], %max3A : memref<40192xf32, #tpu.memory_space<vmem>>[vector<16xi32>], vector<16xf32>,
        %add3A_410 = arith.constant 16 : i32
        %add3A_411 = vector.broadcast %add3A_410 : i32 to vector<16xi32>
        %add3A_412 = arith.addi %iota3A, %add3A_411 : vector<16xi32>
        %add3A_413 = arith.addi %mul3A_401, %add3A_412 : vector<16xi32>
        %gather3A_414 = tpu.vector_load_idx %arg6[%add3A_413] : memref<40192xf32, #tpu.memory_space<vmem>>[vector<16xi32>], vector<16xf32>,
        %get3A_415 = arith.constant 0 : i32
        %get3A_416 = arith.index_cast %get3A_415 : i32 to index
        %get3A_417 = arith.constant 16 : index
        %get3A_418 = tpu.vector_load %arg11[%get3A_416, %get3A_417] {strides = array<i32>} : memref<16x128xf32, #tpu.memory_space<vmem>>, vector<16xf32>,
        %max3A_419 = arith.maximumf %gather3A_414, %get3A_418 : vector<16xf32>
        tpu.vector_store_idx %arg6[%add3A_413], %max3A_419 : memref<40192xf32, #tpu.memory_space<vmem>>[vector<16xi32>], vector<16xf32>,
        %add3A_420 = arith.constant 32 : i32
        %add3A_421 = vector.broadcast %add3A_420 : i32 to vector<16xi32>
        %add3A_422 = arith.addi %iota3A, %add3A_421 : vector<16xi32>
        %add3A_423 = arith.addi %mul3A_401, %add3A_422 : vector<16xi32>
        %gather3A_424 = tpu.vector_load_idx %arg6[%add3A_423] : memref<40192xf32, #tpu.memory_space<vmem>>[vector<16xi32>], vector<16xf32>,
        %get3A_425 = arith.constant 0 : i32
        %get3A_426 = arith.index_cast %get3A_425 : i32 to index
        %get3A_427 = arith.constant 32 : index
        %get3A_428 = tpu.vector_load %arg11[%get3A_426, %get3A_427] {strides = array<i32>} : memref<16x128xf32, #tpu.memory_space<vmem>>, vector<16xf32>,
        %max3A_429 = arith.maximumf %gather3A_424, %get3A_428 : vector<16xf32>
        tpu.vector_store_idx %arg6[%add3A_423], %max3A_429 : memref<40192xf32, #tpu.memory_space<vmem>>[vector<16xi32>], vector<16xf32>,
        %add3A_430 = arith.constant 48 : i32
        %add3A_431 = vector.broadcast %add3A_430 : i32 to vector<16xi32>
        %add3A_432 = arith.addi %iota3A, %add3A_431 : vector<16xi32>
        %add3A_433 = arith.addi %mul3A_401, %add3A_432 : vector<16xi32>
        %gather3A_434 = tpu.vector_load_idx %arg6[%add3A_433] : memref<40192xf32, #tpu.memory_space<vmem>>[vector<16xi32>], vector<16xf32>,
        %get3A_435 = arith.constant 0 : i32
        %get3A_436 = arith.index_cast %get3A_435 : i32 to index
        %get3A_437 = arith.constant 48 : index
        %get3A_438 = tpu.vector_load %arg11[%get3A_436, %get3A_437] {strides = array<i32>} : memref<16x128xf32, #tpu.memory_space<vmem>>, vector<16xf32>,
        %max3A_439 = arith.maximumf %gather3A_434, %get3A_438 : vector<16xf32>
        tpu.vector_store_idx %arg6[%add3A_433], %max3A_439 : memref<40192xf32, #tpu.memory_space<vmem>>[vector<16xi32>], vector<16xf32>,
        %add3A_440 = arith.constant 64 : i32
        %add3A_441 = vector.broadcast %add3A_440 : i32 to vector<16xi32>
        %add3A_442 = arith.addi %iota3A, %add3A_441 : vector<16xi32>
        %add3A_443 = arith.addi %mul3A_401, %add3A_442 : vector<16xi32>
        %gather3A_444 = tpu.vector_load_idx %arg6[%add3A_443] : memref<40192xf32, #tpu.memory_space<vmem>>[vector<16xi32>], vector<16xf32>,
        %get3A_445 = arith.constant 0 : i32
        %get3A_446 = arith.index_cast %get3A_445 : i32 to index
        %get3A_447 = arith.constant 64 : index
        %get3A_448 = tpu.vector_load %arg11[%get3A_446, %get3A_447] {strides = array<i32>} : memref<16x128xf32, #tpu.memory_space<vmem>>, vector<16xf32>,
        %max3A_449 = arith.maximumf %gather3A_444, %get3A_448 : vector<16xf32>
        tpu.vector_store_idx %arg6[%add3A_443], %max3A_449 : memref<40192xf32, #tpu.memory_space<vmem>>[vector<16xi32>], vector<16xf32>,
        %add3A_450 = arith.constant 80 : i32
        %add3A_451 = vector.broadcast %add3A_450 : i32 to vector<16xi32>
        %add3A_452 = arith.addi %iota3A, %add3A_451 : vector<16xi32>
        %add3A_453 = arith.addi %mul3A_401, %add3A_452 : vector<16xi32>
        %gather3A_454 = tpu.vector_load_idx %arg6[%add3A_453] : memref<40192xf32, #tpu.memory_space<vmem>>[vector<16xi32>], vector<16xf32>,
        %get3A_455 = arith.constant 0 : i32
        %get3A_456 = arith.index_cast %get3A_455 : i32 to index
        %get3A_457 = arith.constant 80 : index
        %get3A_458 = tpu.vector_load %arg11[%get3A_456, %get3A_457] {strides = array<i32>} : memref<16x128xf32, #tpu.memory_space<vmem>>, vector<16xf32>,
        %max3A_459 = arith.maximumf %gather3A_454, %get3A_458 : vector<16xf32>
        tpu.vector_store_idx %arg6[%add3A_453], %max3A_459 : memref<40192xf32, #tpu.memory_space<vmem>>[vector<16xi32>], vector<16xf32>,
        %add3A_460 = arith.constant 96 : i32
        %add3A_461 = vector.broadcast %add3A_460 : i32 to vector<16xi32>
        %add3A_462 = arith.addi %iota3A, %add3A_461 : vector<16xi32>
        %add3A_463 = arith.addi %mul3A_401, %add3A_462 : vector<16xi32>
        %gather3A_464 = tpu.vector_load_idx %arg6[%add3A_463] : memref<40192xf32, #tpu.memory_space<vmem>>[vector<16xi32>], vector<16xf32>,
        %get3A_465 = arith.constant 0 : i32
        %get3A_466 = arith.index_cast %get3A_465 : i32 to index
        %get3A_467 = arith.constant 96 : index
        %get3A_468 = tpu.vector_load %arg11[%get3A_466, %get3A_467] {strides = array<i32>} : memref<16x128xf32, #tpu.memory_space<vmem>>, vector<16xf32>,
        %max3A_469 = arith.maximumf %gather3A_464, %get3A_468 : vector<16xf32>
        tpu.vector_store_idx %arg6[%add3A_463], %max3A_469 : memref<40192xf32, #tpu.memory_space<vmem>>[vector<16xi32>], vector<16xf32>,
        %add3A_470 = arith.constant 112 : i32
        %add3A_471 = vector.broadcast %add3A_470 : i32 to vector<16xi32>
        %add3A_472 = arith.addi %iota3A, %add3A_471 : vector<16xi32>
        %add3A_473 = arith.addi %mul3A_401, %add3A_472 : vector<16xi32>
        %gather3A_474 = tpu.vector_load_idx %arg6[%add3A_473] : memref<40192xf32, #tpu.memory_space<vmem>>[vector<16xi32>], vector<16xf32>,
        %get3A_475 = arith.constant 0 : i32
        %get3A_476 = arith.index_cast %get3A_475 : i32 to index
        %get3A_477 = arith.constant 112 : index
        %get3A_478 = tpu.vector_load %arg11[%get3A_476, %get3A_477] {strides = array<i32>} : memref<16x128xf32, #tpu.memory_space<vmem>>, vector<16xf32>,
        %max3A_479 = arith.maximumf %gather3A_474, %get3A_478 : vector<16xf32>
        tpu.vector_store_idx %arg6[%add3A_473], %max3A_479 : memref<40192xf32, #tpu.memory_space<vmem>>[vector<16xi32>], vector<16xf32>,
        %mul3A_480 = arith.constant 16 : i32
        %mul3A_481 = arith.muli %while3A_385, %mul3A_480 : i32
        %add3A_482 = arith.constant 1 : i32
        %add3A_483 = arith.addi %mul3A_481, %add3A_482 : i32
        %broadcast_in_dim3A_484 = vector.broadcast %add3A_483 : i32 to vector<16xi32>
        %gather3A_485 = tpu.vector_load_idx %arg9[%broadcast_in_dim3A_484] : memref<1296xi32, #tpu.memory_space<vmem>>[vector<16xi32>], vector<16xi32>,
        %mul3A_486 = arith.constant 128 : i32
        %mul3A_487 = vector.broadcast %mul3A_486 : i32 to vector<16xi32>
        %mul3A_488 = arith.muli %gather3A_485, %mul3A_487 : vector<16xi32>
        %add3A_489 = arith.constant 0 : i32
        %add3A_490 = vector.broadcast %add3A_489 : i32 to vector<16xi32>
        %add3A_491 = arith.addi %iota3A, %add3A_490 : vector<16xi32>
        %add3A_492 = arith.addi %mul3A_488, %add3A_491 : vector<16xi32>
        %gather3A_493 = tpu.vector_load_idx %arg6[%add3A_492] : memref<40192xf32, #tpu.memory_space<vmem>>[vector<16xi32>], vector<16xf32>,
        %get3A_494 = arith.constant 1 : i32
        %get3A_495 = arith.index_cast %get3A_494 : i32 to index
        %get3A_496 = arith.constant 0 : index
        %get3A_497 = tpu.vector_load %arg11[%get3A_495, %get3A_496] {strides = array<i32>} : memref<16x128xf32, #tpu.memory_space<vmem>>, vector<16xf32>,
        %max3A_498 = arith.maximumf %gather3A_493, %get3A_497 : vector<16xf32>
        tpu.vector_store_idx %arg6[%add3A_492], %max3A_498 : memref<40192xf32, #tpu.memory_space<vmem>>[vector<16xi32>], vector<16xf32>,
        %add3A_499 = arith.constant 16 : i32
        %add3A_500 = vector.broadcast %add3A_499 : i32 to vector<16xi32>
        %add3A_501 = arith.addi %iota3A, %add3A_500 : vector<16xi32>
        %add3A_502 = arith.addi %mul3A_488, %add3A_501 : vector<16xi32>
        %gather3A_503 = tpu.vector_load_idx %arg6[%add3A_502] : memref<40192xf32, #tpu.memory_space<vmem>>[vector<16xi32>], vector<16xf32>,
        %get3A_504 = arith.constant 1 : i32
        %get3A_505 = arith.index_cast %get3A_504 : i32 to index
        %get3A_506 = arith.constant 16 : index
        %get3A_507 = tpu.vector_load %arg11[%get3A_505, %get3A_506] {strides = array<i32>} : memref<16x128xf32, #tpu.memory_space<vmem>>, vector<16xf32>,
        %max3A_508 = arith.maximumf %gather3A_503, %get3A_507 : vector<16xf32>
        tpu.vector_store_idx %arg6[%add3A_502], %max3A_508 : memref<40192xf32, #tpu.memory_space<vmem>>[vector<16xi32>], vector<16xf32>,
        %add3A_509 = arith.constant 32 : i32
        %add3A_510 = vector.broadcast %add3A_509 : i32 to vector<16xi32>
        %add3A_511 = arith.addi %iota3A, %add3A_510 : vector<16xi32>
        %add3A_512 = arith.addi %mul3A_488, %add3A_511 : vector<16xi32>
        %gather3A_513 = tpu.vector_load_idx %arg6[%add3A_512] : memref<40192xf32, #tpu.memory_space<vmem>>[vector<16xi32>], vector<16xf32>,
        %get3A_514 = arith.constant 1 : i32
        %get3A_515 = arith.index_cast %get3A_514 : i32 to index
        %get3A_516 = arith.constant 32 : index
        %get3A_517 = tpu.vector_load %arg11[%get3A_515, %get3A_516] {strides = array<i32>} : memref<16x128xf32, #tpu.memory_space<vmem>>, vector<16xf32>,
        %max3A_518 = arith.maximumf %gather3A_513, %get3A_517 : vector<16xf32>
        tpu.vector_store_idx %arg6[%add3A_512], %max3A_518 : memref<40192xf32, #tpu.memory_space<vmem>>[vector<16xi32>], vector<16xf32>,
        %add3A_519 = arith.constant 48 : i32
        %add3A_520 = vector.broadcast %add3A_519 : i32 to vector<16xi32>
        %add3A_521 = arith.addi %iota3A, %add3A_520 : vector<16xi32>
        %add3A_522 = arith.addi %mul3A_488, %add3A_521 : vector<16xi32>
        %gather3A_523 = tpu.vector_load_idx %arg6[%add3A_522] : memref<40192xf32, #tpu.memory_space<vmem>>[vector<16xi32>], vector<16xf32>,
        %get3A_524 = arith.constant 1 : i32
        %get3A_525 = arith.index_cast %get3A_524 : i32 to index
        %get3A_526 = arith.constant 48 : index
        %get3A_527 = tpu.vector_load %arg11[%get3A_525, %get3A_526] {strides = array<i32>} : memref<16x128xf32, #tpu.memory_space<vmem>>, vector<16xf32>,
        %max3A_528 = arith.maximumf %gather3A_523, %get3A_527 : vector<16xf32>
        tpu.vector_store_idx %arg6[%add3A_522], %max3A_528 : memref<40192xf32, #tpu.memory_space<vmem>>[vector<16xi32>], vector<16xf32>,
        %add3A_529 = arith.constant 64 : i32
        %add3A_530 = vector.broadcast %add3A_529 : i32 to vector<16xi32>
        %add3A_531 = arith.addi %iota3A, %add3A_530 : vector<16xi32>
        %add3A_532 = arith.addi %mul3A_488, %add3A_531 : vector<16xi32>
        %gather3A_533 = tpu.vector_load_idx %arg6[%add3A_532] : memref<40192xf32, #tpu.memory_space<vmem>>[vector<16xi32>], vector<16xf32>,
        %get3A_534 = arith.constant 1 : i32
        %get3A_535 = arith.index_cast %get3A_534 : i32 to index
        %get3A_536 = arith.constant 64 : index
        %get3A_537 = tpu.vector_load %arg11[%get3A_535, %get3A_536] {strides = array<i32>} : memref<16x128xf32, #tpu.memory_space<vmem>>, vector<16xf32>,
        %max3A_538 = arith.maximumf %gather3A_533, %get3A_537 : vector<16xf32>
        tpu.vector_store_idx %arg6[%add3A_532], %max3A_538 : memref<40192xf32, #tpu.memory_space<vmem>>[vector<16xi32>], vector<16xf32>,
        %add3A_539 = arith.constant 80 : i32
        %add3A_540 = vector.broadcast %add3A_539 : i32 to vector<16xi32>
        %add3A_541 = arith.addi %iota3A, %add3A_540 : vector<16xi32>
        %add3A_542 = arith.addi %mul3A_488, %add3A_541 : vector<16xi32>
        %gather3A_543 = tpu.vector_load_idx %arg6[%add3A_542] : memref<40192xf32, #tpu.memory_space<vmem>>[vector<16xi32>], vector<16xf32>,
        %get3A_544 = arith.constant 1 : i32
        %get3A_545 = arith.index_cast %get3A_544 : i32 to index
        %get3A_546 = arith.constant 80 : index
        %get3A_547 = tpu.vector_load %arg11[%get3A_545, %get3A_546] {strides = array<i32>} : memref<16x128xf32, #tpu.memory_space<vmem>>, vector<16xf32>,
        %max3A_548 = arith.maximumf %gather3A_543, %get3A_547 : vector<16xf32>
        tpu.vector_store_idx %arg6[%add3A_542], %max3A_548 : memref<40192xf32, #tpu.memory_space<vmem>>[vector<16xi32>], vector<16xf32>,
        %add3A_549 = arith.constant 96 : i32
        %add3A_550 = vector.broadcast %add3A_549 : i32 to vector<16xi32>
        %add3A_551 = arith.addi %iota3A, %add3A_550 : vector<16xi32>
        %add3A_552 = arith.addi %mul3A_488, %add3A_551 : vector<16xi32>
        %gather3A_553 = tpu.vector_load_idx %arg6[%add3A_552] : memref<40192xf32, #tpu.memory_space<vmem>>[vector<16xi32>], vector<16xf32>,
        %get3A_554 = arith.constant 1 : i32
        %get3A_555 = arith.index_cast %get3A_554 : i32 to index
        %get3A_556 = arith.constant 96 : index
        %get3A_557 = tpu.vector_load %arg11[%get3A_555, %get3A_556] {strides = array<i32>} : memref<16x128xf32, #tpu.memory_space<vmem>>, vector<16xf32>,
        %max3A_558 = arith.maximumf %gather3A_553, %get3A_557 : vector<16xf32>
        tpu.vector_store_idx %arg6[%add3A_552], %max3A_558 : memref<40192xf32, #tpu.memory_space<vmem>>[vector<16xi32>], vector<16xf32>,
        %add3A_559 = arith.constant 112 : i32
        %add3A_560 = vector.broadcast %add3A_559 : i32 to vector<16xi32>
        %add3A_561 = arith.addi %iota3A, %add3A_560 : vector<16xi32>
        %add3A_562 = arith.addi %mul3A_488, %add3A_561 : vector<16xi32>
        %gather3A_563 = tpu.vector_load_idx %arg6[%add3A_562] : memref<40192xf32, #tpu.memory_space<vmem>>[vector<16xi32>], vector<16xf32>,
        %get3A_564 = arith.constant 1 : i32
        %get3A_565 = arith.index_cast %get3A_564 : i32 to index
        %get3A_566 = arith.constant 112 : index
        %get3A_567 = tpu.vector_load %arg11[%get3A_565, %get3A_566] {strides = array<i32>} : memref<16x128xf32, #tpu.memory_space<vmem>>, vector<16xf32>,
        %max3A_568 = arith.maximumf %gather3A_563, %get3A_567 : vector<16xf32>
        tpu.vector_store_idx %arg6[%add3A_562], %max3A_568 : memref<40192xf32, #tpu.memory_space<vmem>>[vector<16xi32>], vector<16xf32>,
        %mul3A_569 = arith.constant 16 : i32
        %mul3A_570 = arith.muli %while3A_385, %mul3A_569 : i32
        %add3A_571 = arith.constant 2 : i32
        %add3A_572 = arith.addi %mul3A_570, %add3A_571 : i32
        %broadcast_in_dim3A_573 = vector.broadcast %add3A_572 : i32 to vector<16xi32>
        %gather3A_574 = tpu.vector_load_idx %arg9[%broadcast_in_dim3A_573] : memref<1296xi32, #tpu.memory_space<vmem>>[vector<16xi32>], vector<16xi32>,
        %mul3A_575 = arith.constant 128 : i32
        %mul3A_576 = vector.broadcast %mul3A_575 : i32 to vector<16xi32>
        %mul3A_577 = arith.muli %gather3A_574, %mul3A_576 : vector<16xi32>
        %add3A_578 = arith.constant 0 : i32
        %add3A_579 = vector.broadcast %add3A_578 : i32 to vector<16xi32>
        %add3A_580 = arith.addi %iota3A, %add3A_579 : vector<16xi32>
        %add3A_581 = arith.addi %mul3A_577, %add3A_580 : vector<16xi32>
        %gather3A_582 = tpu.vector_load_idx %arg6[%add3A_581] : memref<40192xf32, #tpu.memory_space<vmem>>[vector<16xi32>], vector<16xf32>,
        %get3A_583 = arith.constant 2 : i32
        %get3A_584 = arith.index_cast %get3A_583 : i32 to index
        %get3A_585 = arith.constant 0 : index
        %get3A_586 = tpu.vector_load %arg11[%get3A_584, %get3A_585] {strides = array<i32>} : memref<16x128xf32, #tpu.memory_space<vmem>>, vector<16xf32>,
        %max3A_587 = arith.maximumf %gather3A_582, %get3A_586 : vector<16xf32>
        tpu.vector_store_idx %arg6[%add3A_581], %max3A_587 : memref<40192xf32, #tpu.memory_space<vmem>>[vector<16xi32>], vector<16xf32>,
        %add3A_588 = arith.constant 16 : i32
        %add3A_589 = vector.broadcast %add3A_588 : i32 to vector<16xi32>
        %add3A_590 = arith.addi %iota3A, %add3A_589 : vector<16xi32>
        %add3A_591 = arith.addi %mul3A_577, %add3A_590 : vector<16xi32>
        %gather3A_592 = tpu.vector_load_idx %arg6[%add3A_591] : memref<40192xf32, #tpu.memory_space<vmem>>[vector<16xi32>], vector<16xf32>,
        %get3A_593 = arith.constant 2 : i32
        %get3A_594 = arith.index_cast %get3A_593 : i32 to index
        %get3A_595 = arith.constant 16 : index
        %get3A_596 = tpu.vector_load %arg11[%get3A_594, %get3A_595] {strides = array<i32>} : memref<16x128xf32, #tpu.memory_space<vmem>>, vector<16xf32>,
        %max3A_597 = arith.maximumf %gather3A_592, %get3A_596 : vector<16xf32>
        tpu.vector_store_idx %arg6[%add3A_591], %max3A_597 : memref<40192xf32, #tpu.memory_space<vmem>>[vector<16xi32>], vector<16xf32>,
        %add3A_598 = arith.constant 32 : i32
        %add3A_599 = vector.broadcast %add3A_598 : i32 to vector<16xi32>
        %add3A_600 = arith.addi %iota3A, %add3A_599 : vector<16xi32>
        %add3A_601 = arith.addi %mul3A_577, %add3A_600 : vector<16xi32>
        %gather3A_602 = tpu.vector_load_idx %arg6[%add3A_601] : memref<40192xf32, #tpu.memory_space<vmem>>[vector<16xi32>], vector<16xf32>,
        %get3A_603 = arith.constant 2 : i32
        %get3A_604 = arith.index_cast %get3A_603 : i32 to index
        %get3A_605 = arith.constant 32 : index
        %get3A_606 = tpu.vector_load %arg11[%get3A_604, %get3A_605] {strides = array<i32>} : memref<16x128xf32, #tpu.memory_space<vmem>>, vector<16xf32>,
        %max3A_607 = arith.maximumf %gather3A_602, %get3A_606 : vector<16xf32>
        tpu.vector_store_idx %arg6[%add3A_601], %max3A_607 : memref<40192xf32, #tpu.memory_space<vmem>>[vector<16xi32>], vector<16xf32>,
        %add3A_608 = arith.constant 48 : i32
        %add3A_609 = vector.broadcast %add3A_608 : i32 to vector<16xi32>
        %add3A_610 = arith.addi %iota3A, %add3A_609 : vector<16xi32>
        %add3A_611 = arith.addi %mul3A_577, %add3A_610 : vector<16xi32>
        %gather3A_612 = tpu.vector_load_idx %arg6[%add3A_611] : memref<40192xf32, #tpu.memory_space<vmem>>[vector<16xi32>], vector<16xf32>,
        %get3A_613 = arith.constant 2 : i32
        %get3A_614 = arith.index_cast %get3A_613 : i32 to index
        %get3A_615 = arith.constant 48 : index
        %get3A_616 = tpu.vector_load %arg11[%get3A_614, %get3A_615] {strides = array<i32>} : memref<16x128xf32, #tpu.memory_space<vmem>>, vector<16xf32>,
        %max3A_617 = arith.maximumf %gather3A_612, %get3A_616 : vector<16xf32>
        tpu.vector_store_idx %arg6[%add3A_611], %max3A_617 : memref<40192xf32, #tpu.memory_space<vmem>>[vector<16xi32>], vector<16xf32>,
        %add3A_618 = arith.constant 64 : i32
        %add3A_619 = vector.broadcast %add3A_618 : i32 to vector<16xi32>
        %add3A_620 = arith.addi %iota3A, %add3A_619 : vector<16xi32>
        %add3A_621 = arith.addi %mul3A_577, %add3A_620 : vector<16xi32>
        %gather3A_622 = tpu.vector_load_idx %arg6[%add3A_621] : memref<40192xf32, #tpu.memory_space<vmem>>[vector<16xi32>], vector<16xf32>,
        %get3A_623 = arith.constant 2 : i32
        %get3A_624 = arith.index_cast %get3A_623 : i32 to index
        %get3A_625 = arith.constant 64 : index
        %get3A_626 = tpu.vector_load %arg11[%get3A_624, %get3A_625] {strides = array<i32>} : memref<16x128xf32, #tpu.memory_space<vmem>>, vector<16xf32>,
        %max3A_627 = arith.maximumf %gather3A_622, %get3A_626 : vector<16xf32>
        tpu.vector_store_idx %arg6[%add3A_621], %max3A_627 : memref<40192xf32, #tpu.memory_space<vmem>>[vector<16xi32>], vector<16xf32>,
        %add3A_628 = arith.constant 80 : i32
        %add3A_629 = vector.broadcast %add3A_628 : i32 to vector<16xi32>
        %add3A_630 = arith.addi %iota3A, %add3A_629 : vector<16xi32>
        %add3A_631 = arith.addi %mul3A_577, %add3A_630 : vector<16xi32>
        %gather3A_632 = tpu.vector_load_idx %arg6[%add3A_631] : memref<40192xf32, #tpu.memory_space<vmem>>[vector<16xi32>], vector<16xf32>,
        %get3A_633 = arith.constant 2 : i32
        %get3A_634 = arith.index_cast %get3A_633 : i32 to index
        %get3A_635 = arith.constant 80 : index
        %get3A_636 = tpu.vector_load %arg11[%get3A_634, %get3A_635] {strides = array<i32>} : memref<16x128xf32, #tpu.memory_space<vmem>>, vector<16xf32>,
        %max3A_637 = arith.maximumf %gather3A_632, %get3A_636 : vector<16xf32>
        tpu.vector_store_idx %arg6[%add3A_631], %max3A_637 : memref<40192xf32, #tpu.memory_space<vmem>>[vector<16xi32>], vector<16xf32>,
        %add3A_638 = arith.constant 96 : i32
        %add3A_639 = vector.broadcast %add3A_638 : i32 to vector<16xi32>
        %add3A_640 = arith.addi %iota3A, %add3A_639 : vector<16xi32>
        %add3A_641 = arith.addi %mul3A_577, %add3A_640 : vector<16xi32>
        %gather3A_642 = tpu.vector_load_idx %arg6[%add3A_641] : memref<40192xf32, #tpu.memory_space<vmem>>[vector<16xi32>], vector<16xf32>,
        %get3A_643 = arith.constant 2 : i32
        %get3A_644 = arith.index_cast %get3A_643 : i32 to index
        %get3A_645 = arith.constant 96 : index
        %get3A_646 = tpu.vector_load %arg11[%get3A_644, %get3A_645] {strides = array<i32>} : memref<16x128xf32, #tpu.memory_space<vmem>>, vector<16xf32>,
        %max3A_647 = arith.maximumf %gather3A_642, %get3A_646 : vector<16xf32>
        tpu.vector_store_idx %arg6[%add3A_641], %max3A_647 : memref<40192xf32, #tpu.memory_space<vmem>>[vector<16xi32>], vector<16xf32>,
        %add3A_648 = arith.constant 112 : i32
        %add3A_649 = vector.broadcast %add3A_648 : i32 to vector<16xi32>
        %add3A_650 = arith.addi %iota3A, %add3A_649 : vector<16xi32>
        %add3A_651 = arith.addi %mul3A_577, %add3A_650 : vector<16xi32>
        %gather3A_652 = tpu.vector_load_idx %arg6[%add3A_651] : memref<40192xf32, #tpu.memory_space<vmem>>[vector<16xi32>], vector<16xf32>,
        %get3A_653 = arith.constant 2 : i32
        %get3A_654 = arith.index_cast %get3A_653 : i32 to index
        %get3A_655 = arith.constant 112 : index
        %get3A_656 = tpu.vector_load %arg11[%get3A_654, %get3A_655] {strides = array<i32>} : memref<16x128xf32, #tpu.memory_space<vmem>>, vector<16xf32>,
        %max3A_657 = arith.maximumf %gather3A_652, %get3A_656 : vector<16xf32>
        tpu.vector_store_idx %arg6[%add3A_651], %max3A_657 : memref<40192xf32, #tpu.memory_space<vmem>>[vector<16xi32>], vector<16xf32>,
        %mul3A_658 = arith.constant 16 : i32
        %mul3A_659 = arith.muli %while3A_385, %mul3A_658 : i32
        %add3A_660 = arith.constant 3 : i32
        %add3A_661 = arith.addi %mul3A_659, %add3A_660 : i32
        %broadcast_in_dim3A_662 = vector.broadcast %add3A_661 : i32 to vector<16xi32>
        %gather3A_663 = tpu.vector_load_idx %arg9[%broadcast_in_dim3A_662] : memref<1296xi32, #tpu.memory_space<vmem>>[vector<16xi32>], vector<16xi32>,
        %mul3A_664 = arith.constant 128 : i32
        %mul3A_665 = vector.broadcast %mul3A_664 : i32 to vector<16xi32>
        %mul3A_666 = arith.muli %gather3A_663, %mul3A_665 : vector<16xi32>
        %add3A_667 = arith.constant 0 : i32
        %add3A_668 = vector.broadcast %add3A_667 : i32 to vector<16xi32>
        %add3A_669 = arith.addi %iota3A, %add3A_668 : vector<16xi32>
        %add3A_670 = arith.addi %mul3A_666, %add3A_669 : vector<16xi32>
        %gather3A_671 = tpu.vector_load_idx %arg6[%add3A_670] : memref<40192xf32, #tpu.memory_space<vmem>>[vector<16xi32>], vector<16xf32>,
        %get3A_672 = arith.constant 3 : i32
        %get3A_673 = arith.index_cast %get3A_672 : i32 to index
        %get3A_674 = arith.constant 0 : index
        %get3A_675 = tpu.vector_load %arg11[%get3A_673, %get3A_674] {strides = array<i32>} : memref<16x128xf32, #tpu.memory_space<vmem>>, vector<16xf32>,
        %max3A_676 = arith.maximumf %gather3A_671, %get3A_675 : vector<16xf32>
        tpu.vector_store_idx %arg6[%add3A_670], %max3A_676 : memref<40192xf32, #tpu.memory_space<vmem>>[vector<16xi32>], vector<16xf32>,
        %add3A_677 = arith.constant 16 : i32
        %add3A_678 = vector.broadcast %add3A_677 : i32 to vector<16xi32>
        %add3A_679 = arith.addi %iota3A, %add3A_678 : vector<16xi32>
        %add3A_680 = arith.addi %mul3A_666, %add3A_679 : vector<16xi32>
        %gather3A_681 = tpu.vector_load_idx %arg6[%add3A_680] : memref<40192xf32, #tpu.memory_space<vmem>>[vector<16xi32>], vector<16xf32>,
        %get3A_682 = arith.constant 3 : i32
        %get3A_683 = arith.index_cast %get3A_682 : i32 to index
        %get3A_684 = arith.constant 16 : index
        %get3A_685 = tpu.vector_load %arg11[%get3A_683, %get3A_684] {strides = array<i32>} : memref<16x128xf32, #tpu.memory_space<vmem>>, vector<16xf32>,
        %max3A_686 = arith.maximumf %gather3A_681, %get3A_685 : vector<16xf32>
        tpu.vector_store_idx %arg6[%add3A_680], %max3A_686 : memref<40192xf32, #tpu.memory_space<vmem>>[vector<16xi32>], vector<16xf32>,
        %add3A_687 = arith.constant 32 : i32
        %add3A_688 = vector.broadcast %add3A_687 : i32 to vector<16xi32>
        %add3A_689 = arith.addi %iota3A, %add3A_688 : vector<16xi32>
        %add3A_690 = arith.addi %mul3A_666, %add3A_689 : vector<16xi32>
        %gather3A_691 = tpu.vector_load_idx %arg6[%add3A_690] : memref<40192xf32, #tpu.memory_space<vmem>>[vector<16xi32>], vector<16xf32>,
        %get3A_692 = arith.constant 3 : i32
        %get3A_693 = arith.index_cast %get3A_692 : i32 to index
        %get3A_694 = arith.constant 32 : index
        %get3A_695 = tpu.vector_load %arg11[%get3A_693, %get3A_694] {strides = array<i32>} : memref<16x128xf32, #tpu.memory_space<vmem>>, vector<16xf32>,
        %max3A_696 = arith.maximumf %gather3A_691, %get3A_695 : vector<16xf32>
        tpu.vector_store_idx %arg6[%add3A_690], %max3A_696 : memref<40192xf32, #tpu.memory_space<vmem>>[vector<16xi32>], vector<16xf32>,
        %add3A_697 = arith.constant 48 : i32
        %add3A_698 = vector.broadcast %add3A_697 : i32 to vector<16xi32>
        %add3A_699 = arith.addi %iota3A, %add3A_698 : vector<16xi32>
        %add3A_700 = arith.addi %mul3A_666, %add3A_699 : vector<16xi32>
        %gather3A_701 = tpu.vector_load_idx %arg6[%add3A_700] : memref<40192xf32, #tpu.memory_space<vmem>>[vector<16xi32>], vector<16xf32>,
        %get3A_702 = arith.constant 3 : i32
        %get3A_703 = arith.index_cast %get3A_702 : i32 to index
        %get3A_704 = arith.constant 48 : index
        %get3A_705 = tpu.vector_load %arg11[%get3A_703, %get3A_704] {strides = array<i32>} : memref<16x128xf32, #tpu.memory_space<vmem>>, vector<16xf32>,
        %max3A_706 = arith.maximumf %gather3A_701, %get3A_705 : vector<16xf32>
        tpu.vector_store_idx %arg6[%add3A_700], %max3A_706 : memref<40192xf32, #tpu.memory_space<vmem>>[vector<16xi32>], vector<16xf32>,
        %add3A_707 = arith.constant 64 : i32
        %add3A_708 = vector.broadcast %add3A_707 : i32 to vector<16xi32>
        %add3A_709 = arith.addi %iota3A, %add3A_708 : vector<16xi32>
        %add3A_710 = arith.addi %mul3A_666, %add3A_709 : vector<16xi32>
        %gather3A_711 = tpu.vector_load_idx %arg6[%add3A_710] : memref<40192xf32, #tpu.memory_space<vmem>>[vector<16xi32>], vector<16xf32>,
        %get3A_712 = arith.constant 3 : i32
        %get3A_713 = arith.index_cast %get3A_712 : i32 to index
        %get3A_714 = arith.constant 64 : index
        %get3A_715 = tpu.vector_load %arg11[%get3A_713, %get3A_714] {strides = array<i32>} : memref<16x128xf32, #tpu.memory_space<vmem>>, vector<16xf32>,
        %max3A_716 = arith.maximumf %gather3A_711, %get3A_715 : vector<16xf32>
        tpu.vector_store_idx %arg6[%add3A_710], %max3A_716 : memref<40192xf32, #tpu.memory_space<vmem>>[vector<16xi32>], vector<16xf32>,
        %add3A_717 = arith.constant 80 : i32
        %add3A_718 = vector.broadcast %add3A_717 : i32 to vector<16xi32>
        %add3A_719 = arith.addi %iota3A, %add3A_718 : vector<16xi32>
        %add3A_720 = arith.addi %mul3A_666, %add3A_719 : vector<16xi32>
        %gather3A_721 = tpu.vector_load_idx %arg6[%add3A_720] : memref<40192xf32, #tpu.memory_space<vmem>>[vector<16xi32>], vector<16xf32>,
        %get3A_722 = arith.constant 3 : i32
        %get3A_723 = arith.index_cast %get3A_722 : i32 to index
        %get3A_724 = arith.constant 80 : index
        %get3A_725 = tpu.vector_load %arg11[%get3A_723, %get3A_724] {strides = array<i32>} : memref<16x128xf32, #tpu.memory_space<vmem>>, vector<16xf32>,
        %max3A_726 = arith.maximumf %gather3A_721, %get3A_725 : vector<16xf32>
        tpu.vector_store_idx %arg6[%add3A_720], %max3A_726 : memref<40192xf32, #tpu.memory_space<vmem>>[vector<16xi32>], vector<16xf32>,
        %add3A_727 = arith.constant 96 : i32
        %add3A_728 = vector.broadcast %add3A_727 : i32 to vector<16xi32>
        %add3A_729 = arith.addi %iota3A, %add3A_728 : vector<16xi32>
        %add3A_730 = arith.addi %mul3A_666, %add3A_729 : vector<16xi32>
        %gather3A_731 = tpu.vector_load_idx %arg6[%add3A_730] : memref<40192xf32, #tpu.memory_space<vmem>>[vector<16xi32>], vector<16xf32>,
        %get3A_732 = arith.constant 3 : i32
        %get3A_733 = arith.index_cast %get3A_732 : i32 to index
        %get3A_734 = arith.constant 96 : index
        %get3A_735 = tpu.vector_load %arg11[%get3A_733, %get3A_734] {strides = array<i32>} : memref<16x128xf32, #tpu.memory_space<vmem>>, vector<16xf32>,
        %max3A_736 = arith.maximumf %gather3A_731, %get3A_735 : vector<16xf32>
        tpu.vector_store_idx %arg6[%add3A_730], %max3A_736 : memref<40192xf32, #tpu.memory_space<vmem>>[vector<16xi32>], vector<16xf32>,
        %add3A_737 = arith.constant 112 : i32
        %add3A_738 = vector.broadcast %add3A_737 : i32 to vector<16xi32>
        %add3A_739 = arith.addi %iota3A, %add3A_738 : vector<16xi32>
        %add3A_740 = arith.addi %mul3A_666, %add3A_739 : vector<16xi32>
        %gather3A_741 = tpu.vector_load_idx %arg6[%add3A_740] : memref<40192xf32, #tpu.memory_space<vmem>>[vector<16xi32>], vector<16xf32>,
        %get3A_742 = arith.constant 3 : i32
        %get3A_743 = arith.index_cast %get3A_742 : i32 to index
        %get3A_744 = arith.constant 112 : index
        %get3A_745 = tpu.vector_load %arg11[%get3A_743, %get3A_744] {strides = array<i32>} : memref<16x128xf32, #tpu.memory_space<vmem>>, vector<16xf32>,
        %max3A_746 = arith.maximumf %gather3A_741, %get3A_745 : vector<16xf32>
        tpu.vector_store_idx %arg6[%add3A_740], %max3A_746 : memref<40192xf32, #tpu.memory_space<vmem>>[vector<16xi32>], vector<16xf32>,
        %mul3A_747 = arith.constant 16 : i32
        %mul3A_748 = arith.muli %while3A_385, %mul3A_747 : i32
        %add3A_749 = arith.constant 4 : i32
        %add3A_750 = arith.addi %mul3A_748, %add3A_749 : i32
        %broadcast_in_dim3A_751 = vector.broadcast %add3A_750 : i32 to vector<16xi32>
        %gather3A_752 = tpu.vector_load_idx %arg9[%broadcast_in_dim3A_751] : memref<1296xi32, #tpu.memory_space<vmem>>[vector<16xi32>], vector<16xi32>,
        %mul3A_753 = arith.constant 128 : i32
        %mul3A_754 = vector.broadcast %mul3A_753 : i32 to vector<16xi32>
        %mul3A_755 = arith.muli %gather3A_752, %mul3A_754 : vector<16xi32>
        %add3A_756 = arith.constant 0 : i32
        %add3A_757 = vector.broadcast %add3A_756 : i32 to vector<16xi32>
        %add3A_758 = arith.addi %iota3A, %add3A_757 : vector<16xi32>
        %add3A_759 = arith.addi %mul3A_755, %add3A_758 : vector<16xi32>
        %gather3A_760 = tpu.vector_load_idx %arg6[%add3A_759] : memref<40192xf32, #tpu.memory_space<vmem>>[vector<16xi32>], vector<16xf32>,
        %get3A_761 = arith.constant 4 : i32
        %get3A_762 = arith.index_cast %get3A_761 : i32 to index
        %get3A_763 = arith.constant 0 : index
        %get3A_764 = tpu.vector_load %arg11[%get3A_762, %get3A_763] {strides = array<i32>} : memref<16x128xf32, #tpu.memory_space<vmem>>, vector<16xf32>,
        %max3A_765 = arith.maximumf %gather3A_760, %get3A_764 : vector<16xf32>
        tpu.vector_store_idx %arg6[%add3A_759], %max3A_765 : memref<40192xf32, #tpu.memory_space<vmem>>[vector<16xi32>], vector<16xf32>,
        %add3A_766 = arith.constant 16 : i32
        %add3A_767 = vector.broadcast %add3A_766 : i32 to vector<16xi32>
        %add3A_768 = arith.addi %iota3A, %add3A_767 : vector<16xi32>
        %add3A_769 = arith.addi %mul3A_755, %add3A_768 : vector<16xi32>
        %gather3A_770 = tpu.vector_load_idx %arg6[%add3A_769] : memref<40192xf32, #tpu.memory_space<vmem>>[vector<16xi32>], vector<16xf32>,
        %get3A_771 = arith.constant 4 : i32
        %get3A_772 = arith.index_cast %get3A_771 : i32 to index
        %get3A_773 = arith.constant 16 : index
        %get3A_774 = tpu.vector_load %arg11[%get3A_772, %get3A_773] {strides = array<i32>} : memref<16x128xf32, #tpu.memory_space<vmem>>, vector<16xf32>,
        %max3A_775 = arith.maximumf %gather3A_770, %get3A_774 : vector<16xf32>
        tpu.vector_store_idx %arg6[%add3A_769], %max3A_775 : memref<40192xf32, #tpu.memory_space<vmem>>[vector<16xi32>], vector<16xf32>,
        %add3A_776 = arith.constant 32 : i32
        %add3A_777 = vector.broadcast %add3A_776 : i32 to vector<16xi32>
        %add3A_778 = arith.addi %iota3A, %add3A_777 : vector<16xi32>
        %add3A_779 = arith.addi %mul3A_755, %add3A_778 : vector<16xi32>
        %gather3A_780 = tpu.vector_load_idx %arg6[%add3A_779] : memref<40192xf32, #tpu.memory_space<vmem>>[vector<16xi32>], vector<16xf32>,
        %get3A_781 = arith.constant 4 : i32
        %get3A_782 = arith.index_cast %get3A_781 : i32 to index
        %get3A_783 = arith.constant 32 : index
        %get3A_784 = tpu.vector_load %arg11[%get3A_782, %get3A_783] {strides = array<i32>} : memref<16x128xf32, #tpu.memory_space<vmem>>, vector<16xf32>,
        %max3A_785 = arith.maximumf %gather3A_780, %get3A_784 : vector<16xf32>
        tpu.vector_store_idx %arg6[%add3A_779], %max3A_785 : memref<40192xf32, #tpu.memory_space<vmem>>[vector<16xi32>], vector<16xf32>,
        %add3A_786 = arith.constant 48 : i32
        %add3A_787 = vector.broadcast %add3A_786 : i32 to vector<16xi32>
        %add3A_788 = arith.addi %iota3A, %add3A_787 : vector<16xi32>
        %add3A_789 = arith.addi %mul3A_755, %add3A_788 : vector<16xi32>
        %gather3A_790 = tpu.vector_load_idx %arg6[%add3A_789] : memref<40192xf32, #tpu.memory_space<vmem>>[vector<16xi32>], vector<16xf32>,
        %get3A_791 = arith.constant 4 : i32
        %get3A_792 = arith.index_cast %get3A_791 : i32 to index
        %get3A_793 = arith.constant 48 : index
        %get3A_794 = tpu.vector_load %arg11[%get3A_792, %get3A_793] {strides = array<i32>} : memref<16x128xf32, #tpu.memory_space<vmem>>, vector<16xf32>,
        %max3A_795 = arith.maximumf %gather3A_790, %get3A_794 : vector<16xf32>
        tpu.vector_store_idx %arg6[%add3A_789], %max3A_795 : memref<40192xf32, #tpu.memory_space<vmem>>[vector<16xi32>], vector<16xf32>,
        %add3A_796 = arith.constant 64 : i32
        %add3A_797 = vector.broadcast %add3A_796 : i32 to vector<16xi32>
        %add3A_798 = arith.addi %iota3A, %add3A_797 : vector<16xi32>
        %add3A_799 = arith.addi %mul3A_755, %add3A_798 : vector<16xi32>
        %gather3A_800 = tpu.vector_load_idx %arg6[%add3A_799] : memref<40192xf32, #tpu.memory_space<vmem>>[vector<16xi32>], vector<16xf32>,
        %get3A_801 = arith.constant 4 : i32
        %get3A_802 = arith.index_cast %get3A_801 : i32 to index
        %get3A_803 = arith.constant 64 : index
        %get3A_804 = tpu.vector_load %arg11[%get3A_802, %get3A_803] {strides = array<i32>} : memref<16x128xf32, #tpu.memory_space<vmem>>, vector<16xf32>,
        %max3A_805 = arith.maximumf %gather3A_800, %get3A_804 : vector<16xf32>
        tpu.vector_store_idx %arg6[%add3A_799], %max3A_805 : memref<40192xf32, #tpu.memory_space<vmem>>[vector<16xi32>], vector<16xf32>,
        %add3A_806 = arith.constant 80 : i32
        %add3A_807 = vector.broadcast %add3A_806 : i32 to vector<16xi32>
        %add3A_808 = arith.addi %iota3A, %add3A_807 : vector<16xi32>
        %add3A_809 = arith.addi %mul3A_755, %add3A_808 : vector<16xi32>
        %gather3A_810 = tpu.vector_load_idx %arg6[%add3A_809] : memref<40192xf32, #tpu.memory_space<vmem>>[vector<16xi32>], vector<16xf32>,
        %get3A_811 = arith.constant 4 : i32
        %get3A_812 = arith.index_cast %get3A_811 : i32 to index
        %get3A_813 = arith.constant 80 : index
        %get3A_814 = tpu.vector_load %arg11[%get3A_812, %get3A_813] {strides = array<i32>} : memref<16x128xf32, #tpu.memory_space<vmem>>, vector<16xf32>,
        %max3A_815 = arith.maximumf %gather3A_810, %get3A_814 : vector<16xf32>
        tpu.vector_store_idx %arg6[%add3A_809], %max3A_815 : memref<40192xf32, #tpu.memory_space<vmem>>[vector<16xi32>], vector<16xf32>,
        %add3A_816 = arith.constant 96 : i32
        %add3A_817 = vector.broadcast %add3A_816 : i32 to vector<16xi32>
        %add3A_818 = arith.addi %iota3A, %add3A_817 : vector<16xi32>
        %add3A_819 = arith.addi %mul3A_755, %add3A_818 : vector<16xi32>
        %gather3A_820 = tpu.vector_load_idx %arg6[%add3A_819] : memref<40192xf32, #tpu.memory_space<vmem>>[vector<16xi32>], vector<16xf32>,
        %get3A_821 = arith.constant 4 : i32
        %get3A_822 = arith.index_cast %get3A_821 : i32 to index
        %get3A_823 = arith.constant 96 : index
        %get3A_824 = tpu.vector_load %arg11[%get3A_822, %get3A_823] {strides = array<i32>} : memref<16x128xf32, #tpu.memory_space<vmem>>, vector<16xf32>,
        %max3A_825 = arith.maximumf %gather3A_820, %get3A_824 : vector<16xf32>
        tpu.vector_store_idx %arg6[%add3A_819], %max3A_825 : memref<40192xf32, #tpu.memory_space<vmem>>[vector<16xi32>], vector<16xf32>,
        %add3A_826 = arith.constant 112 : i32
        %add3A_827 = vector.broadcast %add3A_826 : i32 to vector<16xi32>
        %add3A_828 = arith.addi %iota3A, %add3A_827 : vector<16xi32>
        %add3A_829 = arith.addi %mul3A_755, %add3A_828 : vector<16xi32>
        %gather3A_830 = tpu.vector_load_idx %arg6[%add3A_829] : memref<40192xf32, #tpu.memory_space<vmem>>[vector<16xi32>], vector<16xf32>,
        %get3A_831 = arith.constant 4 : i32
        %get3A_832 = arith.index_cast %get3A_831 : i32 to index
        %get3A_833 = arith.constant 112 : index
        %get3A_834 = tpu.vector_load %arg11[%get3A_832, %get3A_833] {strides = array<i32>} : memref<16x128xf32, #tpu.memory_space<vmem>>, vector<16xf32>,
        %max3A_835 = arith.maximumf %gather3A_830, %get3A_834 : vector<16xf32>
        tpu.vector_store_idx %arg6[%add3A_829], %max3A_835 : memref<40192xf32, #tpu.memory_space<vmem>>[vector<16xi32>], vector<16xf32>,
        %mul3A_836 = arith.constant 16 : i32
        %mul3A_837 = arith.muli %while3A_385, %mul3A_836 : i32
        %add3A_838 = arith.constant 5 : i32
        %add3A_839 = arith.addi %mul3A_837, %add3A_838 : i32
        %broadcast_in_dim3A_840 = vector.broadcast %add3A_839 : i32 to vector<16xi32>
        %gather3A_841 = tpu.vector_load_idx %arg9[%broadcast_in_dim3A_840] : memref<1296xi32, #tpu.memory_space<vmem>>[vector<16xi32>], vector<16xi32>,
        %mul3A_842 = arith.constant 128 : i32
        %mul3A_843 = vector.broadcast %mul3A_842 : i32 to vector<16xi32>
        %mul3A_844 = arith.muli %gather3A_841, %mul3A_843 : vector<16xi32>
        %add3A_845 = arith.constant 0 : i32
        %add3A_846 = vector.broadcast %add3A_845 : i32 to vector<16xi32>
        %add3A_847 = arith.addi %iota3A, %add3A_846 : vector<16xi32>
        %add3A_848 = arith.addi %mul3A_844, %add3A_847 : vector<16xi32>
        %gather3A_849 = tpu.vector_load_idx %arg6[%add3A_848] : memref<40192xf32, #tpu.memory_space<vmem>>[vector<16xi32>], vector<16xf32>,
        %get3A_850 = arith.constant 5 : i32
        %get3A_851 = arith.index_cast %get3A_850 : i32 to index
        %get3A_852 = arith.constant 0 : index
        %get3A_853 = tpu.vector_load %arg11[%get3A_851, %get3A_852] {strides = array<i32>} : memref<16x128xf32, #tpu.memory_space<vmem>>, vector<16xf32>,
        %max3A_854 = arith.maximumf %gather3A_849, %get3A_853 : vector<16xf32>
        tpu.vector_store_idx %arg6[%add3A_848], %max3A_854 : memref<40192xf32, #tpu.memory_space<vmem>>[vector<16xi32>], vector<16xf32>,
        %add3A_855 = arith.constant 16 : i32
        %add3A_856 = vector.broadcast %add3A_855 : i32 to vector<16xi32>
        %add3A_857 = arith.addi %iota3A, %add3A_856 : vector<16xi32>
        %add3A_858 = arith.addi %mul3A_844, %add3A_857 : vector<16xi32>
        %gather3A_859 = tpu.vector_load_idx %arg6[%add3A_858] : memref<40192xf32, #tpu.memory_space<vmem>>[vector<16xi32>], vector<16xf32>,
        %get3A_860 = arith.constant 5 : i32
        %get3A_861 = arith.index_cast %get3A_860 : i32 to index
        %get3A_862 = arith.constant 16 : index
        %get3A_863 = tpu.vector_load %arg11[%get3A_861, %get3A_862] {strides = array<i32>} : memref<16x128xf32, #tpu.memory_space<vmem>>, vector<16xf32>,
        %max3A_864 = arith.maximumf %gather3A_859, %get3A_863 : vector<16xf32>
        tpu.vector_store_idx %arg6[%add3A_858], %max3A_864 : memref<40192xf32, #tpu.memory_space<vmem>>[vector<16xi32>], vector<16xf32>,
        %add3A_865 = arith.constant 32 : i32
        %add3A_866 = vector.broadcast %add3A_865 : i32 to vector<16xi32>
        %add3A_867 = arith.addi %iota3A, %add3A_866 : vector<16xi32>
        %add3A_868 = arith.addi %mul3A_844, %add3A_867 : vector<16xi32>
        %gather3A_869 = tpu.vector_load_idx %arg6[%add3A_868] : memref<40192xf32, #tpu.memory_space<vmem>>[vector<16xi32>], vector<16xf32>,
        %get3A_870 = arith.constant 5 : i32
        %get3A_871 = arith.index_cast %get3A_870 : i32 to index
        %get3A_872 = arith.constant 32 : index
        %get3A_873 = tpu.vector_load %arg11[%get3A_871, %get3A_872] {strides = array<i32>} : memref<16x128xf32, #tpu.memory_space<vmem>>, vector<16xf32>,
        %max3A_874 = arith.maximumf %gather3A_869, %get3A_873 : vector<16xf32>
        tpu.vector_store_idx %arg6[%add3A_868], %max3A_874 : memref<40192xf32, #tpu.memory_space<vmem>>[vector<16xi32>], vector<16xf32>,
        %add3A_875 = arith.constant 48 : i32
        %add3A_876 = vector.broadcast %add3A_875 : i32 to vector<16xi32>
        %add3A_877 = arith.addi %iota3A, %add3A_876 : vector<16xi32>
        %add3A_878 = arith.addi %mul3A_844, %add3A_877 : vector<16xi32>
        %gather3A_879 = tpu.vector_load_idx %arg6[%add3A_878] : memref<40192xf32, #tpu.memory_space<vmem>>[vector<16xi32>], vector<16xf32>,
        %get3A_880 = arith.constant 5 : i32
        %get3A_881 = arith.index_cast %get3A_880 : i32 to index
        %get3A_882 = arith.constant 48 : index
        %get3A_883 = tpu.vector_load %arg11[%get3A_881, %get3A_882] {strides = array<i32>} : memref<16x128xf32, #tpu.memory_space<vmem>>, vector<16xf32>,
        %max3A_884 = arith.maximumf %gather3A_879, %get3A_883 : vector<16xf32>
        tpu.vector_store_idx %arg6[%add3A_878], %max3A_884 : memref<40192xf32, #tpu.memory_space<vmem>>[vector<16xi32>], vector<16xf32>,
        %add3A_885 = arith.constant 64 : i32
        %add3A_886 = vector.broadcast %add3A_885 : i32 to vector<16xi32>
        %add3A_887 = arith.addi %iota3A, %add3A_886 : vector<16xi32>
        %add3A_888 = arith.addi %mul3A_844, %add3A_887 : vector<16xi32>
        %gather3A_889 = tpu.vector_load_idx %arg6[%add3A_888] : memref<40192xf32, #tpu.memory_space<vmem>>[vector<16xi32>], vector<16xf32>,
        %get3A_890 = arith.constant 5 : i32
        %get3A_891 = arith.index_cast %get3A_890 : i32 to index
        %get3A_892 = arith.constant 64 : index
        %get3A_893 = tpu.vector_load %arg11[%get3A_891, %get3A_892] {strides = array<i32>} : memref<16x128xf32, #tpu.memory_space<vmem>>, vector<16xf32>,
        %max3A_894 = arith.maximumf %gather3A_889, %get3A_893 : vector<16xf32>
        tpu.vector_store_idx %arg6[%add3A_888], %max3A_894 : memref<40192xf32, #tpu.memory_space<vmem>>[vector<16xi32>], vector<16xf32>,
        %add3A_895 = arith.constant 80 : i32
        %add3A_896 = vector.broadcast %add3A_895 : i32 to vector<16xi32>
        %add3A_897 = arith.addi %iota3A, %add3A_896 : vector<16xi32>
        %add3A_898 = arith.addi %mul3A_844, %add3A_897 : vector<16xi32>
        %gather3A_899 = tpu.vector_load_idx %arg6[%add3A_898] : memref<40192xf32, #tpu.memory_space<vmem>>[vector<16xi32>], vector<16xf32>,
        %get3A_900 = arith.constant 5 : i32
        %get3A_901 = arith.index_cast %get3A_900 : i32 to index
        %get3A_902 = arith.constant 80 : index
        %get3A_903 = tpu.vector_load %arg11[%get3A_901, %get3A_902] {strides = array<i32>} : memref<16x128xf32, #tpu.memory_space<vmem>>, vector<16xf32>,
        %max3A_904 = arith.maximumf %gather3A_899, %get3A_903 : vector<16xf32>
        tpu.vector_store_idx %arg6[%add3A_898], %max3A_904 : memref<40192xf32, #tpu.memory_space<vmem>>[vector<16xi32>], vector<16xf32>,
        %add3A_905 = arith.constant 96 : i32
        %add3A_906 = vector.broadcast %add3A_905 : i32 to vector<16xi32>
        %add3A_907 = arith.addi %iota3A, %add3A_906 : vector<16xi32>
        %add3A_908 = arith.addi %mul3A_844, %add3A_907 : vector<16xi32>
        %gather3A_909 = tpu.vector_load_idx %arg6[%add3A_908] : memref<40192xf32, #tpu.memory_space<vmem>>[vector<16xi32>], vector<16xf32>,
        %get3A_910 = arith.constant 5 : i32
        %get3A_911 = arith.index_cast %get3A_910 : i32 to index
        %get3A_912 = arith.constant 96 : index
        %get3A_913 = tpu.vector_load %arg11[%get3A_911, %get3A_912] {strides = array<i32>} : memref<16x128xf32, #tpu.memory_space<vmem>>, vector<16xf32>,
        %max3A_914 = arith.maximumf %gather3A_909, %get3A_913 : vector<16xf32>
        tpu.vector_store_idx %arg6[%add3A_908], %max3A_914 : memref<40192xf32, #tpu.memory_space<vmem>>[vector<16xi32>], vector<16xf32>,
        %add3A_915 = arith.constant 112 : i32
        %add3A_916 = vector.broadcast %add3A_915 : i32 to vector<16xi32>
        %add3A_917 = arith.addi %iota3A, %add3A_916 : vector<16xi32>
        %add3A_918 = arith.addi %mul3A_844, %add3A_917 : vector<16xi32>
        %gather3A_919 = tpu.vector_load_idx %arg6[%add3A_918] : memref<40192xf32, #tpu.memory_space<vmem>>[vector<16xi32>], vector<16xf32>,
        %get3A_920 = arith.constant 5 : i32
        %get3A_921 = arith.index_cast %get3A_920 : i32 to index
        %get3A_922 = arith.constant 112 : index
        %get3A_923 = tpu.vector_load %arg11[%get3A_921, %get3A_922] {strides = array<i32>} : memref<16x128xf32, #tpu.memory_space<vmem>>, vector<16xf32>,
        %max3A_924 = arith.maximumf %gather3A_919, %get3A_923 : vector<16xf32>
        tpu.vector_store_idx %arg6[%add3A_918], %max3A_924 : memref<40192xf32, #tpu.memory_space<vmem>>[vector<16xi32>], vector<16xf32>,
        %mul3A_925 = arith.constant 16 : i32
        %mul3A_926 = arith.muli %while3A_385, %mul3A_925 : i32
        %add3A_927 = arith.constant 6 : i32
        %add3A_928 = arith.addi %mul3A_926, %add3A_927 : i32
        %broadcast_in_dim3A_929 = vector.broadcast %add3A_928 : i32 to vector<16xi32>
        %gather3A_930 = tpu.vector_load_idx %arg9[%broadcast_in_dim3A_929] : memref<1296xi32, #tpu.memory_space<vmem>>[vector<16xi32>], vector<16xi32>,
        %mul3A_931 = arith.constant 128 : i32
        %mul3A_932 = vector.broadcast %mul3A_931 : i32 to vector<16xi32>
        %mul3A_933 = arith.muli %gather3A_930, %mul3A_932 : vector<16xi32>
        %add3A_934 = arith.constant 0 : i32
        %add3A_935 = vector.broadcast %add3A_934 : i32 to vector<16xi32>
        %add3A_936 = arith.addi %iota3A, %add3A_935 : vector<16xi32>
        %add3A_937 = arith.addi %mul3A_933, %add3A_936 : vector<16xi32>
        %gather3A_938 = tpu.vector_load_idx %arg6[%add3A_937] : memref<40192xf32, #tpu.memory_space<vmem>>[vector<16xi32>], vector<16xf32>,
        %get3A_939 = arith.constant 6 : i32
        %get3A_940 = arith.index_cast %get3A_939 : i32 to index
        %get3A_941 = arith.constant 0 : index
        %get3A_942 = tpu.vector_load %arg11[%get3A_940, %get3A_941] {strides = array<i32>} : memref<16x128xf32, #tpu.memory_space<vmem>>, vector<16xf32>,
        %max3A_943 = arith.maximumf %gather3A_938, %get3A_942 : vector<16xf32>
        tpu.vector_store_idx %arg6[%add3A_937], %max3A_943 : memref<40192xf32, #tpu.memory_space<vmem>>[vector<16xi32>], vector<16xf32>,
        %add3A_944 = arith.constant 16 : i32
        %add3A_945 = vector.broadcast %add3A_944 : i32 to vector<16xi32>
        %add3A_946 = arith.addi %iota3A, %add3A_945 : vector<16xi32>
        %add3A_947 = arith.addi %mul3A_933, %add3A_946 : vector<16xi32>
        %gather3A_948 = tpu.vector_load_idx %arg6[%add3A_947] : memref<40192xf32, #tpu.memory_space<vmem>>[vector<16xi32>], vector<16xf32>,
        %get3A_949 = arith.constant 6 : i32
        %get3A_950 = arith.index_cast %get3A_949 : i32 to index
        %get3A_951 = arith.constant 16 : index
        %get3A_952 = tpu.vector_load %arg11[%get3A_950, %get3A_951] {strides = array<i32>} : memref<16x128xf32, #tpu.memory_space<vmem>>, vector<16xf32>,
        %max3A_953 = arith.maximumf %gather3A_948, %get3A_952 : vector<16xf32>
        tpu.vector_store_idx %arg6[%add3A_947], %max3A_953 : memref<40192xf32, #tpu.memory_space<vmem>>[vector<16xi32>], vector<16xf32>,
        %add3A_954 = arith.constant 32 : i32
        %add3A_955 = vector.broadcast %add3A_954 : i32 to vector<16xi32>
        %add3A_956 = arith.addi %iota3A, %add3A_955 : vector<16xi32>
        %add3A_957 = arith.addi %mul3A_933, %add3A_956 : vector<16xi32>
        %gather3A_958 = tpu.vector_load_idx %arg6[%add3A_957] : memref<40192xf32, #tpu.memory_space<vmem>>[vector<16xi32>], vector<16xf32>,
        %get3A_959 = arith.constant 6 : i32
        %get3A_960 = arith.index_cast %get3A_959 : i32 to index
        %get3A_961 = arith.constant 32 : index
        %get3A_962 = tpu.vector_load %arg11[%get3A_960, %get3A_961] {strides = array<i32>} : memref<16x128xf32, #tpu.memory_space<vmem>>, vector<16xf32>,
        %max3A_963 = arith.maximumf %gather3A_958, %get3A_962 : vector<16xf32>
        tpu.vector_store_idx %arg6[%add3A_957], %max3A_963 : memref<40192xf32, #tpu.memory_space<vmem>>[vector<16xi32>], vector<16xf32>,
        %add3A_964 = arith.constant 48 : i32
        %add3A_965 = vector.broadcast %add3A_964 : i32 to vector<16xi32>
        %add3A_966 = arith.addi %iota3A, %add3A_965 : vector<16xi32>
        %add3A_967 = arith.addi %mul3A_933, %add3A_966 : vector<16xi32>
        %gather3A_968 = tpu.vector_load_idx %arg6[%add3A_967] : memref<40192xf32, #tpu.memory_space<vmem>>[vector<16xi32>], vector<16xf32>,
        %get3A_969 = arith.constant 6 : i32
        %get3A_970 = arith.index_cast %get3A_969 : i32 to index
        %get3A_971 = arith.constant 48 : index
        %get3A_972 = tpu.vector_load %arg11[%get3A_970, %get3A_971] {strides = array<i32>} : memref<16x128xf32, #tpu.memory_space<vmem>>, vector<16xf32>,
        %max3A_973 = arith.maximumf %gather3A_968, %get3A_972 : vector<16xf32>
        tpu.vector_store_idx %arg6[%add3A_967], %max3A_973 : memref<40192xf32, #tpu.memory_space<vmem>>[vector<16xi32>], vector<16xf32>,
        %add3A_974 = arith.constant 64 : i32
        %add3A_975 = vector.broadcast %add3A_974 : i32 to vector<16xi32>
        %add3A_976 = arith.addi %iota3A, %add3A_975 : vector<16xi32>
        %add3A_977 = arith.addi %mul3A_933, %add3A_976 : vector<16xi32>
        %gather3A_978 = tpu.vector_load_idx %arg6[%add3A_977] : memref<40192xf32, #tpu.memory_space<vmem>>[vector<16xi32>], vector<16xf32>,
        %get3A_979 = arith.constant 6 : i32
        %get3A_980 = arith.index_cast %get3A_979 : i32 to index
        %get3A_981 = arith.constant 64 : index
        %get3A_982 = tpu.vector_load %arg11[%get3A_980, %get3A_981] {strides = array<i32>} : memref<16x128xf32, #tpu.memory_space<vmem>>, vector<16xf32>,
        %max3A_983 = arith.maximumf %gather3A_978, %get3A_982 : vector<16xf32>
        tpu.vector_store_idx %arg6[%add3A_977], %max3A_983 : memref<40192xf32, #tpu.memory_space<vmem>>[vector<16xi32>], vector<16xf32>,
        %add3A_984 = arith.constant 80 : i32
        %add3A_985 = vector.broadcast %add3A_984 : i32 to vector<16xi32>
        %add3A_986 = arith.addi %iota3A, %add3A_985 : vector<16xi32>
        %add3A_987 = arith.addi %mul3A_933, %add3A_986 : vector<16xi32>
        %gather3A_988 = tpu.vector_load_idx %arg6[%add3A_987] : memref<40192xf32, #tpu.memory_space<vmem>>[vector<16xi32>], vector<16xf32>,
        %get3A_989 = arith.constant 6 : i32
        %get3A_990 = arith.index_cast %get3A_989 : i32 to index
        %get3A_991 = arith.constant 80 : index
        %get3A_992 = tpu.vector_load %arg11[%get3A_990, %get3A_991] {strides = array<i32>} : memref<16x128xf32, #tpu.memory_space<vmem>>, vector<16xf32>,
        %max3A_993 = arith.maximumf %gather3A_988, %get3A_992 : vector<16xf32>
        tpu.vector_store_idx %arg6[%add3A_987], %max3A_993 : memref<40192xf32, #tpu.memory_space<vmem>>[vector<16xi32>], vector<16xf32>,
        %add3A_994 = arith.constant 96 : i32
        %add3A_995 = vector.broadcast %add3A_994 : i32 to vector<16xi32>
        %add3A_996 = arith.addi %iota3A, %add3A_995 : vector<16xi32>
        %add3A_997 = arith.addi %mul3A_933, %add3A_996 : vector<16xi32>
        %gather3A_998 = tpu.vector_load_idx %arg6[%add3A_997] : memref<40192xf32, #tpu.memory_space<vmem>>[vector<16xi32>], vector<16xf32>,
        %get3A_999 = arith.constant 6 : i32
        %get3A_1000 = arith.index_cast %get3A_999 : i32 to index
        %get3A_1001 = arith.constant 96 : index
        %get3A_1002 = tpu.vector_load %arg11[%get3A_1000, %get3A_1001] {strides = array<i32>} : memref<16x128xf32, #tpu.memory_space<vmem>>, vector<16xf32>,
        %max3A_1003 = arith.maximumf %gather3A_998, %get3A_1002 : vector<16xf32>
        tpu.vector_store_idx %arg6[%add3A_997], %max3A_1003 : memref<40192xf32, #tpu.memory_space<vmem>>[vector<16xi32>], vector<16xf32>,
        %add3A_1004 = arith.constant 112 : i32
        %add3A_1005 = vector.broadcast %add3A_1004 : i32 to vector<16xi32>
        %add3A_1006 = arith.addi %iota3A, %add3A_1005 : vector<16xi32>
        %add3A_1007 = arith.addi %mul3A_933, %add3A_1006 : vector<16xi32>
        %gather3A_1008 = tpu.vector_load_idx %arg6[%add3A_1007] : memref<40192xf32, #tpu.memory_space<vmem>>[vector<16xi32>], vector<16xf32>,
        %get3A_1009 = arith.constant 6 : i32
        %get3A_1010 = arith.index_cast %get3A_1009 : i32 to index
        %get3A_1011 = arith.constant 112 : index
        %get3A_1012 = tpu.vector_load %arg11[%get3A_1010, %get3A_1011] {strides = array<i32>} : memref<16x128xf32, #tpu.memory_space<vmem>>, vector<16xf32>,
        %max3A_1013 = arith.maximumf %gather3A_1008, %get3A_1012 : vector<16xf32>
        tpu.vector_store_idx %arg6[%add3A_1007], %max3A_1013 : memref<40192xf32, #tpu.memory_space<vmem>>[vector<16xi32>], vector<16xf32>,
        %mul3A_1014 = arith.constant 16 : i32
        %mul3A_1015 = arith.muli %while3A_385, %mul3A_1014 : i32
        %add3A_1016 = arith.constant 7 : i32
        %add3A_1017 = arith.addi %mul3A_1015, %add3A_1016 : i32
        %broadcast_in_dim3A_1018 = vector.broadcast %add3A_1017 : i32 to vector<16xi32>
        %gather3A_1019 = tpu.vector_load_idx %arg9[%broadcast_in_dim3A_1018] : memref<1296xi32, #tpu.memory_space<vmem>>[vector<16xi32>], vector<16xi32>,
        %mul3A_1020 = arith.constant 128 : i32
        %mul3A_1021 = vector.broadcast %mul3A_1020 : i32 to vector<16xi32>
        %mul3A_1022 = arith.muli %gather3A_1019, %mul3A_1021 : vector<16xi32>
        %add3A_1023 = arith.constant 0 : i32
        %add3A_1024 = vector.broadcast %add3A_1023 : i32 to vector<16xi32>
        %add3A_1025 = arith.addi %iota3A, %add3A_1024 : vector<16xi32>
        %add3A_1026 = arith.addi %mul3A_1022, %add3A_1025 : vector<16xi32>
        %gather3A_1027 = tpu.vector_load_idx %arg6[%add3A_1026] : memref<40192xf32, #tpu.memory_space<vmem>>[vector<16xi32>], vector<16xf32>,
        %get3A_1028 = arith.constant 7 : i32
        %get3A_1029 = arith.index_cast %get3A_1028 : i32 to index
        %get3A_1030 = arith.constant 0 : index
        %get3A_1031 = tpu.vector_load %arg11[%get3A_1029, %get3A_1030] {strides = array<i32>} : memref<16x128xf32, #tpu.memory_space<vmem>>, vector<16xf32>,
        %max3A_1032 = arith.maximumf %gather3A_1027, %get3A_1031 : vector<16xf32>
        tpu.vector_store_idx %arg6[%add3A_1026], %max3A_1032 : memref<40192xf32, #tpu.memory_space<vmem>>[vector<16xi32>], vector<16xf32>,
        %add3A_1033 = arith.constant 16 : i32
        %add3A_1034 = vector.broadcast %add3A_1033 : i32 to vector<16xi32>
        %add3A_1035 = arith.addi %iota3A, %add3A_1034 : vector<16xi32>
        %add3A_1036 = arith.addi %mul3A_1022, %add3A_1035 : vector<16xi32>
        %gather3A_1037 = tpu.vector_load_idx %arg6[%add3A_1036] : memref<40192xf32, #tpu.memory_space<vmem>>[vector<16xi32>], vector<16xf32>,
        %get3A_1038 = arith.constant 7 : i32
        %get3A_1039 = arith.index_cast %get3A_1038 : i32 to index
        %get3A_1040 = arith.constant 16 : index
        %get3A_1041 = tpu.vector_load %arg11[%get3A_1039, %get3A_1040] {strides = array<i32>} : memref<16x128xf32, #tpu.memory_space<vmem>>, vector<16xf32>,
        %max3A_1042 = arith.maximumf %gather3A_1037, %get3A_1041 : vector<16xf32>
        tpu.vector_store_idx %arg6[%add3A_1036], %max3A_1042 : memref<40192xf32, #tpu.memory_space<vmem>>[vector<16xi32>], vector<16xf32>,
        %add3A_1043 = arith.constant 32 : i32
        %add3A_1044 = vector.broadcast %add3A_1043 : i32 to vector<16xi32>
        %add3A_1045 = arith.addi %iota3A, %add3A_1044 : vector<16xi32>
        %add3A_1046 = arith.addi %mul3A_1022, %add3A_1045 : vector<16xi32>
        %gather3A_1047 = tpu.vector_load_idx %arg6[%add3A_1046] : memref<40192xf32, #tpu.memory_space<vmem>>[vector<16xi32>], vector<16xf32>,
        %get3A_1048 = arith.constant 7 : i32
        %get3A_1049 = arith.index_cast %get3A_1048 : i32 to index
        %get3A_1050 = arith.constant 32 : index
        %get3A_1051 = tpu.vector_load %arg11[%get3A_1049, %get3A_1050] {strides = array<i32>} : memref<16x128xf32, #tpu.memory_space<vmem>>, vector<16xf32>,
        %max3A_1052 = arith.maximumf %gather3A_1047, %get3A_1051 : vector<16xf32>
        tpu.vector_store_idx %arg6[%add3A_1046], %max3A_1052 : memref<40192xf32, #tpu.memory_space<vmem>>[vector<16xi32>], vector<16xf32>,
        %add3A_1053 = arith.constant 48 : i32
        %add3A_1054 = vector.broadcast %add3A_1053 : i32 to vector<16xi32>
        %add3A_1055 = arith.addi %iota3A, %add3A_1054 : vector<16xi32>
        %add3A_1056 = arith.addi %mul3A_1022, %add3A_1055 : vector<16xi32>
        %gather3A_1057 = tpu.vector_load_idx %arg6[%add3A_1056] : memref<40192xf32, #tpu.memory_space<vmem>>[vector<16xi32>], vector<16xf32>,
        %get3A_1058 = arith.constant 7 : i32
        %get3A_1059 = arith.index_cast %get3A_1058 : i32 to index
        %get3A_1060 = arith.constant 48 : index
        %get3A_1061 = tpu.vector_load %arg11[%get3A_1059, %get3A_1060] {strides = array<i32>} : memref<16x128xf32, #tpu.memory_space<vmem>>, vector<16xf32>,
        %max3A_1062 = arith.maximumf %gather3A_1057, %get3A_1061 : vector<16xf32>
        tpu.vector_store_idx %arg6[%add3A_1056], %max3A_1062 : memref<40192xf32, #tpu.memory_space<vmem>>[vector<16xi32>], vector<16xf32>,
        %add3A_1063 = arith.constant 64 : i32
        %add3A_1064 = vector.broadcast %add3A_1063 : i32 to vector<16xi32>
        %add3A_1065 = arith.addi %iota3A, %add3A_1064 : vector<16xi32>
        %add3A_1066 = arith.addi %mul3A_1022, %add3A_1065 : vector<16xi32>
        %gather3A_1067 = tpu.vector_load_idx %arg6[%add3A_1066] : memref<40192xf32, #tpu.memory_space<vmem>>[vector<16xi32>], vector<16xf32>,
        %get3A_1068 = arith.constant 7 : i32
        %get3A_1069 = arith.index_cast %get3A_1068 : i32 to index
        %get3A_1070 = arith.constant 64 : index
        %get3A_1071 = tpu.vector_load %arg11[%get3A_1069, %get3A_1070] {strides = array<i32>} : memref<16x128xf32, #tpu.memory_space<vmem>>, vector<16xf32>,
        %max3A_1072 = arith.maximumf %gather3A_1067, %get3A_1071 : vector<16xf32>
        tpu.vector_store_idx %arg6[%add3A_1066], %max3A_1072 : memref<40192xf32, #tpu.memory_space<vmem>>[vector<16xi32>], vector<16xf32>,
        %add3A_1073 = arith.constant 80 : i32
        %add3A_1074 = vector.broadcast %add3A_1073 : i32 to vector<16xi32>
        %add3A_1075 = arith.addi %iota3A, %add3A_1074 : vector<16xi32>
        %add3A_1076 = arith.addi %mul3A_1022, %add3A_1075 : vector<16xi32>
        %gather3A_1077 = tpu.vector_load_idx %arg6[%add3A_1076] : memref<40192xf32, #tpu.memory_space<vmem>>[vector<16xi32>], vector<16xf32>,
        %get3A_1078 = arith.constant 7 : i32
        %get3A_1079 = arith.index_cast %get3A_1078 : i32 to index
        %get3A_1080 = arith.constant 80 : index
        %get3A_1081 = tpu.vector_load %arg11[%get3A_1079, %get3A_1080] {strides = array<i32>} : memref<16x128xf32, #tpu.memory_space<vmem>>, vector<16xf32>,
        %max3A_1082 = arith.maximumf %gather3A_1077, %get3A_1081 : vector<16xf32>
        tpu.vector_store_idx %arg6[%add3A_1076], %max3A_1082 : memref<40192xf32, #tpu.memory_space<vmem>>[vector<16xi32>], vector<16xf32>,
        %add3A_1083 = arith.constant 96 : i32
        %add3A_1084 = vector.broadcast %add3A_1083 : i32 to vector<16xi32>
        %add3A_1085 = arith.addi %iota3A, %add3A_1084 : vector<16xi32>
        %add3A_1086 = arith.addi %mul3A_1022, %add3A_1085 : vector<16xi32>
        %gather3A_1087 = tpu.vector_load_idx %arg6[%add3A_1086] : memref<40192xf32, #tpu.memory_space<vmem>>[vector<16xi32>], vector<16xf32>,
        %get3A_1088 = arith.constant 7 : i32
        %get3A_1089 = arith.index_cast %get3A_1088 : i32 to index
        %get3A_1090 = arith.constant 96 : index
        %get3A_1091 = tpu.vector_load %arg11[%get3A_1089, %get3A_1090] {strides = array<i32>} : memref<16x128xf32, #tpu.memory_space<vmem>>, vector<16xf32>,
        %max3A_1092 = arith.maximumf %gather3A_1087, %get3A_1091 : vector<16xf32>
        tpu.vector_store_idx %arg6[%add3A_1086], %max3A_1092 : memref<40192xf32, #tpu.memory_space<vmem>>[vector<16xi32>], vector<16xf32>,
        %add3A_1093 = arith.constant 112 : i32
        %add3A_1094 = vector.broadcast %add3A_1093 : i32 to vector<16xi32>
        %add3A_1095 = arith.addi %iota3A, %add3A_1094 : vector<16xi32>
        %add3A_1096 = arith.addi %mul3A_1022, %add3A_1095 : vector<16xi32>
        %gather3A_1097 = tpu.vector_load_idx %arg6[%add3A_1096] : memref<40192xf32, #tpu.memory_space<vmem>>[vector<16xi32>], vector<16xf32>,
        %get3A_1098 = arith.constant 7 : i32
        %get3A_1099 = arith.index_cast %get3A_1098 : i32 to index
        %get3A_1100 = arith.constant 112 : index
        %get3A_1101 = tpu.vector_load %arg11[%get3A_1099, %get3A_1100] {strides = array<i32>} : memref<16x128xf32, #tpu.memory_space<vmem>>, vector<16xf32>,
        %max3A_1102 = arith.maximumf %gather3A_1097, %get3A_1101 : vector<16xf32>
        tpu.vector_store_idx %arg6[%add3A_1096], %max3A_1102 : memref<40192xf32, #tpu.memory_space<vmem>>[vector<16xi32>], vector<16xf32>,
        %mul3A_1103 = arith.constant 16 : i32
        %mul3A_1104 = arith.muli %while3A_385, %mul3A_1103 : i32
        %add3A_1105 = arith.constant 8 : i32
        %add3A_1106 = arith.addi %mul3A_1104, %add3A_1105 : i32
        %broadcast_in_dim3A_1107 = vector.broadcast %add3A_1106 : i32 to vector<16xi32>
        %gather3A_1108 = tpu.vector_load_idx %arg9[%broadcast_in_dim3A_1107] : memref<1296xi32, #tpu.memory_space<vmem>>[vector<16xi32>], vector<16xi32>,
        %mul3A_1109 = arith.constant 128 : i32
        %mul3A_1110 = vector.broadcast %mul3A_1109 : i32 to vector<16xi32>
        %mul3A_1111 = arith.muli %gather3A_1108, %mul3A_1110 : vector<16xi32>
        %add3A_1112 = arith.constant 0 : i32
        %add3A_1113 = vector.broadcast %add3A_1112 : i32 to vector<16xi32>
        %add3A_1114 = arith.addi %iota3A, %add3A_1113 : vector<16xi32>
        %add3A_1115 = arith.addi %mul3A_1111, %add3A_1114 : vector<16xi32>
        %gather3A_1116 = tpu.vector_load_idx %arg6[%add3A_1115] : memref<40192xf32, #tpu.memory_space<vmem>>[vector<16xi32>], vector<16xf32>,
        %get3A_1117 = arith.constant 8 : i32
        %get3A_1118 = arith.index_cast %get3A_1117 : i32 to index
        %get3A_1119 = arith.constant 0 : index
        %get3A_1120 = tpu.vector_load %arg11[%get3A_1118, %get3A_1119] {strides = array<i32>} : memref<16x128xf32, #tpu.memory_space<vmem>>, vector<16xf32>,
        %max3A_1121 = arith.maximumf %gather3A_1116, %get3A_1120 : vector<16xf32>
        tpu.vector_store_idx %arg6[%add3A_1115], %max3A_1121 : memref<40192xf32, #tpu.memory_space<vmem>>[vector<16xi32>], vector<16xf32>,
        %add3A_1122 = arith.constant 16 : i32
        %add3A_1123 = vector.broadcast %add3A_1122 : i32 to vector<16xi32>
        %add3A_1124 = arith.addi %iota3A, %add3A_1123 : vector<16xi32>
        %add3A_1125 = arith.addi %mul3A_1111, %add3A_1124 : vector<16xi32>
        %gather3A_1126 = tpu.vector_load_idx %arg6[%add3A_1125] : memref<40192xf32, #tpu.memory_space<vmem>>[vector<16xi32>], vector<16xf32>,
        %get3A_1127 = arith.constant 8 : i32
        %get3A_1128 = arith.index_cast %get3A_1127 : i32 to index
        %get3A_1129 = arith.constant 16 : index
        %get3A_1130 = tpu.vector_load %arg11[%get3A_1128, %get3A_1129] {strides = array<i32>} : memref<16x128xf32, #tpu.memory_space<vmem>>, vector<16xf32>,
        %max3A_1131 = arith.maximumf %gather3A_1126, %get3A_1130 : vector<16xf32>
        tpu.vector_store_idx %arg6[%add3A_1125], %max3A_1131 : memref<40192xf32, #tpu.memory_space<vmem>>[vector<16xi32>], vector<16xf32>,
        %add3A_1132 = arith.constant 32 : i32
        %add3A_1133 = vector.broadcast %add3A_1132 : i32 to vector<16xi32>
        %add3A_1134 = arith.addi %iota3A, %add3A_1133 : vector<16xi32>
        %add3A_1135 = arith.addi %mul3A_1111, %add3A_1134 : vector<16xi32>
        %gather3A_1136 = tpu.vector_load_idx %arg6[%add3A_1135] : memref<40192xf32, #tpu.memory_space<vmem>>[vector<16xi32>], vector<16xf32>,
        %get3A_1137 = arith.constant 8 : i32
        %get3A_1138 = arith.index_cast %get3A_1137 : i32 to index
        %get3A_1139 = arith.constant 32 : index
        %get3A_1140 = tpu.vector_load %arg11[%get3A_1138, %get3A_1139] {strides = array<i32>} : memref<16x128xf32, #tpu.memory_space<vmem>>, vector<16xf32>,
        %max3A_1141 = arith.maximumf %gather3A_1136, %get3A_1140 : vector<16xf32>
        tpu.vector_store_idx %arg6[%add3A_1135], %max3A_1141 : memref<40192xf32, #tpu.memory_space<vmem>>[vector<16xi32>], vector<16xf32>,
        %add3A_1142 = arith.constant 48 : i32
        %add3A_1143 = vector.broadcast %add3A_1142 : i32 to vector<16xi32>
        %add3A_1144 = arith.addi %iota3A, %add3A_1143 : vector<16xi32>
        %add3A_1145 = arith.addi %mul3A_1111, %add3A_1144 : vector<16xi32>
        %gather3A_1146 = tpu.vector_load_idx %arg6[%add3A_1145] : memref<40192xf32, #tpu.memory_space<vmem>>[vector<16xi32>], vector<16xf32>,
        %get3A_1147 = arith.constant 8 : i32
        %get3A_1148 = arith.index_cast %get3A_1147 : i32 to index
        %get3A_1149 = arith.constant 48 : index
        %get3A_1150 = tpu.vector_load %arg11[%get3A_1148, %get3A_1149] {strides = array<i32>} : memref<16x128xf32, #tpu.memory_space<vmem>>, vector<16xf32>,
        %max3A_1151 = arith.maximumf %gather3A_1146, %get3A_1150 : vector<16xf32>
        tpu.vector_store_idx %arg6[%add3A_1145], %max3A_1151 : memref<40192xf32, #tpu.memory_space<vmem>>[vector<16xi32>], vector<16xf32>,
        %add3A_1152 = arith.constant 64 : i32
        %add3A_1153 = vector.broadcast %add3A_1152 : i32 to vector<16xi32>
        %add3A_1154 = arith.addi %iota3A, %add3A_1153 : vector<16xi32>
        %add3A_1155 = arith.addi %mul3A_1111, %add3A_1154 : vector<16xi32>
        %gather3A_1156 = tpu.vector_load_idx %arg6[%add3A_1155] : memref<40192xf32, #tpu.memory_space<vmem>>[vector<16xi32>], vector<16xf32>,
        %get3A_1157 = arith.constant 8 : i32
        %get3A_1158 = arith.index_cast %get3A_1157 : i32 to index
        %get3A_1159 = arith.constant 64 : index
        %get3A_1160 = tpu.vector_load %arg11[%get3A_1158, %get3A_1159] {strides = array<i32>} : memref<16x128xf32, #tpu.memory_space<vmem>>, vector<16xf32>,
        %max3A_1161 = arith.maximumf %gather3A_1156, %get3A_1160 : vector<16xf32>
        tpu.vector_store_idx %arg6[%add3A_1155], %max3A_1161 : memref<40192xf32, #tpu.memory_space<vmem>>[vector<16xi32>], vector<16xf32>,
        %add3A_1162 = arith.constant 80 : i32
        %add3A_1163 = vector.broadcast %add3A_1162 : i32 to vector<16xi32>
        %add3A_1164 = arith.addi %iota3A, %add3A_1163 : vector<16xi32>
        %add3A_1165 = arith.addi %mul3A_1111, %add3A_1164 : vector<16xi32>
        %gather3A_1166 = tpu.vector_load_idx %arg6[%add3A_1165] : memref<40192xf32, #tpu.memory_space<vmem>>[vector<16xi32>], vector<16xf32>,
        %get3A_1167 = arith.constant 8 : i32
        %get3A_1168 = arith.index_cast %get3A_1167 : i32 to index
        %get3A_1169 = arith.constant 80 : index
        %get3A_1170 = tpu.vector_load %arg11[%get3A_1168, %get3A_1169] {strides = array<i32>} : memref<16x128xf32, #tpu.memory_space<vmem>>, vector<16xf32>,
        %max3A_1171 = arith.maximumf %gather3A_1166, %get3A_1170 : vector<16xf32>
        tpu.vector_store_idx %arg6[%add3A_1165], %max3A_1171 : memref<40192xf32, #tpu.memory_space<vmem>>[vector<16xi32>], vector<16xf32>,
        %add3A_1172 = arith.constant 96 : i32
        %add3A_1173 = vector.broadcast %add3A_1172 : i32 to vector<16xi32>
        %add3A_1174 = arith.addi %iota3A, %add3A_1173 : vector<16xi32>
        %add3A_1175 = arith.addi %mul3A_1111, %add3A_1174 : vector<16xi32>
        %gather3A_1176 = tpu.vector_load_idx %arg6[%add3A_1175] : memref<40192xf32, #tpu.memory_space<vmem>>[vector<16xi32>], vector<16xf32>,
        %get3A_1177 = arith.constant 8 : i32
        %get3A_1178 = arith.index_cast %get3A_1177 : i32 to index
        %get3A_1179 = arith.constant 96 : index
        %get3A_1180 = tpu.vector_load %arg11[%get3A_1178, %get3A_1179] {strides = array<i32>} : memref<16x128xf32, #tpu.memory_space<vmem>>, vector<16xf32>,
        %max3A_1181 = arith.maximumf %gather3A_1176, %get3A_1180 : vector<16xf32>
        tpu.vector_store_idx %arg6[%add3A_1175], %max3A_1181 : memref<40192xf32, #tpu.memory_space<vmem>>[vector<16xi32>], vector<16xf32>,
        %add3A_1182 = arith.constant 112 : i32
        %add3A_1183 = vector.broadcast %add3A_1182 : i32 to vector<16xi32>
        %add3A_1184 = arith.addi %iota3A, %add3A_1183 : vector<16xi32>
        %add3A_1185 = arith.addi %mul3A_1111, %add3A_1184 : vector<16xi32>
        %gather3A_1186 = tpu.vector_load_idx %arg6[%add3A_1185] : memref<40192xf32, #tpu.memory_space<vmem>>[vector<16xi32>], vector<16xf32>,
        %get3A_1187 = arith.constant 8 : i32
        %get3A_1188 = arith.index_cast %get3A_1187 : i32 to index
        %get3A_1189 = arith.constant 112 : index
        %get3A_1190 = tpu.vector_load %arg11[%get3A_1188, %get3A_1189] {strides = array<i32>} : memref<16x128xf32, #tpu.memory_space<vmem>>, vector<16xf32>,
        %max3A_1191 = arith.maximumf %gather3A_1186, %get3A_1190 : vector<16xf32>
        tpu.vector_store_idx %arg6[%add3A_1185], %max3A_1191 : memref<40192xf32, #tpu.memory_space<vmem>>[vector<16xi32>], vector<16xf32>,
        %mul3A_1192 = arith.constant 16 : i32
        %mul3A_1193 = arith.muli %while3A_385, %mul3A_1192 : i32
        %add3A_1194 = arith.constant 9 : i32
        %add3A_1195 = arith.addi %mul3A_1193, %add3A_1194 : i32
        %broadcast_in_dim3A_1196 = vector.broadcast %add3A_1195 : i32 to vector<16xi32>
        %gather3A_1197 = tpu.vector_load_idx %arg9[%broadcast_in_dim3A_1196] : memref<1296xi32, #tpu.memory_space<vmem>>[vector<16xi32>], vector<16xi32>,
        %mul3A_1198 = arith.constant 128 : i32
        %mul3A_1199 = vector.broadcast %mul3A_1198 : i32 to vector<16xi32>
        %mul3A_1200 = arith.muli %gather3A_1197, %mul3A_1199 : vector<16xi32>
        %add3A_1201 = arith.constant 0 : i32
        %add3A_1202 = vector.broadcast %add3A_1201 : i32 to vector<16xi32>
        %add3A_1203 = arith.addi %iota3A, %add3A_1202 : vector<16xi32>
        %add3A_1204 = arith.addi %mul3A_1200, %add3A_1203 : vector<16xi32>
        %gather3A_1205 = tpu.vector_load_idx %arg6[%add3A_1204] : memref<40192xf32, #tpu.memory_space<vmem>>[vector<16xi32>], vector<16xf32>,
        %get3A_1206 = arith.constant 9 : i32
        %get3A_1207 = arith.index_cast %get3A_1206 : i32 to index
        %get3A_1208 = arith.constant 0 : index
        %get3A_1209 = tpu.vector_load %arg11[%get3A_1207, %get3A_1208] {strides = array<i32>} : memref<16x128xf32, #tpu.memory_space<vmem>>, vector<16xf32>,
        %max3A_1210 = arith.maximumf %gather3A_1205, %get3A_1209 : vector<16xf32>
        tpu.vector_store_idx %arg6[%add3A_1204], %max3A_1210 : memref<40192xf32, #tpu.memory_space<vmem>>[vector<16xi32>], vector<16xf32>,
        %add3A_1211 = arith.constant 16 : i32
        %add3A_1212 = vector.broadcast %add3A_1211 : i32 to vector<16xi32>
        %add3A_1213 = arith.addi %iota3A, %add3A_1212 : vector<16xi32>
        %add3A_1214 = arith.addi %mul3A_1200, %add3A_1213 : vector<16xi32>
        %gather3A_1215 = tpu.vector_load_idx %arg6[%add3A_1214] : memref<40192xf32, #tpu.memory_space<vmem>>[vector<16xi32>], vector<16xf32>,
        %get3A_1216 = arith.constant 9 : i32
        %get3A_1217 = arith.index_cast %get3A_1216 : i32 to index
        %get3A_1218 = arith.constant 16 : index
        %get3A_1219 = tpu.vector_load %arg11[%get3A_1217, %get3A_1218] {strides = array<i32>} : memref<16x128xf32, #tpu.memory_space<vmem>>, vector<16xf32>,
        %max3A_1220 = arith.maximumf %gather3A_1215, %get3A_1219 : vector<16xf32>
        tpu.vector_store_idx %arg6[%add3A_1214], %max3A_1220 : memref<40192xf32, #tpu.memory_space<vmem>>[vector<16xi32>], vector<16xf32>,
        %add3A_1221 = arith.constant 32 : i32
        %add3A_1222 = vector.broadcast %add3A_1221 : i32 to vector<16xi32>
        %add3A_1223 = arith.addi %iota3A, %add3A_1222 : vector<16xi32>
        %add3A_1224 = arith.addi %mul3A_1200, %add3A_1223 : vector<16xi32>
        %gather3A_1225 = tpu.vector_load_idx %arg6[%add3A_1224] : memref<40192xf32, #tpu.memory_space<vmem>>[vector<16xi32>], vector<16xf32>,
        %get3A_1226 = arith.constant 9 : i32
        %get3A_1227 = arith.index_cast %get3A_1226 : i32 to index
        %get3A_1228 = arith.constant 32 : index
        %get3A_1229 = tpu.vector_load %arg11[%get3A_1227, %get3A_1228] {strides = array<i32>} : memref<16x128xf32, #tpu.memory_space<vmem>>, vector<16xf32>,
        %max3A_1230 = arith.maximumf %gather3A_1225, %get3A_1229 : vector<16xf32>
        tpu.vector_store_idx %arg6[%add3A_1224], %max3A_1230 : memref<40192xf32, #tpu.memory_space<vmem>>[vector<16xi32>], vector<16xf32>,
        %add3A_1231 = arith.constant 48 : i32
        %add3A_1232 = vector.broadcast %add3A_1231 : i32 to vector<16xi32>
        %add3A_1233 = arith.addi %iota3A, %add3A_1232 : vector<16xi32>
        %add3A_1234 = arith.addi %mul3A_1200, %add3A_1233 : vector<16xi32>
        %gather3A_1235 = tpu.vector_load_idx %arg6[%add3A_1234] : memref<40192xf32, #tpu.memory_space<vmem>>[vector<16xi32>], vector<16xf32>,
        %get3A_1236 = arith.constant 9 : i32
        %get3A_1237 = arith.index_cast %get3A_1236 : i32 to index
        %get3A_1238 = arith.constant 48 : index
        %get3A_1239 = tpu.vector_load %arg11[%get3A_1237, %get3A_1238] {strides = array<i32>} : memref<16x128xf32, #tpu.memory_space<vmem>>, vector<16xf32>,
        %max3A_1240 = arith.maximumf %gather3A_1235, %get3A_1239 : vector<16xf32>
        tpu.vector_store_idx %arg6[%add3A_1234], %max3A_1240 : memref<40192xf32, #tpu.memory_space<vmem>>[vector<16xi32>], vector<16xf32>,
        %add3A_1241 = arith.constant 64 : i32
        %add3A_1242 = vector.broadcast %add3A_1241 : i32 to vector<16xi32>
        %add3A_1243 = arith.addi %iota3A, %add3A_1242 : vector<16xi32>
        %add3A_1244 = arith.addi %mul3A_1200, %add3A_1243 : vector<16xi32>
        %gather3A_1245 = tpu.vector_load_idx %arg6[%add3A_1244] : memref<40192xf32, #tpu.memory_space<vmem>>[vector<16xi32>], vector<16xf32>,
        %get3A_1246 = arith.constant 9 : i32
        %get3A_1247 = arith.index_cast %get3A_1246 : i32 to index
        %get3A_1248 = arith.constant 64 : index
        %get3A_1249 = tpu.vector_load %arg11[%get3A_1247, %get3A_1248] {strides = array<i32>} : memref<16x128xf32, #tpu.memory_space<vmem>>, vector<16xf32>,
        %max3A_1250 = arith.maximumf %gather3A_1245, %get3A_1249 : vector<16xf32>
        tpu.vector_store_idx %arg6[%add3A_1244], %max3A_1250 : memref<40192xf32, #tpu.memory_space<vmem>>[vector<16xi32>], vector<16xf32>,
        %add3A_1251 = arith.constant 80 : i32
        %add3A_1252 = vector.broadcast %add3A_1251 : i32 to vector<16xi32>
        %add3A_1253 = arith.addi %iota3A, %add3A_1252 : vector<16xi32>
        %add3A_1254 = arith.addi %mul3A_1200, %add3A_1253 : vector<16xi32>
        %gather3A_1255 = tpu.vector_load_idx %arg6[%add3A_1254] : memref<40192xf32, #tpu.memory_space<vmem>>[vector<16xi32>], vector<16xf32>,
        %get3A_1256 = arith.constant 9 : i32
        %get3A_1257 = arith.index_cast %get3A_1256 : i32 to index
        %get3A_1258 = arith.constant 80 : index
        %get3A_1259 = tpu.vector_load %arg11[%get3A_1257, %get3A_1258] {strides = array<i32>} : memref<16x128xf32, #tpu.memory_space<vmem>>, vector<16xf32>,
        %max3A_1260 = arith.maximumf %gather3A_1255, %get3A_1259 : vector<16xf32>
        tpu.vector_store_idx %arg6[%add3A_1254], %max3A_1260 : memref<40192xf32, #tpu.memory_space<vmem>>[vector<16xi32>], vector<16xf32>,
        %add3A_1261 = arith.constant 96 : i32
        %add3A_1262 = vector.broadcast %add3A_1261 : i32 to vector<16xi32>
        %add3A_1263 = arith.addi %iota3A, %add3A_1262 : vector<16xi32>
        %add3A_1264 = arith.addi %mul3A_1200, %add3A_1263 : vector<16xi32>
        %gather3A_1265 = tpu.vector_load_idx %arg6[%add3A_1264] : memref<40192xf32, #tpu.memory_space<vmem>>[vector<16xi32>], vector<16xf32>,
        %get3A_1266 = arith.constant 9 : i32
        %get3A_1267 = arith.index_cast %get3A_1266 : i32 to index
        %get3A_1268 = arith.constant 96 : index
        %get3A_1269 = tpu.vector_load %arg11[%get3A_1267, %get3A_1268] {strides = array<i32>} : memref<16x128xf32, #tpu.memory_space<vmem>>, vector<16xf32>,
        %max3A_1270 = arith.maximumf %gather3A_1265, %get3A_1269 : vector<16xf32>
        tpu.vector_store_idx %arg6[%add3A_1264], %max3A_1270 : memref<40192xf32, #tpu.memory_space<vmem>>[vector<16xi32>], vector<16xf32>,
        %add3A_1271 = arith.constant 112 : i32
        %add3A_1272 = vector.broadcast %add3A_1271 : i32 to vector<16xi32>
        %add3A_1273 = arith.addi %iota3A, %add3A_1272 : vector<16xi32>
        %add3A_1274 = arith.addi %mul3A_1200, %add3A_1273 : vector<16xi32>
        %gather3A_1275 = tpu.vector_load_idx %arg6[%add3A_1274] : memref<40192xf32, #tpu.memory_space<vmem>>[vector<16xi32>], vector<16xf32>,
        %get3A_1276 = arith.constant 9 : i32
        %get3A_1277 = arith.index_cast %get3A_1276 : i32 to index
        %get3A_1278 = arith.constant 112 : index
        %get3A_1279 = tpu.vector_load %arg11[%get3A_1277, %get3A_1278] {strides = array<i32>} : memref<16x128xf32, #tpu.memory_space<vmem>>, vector<16xf32>,
        %max3A_1280 = arith.maximumf %gather3A_1275, %get3A_1279 : vector<16xf32>
        tpu.vector_store_idx %arg6[%add3A_1274], %max3A_1280 : memref<40192xf32, #tpu.memory_space<vmem>>[vector<16xi32>], vector<16xf32>,
        %mul3A_1281 = arith.constant 16 : i32
        %mul3A_1282 = arith.muli %while3A_385, %mul3A_1281 : i32
        %add3A_1283 = arith.constant 10 : i32
        %add3A_1284 = arith.addi %mul3A_1282, %add3A_1283 : i32
        %broadcast_in_dim3A_1285 = vector.broadcast %add3A_1284 : i32 to vector<16xi32>
        %gather3A_1286 = tpu.vector_load_idx %arg9[%broadcast_in_dim3A_1285] : memref<1296xi32, #tpu.memory_space<vmem>>[vector<16xi32>], vector<16xi32>,
        %mul3A_1287 = arith.constant 128 : i32
        %mul3A_1288 = vector.broadcast %mul3A_1287 : i32 to vector<16xi32>
        %mul3A_1289 = arith.muli %gather3A_1286, %mul3A_1288 : vector<16xi32>
        %add3A_1290 = arith.constant 0 : i32
        %add3A_1291 = vector.broadcast %add3A_1290 : i32 to vector<16xi32>
        %add3A_1292 = arith.addi %iota3A, %add3A_1291 : vector<16xi32>
        %add3A_1293 = arith.addi %mul3A_1289, %add3A_1292 : vector<16xi32>
        %gather3A_1294 = tpu.vector_load_idx %arg6[%add3A_1293] : memref<40192xf32, #tpu.memory_space<vmem>>[vector<16xi32>], vector<16xf32>,
        %get3A_1295 = arith.constant 10 : i32
        %get3A_1296 = arith.index_cast %get3A_1295 : i32 to index
        %get3A_1297 = arith.constant 0 : index
        %get3A_1298 = tpu.vector_load %arg11[%get3A_1296, %get3A_1297] {strides = array<i32>} : memref<16x128xf32, #tpu.memory_space<vmem>>, vector<16xf32>,
        %max3A_1299 = arith.maximumf %gather3A_1294, %get3A_1298 : vector<16xf32>
        tpu.vector_store_idx %arg6[%add3A_1293], %max3A_1299 : memref<40192xf32, #tpu.memory_space<vmem>>[vector<16xi32>], vector<16xf32>,
        %add3A_1300 = arith.constant 16 : i32
        %add3A_1301 = vector.broadcast %add3A_1300 : i32 to vector<16xi32>
        %add3A_1302 = arith.addi %iota3A, %add3A_1301 : vector<16xi32>
        %add3A_1303 = arith.addi %mul3A_1289, %add3A_1302 : vector<16xi32>
        %gather3A_1304 = tpu.vector_load_idx %arg6[%add3A_1303] : memref<40192xf32, #tpu.memory_space<vmem>>[vector<16xi32>], vector<16xf32>,
        %get3A_1305 = arith.constant 10 : i32
        %get3A_1306 = arith.index_cast %get3A_1305 : i32 to index
        %get3A_1307 = arith.constant 16 : index
        %get3A_1308 = tpu.vector_load %arg11[%get3A_1306, %get3A_1307] {strides = array<i32>} : memref<16x128xf32, #tpu.memory_space<vmem>>, vector<16xf32>,
        %max3A_1309 = arith.maximumf %gather3A_1304, %get3A_1308 : vector<16xf32>
        tpu.vector_store_idx %arg6[%add3A_1303], %max3A_1309 : memref<40192xf32, #tpu.memory_space<vmem>>[vector<16xi32>], vector<16xf32>,
        %add3A_1310 = arith.constant 32 : i32
        %add3A_1311 = vector.broadcast %add3A_1310 : i32 to vector<16xi32>
        %add3A_1312 = arith.addi %iota3A, %add3A_1311 : vector<16xi32>
        %add3A_1313 = arith.addi %mul3A_1289, %add3A_1312 : vector<16xi32>
        %gather3A_1314 = tpu.vector_load_idx %arg6[%add3A_1313] : memref<40192xf32, #tpu.memory_space<vmem>>[vector<16xi32>], vector<16xf32>,
        %get3A_1315 = arith.constant 10 : i32
        %get3A_1316 = arith.index_cast %get3A_1315 : i32 to index
        %get3A_1317 = arith.constant 32 : index
        %get3A_1318 = tpu.vector_load %arg11[%get3A_1316, %get3A_1317] {strides = array<i32>} : memref<16x128xf32, #tpu.memory_space<vmem>>, vector<16xf32>,
        %max3A_1319 = arith.maximumf %gather3A_1314, %get3A_1318 : vector<16xf32>
        tpu.vector_store_idx %arg6[%add3A_1313], %max3A_1319 : memref<40192xf32, #tpu.memory_space<vmem>>[vector<16xi32>], vector<16xf32>,
        %add3A_1320 = arith.constant 48 : i32
        %add3A_1321 = vector.broadcast %add3A_1320 : i32 to vector<16xi32>
        %add3A_1322 = arith.addi %iota3A, %add3A_1321 : vector<16xi32>
        %add3A_1323 = arith.addi %mul3A_1289, %add3A_1322 : vector<16xi32>
        %gather3A_1324 = tpu.vector_load_idx %arg6[%add3A_1323] : memref<40192xf32, #tpu.memory_space<vmem>>[vector<16xi32>], vector<16xf32>,
        %get3A_1325 = arith.constant 10 : i32
        %get3A_1326 = arith.index_cast %get3A_1325 : i32 to index
        %get3A_1327 = arith.constant 48 : index
        %get3A_1328 = tpu.vector_load %arg11[%get3A_1326, %get3A_1327] {strides = array<i32>} : memref<16x128xf32, #tpu.memory_space<vmem>>, vector<16xf32>,
        %max3A_1329 = arith.maximumf %gather3A_1324, %get3A_1328 : vector<16xf32>
        tpu.vector_store_idx %arg6[%add3A_1323], %max3A_1329 : memref<40192xf32, #tpu.memory_space<vmem>>[vector<16xi32>], vector<16xf32>,
        %add3A_1330 = arith.constant 64 : i32
        %add3A_1331 = vector.broadcast %add3A_1330 : i32 to vector<16xi32>
        %add3A_1332 = arith.addi %iota3A, %add3A_1331 : vector<16xi32>
        %add3A_1333 = arith.addi %mul3A_1289, %add3A_1332 : vector<16xi32>
        %gather3A_1334 = tpu.vector_load_idx %arg6[%add3A_1333] : memref<40192xf32, #tpu.memory_space<vmem>>[vector<16xi32>], vector<16xf32>,
        %get3A_1335 = arith.constant 10 : i32
        %get3A_1336 = arith.index_cast %get3A_1335 : i32 to index
        %get3A_1337 = arith.constant 64 : index
        %get3A_1338 = tpu.vector_load %arg11[%get3A_1336, %get3A_1337] {strides = array<i32>} : memref<16x128xf32, #tpu.memory_space<vmem>>, vector<16xf32>,
        %max3A_1339 = arith.maximumf %gather3A_1334, %get3A_1338 : vector<16xf32>
        tpu.vector_store_idx %arg6[%add3A_1333], %max3A_1339 : memref<40192xf32, #tpu.memory_space<vmem>>[vector<16xi32>], vector<16xf32>,
        %add3A_1340 = arith.constant 80 : i32
        %add3A_1341 = vector.broadcast %add3A_1340 : i32 to vector<16xi32>
        %add3A_1342 = arith.addi %iota3A, %add3A_1341 : vector<16xi32>
        %add3A_1343 = arith.addi %mul3A_1289, %add3A_1342 : vector<16xi32>
        %gather3A_1344 = tpu.vector_load_idx %arg6[%add3A_1343] : memref<40192xf32, #tpu.memory_space<vmem>>[vector<16xi32>], vector<16xf32>,
        %get3A_1345 = arith.constant 10 : i32
        %get3A_1346 = arith.index_cast %get3A_1345 : i32 to index
        %get3A_1347 = arith.constant 80 : index
        %get3A_1348 = tpu.vector_load %arg11[%get3A_1346, %get3A_1347] {strides = array<i32>} : memref<16x128xf32, #tpu.memory_space<vmem>>, vector<16xf32>,
        %max3A_1349 = arith.maximumf %gather3A_1344, %get3A_1348 : vector<16xf32>
        tpu.vector_store_idx %arg6[%add3A_1343], %max3A_1349 : memref<40192xf32, #tpu.memory_space<vmem>>[vector<16xi32>], vector<16xf32>,
        %add3A_1350 = arith.constant 96 : i32
        %add3A_1351 = vector.broadcast %add3A_1350 : i32 to vector<16xi32>
        %add3A_1352 = arith.addi %iota3A, %add3A_1351 : vector<16xi32>
        %add3A_1353 = arith.addi %mul3A_1289, %add3A_1352 : vector<16xi32>
        %gather3A_1354 = tpu.vector_load_idx %arg6[%add3A_1353] : memref<40192xf32, #tpu.memory_space<vmem>>[vector<16xi32>], vector<16xf32>,
        %get3A_1355 = arith.constant 10 : i32
        %get3A_1356 = arith.index_cast %get3A_1355 : i32 to index
        %get3A_1357 = arith.constant 96 : index
        %get3A_1358 = tpu.vector_load %arg11[%get3A_1356, %get3A_1357] {strides = array<i32>} : memref<16x128xf32, #tpu.memory_space<vmem>>, vector<16xf32>,
        %max3A_1359 = arith.maximumf %gather3A_1354, %get3A_1358 : vector<16xf32>
        tpu.vector_store_idx %arg6[%add3A_1353], %max3A_1359 : memref<40192xf32, #tpu.memory_space<vmem>>[vector<16xi32>], vector<16xf32>,
        %add3A_1360 = arith.constant 112 : i32
        %add3A_1361 = vector.broadcast %add3A_1360 : i32 to vector<16xi32>
        %add3A_1362 = arith.addi %iota3A, %add3A_1361 : vector<16xi32>
        %add3A_1363 = arith.addi %mul3A_1289, %add3A_1362 : vector<16xi32>
        %gather3A_1364 = tpu.vector_load_idx %arg6[%add3A_1363] : memref<40192xf32, #tpu.memory_space<vmem>>[vector<16xi32>], vector<16xf32>,
        %get3A_1365 = arith.constant 10 : i32
        %get3A_1366 = arith.index_cast %get3A_1365 : i32 to index
        %get3A_1367 = arith.constant 112 : index
        %get3A_1368 = tpu.vector_load %arg11[%get3A_1366, %get3A_1367] {strides = array<i32>} : memref<16x128xf32, #tpu.memory_space<vmem>>, vector<16xf32>,
        %max3A_1369 = arith.maximumf %gather3A_1364, %get3A_1368 : vector<16xf32>
        tpu.vector_store_idx %arg6[%add3A_1363], %max3A_1369 : memref<40192xf32, #tpu.memory_space<vmem>>[vector<16xi32>], vector<16xf32>,
        %mul3A_1370 = arith.constant 16 : i32
        %mul3A_1371 = arith.muli %while3A_385, %mul3A_1370 : i32
        %add3A_1372 = arith.constant 11 : i32
        %add3A_1373 = arith.addi %mul3A_1371, %add3A_1372 : i32
        %broadcast_in_dim3A_1374 = vector.broadcast %add3A_1373 : i32 to vector<16xi32>
        %gather3A_1375 = tpu.vector_load_idx %arg9[%broadcast_in_dim3A_1374] : memref<1296xi32, #tpu.memory_space<vmem>>[vector<16xi32>], vector<16xi32>,
        %mul3A_1376 = arith.constant 128 : i32
        %mul3A_1377 = vector.broadcast %mul3A_1376 : i32 to vector<16xi32>
        %mul3A_1378 = arith.muli %gather3A_1375, %mul3A_1377 : vector<16xi32>
        %add3A_1379 = arith.constant 0 : i32
        %add3A_1380 = vector.broadcast %add3A_1379 : i32 to vector<16xi32>
        %add3A_1381 = arith.addi %iota3A, %add3A_1380 : vector<16xi32>
        %add3A_1382 = arith.addi %mul3A_1378, %add3A_1381 : vector<16xi32>
        %gather3A_1383 = tpu.vector_load_idx %arg6[%add3A_1382] : memref<40192xf32, #tpu.memory_space<vmem>>[vector<16xi32>], vector<16xf32>,
        %get3A_1384 = arith.constant 11 : i32
        %get3A_1385 = arith.index_cast %get3A_1384 : i32 to index
        %get3A_1386 = arith.constant 0 : index
        %get3A_1387 = tpu.vector_load %arg11[%get3A_1385, %get3A_1386] {strides = array<i32>} : memref<16x128xf32, #tpu.memory_space<vmem>>, vector<16xf32>,
        %max3A_1388 = arith.maximumf %gather3A_1383, %get3A_1387 : vector<16xf32>
        tpu.vector_store_idx %arg6[%add3A_1382], %max3A_1388 : memref<40192xf32, #tpu.memory_space<vmem>>[vector<16xi32>], vector<16xf32>,
        %add3A_1389 = arith.constant 16 : i32
        %add3A_1390 = vector.broadcast %add3A_1389 : i32 to vector<16xi32>
        %add3A_1391 = arith.addi %iota3A, %add3A_1390 : vector<16xi32>
        %add3A_1392 = arith.addi %mul3A_1378, %add3A_1391 : vector<16xi32>
        %gather3A_1393 = tpu.vector_load_idx %arg6[%add3A_1392] : memref<40192xf32, #tpu.memory_space<vmem>>[vector<16xi32>], vector<16xf32>,
        %get3A_1394 = arith.constant 11 : i32
        %get3A_1395 = arith.index_cast %get3A_1394 : i32 to index
        %get3A_1396 = arith.constant 16 : index
        %get3A_1397 = tpu.vector_load %arg11[%get3A_1395, %get3A_1396] {strides = array<i32>} : memref<16x128xf32, #tpu.memory_space<vmem>>, vector<16xf32>,
        %max3A_1398 = arith.maximumf %gather3A_1393, %get3A_1397 : vector<16xf32>
        tpu.vector_store_idx %arg6[%add3A_1392], %max3A_1398 : memref<40192xf32, #tpu.memory_space<vmem>>[vector<16xi32>], vector<16xf32>,
        %add3A_1399 = arith.constant 32 : i32
        %add3A_1400 = vector.broadcast %add3A_1399 : i32 to vector<16xi32>
        %add3A_1401 = arith.addi %iota3A, %add3A_1400 : vector<16xi32>
        %add3A_1402 = arith.addi %mul3A_1378, %add3A_1401 : vector<16xi32>
        %gather3A_1403 = tpu.vector_load_idx %arg6[%add3A_1402] : memref<40192xf32, #tpu.memory_space<vmem>>[vector<16xi32>], vector<16xf32>,
        %get3A_1404 = arith.constant 11 : i32
        %get3A_1405 = arith.index_cast %get3A_1404 : i32 to index
        %get3A_1406 = arith.constant 32 : index
        %get3A_1407 = tpu.vector_load %arg11[%get3A_1405, %get3A_1406] {strides = array<i32>} : memref<16x128xf32, #tpu.memory_space<vmem>>, vector<16xf32>,
        %max3A_1408 = arith.maximumf %gather3A_1403, %get3A_1407 : vector<16xf32>
        tpu.vector_store_idx %arg6[%add3A_1402], %max3A_1408 : memref<40192xf32, #tpu.memory_space<vmem>>[vector<16xi32>], vector<16xf32>,
        %add3A_1409 = arith.constant 48 : i32
        %add3A_1410 = vector.broadcast %add3A_1409 : i32 to vector<16xi32>
        %add3A_1411 = arith.addi %iota3A, %add3A_1410 : vector<16xi32>
        %add3A_1412 = arith.addi %mul3A_1378, %add3A_1411 : vector<16xi32>
        %gather3A_1413 = tpu.vector_load_idx %arg6[%add3A_1412] : memref<40192xf32, #tpu.memory_space<vmem>>[vector<16xi32>], vector<16xf32>,
        %get3A_1414 = arith.constant 11 : i32
        %get3A_1415 = arith.index_cast %get3A_1414 : i32 to index
        %get3A_1416 = arith.constant 48 : index
        %get3A_1417 = tpu.vector_load %arg11[%get3A_1415, %get3A_1416] {strides = array<i32>} : memref<16x128xf32, #tpu.memory_space<vmem>>, vector<16xf32>,
        %max3A_1418 = arith.maximumf %gather3A_1413, %get3A_1417 : vector<16xf32>
        tpu.vector_store_idx %arg6[%add3A_1412], %max3A_1418 : memref<40192xf32, #tpu.memory_space<vmem>>[vector<16xi32>], vector<16xf32>,
        %add3A_1419 = arith.constant 64 : i32
        %add3A_1420 = vector.broadcast %add3A_1419 : i32 to vector<16xi32>
        %add3A_1421 = arith.addi %iota3A, %add3A_1420 : vector<16xi32>
        %add3A_1422 = arith.addi %mul3A_1378, %add3A_1421 : vector<16xi32>
        %gather3A_1423 = tpu.vector_load_idx %arg6[%add3A_1422] : memref<40192xf32, #tpu.memory_space<vmem>>[vector<16xi32>], vector<16xf32>,
        %get3A_1424 = arith.constant 11 : i32
        %get3A_1425 = arith.index_cast %get3A_1424 : i32 to index
        %get3A_1426 = arith.constant 64 : index
        %get3A_1427 = tpu.vector_load %arg11[%get3A_1425, %get3A_1426] {strides = array<i32>} : memref<16x128xf32, #tpu.memory_space<vmem>>, vector<16xf32>,
        %max3A_1428 = arith.maximumf %gather3A_1423, %get3A_1427 : vector<16xf32>
        tpu.vector_store_idx %arg6[%add3A_1422], %max3A_1428 : memref<40192xf32, #tpu.memory_space<vmem>>[vector<16xi32>], vector<16xf32>,
        %add3A_1429 = arith.constant 80 : i32
        %add3A_1430 = vector.broadcast %add3A_1429 : i32 to vector<16xi32>
        %add3A_1431 = arith.addi %iota3A, %add3A_1430 : vector<16xi32>
        %add3A_1432 = arith.addi %mul3A_1378, %add3A_1431 : vector<16xi32>
        %gather3A_1433 = tpu.vector_load_idx %arg6[%add3A_1432] : memref<40192xf32, #tpu.memory_space<vmem>>[vector<16xi32>], vector<16xf32>,
        %get3A_1434 = arith.constant 11 : i32
        %get3A_1435 = arith.index_cast %get3A_1434 : i32 to index
        %get3A_1436 = arith.constant 80 : index
        %get3A_1437 = tpu.vector_load %arg11[%get3A_1435, %get3A_1436] {strides = array<i32>} : memref<16x128xf32, #tpu.memory_space<vmem>>, vector<16xf32>,
        %max3A_1438 = arith.maximumf %gather3A_1433, %get3A_1437 : vector<16xf32>
        tpu.vector_store_idx %arg6[%add3A_1432], %max3A_1438 : memref<40192xf32, #tpu.memory_space<vmem>>[vector<16xi32>], vector<16xf32>,
        %add3A_1439 = arith.constant 96 : i32
        %add3A_1440 = vector.broadcast %add3A_1439 : i32 to vector<16xi32>
        %add3A_1441 = arith.addi %iota3A, %add3A_1440 : vector<16xi32>
        %add3A_1442 = arith.addi %mul3A_1378, %add3A_1441 : vector<16xi32>
        %gather3A_1443 = tpu.vector_load_idx %arg6[%add3A_1442] : memref<40192xf32, #tpu.memory_space<vmem>>[vector<16xi32>], vector<16xf32>,
        %get3A_1444 = arith.constant 11 : i32
        %get3A_1445 = arith.index_cast %get3A_1444 : i32 to index
        %get3A_1446 = arith.constant 96 : index
        %get3A_1447 = tpu.vector_load %arg11[%get3A_1445, %get3A_1446] {strides = array<i32>} : memref<16x128xf32, #tpu.memory_space<vmem>>, vector<16xf32>,
        %max3A_1448 = arith.maximumf %gather3A_1443, %get3A_1447 : vector<16xf32>
        tpu.vector_store_idx %arg6[%add3A_1442], %max3A_1448 : memref<40192xf32, #tpu.memory_space<vmem>>[vector<16xi32>], vector<16xf32>,
        %add3A_1449 = arith.constant 112 : i32
        %add3A_1450 = vector.broadcast %add3A_1449 : i32 to vector<16xi32>
        %add3A_1451 = arith.addi %iota3A, %add3A_1450 : vector<16xi32>
        %add3A_1452 = arith.addi %mul3A_1378, %add3A_1451 : vector<16xi32>
        %gather3A_1453 = tpu.vector_load_idx %arg6[%add3A_1452] : memref<40192xf32, #tpu.memory_space<vmem>>[vector<16xi32>], vector<16xf32>,
        %get3A_1454 = arith.constant 11 : i32
        %get3A_1455 = arith.index_cast %get3A_1454 : i32 to index
        %get3A_1456 = arith.constant 112 : index
        %get3A_1457 = tpu.vector_load %arg11[%get3A_1455, %get3A_1456] {strides = array<i32>} : memref<16x128xf32, #tpu.memory_space<vmem>>, vector<16xf32>,
        %max3A_1458 = arith.maximumf %gather3A_1453, %get3A_1457 : vector<16xf32>
        tpu.vector_store_idx %arg6[%add3A_1452], %max3A_1458 : memref<40192xf32, #tpu.memory_space<vmem>>[vector<16xi32>], vector<16xf32>,
        %mul3A_1459 = arith.constant 16 : i32
        %mul3A_1460 = arith.muli %while3A_385, %mul3A_1459 : i32
        %add3A_1461 = arith.constant 12 : i32
        %add3A_1462 = arith.addi %mul3A_1460, %add3A_1461 : i32
        %broadcast_in_dim3A_1463 = vector.broadcast %add3A_1462 : i32 to vector<16xi32>
        %gather3A_1464 = tpu.vector_load_idx %arg9[%broadcast_in_dim3A_1463] : memref<1296xi32, #tpu.memory_space<vmem>>[vector<16xi32>], vector<16xi32>,
        %mul3A_1465 = arith.constant 128 : i32
        %mul3A_1466 = vector.broadcast %mul3A_1465 : i32 to vector<16xi32>
        %mul3A_1467 = arith.muli %gather3A_1464, %mul3A_1466 : vector<16xi32>
        %add3A_1468 = arith.constant 0 : i32
        %add3A_1469 = vector.broadcast %add3A_1468 : i32 to vector<16xi32>
        %add3A_1470 = arith.addi %iota3A, %add3A_1469 : vector<16xi32>
        %add3A_1471 = arith.addi %mul3A_1467, %add3A_1470 : vector<16xi32>
        %gather3A_1472 = tpu.vector_load_idx %arg6[%add3A_1471] : memref<40192xf32, #tpu.memory_space<vmem>>[vector<16xi32>], vector<16xf32>,
        %get3A_1473 = arith.constant 12 : i32
        %get3A_1474 = arith.index_cast %get3A_1473 : i32 to index
        %get3A_1475 = arith.constant 0 : index
        %get3A_1476 = tpu.vector_load %arg11[%get3A_1474, %get3A_1475] {strides = array<i32>} : memref<16x128xf32, #tpu.memory_space<vmem>>, vector<16xf32>,
        %max3A_1477 = arith.maximumf %gather3A_1472, %get3A_1476 : vector<16xf32>
        tpu.vector_store_idx %arg6[%add3A_1471], %max3A_1477 : memref<40192xf32, #tpu.memory_space<vmem>>[vector<16xi32>], vector<16xf32>,
        %add3A_1478 = arith.constant 16 : i32
        %add3A_1479 = vector.broadcast %add3A_1478 : i32 to vector<16xi32>
        %add3A_1480 = arith.addi %iota3A, %add3A_1479 : vector<16xi32>
        %add3A_1481 = arith.addi %mul3A_1467, %add3A_1480 : vector<16xi32>
        %gather3A_1482 = tpu.vector_load_idx %arg6[%add3A_1481] : memref<40192xf32, #tpu.memory_space<vmem>>[vector<16xi32>], vector<16xf32>,
        %get3A_1483 = arith.constant 12 : i32
        %get3A_1484 = arith.index_cast %get3A_1483 : i32 to index
        %get3A_1485 = arith.constant 16 : index
        %get3A_1486 = tpu.vector_load %arg11[%get3A_1484, %get3A_1485] {strides = array<i32>} : memref<16x128xf32, #tpu.memory_space<vmem>>, vector<16xf32>,
        %max3A_1487 = arith.maximumf %gather3A_1482, %get3A_1486 : vector<16xf32>
        tpu.vector_store_idx %arg6[%add3A_1481], %max3A_1487 : memref<40192xf32, #tpu.memory_space<vmem>>[vector<16xi32>], vector<16xf32>,
        %add3A_1488 = arith.constant 32 : i32
        %add3A_1489 = vector.broadcast %add3A_1488 : i32 to vector<16xi32>
        %add3A_1490 = arith.addi %iota3A, %add3A_1489 : vector<16xi32>
        %add3A_1491 = arith.addi %mul3A_1467, %add3A_1490 : vector<16xi32>
        %gather3A_1492 = tpu.vector_load_idx %arg6[%add3A_1491] : memref<40192xf32, #tpu.memory_space<vmem>>[vector<16xi32>], vector<16xf32>,
        %get3A_1493 = arith.constant 12 : i32
        %get3A_1494 = arith.index_cast %get3A_1493 : i32 to index
        %get3A_1495 = arith.constant 32 : index
        %get3A_1496 = tpu.vector_load %arg11[%get3A_1494, %get3A_1495] {strides = array<i32>} : memref<16x128xf32, #tpu.memory_space<vmem>>, vector<16xf32>,
        %max3A_1497 = arith.maximumf %gather3A_1492, %get3A_1496 : vector<16xf32>
        tpu.vector_store_idx %arg6[%add3A_1491], %max3A_1497 : memref<40192xf32, #tpu.memory_space<vmem>>[vector<16xi32>], vector<16xf32>,
        %add3A_1498 = arith.constant 48 : i32
        %add3A_1499 = vector.broadcast %add3A_1498 : i32 to vector<16xi32>
        %add3A_1500 = arith.addi %iota3A, %add3A_1499 : vector<16xi32>
        %add3A_1501 = arith.addi %mul3A_1467, %add3A_1500 : vector<16xi32>
        %gather3A_1502 = tpu.vector_load_idx %arg6[%add3A_1501] : memref<40192xf32, #tpu.memory_space<vmem>>[vector<16xi32>], vector<16xf32>,
        %get3A_1503 = arith.constant 12 : i32
        %get3A_1504 = arith.index_cast %get3A_1503 : i32 to index
        %get3A_1505 = arith.constant 48 : index
        %get3A_1506 = tpu.vector_load %arg11[%get3A_1504, %get3A_1505] {strides = array<i32>} : memref<16x128xf32, #tpu.memory_space<vmem>>, vector<16xf32>,
        %max3A_1507 = arith.maximumf %gather3A_1502, %get3A_1506 : vector<16xf32>
        tpu.vector_store_idx %arg6[%add3A_1501], %max3A_1507 : memref<40192xf32, #tpu.memory_space<vmem>>[vector<16xi32>], vector<16xf32>,
        %add3A_1508 = arith.constant 64 : i32
        %add3A_1509 = vector.broadcast %add3A_1508 : i32 to vector<16xi32>
        %add3A_1510 = arith.addi %iota3A, %add3A_1509 : vector<16xi32>
        %add3A_1511 = arith.addi %mul3A_1467, %add3A_1510 : vector<16xi32>
        %gather3A_1512 = tpu.vector_load_idx %arg6[%add3A_1511] : memref<40192xf32, #tpu.memory_space<vmem>>[vector<16xi32>], vector<16xf32>,
        %get3A_1513 = arith.constant 12 : i32
        %get3A_1514 = arith.index_cast %get3A_1513 : i32 to index
        %get3A_1515 = arith.constant 64 : index
        %get3A_1516 = tpu.vector_load %arg11[%get3A_1514, %get3A_1515] {strides = array<i32>} : memref<16x128xf32, #tpu.memory_space<vmem>>, vector<16xf32>,
        %max3A_1517 = arith.maximumf %gather3A_1512, %get3A_1516 : vector<16xf32>
        tpu.vector_store_idx %arg6[%add3A_1511], %max3A_1517 : memref<40192xf32, #tpu.memory_space<vmem>>[vector<16xi32>], vector<16xf32>,
        %add3A_1518 = arith.constant 80 : i32
        %add3A_1519 = vector.broadcast %add3A_1518 : i32 to vector<16xi32>
        %add3A_1520 = arith.addi %iota3A, %add3A_1519 : vector<16xi32>
        %add3A_1521 = arith.addi %mul3A_1467, %add3A_1520 : vector<16xi32>
        %gather3A_1522 = tpu.vector_load_idx %arg6[%add3A_1521] : memref<40192xf32, #tpu.memory_space<vmem>>[vector<16xi32>], vector<16xf32>,
        %get3A_1523 = arith.constant 12 : i32
        %get3A_1524 = arith.index_cast %get3A_1523 : i32 to index
        %get3A_1525 = arith.constant 80 : index
        %get3A_1526 = tpu.vector_load %arg11[%get3A_1524, %get3A_1525] {strides = array<i32>} : memref<16x128xf32, #tpu.memory_space<vmem>>, vector<16xf32>,
        %max3A_1527 = arith.maximumf %gather3A_1522, %get3A_1526 : vector<16xf32>
        tpu.vector_store_idx %arg6[%add3A_1521], %max3A_1527 : memref<40192xf32, #tpu.memory_space<vmem>>[vector<16xi32>], vector<16xf32>,
        %add3A_1528 = arith.constant 96 : i32
        %add3A_1529 = vector.broadcast %add3A_1528 : i32 to vector<16xi32>
        %add3A_1530 = arith.addi %iota3A, %add3A_1529 : vector<16xi32>
        %add3A_1531 = arith.addi %mul3A_1467, %add3A_1530 : vector<16xi32>
        %gather3A_1532 = tpu.vector_load_idx %arg6[%add3A_1531] : memref<40192xf32, #tpu.memory_space<vmem>>[vector<16xi32>], vector<16xf32>,
        %get3A_1533 = arith.constant 12 : i32
        %get3A_1534 = arith.index_cast %get3A_1533 : i32 to index
        %get3A_1535 = arith.constant 96 : index
        %get3A_1536 = tpu.vector_load %arg11[%get3A_1534, %get3A_1535] {strides = array<i32>} : memref<16x128xf32, #tpu.memory_space<vmem>>, vector<16xf32>,
        %max3A_1537 = arith.maximumf %gather3A_1532, %get3A_1536 : vector<16xf32>
        tpu.vector_store_idx %arg6[%add3A_1531], %max3A_1537 : memref<40192xf32, #tpu.memory_space<vmem>>[vector<16xi32>], vector<16xf32>,
        %add3A_1538 = arith.constant 112 : i32
        %add3A_1539 = vector.broadcast %add3A_1538 : i32 to vector<16xi32>
        %add3A_1540 = arith.addi %iota3A, %add3A_1539 : vector<16xi32>
        %add3A_1541 = arith.addi %mul3A_1467, %add3A_1540 : vector<16xi32>
        %gather3A_1542 = tpu.vector_load_idx %arg6[%add3A_1541] : memref<40192xf32, #tpu.memory_space<vmem>>[vector<16xi32>], vector<16xf32>,
        %get3A_1543 = arith.constant 12 : i32
        %get3A_1544 = arith.index_cast %get3A_1543 : i32 to index
        %get3A_1545 = arith.constant 112 : index
        %get3A_1546 = tpu.vector_load %arg11[%get3A_1544, %get3A_1545] {strides = array<i32>} : memref<16x128xf32, #tpu.memory_space<vmem>>, vector<16xf32>,
        %max3A_1547 = arith.maximumf %gather3A_1542, %get3A_1546 : vector<16xf32>
        tpu.vector_store_idx %arg6[%add3A_1541], %max3A_1547 : memref<40192xf32, #tpu.memory_space<vmem>>[vector<16xi32>], vector<16xf32>,
        %mul3A_1548 = arith.constant 16 : i32
        %mul3A_1549 = arith.muli %while3A_385, %mul3A_1548 : i32
        %add3A_1550 = arith.constant 13 : i32
        %add3A_1551 = arith.addi %mul3A_1549, %add3A_1550 : i32
        %broadcast_in_dim3A_1552 = vector.broadcast %add3A_1551 : i32 to vector<16xi32>
        %gather3A_1553 = tpu.vector_load_idx %arg9[%broadcast_in_dim3A_1552] : memref<1296xi32, #tpu.memory_space<vmem>>[vector<16xi32>], vector<16xi32>,
        %mul3A_1554 = arith.constant 128 : i32
        %mul3A_1555 = vector.broadcast %mul3A_1554 : i32 to vector<16xi32>
        %mul3A_1556 = arith.muli %gather3A_1553, %mul3A_1555 : vector<16xi32>
        %add3A_1557 = arith.constant 0 : i32
        %add3A_1558 = vector.broadcast %add3A_1557 : i32 to vector<16xi32>
        %add3A_1559 = arith.addi %iota3A, %add3A_1558 : vector<16xi32>
        %add3A_1560 = arith.addi %mul3A_1556, %add3A_1559 : vector<16xi32>
        %gather3A_1561 = tpu.vector_load_idx %arg6[%add3A_1560] : memref<40192xf32, #tpu.memory_space<vmem>>[vector<16xi32>], vector<16xf32>,
        %get3A_1562 = arith.constant 13 : i32
        %get3A_1563 = arith.index_cast %get3A_1562 : i32 to index
        %get3A_1564 = arith.constant 0 : index
        %get3A_1565 = tpu.vector_load %arg11[%get3A_1563, %get3A_1564] {strides = array<i32>} : memref<16x128xf32, #tpu.memory_space<vmem>>, vector<16xf32>,
        %max3A_1566 = arith.maximumf %gather3A_1561, %get3A_1565 : vector<16xf32>
        tpu.vector_store_idx %arg6[%add3A_1560], %max3A_1566 : memref<40192xf32, #tpu.memory_space<vmem>>[vector<16xi32>], vector<16xf32>,
        %add3A_1567 = arith.constant 16 : i32
        %add3A_1568 = vector.broadcast %add3A_1567 : i32 to vector<16xi32>
        %add3A_1569 = arith.addi %iota3A, %add3A_1568 : vector<16xi32>
        %add3A_1570 = arith.addi %mul3A_1556, %add3A_1569 : vector<16xi32>
        %gather3A_1571 = tpu.vector_load_idx %arg6[%add3A_1570] : memref<40192xf32, #tpu.memory_space<vmem>>[vector<16xi32>], vector<16xf32>,
        %get3A_1572 = arith.constant 13 : i32
        %get3A_1573 = arith.index_cast %get3A_1572 : i32 to index
        %get3A_1574 = arith.constant 16 : index
        %get3A_1575 = tpu.vector_load %arg11[%get3A_1573, %get3A_1574] {strides = array<i32>} : memref<16x128xf32, #tpu.memory_space<vmem>>, vector<16xf32>,
        %max3A_1576 = arith.maximumf %gather3A_1571, %get3A_1575 : vector<16xf32>
        tpu.vector_store_idx %arg6[%add3A_1570], %max3A_1576 : memref<40192xf32, #tpu.memory_space<vmem>>[vector<16xi32>], vector<16xf32>,
        %add3A_1577 = arith.constant 32 : i32
        %add3A_1578 = vector.broadcast %add3A_1577 : i32 to vector<16xi32>
        %add3A_1579 = arith.addi %iota3A, %add3A_1578 : vector<16xi32>
        %add3A_1580 = arith.addi %mul3A_1556, %add3A_1579 : vector<16xi32>
        %gather3A_1581 = tpu.vector_load_idx %arg6[%add3A_1580] : memref<40192xf32, #tpu.memory_space<vmem>>[vector<16xi32>], vector<16xf32>,
        %get3A_1582 = arith.constant 13 : i32
        %get3A_1583 = arith.index_cast %get3A_1582 : i32 to index
        %get3A_1584 = arith.constant 32 : index
        %get3A_1585 = tpu.vector_load %arg11[%get3A_1583, %get3A_1584] {strides = array<i32>} : memref<16x128xf32, #tpu.memory_space<vmem>>, vector<16xf32>,
        %max3A_1586 = arith.maximumf %gather3A_1581, %get3A_1585 : vector<16xf32>
        tpu.vector_store_idx %arg6[%add3A_1580], %max3A_1586 : memref<40192xf32, #tpu.memory_space<vmem>>[vector<16xi32>], vector<16xf32>,
        %add3A_1587 = arith.constant 48 : i32
        %add3A_1588 = vector.broadcast %add3A_1587 : i32 to vector<16xi32>
        %add3A_1589 = arith.addi %iota3A, %add3A_1588 : vector<16xi32>
        %add3A_1590 = arith.addi %mul3A_1556, %add3A_1589 : vector<16xi32>
        %gather3A_1591 = tpu.vector_load_idx %arg6[%add3A_1590] : memref<40192xf32, #tpu.memory_space<vmem>>[vector<16xi32>], vector<16xf32>,
        %get3A_1592 = arith.constant 13 : i32
        %get3A_1593 = arith.index_cast %get3A_1592 : i32 to index
        %get3A_1594 = arith.constant 48 : index
        %get3A_1595 = tpu.vector_load %arg11[%get3A_1593, %get3A_1594] {strides = array<i32>} : memref<16x128xf32, #tpu.memory_space<vmem>>, vector<16xf32>,
        %max3A_1596 = arith.maximumf %gather3A_1591, %get3A_1595 : vector<16xf32>
        tpu.vector_store_idx %arg6[%add3A_1590], %max3A_1596 : memref<40192xf32, #tpu.memory_space<vmem>>[vector<16xi32>], vector<16xf32>,
        %add3A_1597 = arith.constant 64 : i32
        %add3A_1598 = vector.broadcast %add3A_1597 : i32 to vector<16xi32>
        %add3A_1599 = arith.addi %iota3A, %add3A_1598 : vector<16xi32>
        %add3A_1600 = arith.addi %mul3A_1556, %add3A_1599 : vector<16xi32>
        %gather3A_1601 = tpu.vector_load_idx %arg6[%add3A_1600] : memref<40192xf32, #tpu.memory_space<vmem>>[vector<16xi32>], vector<16xf32>,
        %get3A_1602 = arith.constant 13 : i32
        %get3A_1603 = arith.index_cast %get3A_1602 : i32 to index
        %get3A_1604 = arith.constant 64 : index
        %get3A_1605 = tpu.vector_load %arg11[%get3A_1603, %get3A_1604] {strides = array<i32>} : memref<16x128xf32, #tpu.memory_space<vmem>>, vector<16xf32>,
        %max3A_1606 = arith.maximumf %gather3A_1601, %get3A_1605 : vector<16xf32>
        tpu.vector_store_idx %arg6[%add3A_1600], %max3A_1606 : memref<40192xf32, #tpu.memory_space<vmem>>[vector<16xi32>], vector<16xf32>,
        %add3A_1607 = arith.constant 80 : i32
        %add3A_1608 = vector.broadcast %add3A_1607 : i32 to vector<16xi32>
        %add3A_1609 = arith.addi %iota3A, %add3A_1608 : vector<16xi32>
        %add3A_1610 = arith.addi %mul3A_1556, %add3A_1609 : vector<16xi32>
        %gather3A_1611 = tpu.vector_load_idx %arg6[%add3A_1610] : memref<40192xf32, #tpu.memory_space<vmem>>[vector<16xi32>], vector<16xf32>,
        %get3A_1612 = arith.constant 13 : i32
        %get3A_1613 = arith.index_cast %get3A_1612 : i32 to index
        %get3A_1614 = arith.constant 80 : index
        %get3A_1615 = tpu.vector_load %arg11[%get3A_1613, %get3A_1614] {strides = array<i32>} : memref<16x128xf32, #tpu.memory_space<vmem>>, vector<16xf32>,
        %max3A_1616 = arith.maximumf %gather3A_1611, %get3A_1615 : vector<16xf32>
        tpu.vector_store_idx %arg6[%add3A_1610], %max3A_1616 : memref<40192xf32, #tpu.memory_space<vmem>>[vector<16xi32>], vector<16xf32>,
        %add3A_1617 = arith.constant 96 : i32
        %add3A_1618 = vector.broadcast %add3A_1617 : i32 to vector<16xi32>
        %add3A_1619 = arith.addi %iota3A, %add3A_1618 : vector<16xi32>
        %add3A_1620 = arith.addi %mul3A_1556, %add3A_1619 : vector<16xi32>
        %gather3A_1621 = tpu.vector_load_idx %arg6[%add3A_1620] : memref<40192xf32, #tpu.memory_space<vmem>>[vector<16xi32>], vector<16xf32>,
        %get3A_1622 = arith.constant 13 : i32
        %get3A_1623 = arith.index_cast %get3A_1622 : i32 to index
        %get3A_1624 = arith.constant 96 : index
        %get3A_1625 = tpu.vector_load %arg11[%get3A_1623, %get3A_1624] {strides = array<i32>} : memref<16x128xf32, #tpu.memory_space<vmem>>, vector<16xf32>,
        %max3A_1626 = arith.maximumf %gather3A_1621, %get3A_1625 : vector<16xf32>
        tpu.vector_store_idx %arg6[%add3A_1620], %max3A_1626 : memref<40192xf32, #tpu.memory_space<vmem>>[vector<16xi32>], vector<16xf32>,
        %add3A_1627 = arith.constant 112 : i32
        %add3A_1628 = vector.broadcast %add3A_1627 : i32 to vector<16xi32>
        %add3A_1629 = arith.addi %iota3A, %add3A_1628 : vector<16xi32>
        %add3A_1630 = arith.addi %mul3A_1556, %add3A_1629 : vector<16xi32>
        %gather3A_1631 = tpu.vector_load_idx %arg6[%add3A_1630] : memref<40192xf32, #tpu.memory_space<vmem>>[vector<16xi32>], vector<16xf32>,
        %get3A_1632 = arith.constant 13 : i32
        %get3A_1633 = arith.index_cast %get3A_1632 : i32 to index
        %get3A_1634 = arith.constant 112 : index
        %get3A_1635 = tpu.vector_load %arg11[%get3A_1633, %get3A_1634] {strides = array<i32>} : memref<16x128xf32, #tpu.memory_space<vmem>>, vector<16xf32>,
        %max3A_1636 = arith.maximumf %gather3A_1631, %get3A_1635 : vector<16xf32>
        tpu.vector_store_idx %arg6[%add3A_1630], %max3A_1636 : memref<40192xf32, #tpu.memory_space<vmem>>[vector<16xi32>], vector<16xf32>,
        %mul3A_1637 = arith.constant 16 : i32
        %mul3A_1638 = arith.muli %while3A_385, %mul3A_1637 : i32
        %add3A_1639 = arith.constant 14 : i32
        %add3A_1640 = arith.addi %mul3A_1638, %add3A_1639 : i32
        %broadcast_in_dim3A_1641 = vector.broadcast %add3A_1640 : i32 to vector<16xi32>
        %gather3A_1642 = tpu.vector_load_idx %arg9[%broadcast_in_dim3A_1641] : memref<1296xi32, #tpu.memory_space<vmem>>[vector<16xi32>], vector<16xi32>,
        %mul3A_1643 = arith.constant 128 : i32
        %mul3A_1644 = vector.broadcast %mul3A_1643 : i32 to vector<16xi32>
        %mul3A_1645 = arith.muli %gather3A_1642, %mul3A_1644 : vector<16xi32>
        %add3A_1646 = arith.constant 0 : i32
        %add3A_1647 = vector.broadcast %add3A_1646 : i32 to vector<16xi32>
        %add3A_1648 = arith.addi %iota3A, %add3A_1647 : vector<16xi32>
        %add3A_1649 = arith.addi %mul3A_1645, %add3A_1648 : vector<16xi32>
        %gather3A_1650 = tpu.vector_load_idx %arg6[%add3A_1649] : memref<40192xf32, #tpu.memory_space<vmem>>[vector<16xi32>], vector<16xf32>,
        %get3A_1651 = arith.constant 14 : i32
        %get3A_1652 = arith.index_cast %get3A_1651 : i32 to index
        %get3A_1653 = arith.constant 0 : index
        %get3A_1654 = tpu.vector_load %arg11[%get3A_1652, %get3A_1653] {strides = array<i32>} : memref<16x128xf32, #tpu.memory_space<vmem>>, vector<16xf32>,
        %max3A_1655 = arith.maximumf %gather3A_1650, %get3A_1654 : vector<16xf32>
        tpu.vector_store_idx %arg6[%add3A_1649], %max3A_1655 : memref<40192xf32, #tpu.memory_space<vmem>>[vector<16xi32>], vector<16xf32>,
        %add3A_1656 = arith.constant 16 : i32
        %add3A_1657 = vector.broadcast %add3A_1656 : i32 to vector<16xi32>
        %add3A_1658 = arith.addi %iota3A, %add3A_1657 : vector<16xi32>
        %add3A_1659 = arith.addi %mul3A_1645, %add3A_1658 : vector<16xi32>
        %gather3A_1660 = tpu.vector_load_idx %arg6[%add3A_1659] : memref<40192xf32, #tpu.memory_space<vmem>>[vector<16xi32>], vector<16xf32>,
        %get3A_1661 = arith.constant 14 : i32
        %get3A_1662 = arith.index_cast %get3A_1661 : i32 to index
        %get3A_1663 = arith.constant 16 : index
        %get3A_1664 = tpu.vector_load %arg11[%get3A_1662, %get3A_1663] {strides = array<i32>} : memref<16x128xf32, #tpu.memory_space<vmem>>, vector<16xf32>,
        %max3A_1665 = arith.maximumf %gather3A_1660, %get3A_1664 : vector<16xf32>
        tpu.vector_store_idx %arg6[%add3A_1659], %max3A_1665 : memref<40192xf32, #tpu.memory_space<vmem>>[vector<16xi32>], vector<16xf32>,
        %add3A_1666 = arith.constant 32 : i32
        %add3A_1667 = vector.broadcast %add3A_1666 : i32 to vector<16xi32>
        %add3A_1668 = arith.addi %iota3A, %add3A_1667 : vector<16xi32>
        %add3A_1669 = arith.addi %mul3A_1645, %add3A_1668 : vector<16xi32>
        %gather3A_1670 = tpu.vector_load_idx %arg6[%add3A_1669] : memref<40192xf32, #tpu.memory_space<vmem>>[vector<16xi32>], vector<16xf32>,
        %get3A_1671 = arith.constant 14 : i32
        %get3A_1672 = arith.index_cast %get3A_1671 : i32 to index
        %get3A_1673 = arith.constant 32 : index
        %get3A_1674 = tpu.vector_load %arg11[%get3A_1672, %get3A_1673] {strides = array<i32>} : memref<16x128xf32, #tpu.memory_space<vmem>>, vector<16xf32>,
        %max3A_1675 = arith.maximumf %gather3A_1670, %get3A_1674 : vector<16xf32>
        tpu.vector_store_idx %arg6[%add3A_1669], %max3A_1675 : memref<40192xf32, #tpu.memory_space<vmem>>[vector<16xi32>], vector<16xf32>,
        %add3A_1676 = arith.constant 48 : i32
        %add3A_1677 = vector.broadcast %add3A_1676 : i32 to vector<16xi32>
        %add3A_1678 = arith.addi %iota3A, %add3A_1677 : vector<16xi32>
        %add3A_1679 = arith.addi %mul3A_1645, %add3A_1678 : vector<16xi32>
        %gather3A_1680 = tpu.vector_load_idx %arg6[%add3A_1679] : memref<40192xf32, #tpu.memory_space<vmem>>[vector<16xi32>], vector<16xf32>,
        %get3A_1681 = arith.constant 14 : i32
        %get3A_1682 = arith.index_cast %get3A_1681 : i32 to index
        %get3A_1683 = arith.constant 48 : index
        %get3A_1684 = tpu.vector_load %arg11[%get3A_1682, %get3A_1683] {strides = array<i32>} : memref<16x128xf32, #tpu.memory_space<vmem>>, vector<16xf32>,
        %max3A_1685 = arith.maximumf %gather3A_1680, %get3A_1684 : vector<16xf32>
        tpu.vector_store_idx %arg6[%add3A_1679], %max3A_1685 : memref<40192xf32, #tpu.memory_space<vmem>>[vector<16xi32>], vector<16xf32>,
        %add3A_1686 = arith.constant 64 : i32
        %add3A_1687 = vector.broadcast %add3A_1686 : i32 to vector<16xi32>
        %add3A_1688 = arith.addi %iota3A, %add3A_1687 : vector<16xi32>
        %add3A_1689 = arith.addi %mul3A_1645, %add3A_1688 : vector<16xi32>
        %gather3A_1690 = tpu.vector_load_idx %arg6[%add3A_1689] : memref<40192xf32, #tpu.memory_space<vmem>>[vector<16xi32>], vector<16xf32>,
        %get3A_1691 = arith.constant 14 : i32
        %get3A_1692 = arith.index_cast %get3A_1691 : i32 to index
        %get3A_1693 = arith.constant 64 : index
        %get3A_1694 = tpu.vector_load %arg11[%get3A_1692, %get3A_1693] {strides = array<i32>} : memref<16x128xf32, #tpu.memory_space<vmem>>, vector<16xf32>,
        %max3A_1695 = arith.maximumf %gather3A_1690, %get3A_1694 : vector<16xf32>
        tpu.vector_store_idx %arg6[%add3A_1689], %max3A_1695 : memref<40192xf32, #tpu.memory_space<vmem>>[vector<16xi32>], vector<16xf32>,
        %add3A_1696 = arith.constant 80 : i32
        %add3A_1697 = vector.broadcast %add3A_1696 : i32 to vector<16xi32>
        %add3A_1698 = arith.addi %iota3A, %add3A_1697 : vector<16xi32>
        %add3A_1699 = arith.addi %mul3A_1645, %add3A_1698 : vector<16xi32>
        %gather3A_1700 = tpu.vector_load_idx %arg6[%add3A_1699] : memref<40192xf32, #tpu.memory_space<vmem>>[vector<16xi32>], vector<16xf32>,
        %get3A_1701 = arith.constant 14 : i32
        %get3A_1702 = arith.index_cast %get3A_1701 : i32 to index
        %get3A_1703 = arith.constant 80 : index
        %get3A_1704 = tpu.vector_load %arg11[%get3A_1702, %get3A_1703] {strides = array<i32>} : memref<16x128xf32, #tpu.memory_space<vmem>>, vector<16xf32>,
        %max3A_1705 = arith.maximumf %gather3A_1700, %get3A_1704 : vector<16xf32>
        tpu.vector_store_idx %arg6[%add3A_1699], %max3A_1705 : memref<40192xf32, #tpu.memory_space<vmem>>[vector<16xi32>], vector<16xf32>,
        %add3A_1706 = arith.constant 96 : i32
        %add3A_1707 = vector.broadcast %add3A_1706 : i32 to vector<16xi32>
        %add3A_1708 = arith.addi %iota3A, %add3A_1707 : vector<16xi32>
        %add3A_1709 = arith.addi %mul3A_1645, %add3A_1708 : vector<16xi32>
        %gather3A_1710 = tpu.vector_load_idx %arg6[%add3A_1709] : memref<40192xf32, #tpu.memory_space<vmem>>[vector<16xi32>], vector<16xf32>,
        %get3A_1711 = arith.constant 14 : i32
        %get3A_1712 = arith.index_cast %get3A_1711 : i32 to index
        %get3A_1713 = arith.constant 96 : index
        %get3A_1714 = tpu.vector_load %arg11[%get3A_1712, %get3A_1713] {strides = array<i32>} : memref<16x128xf32, #tpu.memory_space<vmem>>, vector<16xf32>,
        %max3A_1715 = arith.maximumf %gather3A_1710, %get3A_1714 : vector<16xf32>
        tpu.vector_store_idx %arg6[%add3A_1709], %max3A_1715 : memref<40192xf32, #tpu.memory_space<vmem>>[vector<16xi32>], vector<16xf32>,
        %add3A_1716 = arith.constant 112 : i32
        %add3A_1717 = vector.broadcast %add3A_1716 : i32 to vector<16xi32>
        %add3A_1718 = arith.addi %iota3A, %add3A_1717 : vector<16xi32>
        %add3A_1719 = arith.addi %mul3A_1645, %add3A_1718 : vector<16xi32>
        %gather3A_1720 = tpu.vector_load_idx %arg6[%add3A_1719] : memref<40192xf32, #tpu.memory_space<vmem>>[vector<16xi32>], vector<16xf32>,
        %get3A_1721 = arith.constant 14 : i32
        %get3A_1722 = arith.index_cast %get3A_1721 : i32 to index
        %get3A_1723 = arith.constant 112 : index
        %get3A_1724 = tpu.vector_load %arg11[%get3A_1722, %get3A_1723] {strides = array<i32>} : memref<16x128xf32, #tpu.memory_space<vmem>>, vector<16xf32>,
        %max3A_1725 = arith.maximumf %gather3A_1720, %get3A_1724 : vector<16xf32>
        tpu.vector_store_idx %arg6[%add3A_1719], %max3A_1725 : memref<40192xf32, #tpu.memory_space<vmem>>[vector<16xi32>], vector<16xf32>,
        %mul3A_1726 = arith.constant 16 : i32
        %mul3A_1727 = arith.muli %while3A_385, %mul3A_1726 : i32
        %add3A_1728 = arith.constant 15 : i32
        %add3A_1729 = arith.addi %mul3A_1727, %add3A_1728 : i32
        %broadcast_in_dim3A_1730 = vector.broadcast %add3A_1729 : i32 to vector<16xi32>
        %gather3A_1731 = tpu.vector_load_idx %arg9[%broadcast_in_dim3A_1730] : memref<1296xi32, #tpu.memory_space<vmem>>[vector<16xi32>], vector<16xi32>,
        %mul3A_1732 = arith.constant 128 : i32
        %mul3A_1733 = vector.broadcast %mul3A_1732 : i32 to vector<16xi32>
        %mul3A_1734 = arith.muli %gather3A_1731, %mul3A_1733 : vector<16xi32>
        %add3A_1735 = arith.constant 0 : i32
        %add3A_1736 = vector.broadcast %add3A_1735 : i32 to vector<16xi32>
        %add3A_1737 = arith.addi %iota3A, %add3A_1736 : vector<16xi32>
        %add3A_1738 = arith.addi %mul3A_1734, %add3A_1737 : vector<16xi32>
        %gather3A_1739 = tpu.vector_load_idx %arg6[%add3A_1738] : memref<40192xf32, #tpu.memory_space<vmem>>[vector<16xi32>], vector<16xf32>,
        %get3A_1740 = arith.constant 15 : i32
        %get3A_1741 = arith.index_cast %get3A_1740 : i32 to index
        %get3A_1742 = arith.constant 0 : index
        %get3A_1743 = tpu.vector_load %arg11[%get3A_1741, %get3A_1742] {strides = array<i32>} : memref<16x128xf32, #tpu.memory_space<vmem>>, vector<16xf32>,
        %max3A_1744 = arith.maximumf %gather3A_1739, %get3A_1743 : vector<16xf32>
        tpu.vector_store_idx %arg6[%add3A_1738], %max3A_1744 : memref<40192xf32, #tpu.memory_space<vmem>>[vector<16xi32>], vector<16xf32>,
        %add3A_1745 = arith.constant 16 : i32
        %add3A_1746 = vector.broadcast %add3A_1745 : i32 to vector<16xi32>
        %add3A_1747 = arith.addi %iota3A, %add3A_1746 : vector<16xi32>
        %add3A_1748 = arith.addi %mul3A_1734, %add3A_1747 : vector<16xi32>
        %gather3A_1749 = tpu.vector_load_idx %arg6[%add3A_1748] : memref<40192xf32, #tpu.memory_space<vmem>>[vector<16xi32>], vector<16xf32>,
        %get3A_1750 = arith.constant 15 : i32
        %get3A_1751 = arith.index_cast %get3A_1750 : i32 to index
        %get3A_1752 = arith.constant 16 : index
        %get3A_1753 = tpu.vector_load %arg11[%get3A_1751, %get3A_1752] {strides = array<i32>} : memref<16x128xf32, #tpu.memory_space<vmem>>, vector<16xf32>,
        %max3A_1754 = arith.maximumf %gather3A_1749, %get3A_1753 : vector<16xf32>
        tpu.vector_store_idx %arg6[%add3A_1748], %max3A_1754 : memref<40192xf32, #tpu.memory_space<vmem>>[vector<16xi32>], vector<16xf32>,
        %add3A_1755 = arith.constant 32 : i32
        %add3A_1756 = vector.broadcast %add3A_1755 : i32 to vector<16xi32>
        %add3A_1757 = arith.addi %iota3A, %add3A_1756 : vector<16xi32>
        %add3A_1758 = arith.addi %mul3A_1734, %add3A_1757 : vector<16xi32>
        %gather3A_1759 = tpu.vector_load_idx %arg6[%add3A_1758] : memref<40192xf32, #tpu.memory_space<vmem>>[vector<16xi32>], vector<16xf32>,
        %get3A_1760 = arith.constant 15 : i32
        %get3A_1761 = arith.index_cast %get3A_1760 : i32 to index
        %get3A_1762 = arith.constant 32 : index
        %get3A_1763 = tpu.vector_load %arg11[%get3A_1761, %get3A_1762] {strides = array<i32>} : memref<16x128xf32, #tpu.memory_space<vmem>>, vector<16xf32>,
        %max3A_1764 = arith.maximumf %gather3A_1759, %get3A_1763 : vector<16xf32>
        tpu.vector_store_idx %arg6[%add3A_1758], %max3A_1764 : memref<40192xf32, #tpu.memory_space<vmem>>[vector<16xi32>], vector<16xf32>,
        %add3A_1765 = arith.constant 48 : i32
        %add3A_1766 = vector.broadcast %add3A_1765 : i32 to vector<16xi32>
        %add3A_1767 = arith.addi %iota3A, %add3A_1766 : vector<16xi32>
        %add3A_1768 = arith.addi %mul3A_1734, %add3A_1767 : vector<16xi32>
        %gather3A_1769 = tpu.vector_load_idx %arg6[%add3A_1768] : memref<40192xf32, #tpu.memory_space<vmem>>[vector<16xi32>], vector<16xf32>,
        %get3A_1770 = arith.constant 15 : i32
        %get3A_1771 = arith.index_cast %get3A_1770 : i32 to index
        %get3A_1772 = arith.constant 48 : index
        %get3A_1773 = tpu.vector_load %arg11[%get3A_1771, %get3A_1772] {strides = array<i32>} : memref<16x128xf32, #tpu.memory_space<vmem>>, vector<16xf32>,
        %max3A_1774 = arith.maximumf %gather3A_1769, %get3A_1773 : vector<16xf32>
        tpu.vector_store_idx %arg6[%add3A_1768], %max3A_1774 : memref<40192xf32, #tpu.memory_space<vmem>>[vector<16xi32>], vector<16xf32>,
        %add3A_1775 = arith.constant 64 : i32
        %add3A_1776 = vector.broadcast %add3A_1775 : i32 to vector<16xi32>
        %add3A_1777 = arith.addi %iota3A, %add3A_1776 : vector<16xi32>
        %add3A_1778 = arith.addi %mul3A_1734, %add3A_1777 : vector<16xi32>
        %gather3A_1779 = tpu.vector_load_idx %arg6[%add3A_1778] : memref<40192xf32, #tpu.memory_space<vmem>>[vector<16xi32>], vector<16xf32>,
        %get3A_1780 = arith.constant 15 : i32
        %get3A_1781 = arith.index_cast %get3A_1780 : i32 to index
        %get3A_1782 = arith.constant 64 : index
        %get3A_1783 = tpu.vector_load %arg11[%get3A_1781, %get3A_1782] {strides = array<i32>} : memref<16x128xf32, #tpu.memory_space<vmem>>, vector<16xf32>,
        %max3A_1784 = arith.maximumf %gather3A_1779, %get3A_1783 : vector<16xf32>
        tpu.vector_store_idx %arg6[%add3A_1778], %max3A_1784 : memref<40192xf32, #tpu.memory_space<vmem>>[vector<16xi32>], vector<16xf32>,
        %add3A_1785 = arith.constant 80 : i32
        %add3A_1786 = vector.broadcast %add3A_1785 : i32 to vector<16xi32>
        %add3A_1787 = arith.addi %iota3A, %add3A_1786 : vector<16xi32>
        %add3A_1788 = arith.addi %mul3A_1734, %add3A_1787 : vector<16xi32>
        %gather3A_1789 = tpu.vector_load_idx %arg6[%add3A_1788] : memref<40192xf32, #tpu.memory_space<vmem>>[vector<16xi32>], vector<16xf32>,
        %get3A_1790 = arith.constant 15 : i32
        %get3A_1791 = arith.index_cast %get3A_1790 : i32 to index
        %get3A_1792 = arith.constant 80 : index
        %get3A_1793 = tpu.vector_load %arg11[%get3A_1791, %get3A_1792] {strides = array<i32>} : memref<16x128xf32, #tpu.memory_space<vmem>>, vector<16xf32>,
        %max3A_1794 = arith.maximumf %gather3A_1789, %get3A_1793 : vector<16xf32>
        tpu.vector_store_idx %arg6[%add3A_1788], %max3A_1794 : memref<40192xf32, #tpu.memory_space<vmem>>[vector<16xi32>], vector<16xf32>,
        %add3A_1795 = arith.constant 96 : i32
        %add3A_1796 = vector.broadcast %add3A_1795 : i32 to vector<16xi32>
        %add3A_1797 = arith.addi %iota3A, %add3A_1796 : vector<16xi32>
        %add3A_1798 = arith.addi %mul3A_1734, %add3A_1797 : vector<16xi32>
        %gather3A_1799 = tpu.vector_load_idx %arg6[%add3A_1798] : memref<40192xf32, #tpu.memory_space<vmem>>[vector<16xi32>], vector<16xf32>,
        %get3A_1800 = arith.constant 15 : i32
        %get3A_1801 = arith.index_cast %get3A_1800 : i32 to index
        %get3A_1802 = arith.constant 96 : index
        %get3A_1803 = tpu.vector_load %arg11[%get3A_1801, %get3A_1802] {strides = array<i32>} : memref<16x128xf32, #tpu.memory_space<vmem>>, vector<16xf32>,
        %max3A_1804 = arith.maximumf %gather3A_1799, %get3A_1803 : vector<16xf32>
        tpu.vector_store_idx %arg6[%add3A_1798], %max3A_1804 : memref<40192xf32, #tpu.memory_space<vmem>>[vector<16xi32>], vector<16xf32>,
        %add3A_1805 = arith.constant 112 : i32
        %add3A_1806 = vector.broadcast %add3A_1805 : i32 to vector<16xi32>
        %add3A_1807 = arith.addi %iota3A, %add3A_1806 : vector<16xi32>
        %add3A_1808 = arith.addi %mul3A_1734, %add3A_1807 : vector<16xi32>
        %gather3A_1809 = tpu.vector_load_idx %arg6[%add3A_1808] : memref<40192xf32, #tpu.memory_space<vmem>>[vector<16xi32>], vector<16xf32>,
        %get3A_1810 = arith.constant 15 : i32
        %get3A_1811 = arith.index_cast %get3A_1810 : i32 to index
        %get3A_1812 = arith.constant 112 : index
        %get3A_1813 = tpu.vector_load %arg11[%get3A_1811, %get3A_1812] {strides = array<i32>} : memref<16x128xf32, #tpu.memory_space<vmem>>, vector<16xf32>,
        %max3A_1814 = arith.maximumf %gather3A_1809, %get3A_1813 : vector<16xf32>
        tpu.vector_store_idx %arg6[%add3A_1808], %max3A_1814 : memref<40192xf32, #tpu.memory_space<vmem>>[vector<16xi32>], vector<16xf32>,
      }
    }
    %scan3A_341 = arith.constant 250 : i32
    %mul3A_342 = arith.constant 128 : i32
    %mul3A_343 = arith.muli %mul3A_2, %mul3A_342 : i32
    "tpu.region"() ({
      %run_scoped3A = tpu.sem_alloc : memref<!tpu.dma_semaphore, #tpu.memory_space<semaphore_mem>>
      %dma_start3A = arith.constant 0 : i32
      %dma_start3A_344 = tpu.memref_slice %arg6[%dma_start3A] : memref<40192xf32, #tpu.memory_space<vmem>> -> memref<40064xf32, #tpu.memory_space<vmem>>
      %dma_start3A_345 = tpu.memref_slice %arg5[%mul3A_343] : memref<1282048xf32, #tpu.memory_space<hbm>> -> memref<40064xf32, #tpu.memory_space<hbm>>
      %dma_start3A_346 = tpu.memref_slice %arg5[%mul3A_343] : memref<1282048xf32, #tpu.memory_space<hbm>> -> memref<40064xf32, #tpu.memory_space<hbm>>
      %dma_start3A_347 = arith.constant 0 : i32
      %dma_start3A_348 = tpu.memref_slice %arg6[%dma_start3A_347] : memref<40192xf32, #tpu.memory_space<vmem>> -> memref<40064xf32, #tpu.memory_space<vmem>>
      tpu.enqueue_dma source(%dma_start3A_348 : memref<40064xf32, #tpu.memory_space<vmem>>) target(%dma_start3A_346 : memref<40064xf32, #tpu.memory_space<hbm>>) target_semaphore(%run_scoped3A : memref<!tpu.dma_semaphore, #tpu.memory_space<semaphore_mem>>)
      %dma_wait3A = arith.constant 0 : i32
      %dma_wait3A_349 = tpu.memref_slice %arg6[%dma_wait3A] : memref<40192xf32, #tpu.memory_space<vmem>> -> memref<40064xf32, #tpu.memory_space<vmem>>
      %dma_wait3A_350 = tpu.memref_slice %arg5[%mul3A_343] : memref<1282048xf32, #tpu.memory_space<hbm>> -> memref<40064xf32, #tpu.memory_space<hbm>>
      %dma_wait3A_351 = tpu.memref_slice %arg5[%mul3A_343] : memref<1282048xf32, #tpu.memory_space<hbm>> -> memref<40064xf32, #tpu.memory_space<hbm>>
      %dma_wait3A_352 = arith.constant 0 : i32
      %dma_wait3A_353 = tpu.memref_slice %arg6[%dma_wait3A_352] : memref<40192xf32, #tpu.memory_space<vmem>> -> memref<40064xf32, #tpu.memory_space<vmem>>
      tpu.wait_dma2 semaphore(%run_scoped3A : memref<!tpu.dma_semaphore, #tpu.memory_space<semaphore_mem>>) src(%dma_wait3A_353 : memref<40064xf32, #tpu.memory_space<vmem>>) dst(%dma_wait3A_351 : memref<40064xf32, #tpu.memory_space<hbm>>)
      tpu.yield
    }) : () -> ()
    return
  }
}

module attributes {stable_mosaic.version = 14 : i64} {
  func.func @body(%arg0: i32, %arg1: memref<1000x128xf32, #tpu.memory_space<vmem>>, %arg2: memref<128x128xf32, #tpu.memory_space<vmem>>, %arg3: memref<1x128xf32, #tpu.memory_space<vmem>>, %arg4: memref<1000x128xf32, #tpu.memory_space<vmem>>) attributes {dimension_semantics = [#tpu.dimension_semantics<arbitrary>], iteration_bounds = array<i64: 10>, scalar_prefetch = 0 : i64, scratch_operands = 0 : i64, tpu.core_type = #tpu.core_type<tc>, window_params = [{transform_indices = @transform_0, window_bounds = array<i64: 1000, 128>}, {pipeline_mode = #tpu.pipeline_mode<synchronous>, transform_indices = @transform_1, window_bounds = array<i64: 128, 128>}, {pipeline_mode = #tpu.pipeline_mode<synchronous>, transform_indices = @transform_2, window_bounds = array<i64: 1, 128>}, {transform_indices = @transform_3, window_bounds = array<i64: 1000, 128>}]} {
    %get3A = arith.constant 0 : index
    %get3A_0 = arith.constant 0 : index
    %get3A_1 = vector.load %arg1[%get3A, %get3A_0] : memref<1000x128xf32, #tpu.memory_space<vmem>>, vector<1000x128xf32>
    %get3A_2 = arith.constant 0 : index
    %get3A_3 = arith.constant 0 : index
    %get3A_4 = vector.load %arg2[%get3A_2, %get3A_3] : memref<128x128xf32, #tpu.memory_space<vmem>>, vector<128x128xf32>
    %dot_general3A = arith.constant dense<0.000000e+00> : vector<1000x128xf32>
    %dot_general3A_5 = tpu.matmul %get3A_1, %get3A_4, %dot_general3A {dimension_numbers = #tpu.dot_dimension_numbers<[1], [0], [0], [1], [0, 0, 1, 1], [], []>, transpose_lhs_hint = false} : vector<1000x128xf32>, vector<128x128xf32>, vector<1000x128xf32> -> vector<1000x128xf32>
    %get3A_6 = arith.constant 0 : index
    %get3A_7 = arith.constant 0 : index
    %get3A_8 = vector.load %arg3[%get3A_6, %get3A_7] : memref<1x128xf32, #tpu.memory_space<vmem>>, vector<1x128xf32>
    %add3A = vector.broadcast %get3A_8 : vector<1x128xf32> to vector<1000x128xf32>
    %add3A_9 = arith.addf %dot_general3A_5, %add3A : vector<1000x128xf32>
    %max3A = arith.constant 0.000000e+00 : f32
    %max3A_10 = vector.broadcast %max3A : f32 to vector<1000x128xf32>
    %max3A_11 = arith.maximumf %add3A_9, %max3A_10 : vector<1000x128xf32>
    %swap3A = arith.constant 0 : index
    %swap3A_12 = arith.constant 0 : index
    %swap3A_13 = vector.load %arg4[%swap3A, %swap3A_12] : memref<1000x128xf32, #tpu.memory_space<vmem>>, vector<1000x128xf32>
    tpu.vector_store %arg4[%swap3A, %swap3A_12], %max3A_11 {strides = array<i32>} : memref<1000x128xf32, #tpu.memory_space<vmem>>, vector<1000x128xf32>,
    return
  }
  func.func @transform_0(%arg0: i32) -> (i32, i32) {
    %c0_i32 = arith.constant 0 : i32
    %c0_i32_0 = arith.constant 0 : i32
    return %arg0, %c0_i32 : i32, i32
  }
  func.func @transform_1(%arg0: i32) -> (i32, i32) {
    %c0_i32 = arith.constant 0 : i32
    %c0_i32_0 = arith.constant 0 : i32
    %c0_i32_1 = arith.constant 0 : i32
    return %c0_i32, %c0_i32_0 : i32, i32
  }
  func.func @transform_2(%arg0: i32) -> (i32, i32) {
    %c0_i32 = arith.constant 0 : i32
    %c0_i32_0 = arith.constant 0 : i32
    %c0_i32_1 = arith.constant 0 : i32
    return %c0_i32, %c0_i32_0 : i32, i32
  }
  func.func @transform_3(%arg0: i32) -> (i32, i32) {
    %c0_i32 = arith.constant 0 : i32
    %c0_i32_0 = arith.constant 0 : i32
    return %arg0, %c0_i32 : i32, i32
  }
}

module attributes {stable_mosaic.version = 14 : i64} {
  func.func @body(%arg0: i32, %arg1: memref<1000x128xf32, #tpu.memory_space<vmem>>, %arg2: memref<1000x128xf32, #tpu.memory_space<vmem>>, %arg3: memref<1x128xf32, #tpu.memory_space<vmem>>, %arg4: memref<1x128xf32, #tpu.memory_space<vmem>>, %arg5: memref<1000x128xf32, #tpu.memory_space<vmem>>) attributes {dimension_semantics = [#tpu.dimension_semantics<arbitrary>], iteration_bounds = array<i64: 10>, scalar_prefetch = 0 : i64, scratch_operands = 0 : i64, tpu.core_type = #tpu.core_type<tc>, window_params = [{transform_indices = @transform_0, window_bounds = array<i64: 1000, 128>}, {transform_indices = @transform_1, window_bounds = array<i64: 1000, 128>}, {pipeline_mode = #tpu.pipeline_mode<synchronous>, transform_indices = @transform_2, window_bounds = array<i64: 1, 128>}, {pipeline_mode = #tpu.pipeline_mode<synchronous>, transform_indices = @transform_3, window_bounds = array<i64: 1, 128>}, {transform_indices = @transform_4, window_bounds = array<i64: 1000, 128>}]} {
    %get3A = arith.constant 0 : index
    %get3A_0 = arith.constant 0 : index
    %get3A_1 = vector.load %arg1[%get3A, %get3A_0] : memref<1000x128xf32, #tpu.memory_space<vmem>>, vector<1000x128xf32>
    %get3A_2 = arith.constant 0 : index
    %get3A_3 = arith.constant 0 : index
    %get3A_4 = vector.load %arg2[%get3A_2, %get3A_3] : memref<1000x128xf32, #tpu.memory_space<vmem>>, vector<1000x128xf32>
    %add3A = arith.addf %get3A_1, %get3A_4 : vector<1000x128xf32>
    %mul3A = arith.mulf %add3A, %add3A : vector<1000x128xf32>
    %reduce_sum3A = arith.constant dense<0.000000e+00> : vector<1000xf32>
    %reduce_sum3A_5 = vector.multi_reduction <add>, %mul3A, %reduce_sum3A [1] : vector<1000x128xf32> to vector<1000xf32>
    %broadcast_in_dim3A = vector.shape_cast %reduce_sum3A_5 : vector<1000xf32> to vector<1000x1xf32>
    %div3A = arith.constant 1.280000e+02 : f32
    %div3A_6 = vector.broadcast %div3A : f32 to vector<1000x1xf32>
    %div3A_7 = arith.divf %broadcast_in_dim3A, %div3A_6 : vector<1000x1xf32>
    %add3A_8 = arith.constant 9.99999974E-6 : f32
    %add3A_9 = vector.broadcast %add3A_8 : f32 to vector<1000x1xf32>
    %add3A_10 = arith.addf %div3A_7, %add3A_9 : vector<1000x1xf32>
    %rsqrt3A = math.rsqrt %add3A_10 : vector<1000x1xf32>
    %mul3A_11 = vector.broadcast %rsqrt3A : vector<1000x1xf32> to vector<1000x128xf32>
    %mul3A_12 = arith.mulf %add3A, %mul3A_11 : vector<1000x128xf32>
    %get3A_13 = arith.constant 0 : index
    %get3A_14 = arith.constant 0 : index
    %get3A_15 = vector.load %arg3[%get3A_13, %get3A_14] : memref<1x128xf32, #tpu.memory_space<vmem>>, vector<1x128xf32>
    %mul3A_16 = vector.broadcast %get3A_15 : vector<1x128xf32> to vector<1000x128xf32>
    %mul3A_17 = arith.mulf %mul3A_12, %mul3A_16 : vector<1000x128xf32>
    %get3A_18 = arith.constant 0 : index
    %get3A_19 = arith.constant 0 : index
    %get3A_20 = vector.load %arg4[%get3A_18, %get3A_19] : memref<1x128xf32, #tpu.memory_space<vmem>>, vector<1x128xf32>
    %add3A_21 = vector.broadcast %get3A_20 : vector<1x128xf32> to vector<1000x128xf32>
    %add3A_22 = arith.addf %mul3A_17, %add3A_21 : vector<1000x128xf32>
    %swap3A = arith.constant 0 : index
    %swap3A_23 = arith.constant 0 : index
    %swap3A_24 = vector.load %arg5[%swap3A, %swap3A_23] : memref<1000x128xf32, #tpu.memory_space<vmem>>, vector<1000x128xf32>
    tpu.vector_store %arg5[%swap3A, %swap3A_23], %add3A_22 {strides = array<i32>} : memref<1000x128xf32, #tpu.memory_space<vmem>>, vector<1000x128xf32>,
    return
  }
  func.func @transform_0(%arg0: i32) -> (i32, i32) {
    %c0_i32 = arith.constant 0 : i32
    %c0_i32_0 = arith.constant 0 : i32
    return %arg0, %c0_i32 : i32, i32
  }
  func.func @transform_1(%arg0: i32) -> (i32, i32) {
    %c0_i32 = arith.constant 0 : i32
    %c0_i32_0 = arith.constant 0 : i32
    return %arg0, %c0_i32 : i32, i32
  }
  func.func @transform_2(%arg0: i32) -> (i32, i32) {
    %c0_i32 = arith.constant 0 : i32
    %c0_i32_0 = arith.constant 0 : i32
    %c0_i32_1 = arith.constant 0 : i32
    return %c0_i32, %c0_i32_0 : i32, i32
  }
  func.func @transform_3(%arg0: i32) -> (i32, i32) {
    %c0_i32 = arith.constant 0 : i32
    %c0_i32_0 = arith.constant 0 : i32
    %c0_i32_1 = arith.constant 0 : i32
    return %c0_i32, %c0_i32_0 : i32, i32
  }
  func.func @transform_4(%arg0: i32) -> (i32, i32) {
    %c0_i32 = arith.constant 0 : i32
    %c0_i32_0 = arith.constant 0 : i32
    return %arg0, %c0_i32 : i32, i32
  }
}

</mosaic_0001>

<sc_bundles>
// kernel: kernel.5.cloned.1.call-start
scs
__scs_entry_jumppad:
0x0: {  	(pc) =	sbr.rel $0x88, $3  }
0x1: {  	(tag) =	ssettag $0x0;
	lr =	simm.s32 $0x1  }
0x2: {  	[smem:$0x3F9B] =	sst lr;
	_ =	strace $0xD0000000  }
0x3: {  	_ = 	snop  }
0x4: {  	_ = 	snop  }
0x5: {  	_ = 	snop  }
0x6: {  	_ = 	snop  }
0x7: {  	_ = 	snop  }
__scs_overlays_trampoline_lowered:
0x8: {  	[smem:$0x3FAA] =	sst s0  }
0x9: {  	[smem:$0x3FAB] =	sst s1  }
0xa: {  	[smem:$0x3FAC] =	sst s2  }
0xb: {  	[smem:$0x3FAD] =	sst s3  }
0xc: {  	[smem:$0x3FAE] =	sst s4  }
0xd: {  	[smem:$0x3FAF] =	sst s5  }
0xe: {  	[smem:$0x3FB0] =	sst s6  }
0xf: {  	[smem:$0x3FB1] =	sst s7  }
0x10: {  	[smem:$0x3FB2] =	sst s8  }
0x11: {  	[smem:$0x3FB3] =	sst s9;
	s0 =	simm.s32 @!p0 $0x0  }
0x12: {  	s1 =	sld [smem:$0x3F99];
	s0 =	simm.s32 @p0 $0x1  }
0x13: {  	[smem:$0x3FB4] =	sst s0;
	s0 =	simm.s32 @!p1 $0x0  }
0x14: {  	s2 =	sld [smem:$0x3F98];
	s0 =	simm.s32 @p1 $0x1  }
0x15: {  	[smem:$0x3FB5] =	sst s0;
	s0 =	simm.s32 @!p2 $0x0  }
0x16: {  	s3 =	sld [smem:$0x3FDB];
	s0 =	simm.s32 @p2 $0x1  }
0x17: {  	s4 =	simm.s32 $0x1BF5;
	[smem:$0x3FB7] =	sst s0  }
0x18: {  	s0 =	sld [smem:$0x3F9A];
	_ =	swait.ge [sflag:s4], $0x0  }
0x19: {  	s7 =	sld [smem:$0x3F9B]  }
0x1a: {  	s8 =	sadd.s32 $0xFFFFE003, lr  }
0x1b: {  	s9 =	sadd.s32 $0xFFFFFEF7, lr;
	s5 =	simm.s32 $0xFFFFFFFF;
	p2 =	slt.u32 s8, $0xFFFFF086  }
0x1c: {  	p1 =	slt.u32 s9, $0xF7A;
	s5 =	simm.s32 @!p2 $0x0  }
0x1d: {  	s5 =	simm.s32 @p1 $0x1;
	p0 =	seq.s32 s7, s2  }
0x1e: {  	s7 =	smul.u32 @!p0 $0xF7A, s2;
	p2 =	seq.s32 @!p0 s5, $0x0  }
0x1f: {  	s9 =	smul.u32 $0xF7A, s1;
	s8 =	simm.s32 @!p0 $0x1BF5;
	p2 =	por !p2, p0  }
0x20: {  	[sflag:s8] =	ssyncset.s32 @!p0 $0xFFFFF086;
	s6 =	sadd.s32 @!p0 s3, s7;
	s7 =	simm.s32 @!p0 $0x108  }
0x21: {  	s3 =	sadd.s32 s3, s9;
	s6 =	sadd.s32 @!p0 $0x88, s6;
	s7 =	simm.s32 @p2 $0x1082  }
0x22: {  	[simem:s7], [sflag:s8] =	dma.local @!p0 [hbm:s6], $0xF7A  }
0x23: {  	s9 =	sor.u32 $0xD0000000, s2;
	s6 =	simm.s32 $0x108;
	_ =	swait.ge @!p0 [sflag:s8], $0x0  }
0x24: {  	s3 =	sadd.s32 $0x88, s3;
	s6 =	simm.s32 @!p1 $0x1082;
	[sflag:s4] =	ssyncset.s32 $0xFFFFF086  }
0x25: {  	[simem:s6], [sflag:s4] =	dma.local [hbm:s3], $0xF7A  }
0x26: {  	[smem:$0x3F9B] =	sst s1;
	(tag) =	ssettag s2;
	_ =	strace s9  }
0x27: {  	s1 =	sld [smem:$0x3FAB]  }
0x28: {  	s2 =	sld [smem:$0x3FAC]  }
0x29: {  	s4 =	sld [smem:$0x3FAE]  }
0x2a: {  	p0 =	seq.s32 s5, $0x0;
	s5 =	sld [smem:$0x3FAF]  }
0x2b: {  	s6 =	sld [smem:$0x3FB0]  }
0x2c: {  	s7 =	sld [smem:$0x3FB1]  }
0x2d: {  	s3 =	simm.s32 $0x108;
	s8 =	sld [smem:$0x3FB2]  }
0x2e: {  	s3 =	simm.s32 @!p0 $0x1082;
	s9 =	sld [smem:$0x3FB3]  }
0x2f: {  	lr =	sadd.s32 s0, s3;
	s0 =	sld [smem:$0x3FAA]  }
0x30: {  	s3 =	sld [smem:$0x3FAD]  }
0x31: {  	[smem:$0x3FB6] =	sst s10  }
0x32: {  	s10 =	sld [smem:$0x3FB4];
	_ =	sdelay $0x3  }
0x33: {  	p0 =	seq.s32 s10, $0x1;
	s10 =	sld [smem:$0x3FB6];
	_ =	sdelay $0x3  }
0x34: {  	[smem:$0x3FB6] =	sst s10  }
0x35: {  	s10 =	sld [smem:$0x3FB5];
	_ =	sdelay $0x3  }
0x36: {  	p1 =	seq.s32 s10, $0x1;
	s10 =	sld [smem:$0x3FB6];
	_ =	sdelay $0x3  }
0x37: {  	[smem:$0x3FB6] =	sst s10  }
0x38: {  	s10 =	sld [smem:$0x3FB7]  }
0x39: {  	_ = 	snop;
	(pc) =	sbr.ind lr, $3  }
0x3a: {  	_ = 	snop  }
0x3b: {  	_ = 	snop  }
0x3c: {  	p2 =	seq.s32 s10, $0x1;
	s10 =	sld [smem:$0x3FB6]  }
0x3d: {  	_ =	shalt  }
0x3e: {  	_ =	shalt  }
0x3f: {  	_ =	shalt  }
0x40: {  	_ =	shalt  }
0x41: {  	_ =	shalt  }
0x42: {  	_ =	shalt  }
0x43: {  	_ =	shalt  }
0x44: {  	_ =	shalt  }
0x45: {  	_ =	shalt  }
0x46: {  	_ =	shalt  }
0x47: {  	_ =	shalt  }
0x48: {  	_ =	shalt  }
0x49: {  	_ =	shalt  }
0x4a: {  	_ =	shalt  }
0x4b: {  	_ =	shalt  }
0x4c: {  	_ =	shalt  }
0x4d: {  	_ =	shalt  }
0x4e: {  	_ =	shalt  }
0x4f: {  	_ =	shalt  }
0x50: {  	_ =	shalt  }
0x51: {  	_ =	shalt  }
0x52: {  	_ =	shalt  }
0x53: {  	_ =	shalt  }
0x54: {  	_ =	shalt  }
0x55: {  	_ =	shalt  }
0x56: {  	_ =	shalt  }
0x57: {  	_ =	shalt  }
0x58: {  	_ =	shalt  }
0x59: {  	_ =	shalt  }
0x5a: {  	_ =	shalt  }
0x5b: {  	_ =	shalt  }
0x5c: {  	_ =	shalt  }
0x5d: {  	_ =	shalt  }
0x5e: {  	_ =	shalt  }
0x5f: {  	_ =	shalt  }
0x60: {  	_ =	shalt  }
0x61: {  	_ =	shalt  }
0x62: {  	_ =	shalt  }
0x63: {  	_ =	shalt  }
0x64: {  	_ =	shalt  }
0x65: {  	_ =	shalt  }
0x66: {  	_ =	shalt  }
0x67: {  	_ =	shalt  }
0x68: {  	_ =	shalt  }
0x69: {  	_ =	shalt  }
0x6a: {  	_ =	shalt  }
0x6b: {  	_ =	shalt  }
0x6c: {  	_ =	shalt  }
0x6d: {  	_ =	shalt  }
0x6e: {  	_ =	shalt  }
0x6f: {  	_ =	shalt  }
0x70: {  	_ =	shalt  }
0x71: {  	_ =	shalt  }
0x72: {  	_ =	shalt  }
0x73: {  	_ =	shalt  }
0x74: {  	_ =	shalt  }
0x75: {  	_ =	shalt  }
0x76: {  	_ =	shalt  }
0x77: {  	_ =	shalt  }
0x78: {  	_ =	shalt  }
0x79: {  	_ =	shalt  }
0x7a: {  	_ =	shalt  }
0x7b: {  	_ =	shalt  }
0x7c: {  	_ =	shalt  }
0x7d: {  	_ =	shalt  }
0x7e: {  	_ =	shalt  }
0x7f: {  	_ =	shalt  }
0x80: {  	_ =	shalt  }
0x81: {  	_ =	shalt  }
0x82: {  	_ =	shalt  }
0x83: {  	_ =	shalt  }
0x84: {  	_ =	shalt  }
0x85: {  	_ =	shalt  }
0x86: {  	_ =	shalt  }
0x87: {  	_ =	shalt  }
.Lfunc_end0:
.L_simem_size_0:
called_computation_lowered:
.L_overlay_start_0:
0x88: {  	s2 =	sld [smem:$0x3FD9]  }
0x89: {  	s3 =	sld [smem:$0x3FFE];
	_ =	sdelay $0x1  }
0x8a: {  	s1 =	srdreg.scid  }
0x8b: {  	s0 =	sand.u32 $0x1, s1  }
0x8c: {  	s17 =	sshll.u32 s0, $0xA;
	s2 =	sadd.s32 s3, s2  }
0x8d: {  	s2 =	sadd.s32 s2, s17  }
0x8e: {  	[smem:$0x3FC2] =	sst s2  }
0x8f: {  	_ = 	snop  }
0x90: {  	s2 =	sld [smem:$0x3FD0];
	(tm) =	ssettm $0x1  }
0x91: {  	s18 =	sld [smem:$0x3FFB];
	_ =	sdelay $0x3  }
0x92: {  	_ =	strace s18  }
0x93: {  	s3 =	sld [smem:$0x3FFC];
	_ =	sdelay $0x3  }
0x94: {  	_ =	strace s3  }
0x95: {  	s3 =	sld [smem:$0x3FFD];
	_ =	sdelay $0x3  }
0x96: {  	_ =	strace s3  }
0x97: {  	_ =	strace $0x8FFFFFFF  }
0x98: {  	s19 =	sld [smem:$0x3FDB];
	_ =	sdelay $0x1  }
0x99: {  	s4 =	simm.s32 $_scs_section_size  }
0x9a: {  	s5 =	simm.s32 $_size__tile_overlayer_lowered;
	s6 =	simm.s32 $_tile_overlayer_lowered  }
0x9b: {  	s22 =	simm.s32 $0x1BFF;
	s21 =	sshll.u32 s6, $0x1;
	s3 =	sadd.s32 s4, s19  }
0x9c: {  	s7 =	simm.s32 $0x0;
	s20 =	sshll.u32 s5, $0x1;
	s5 =	sadd.s32 s21, s3  }
0x9d: {  	[timem:s7], [sflag:s22] =	dma.local [hbm:s5], s20  }
0x9e: {  	_ =	swait.ge [sflag:s22], s20  }
0x9f: {  	s4 =	ssub.s32 $0x0, s20;
	[sflag:s22] =	ssyncset.done $0x0  }
0xa0: {  	[sflag:s22] =	ssyncadd.s32 s4;
	_ =	sdelay $0x1  }
0xa1: {  	s23 =	simm.s32 $0x1B8B  }
0xa2: {  	_ =	swait.ge [sflag:s23], $0x1  }
0xa3: {  	[sflag:s23] =	ssyncset.done $0x0  }
0xa4: {  	s25 =	simm.s32 $0x1B8E;
	s24 =	sld [smem:$0x3FFE];
	[sflag:s23] =	ssyncadd.s32 $0xFFFFFFFF  }
0xa5: {  	s26 =	simm.s32 $execute0_lowered;
	[smem:$0x3FD2] =	sst s25  }
0xa6: {  	s5 =	sshll.u32 s26, $0x1;
	_ =	strace $0x80000046;
	[dreg:$0x1] =	wrdreg $0xFFFFFFFF  }
0xa7: {  	s28 =	simm.s32 $_size_execute0_lowered;
	s3 =	sadd.s32 s3, s5;
	[dreg:$0x0] =	wrdreg $0x0  }
0xa8: {  	s5 =	sshll.u32 s28, $0x1;
	[dreg:$0x2] =	wrdreg s3  }
0xa9: {  	[dreg:$0x3] =	wrdreg s5  }
0xaa: {  	[dreg:$0x4] =	wrdreg $0xC0  }
0xab: {  	_ =	task [dreg:s7], $0x5FFFF  }
0xac: {  	[dreg:$0x1] =	wrdreg $0xFFFFFFFF  }
0xad: {  	[dreg:$0x0] =	wrdreg $0x60  }
0xae: {  	[dreg:$0x2] =	wrdreg s2  }
0xaf: {  	[dreg:$0x3] =	wrdreg s24  }
0xb0: {  	[dreg:$0x4] =	wrdreg $0x9  }
0xb1: {  	_ =	task.clear_ibuf [dreg:s7], $0x5FFFF;
	_ =	strace $0x90000046  }
0xb2: {  	s29 =	simm.s32 $0x9;
	_ =	strace $0x80000048  }
0xb3: {  	_ =	swait.ge [sflag:s29], $0x1  }
0xb4: {  	[sflag:s29] =	ssyncadd.s32 $0xFFFFFFFF  }
0xb5: {  	_ =	strace $0x90000048  }
0xb6: {  	_ =	sfence  }
0xb7: {  	s30 =	sld [smem:$0x0];
	_ =	sdelay $0x2  }
0xb8: {  	s31 =	sshll.u32 s1, $0xD;
	s1 =	sshrl.u32 s1, $0x2  }
0xb9: {  	s3 =	sand.u32 $0x4000, s31;
	s1 =	sadd.s32 s1, s30  }
0xba: {  	s0 =	sor.u32 s3, s0;
	s1 =	sshll.u32 s1, $0x11  }
0xbb: {  	s0 =	sor.u32 s1, s0  }
0xbc: {  	s0 =	sadd.s32 $0x8F2B, s0  }
0xbd: {  	[sflag:s0] =	ssyncadd.remote.s32 $0x1  }
0xbe: {  	_ =	sfence.sel $0xFFFF  }
0xbf: {  	[dreg:$0x0] =	wrdreg $0xFFFFFFFF;
	(pc) =	sbr.abs _section_cstart, $3  }
0xc0: {  	[dreg:$0x1] =	wrdreg $0xFFFFFFFF  }
0xc1: {  	_ =	task.clear_ibuf [dreg:s7], $0x2FFFF;
	_ =	strace $0x9FFFFFFF  }
0xc2: {  	(tm) =	ssettm $0x7FFFFFFF  }
0xc3: {  	_ =	shalt  }
tec
execute0_lowered:
.L_overlay_start_1:
0x0: {  	(tag) =	ssettag $0x1  }
0x1: {  	s2 =	rddreg [dreg:$0x0];
	s1 =	srdreg.scid  }
0x2: {  	s0 =	stileid.u32;
	s5 =	rddreg [dreg:$0x1]  }
0x3: {  	s3 =	simm.s32 $0x0;
	s10 =	simm.s32 $0xA200;
	s11 =	simm.s32 $0xA700  }
0x4: {  	s12 =	simm.s32 $0xAC80;
	s13 =	simm.s32 $0x1;
	s14 =	simm.s32 $0x10  }
0x5: {  	s15 =	simm.s32 $0xB200;
	s4 =	sand.u32 $0x1, s1;
	s1 =	rddreg [dreg:$0x2]  }
0x6: {  	s16 =	simm.s32 $0x0;
	s6 =	sshll.u32 s0, $0x1;
	[smem:$0x7FF] =	sst s3  }
.Ltmp0:
0x7: {  	s6 =	sor.u32 s4, s6;
	s8 =	ssub.s32 $0x2, s4;
	(pc) =	sbr.rel .LBB2_1-.Ltmp0, $4  }
0x8: {  	v1 =	vimm.f32 $0.0e+00;
	v2 =	vlaneseq.u32;
	v3 =	vimm.s32 $0x0;
	_ =	strace $0x80000047;
	s7 =	smul.u32 $0x1390, s6;
	s9 =	sshrl.u32 s8, $0x1  }
0x9: {  	v4 =	vimm.s32 $0x139;
	v5 =	vor.u32 $0x10, v2;
	v6 =	vor.u32 $0x20, v2;
	s4 =	sadd.s32 $0xA400, s5;
	s6 =	smul.u32 $0xFFFFFEC7, s6;
	s8 =	ssub.s32 s8, s9  }
0xa: {  	v7 =	vor.u32 $0x30, v2;
	v8 =	vor.u32 $0x40, v2;
	v9 =	vor.u32 $0x50, v2;
	s9 =	simm.s32 $0x2;
	s7 =	sadd.s32 s7, s5;
	s5 =	sadd.s32 $0x600, s5  }
0xb: {  	v10 =	vor.u32 $0x60, v2;
	v11 =	vor.u32 $0x70, v2;
	v0 =	vmov s6;
	s6 =	sadd.s32 $0x14200, s7;
	s7 =	smax.u32 s8, $0x1;
	s8 =	simm.s32 $0x9D00  }
.LBB2_10:
0xc: {  	s16 =	sadd.s32 $0x1, s16  }
0xd: {  	p0 =	sne.s32 s16, s7  }
.Ltmp1:
0xe: {  	_ = 	snop;
	(pc) =	sbr.rel @!p0 .LBB2_11-.Ltmp1, $4  }
0xf: {  	[hbm4b:s6+s3] =	stream.linear.scatter [tilespmem:s3], [sflag:$0x2], $0x9C80, $0x38;
	[tilespmem:$0xBA00] =	vst v63  }
0x10: {  	_ =	swait.ge [sflag:s9], $0x9C80  }
0x11: {  	[sflag:s9] =	ssyncset.done $0x0  }
0x12: {  	[sflag:s9] =	ssyncadd.s32 $0xFFFF6380  }
.LBB2_1:
0x13: {  	s17 =	simm.s32 $0x40;
	s18 =	simm.s32 $0x0  }
.LBB2_2:
0x14: {  	p0 =	sne.s32 s17, $0x273C0;
	[tilespmem:s18+$0x0] =	vst v1;
	s18 =	smov.u32 s17;
	s17 =	sadd.s32 $0x40, s17  }
.Ltmp2:
0x15: {  	(pc) =	sbr.rel @p0 .LBB2_2-.Ltmp2, $2  }
0x16: {  	_ =	sdelay $0x2  }
0x17: {  	s18 =	sshra.s32 s18, $0x2  }
0x18: {  	[tilespmem:s18+$0x0] =	vst v1  }
0x19: {  	[tilespmem:$0xAC80] =	vst v3  }
0x1a: {  	[tilespmem:$0xA700] =	vst v4  }
0x1b: {  	[tilespmem:$0xAC90] =	vst v3  }
0x1c: {  	[tilespmem:$0xA710] =	vst v4  }
0x1d: {  	[tilespmem:$0xACA0] =	vst v3  }
0x1e: {  	[tilespmem:$0xA720] =	vst v4  }
0x1f: {  	[tilespmem:$0xACB0] =	vst v3  }
0x20: {  	[tilespmem:$0xA730] =	vst v4  }
0x21: {  	[tilespmem:$0xACC0] =	vst v3  }
0x22: {  	[tilespmem:$0xA740] =	vst v4  }
0x23: {  	[tilespmem:$0xACD0] =	vst v3  }
0x24: {  	[tilespmem:$0xA750] =	vst v4  }
0x25: {  	[tilespmem:$0xACE0] =	vst v3  }
0x26: {  	[tilespmem:$0xA760] =	vst v4  }
0x27: {  	[tilespmem:$0xACF0] =	vst v3  }
0x28: {  	[tilespmem:$0xA770] =	vst v4  }
0x29: {  	[tilespmem:$0xAD00] =	vst v3  }
0x2a: {  	[tilespmem:$0xA780] =	vst v4  }
0x2b: {  	[tilespmem:$0xAD10] =	vst v3  }
0x2c: {  	[tilespmem:$0xA790] =	vst v4  }
0x2d: {  	[tilespmem:$0xAD20] =	vst v3  }
0x2e: {  	[tilespmem:$0xA7A0] =	vst v4  }
0x2f: {  	[tilespmem:$0xAD30] =	vst v3  }
0x30: {  	[tilespmem:$0xA7B0] =	vst v4  }
0x31: {  	[tilespmem:$0xAD40] =	vst v3  }
0x32: {  	[tilespmem:$0xA7C0] =	vst v4  }
0x33: {  	[tilespmem:$0xAD50] =	vst v3  }
0x34: {  	[tilespmem:$0xA7D0] =	vst v4  }
0x35: {  	[tilespmem:$0xAD60] =	vst v3  }
0x36: {  	[tilespmem:$0xA7E0] =	vst v4  }
0x37: {  	[tilespmem:$0xAD70] =	vst v3  }
0x38: {  	[tilespmem:$0xA7F0] =	vst v4  }
0x39: {  	[tilespmem:$0xAD80] =	vst v3  }
0x3a: {  	[tilespmem:$0xA800] =	vst v4  }
0x3b: {  	[tilespmem:$0xAD90] =	vst v3  }
0x3c: {  	[tilespmem:$0xA810] =	vst v4  }
0x3d: {  	[tilespmem:$0xADA0] =	vst v3  }
0x3e: {  	[tilespmem:$0xA820] =	vst v4  }
0x3f: {  	[tilespmem:$0xADB0] =	vst v3  }
0x40: {  	[tilespmem:$0xA830] =	vst v4  }
0x41: {  	[tilespmem:$0xADC0] =	vst v3  }
0x42: {  	[tilespmem:$0xA840] =	vst v4  }
0x43: {  	[tilespmem:$0xADD0] =	vst v3  }
0x44: {  	[tilespmem:$0xA850] =	vst v4  }
0x45: {  	[tilespmem:$0xADE0] =	vst v3  }
0x46: {  	[tilespmem:$0xA860] =	vst v4  }
0x47: {  	[tilespmem:$0xADF0] =	vst v3  }
0x48: {  	[tilespmem:$0xA870] =	vst v4  }
0x49: {  	[tilespmem:$0xAE00] =	vst v3  }
0x4a: {  	[tilespmem:$0xA880] =	vst v4  }
0x4b: {  	[tilespmem:$0xAE10] =	vst v3  }
0x4c: {  	[tilespmem:$0xA890] =	vst v4  }
0x4d: {  	[tilespmem:$0xAE20] =	vst v3  }
0x4e: {  	[tilespmem:$0xA8A0] =	vst v4  }
0x4f: {  	[tilespmem:$0xAE30] =	vst v3  }
0x50: {  	[tilespmem:$0xA8B0] =	vst v4  }
0x51: {  	[tilespmem:$0xAE40] =	vst v3  }
0x52: {  	[tilespmem:$0xA8C0] =	vst v4  }
0x53: {  	[tilespmem:$0xAE50] =	vst v3  }
0x54: {  	[tilespmem:$0xA8D0] =	vst v4  }
0x55: {  	[tilespmem:$0xAE60] =	vst v3  }
0x56: {  	[tilespmem:$0xA8E0] =	vst v4  }
0x57: {  	[tilespmem:$0xAE70] =	vst v3  }
0x58: {  	[tilespmem:$0xA8F0] =	vst v4  }
0x59: {  	[tilespmem:$0xAE80] =	vst v3  }
0x5a: {  	[tilespmem:$0xA900] =	vst v4  }
0x5b: {  	[tilespmem:$0xAE90] =	vst v3  }
0x5c: {  	[tilespmem:$0xA910] =	vst v4  }
0x5d: {  	[tilespmem:$0xAEA0] =	vst v3  }
0x5e: {  	[tilespmem:$0xA920] =	vst v4  }
0x5f: {  	[tilespmem:$0xAEB0] =	vst v3  }
0x60: {  	[tilespmem:$0xA930] =	vst v4  }
0x61: {  	[tilespmem:$0xAEC0] =	vst v3  }
0x62: {  	[tilespmem:$0xA940] =	vst v4  }
0x63: {  	[tilespmem:$0xAED0] =	vst v3  }
0x64: {  	[tilespmem:$0xA950] =	vst v4  }
0x65: {  	[tilespmem:$0xAEE0] =	vst v3  }
0x66: {  	[tilespmem:$0xA960] =	vst v4  }
0x67: {  	[tilespmem:$0xAEF0] =	vst v3  }
0x68: {  	[tilespmem:$0xA970] =	vst v4  }
0x69: {  	[tilespmem:$0xAF00] =	vst v3  }
0x6a: {  	[tilespmem:$0xA980] =	vst v4  }
0x6b: {  	[tilespmem:$0xAF10] =	vst v3  }
0x6c: {  	[tilespmem:$0xA990] =	vst v4  }
0x6d: {  	[tilespmem:$0xAF20] =	vst v3  }
0x6e: {  	[tilespmem:$0xA9A0] =	vst v4  }
0x6f: {  	[tilespmem:$0xAF30] =	vst v3  }
0x70: {  	[tilespmem:$0xA9B0] =	vst v4  }
0x71: {  	[tilespmem:$0xAF40] =	vst v3  }
0x72: {  	[tilespmem:$0xA9C0] =	vst v4  }
0x73: {  	[tilespmem:$0xAF50] =	vst v3  }
0x74: {  	[tilespmem:$0xA9D0] =	vst v4  }
0x75: {  	[tilespmem:$0xAF60] =	vst v3  }
0x76: {  	[tilespmem:$0xA9E0] =	vst v4  }
0x77: {  	[tilespmem:$0xAF70] =	vst v3  }
0x78: {  	[tilespmem:$0xA9F0] =	vst v4  }
0x79: {  	[tilespmem:$0xAF80] =	vst v3  }
0x7a: {  	[tilespmem:$0xAA00] =	vst v4  }
0x7b: {  	[tilespmem:$0xAF90] =	vst v3  }
0x7c: {  	[tilespmem:$0xAA10] =	vst v4  }
0x7d: {  	[tilespmem:$0xAFA0] =	vst v3  }
0x7e: {  	[tilespmem:$0xAA20] =	vst v4  }
0x7f: {  	[tilespmem:$0xAFB0] =	vst v3  }
0x80: {  	[tilespmem:$0xAA30] =	vst v4  }
0x81: {  	[tilespmem:$0xAFC0] =	vst v3  }
0x82: {  	[tilespmem:$0xAA40] =	vst v4  }
0x83: {  	[tilespmem:$0xAFD0] =	vst v3  }
0x84: {  	[tilespmem:$0xAA50] =	vst v4  }
0x85: {  	[tilespmem:$0xAFE0] =	vst v3  }
0x86: {  	[tilespmem:$0xAA60] =	vst v4  }
0x87: {  	[tilespmem:$0xAFF0] =	vst v3  }
0x88: {  	[tilespmem:$0xAA70] =	vst v4  }
0x89: {  	[tilespmem:$0xB000] =	vst v3  }
0x8a: {  	[tilespmem:$0xAA80] =	vst v4  }
0x8b: {  	[tilespmem:$0xB010] =	vst v3  }
0x8c: {  	[tilespmem:$0xAA90] =	vst v4  }
0x8d: {  	[tilespmem:$0xB020] =	vst v3  }
0x8e: {  	[tilespmem:$0xAAA0] =	vst v4  }
0x8f: {  	[tilespmem:$0xB030] =	vst v3  }
0x90: {  	[tilespmem:$0xAAB0] =	vst v4  }
0x91: {  	[tilespmem:$0xB040] =	vst v3  }
0x92: {  	[tilespmem:$0xAAC0] =	vst v4  }
0x93: {  	[tilespmem:$0xB050] =	vst v3  }
0x94: {  	[tilespmem:$0xAAD0] =	vst v4  }
0x95: {  	[tilespmem:$0xB060] =	vst v3  }
0x96: {  	[tilespmem:$0xAAE0] =	vst v4  }
0x97: {  	[tilespmem:$0xB070] =	vst v3  }
0x98: {  	[tilespmem:$0xAAF0] =	vst v4  }
0x99: {  	[tilespmem:$0xB080] =	vst v3  }
0x9a: {  	[tilespmem:$0xAB00] =	vst v4  }
0x9b: {  	[tilespmem:$0xB090] =	vst v3  }
0x9c: {  	[tilespmem:$0xAB10] =	vst v4  }
0x9d: {  	[tilespmem:$0xB0A0] =	vst v3  }
0x9e: {  	[tilespmem:$0xAB20] =	vst v4  }
0x9f: {  	[tilespmem:$0xB0B0] =	vst v3  }
0xa0: {  	[tilespmem:$0xAB30] =	vst v4  }
0xa1: {  	[tilespmem:$0xB0C0] =	vst v3  }
0xa2: {  	[tilespmem:$0xAB40] =	vst v4  }
0xa3: {  	[tilespmem:$0xB0D0] =	vst v3  }
0xa4: {  	[tilespmem:$0xAB50] =	vst v4  }
0xa5: {  	[tilespmem:$0xB0E0] =	vst v3  }
0xa6: {  	[tilespmem:$0xAB60] =	vst v4  }
0xa7: {  	[tilespmem:$0xB0F0] =	vst v3  }
0xa8: {  	[tilespmem:$0xAB70] =	vst v4  }
0xa9: {  	[tilespmem:$0xB100] =	vst v3  }
0xaa: {  	[tilespmem:$0xAB80] =	vst v4  }
0xab: {  	[tilespmem:$0xB110] =	vst v3  }
0xac: {  	[tilespmem:$0xAB90] =	vst v4  }
0xad: {  	[tilespmem:$0xB120] =	vst v3  }
0xae: {  	[tilespmem:$0xABA0] =	vst v4  }
0xaf: {  	[tilespmem:$0xB130] =	vst v3  }
0xb0: {  	[tilespmem:$0xABB0] =	vst v4  }
0xb1: {  	[tilespmem:$0xB140] =	vst v3  }
0xb2: {  	[tilespmem:$0xABC0] =	vst v4  }
0xb3: {  	[tilespmem:$0xB150] =	vst v3  }
0xb4: {  	[tilespmem:$0xABD0] =	vst v4  }
0xb5: {  	[tilespmem:$0xB160] =	vst v3  }
.Ltmp3:
0xb6: {  	[tilespmem:$0xABE0] =	vst v4;
	(pc) =	sbr.rel .LBB2_4-.Ltmp3, $4  }
0xb7: {  	[tilespmem:$0xB170] =	vst v3  }
0xb8: {  	[tilespmem:$0xABF0] =	vst v4  }
0xb9: {  	[tilespmem:$0xB180] =	vst v3  }
0xba: {  	s17 =	simm.s32 $0x0;
	s18 =	simm.s32 $0x0;
	[tilespmem:$0xAC00] =	vst v4  }
.LBB2_9:
0xbb: {  	s18 =	sadd.s32 $0x1, s18  }
0xbc: {  	p0 =	sne.s32 s18, $0xFA  }
.Ltmp4:
0xbd: {  	_ = 	snop;
	(pc) =	sbr.rel @!p0 .LBB2_10-.Ltmp4, $1  }
0xbe: {  	_ =	sdelay $0x3  }
.LBB2_4:
0xbf: {  	s19 =	smul.u32 $0xA0, s18;
	_ =	sdelay $0x1  }
0xc0: {  	s20 =	sadd.s32 s5, s19  }
0xc1: {  	[tilespmem:s8], [sflag:$0x2] =	stream.linear.gather [hbm4b:s20+s17], $0x500, $0x38;
	[tilespmem:$0xBA00] =	vst v63  }
0xc2: {  	_ =	swait.ge [sflag:s9], $0x500  }
0xc3: {  	[sflag:s9] =	ssyncset.done $0x0  }
0xc4: {  	s19 =	sadd.s32 s4, s19;
	[sflag:s9] =	ssyncadd.s32 $0xFFFFFB00  }
0xc5: {  	[tilespmem:s10], [sflag:$0x2] =	stream.linear.gather [hbm4b:s19+s17], $0x500, $0x38;
	[tilespmem:$0xBA00] =	vst v63  }
0xc6: {  	_ =	swait.ge [sflag:s9], $0x500  }
0xc7: {  	[sflag:s9] =	ssyncset.done $0x0  }
0xc8: {  	s30 =	simm.s32 $0x0;
	[sflag:s9] =	ssyncadd.s32 $0xFFFFFB00  }
0xc9: {  	v12 =	vld [tilespmem:s30+$0x9D00];
	_ =	sdelay $0x4  }
0xca: {  	v12 =	vadd.s32 v0, v12  }
0xcb: {  	vm0 =	vlt.u32 v12, $0x139  }
0xcc: {  	v13 =	vsel vm0, $0x1, v3  }
0xcd: {  	(xrf0) =	vadd.scan.msk.s32 $0xffff, v13;
	_ =	sdelay $0x5  }
0xce: {  	v13, _, _ =	vpop (xrf0)  }
0xcf: {  	v14 =	vxor.u32 $0x80000000, v13  }
0xd0: {  	(xrf0) =	vmax.scan.msk.u32 $0xffff, v14  }
0xd1: {  	s31 =	simm.s32 $0xFFFFFFFF  }
0xd2: {  	v13 =	vadd.s32 s31, v13  }
0xd3: {  	v62 =	vld [tilespmem:s30+$0xA200];
	_ =	sdelay $0x2  }
0xd4: {  	v63, _, _ =	vpop (xrf0)  }
0xd5: {  	[tilespmem:v13+s11+$0x0] =	vst.idx.msk vm0, v12;
	(v2sf) =	vpush v63, $0xF  }
0xd6: {  	s21 =	simm.s32 $0x80;
	s20 =	simm.s32 $0x0;
	s19 =	simm.s32 $0x10;
	[tilespmem:v13+s12+$0x0] =	vst.idx.msk vm0, v62  }
.LBB2_5:
0xd7: {  	p0 =	sne.s32 s21, $0x13C0;
	v12 =	vld [tilespmem:s19+$0x9D00];
	_ =	sdelay $0x4  }
0xd8: {  	v12 =	vadd.s32 v0, v12  }
0xd9: {  	vm0 =	vlt.u32 v12, $0x139  }
0xda: {  	v13 =	vsel vm0, $0x1, v3  }
0xdb: {  	(xrf0) =	vadd.scan.msk.s32 $0xffff, v13;
	_ =	sdelay $0x4  }
0xdc: {  	s22 =	spop (v2sf)  }
0xdd: {  	v13, _, _ =	vpop (xrf0);
	s20 =	sadd.s32 s22, s20  }
0xde: {  	v14 =	vxor.u32 $0x80000000, v13;
	s20 =	sadd.s32 $0x80000000, s20  }
0xdf: {  	s22 =	sadd.s32 $0xFFFFFFFF, s20;
	(xrf0) =	vmax.scan.msk.u32 $0xffff, v14  }
0xe0: {  	v13 =	vadd.s32 s22, v13  }
0xe1: {  	v14 =	vld [tilespmem:s19+$0xA200];
	_ =	sdelay $0x1  }
.Ltmp5:
0xe2: {  	(pc) =	sbr.rel @p0 .LBB2_5-.Ltmp5, $4  }
0xe3: {  	_ = 	snop  }
0xe4: {  	[tilespmem:v13+s11+$0x0] =	vst.idx.msk vm0, v12;
	v12, _, _ =	vpop (xrf0)  }
0xe5: {  	[tilespmem:v13+s12+$0x0] =	vst.idx.msk vm0, v14;
	(v2sf) =	vpush v12, $0xF  }
0xe6: {  	s19 =	sshra.s32 s21, $0x2;
	s21 =	sadd.s32 $0x40, s21  }
0xe7: {  	v12 =	vld [tilespmem:s19+$0x9D00];
	_ =	sdelay $0x4  }
0xe8: {  	v12 =	vadd.s32 v0, v12  }
0xe9: {  	vm0 =	vlt.u32 v12, $0x139  }
0xea: {  	v13 =	vsel vm0, $0x1, v3  }
0xeb: {  	(xrf0) =	vadd.scan.msk.s32 $0xffff, v13;
	_ =	sdelay $0x5  }
0xec: {  	v13, _, _ =	vpop (xrf0)  }
0xed: {  	v14 =	vxor.u32 $0x80000000, v13  }
0xee: {  	(xrf0) =	vmax.scan.msk.u32 $0xffff, v14;
	_ =	sdelay $0x5  }
0xef: {  	v14, _, _ =	vpop (xrf0)  }
0xf0: {  	(v2sf) =	vpush v14, $0xF;
	_ =	sdelay $0xc  }
0xf1: {  	s21 =	spop (v2sf)  }
0xf2: {  	s20 =	sadd.s32 s21, s20  }
0xf3: {  	s20 =	sadd.s32 $0x80000000, s20;
	s29 =	spop (v2sf)  }
0xf4: {  	s21 =	sadd.s32 s29, s20  }
0xf5: {  	s21 =	sadd.s32 $0x80000000, s21  }
0xf6: {  	s22 =	sadd.s32 $0xF, s21  }
0xf7: {  	s30 =	sand.u32 $0xF, s22  }
0xf8: {  	s31 =	sshra.s32 s22, $0x1F;
	p1 =	slt.s32 s22, $0x1;
	p0 =	sne.s32 s30, $0x0  }
0xf9: {  	v63 =	vld [tilespmem:s19+$0xA200];
	s20 =	sadd.s32 $0xFFFFFFFF, s20;
	s19 =	sshrl.u32 s31, $0x1C;
	p0 =	por !p1, !p0  }
0xfa: {  	v13 =	vadd.s32 s20, v13;
	s20 =	simm.s32 $0x1;
	s19 =	sadd.s32 s19, s22;
	p0 =	por !p0, !p0  }
0xfb: {  	s19 =	sshra.s32 s19, $0x4;
	s20 =	simm.s32 @!p0 $0x0  }
0xfc: {  	s19 =	ssub.s32 s19, s20  }
0xfd: {  	p0 =	slt.s32 s19, $0x1  }
.Ltmp6:
0xfe: {  	_ = 	snop;
	(pc) =	sbr.rel @p0 .LBB2_9-.Ltmp6, $4  }
0xff: {  	_ = 	snop  }
0x100: {  	[tilespmem:v13+s11+$0x0] =	vst.idx.msk vm0, v12  }
0x101: {  	[tilespmem:v13+s12+$0x0] =	vst.idx.msk vm0, v63  }
0x102: {  	[tilespmem:s21+$0xA700] =	vst v4  }
0x103: {  	s20 =	simm.s32 $0xF;
	s21 =	simm.s32 $0xAC80  }
.LBB2_8:
0x104: {  	s22 =	sadd.s32 $0xFFFFFFF1, s20  }
0x105: {  	v12 =	vmov s22  }
0x106: {  	v12 =	vand.u32 $0xFFFFFFF0, v12  }
0x107: {  	v12 =	vbroadcast v12, $0x0;
	_ =	sdelay $0x1  }
0x108: {  	[tilespmem:s15], [sflag:$0x1] =	stream.indirect.gather [hbm4b:s2+s14], $0x80, s21, s14, $0xb8;
	[tilespmem:$0xBA00] =	vst v63  }
0x109: {  	_ =	swait.ge [sflag:s13], $0x800  }
0x10a: {  	[sflag:s13] =	ssyncset.done $0x0  }
0x10b: {  	[sflag:s13] =	ssyncadd.s32 $0xFFFFF800  }
0x10c: {  	v12 =	vld.idx.msk [tilespmem:v12+s11+$0x0], $0xffff;
	_ =	sdelay $0x4  }
0x10d: {  	v12 =	vshll.u32 v12, $0x7  }
0x10e: {  	v13 =	vor.u32 v2, v12;
	_ =	sdelay $0x3  }
0x10f: {  	v15 =	vld [tilespmem:$0xB200]  }
0x110: {  	v14 =	vld.idx.msk [tilespmem:v13+s3+$0x0], $0xffff;
	_ =	sdelay $0x1  }
0x111: {  	v16 =	vor.u32 v5, v12;
	_ =	sdelay $0x2  }
0x112: {  	v14 =	vmax.f32 v14, v15  }
0x113: {  	[tilespmem:v13+s3+$0x0] =	vst.idx.msk $0xffff, v14  }
0x114: {  	v13 =	vld.idx.msk [tilespmem:v16+s3+$0x0], $0xffff  }
0x115: {  	v14 =	vld [tilespmem:$0xB210];
	_ =	sdelay $0x1  }
0x116: {  	v47 =	vor.u32 v6, v12;
	_ =	sdelay $0x2  }
0x117: {  	v13 =	vmax.f32 v13, v14  }
0x118: {  	[tilespmem:v16+s3+$0x0] =	vst.idx.msk $0xffff, v13  }
0x119: {  	v13 =	vld.idx.msk [tilespmem:v47+s3+$0x0], $0xffff  }
0x11a: {  	v48 =	vld [tilespmem:$0xB220];
	_ =	sdelay $0x1  }
0x11b: {  	v49 =	vor.u32 v7, v12;
	_ =	sdelay $0x2  }
0x11c: {  	v13 =	vmax.f32 v13, v48  }
0x11d: {  	[tilespmem:v47+s3+$0x0] =	vst.idx.msk $0xffff, v13  }
0x11e: {  	v13 =	vld.idx.msk [tilespmem:v49+s3+$0x0], $0xffff  }
0x11f: {  	v50 =	vld [tilespmem:$0xB230];
	_ =	sdelay $0x1  }
0x120: {  	v51 =	vor.u32 v8, v12;
	_ =	sdelay $0x2  }
0x121: {  	v13 =	vmax.f32 v13, v50  }
0x122: {  	[tilespmem:v49+s3+$0x0] =	vst.idx.msk $0xffff, v13  }
0x123: {  	v13 =	vld.idx.msk [tilespmem:v51+s3+$0x0], $0xffff  }
0x124: {  	v52 =	vld [tilespmem:$0xB240];
	_ =	sdelay $0x1  }
0x125: {  	v53 =	vor.u32 v9, v12;
	_ =	sdelay $0x2  }
0x126: {  	v13 =	vmax.f32 v13, v52  }
0x127: {  	[tilespmem:v51+s3+$0x0] =	vst.idx.msk $0xffff, v13  }
0x128: {  	v13 =	vld.idx.msk [tilespmem:v53+s3+$0x0], $0xffff  }
0x129: {  	v54 =	vld [tilespmem:$0xB250];
	_ =	sdelay $0x1  }
0x12a: {  	v55 =	vor.u32 v10, v12;
	_ =	sdelay $0x2  }
0x12b: {  	v13 =	vmax.f32 v13, v54  }
0x12c: {  	[tilespmem:v53+s3+$0x0] =	vst.idx.msk $0xffff, v13  }
0x12d: {  	v13 =	vld.idx.msk [tilespmem:v55+s3+$0x0], $0xffff  }
0x12e: {  	v56 =	vld [tilespmem:$0xB260];
	_ =	sdelay $0x1  }
0x12f: {  	v12 =	vor.u32 v11, v12;
	_ =	sdelay $0x2  }
0x130: {  	v13 =	vmax.f32 v13, v56  }
0x131: {  	s25 =	sadd.s32 $0xFFFFFFF2, s20;
	[tilespmem:v55+s3+$0x0] =	vst.idx.msk $0xffff, v13  }
0x132: {  	v57 =	vmov s25;
	v13 =	vld.idx.msk [tilespmem:v12+s3+$0x0], $0xffff  }
0x133: {  	v14 =	vand.u32 $0xFFFFFFF1, v57;
	v15 =	vld [tilespmem:$0xB270]  }
0x134: {  	v14 =	vbroadcast v14, $0x0;
	_ =	sdelay $0x3  }
0x135: {  	v13 =	vmax.f32 v13, v15  }
0x136: {  	[tilespmem:v12+s3+$0x0] =	vst.idx.msk $0xffff, v13  }
0x137: {  	v12 =	vld.idx.msk [tilespmem:v14+s11+$0x0], $0xffff;
	_ =	sdelay $0x4  }
0x138: {  	v12 =	vshll.u32 v12, $0x7  }
0x139: {  	v58 =	vor.u32 v2, v12;
	_ =	sdelay $0x3  }
0x13a: {  	v60 =	vld [tilespmem:$0xB280]  }
0x13b: {  	v59 =	vld.idx.msk [tilespmem:v58+s3+$0x0], $0xffff;
	_ =	sdelay $0x1  }
0x13c: {  	v61 =	vor.u32 v5, v12;
	_ =	sdelay $0x2  }
0x13d: {  	v14 =	vmax.f32 v59, v60  }
0x13e: {  	[tilespmem:v58+s3+$0x0] =	vst.idx.msk $0xffff, v14  }
0x13f: {  	v13 =	vld.idx.msk [tilespmem:v61+s3+$0x0], $0xffff  }
0x140: {  	v14 =	vld [tilespmem:$0xB290];
	_ =	sdelay $0x1  }
0x141: {  	v62 =	vor.u32 v6, v12;
	_ =	sdelay $0x2  }
0x142: {  	v13 =	vmax.f32 v13, v14  }
0x143: {  	[tilespmem:v61+s3+$0x0] =	vst.idx.msk $0xffff, v13  }
0x144: {  	v13 =	vld.idx.msk [tilespmem:v62+s3+$0x0], $0xffff  }
0x145: {  	v63 =	vld [tilespmem:$0xB2A0];
	_ =	sdelay $0x1  }
0x146: {  	v20 =	vor.u32 v7, v12;
	_ =	sdelay $0x2  }
0x147: {  	v13 =	vmax.f32 v13, v63  }
0x148: {  	[tilespmem:v62+s3+$0x0] =	vst.idx.msk $0xffff, v13  }
0x149: {  	v13 =	vld.idx.msk [tilespmem:v20+s3+$0x0], $0xffff  }
0x14a: {  	v21 =	vld [tilespmem:$0xB2B0];
	_ =	sdelay $0x1  }
0x14b: {  	v22 =	vor.u32 v8, v12;
	_ =	sdelay $0x2  }
0x14c: {  	v13 =	vmax.f32 v13, v21  }
0x14d: {  	[tilespmem:v20+s3+$0x0] =	vst.idx.msk $0xffff, v13  }
0x14e: {  	v13 =	vld.idx.msk [tilespmem:v22+s3+$0x0], $0xffff  }
0x14f: {  	v23 =	vld [tilespmem:$0xB2C0];
	_ =	sdelay $0x1  }
0x150: {  	v24 =	vor.u32 v9, v12;
	_ =	sdelay $0x2  }
0x151: {  	v13 =	vmax.f32 v13, v23  }
0x152: {  	[tilespmem:v22+s3+$0x0] =	vst.idx.msk $0xffff, v13  }
0x153: {  	v13 =	vld.idx.msk [tilespmem:v24+s3+$0x0], $0xffff  }
0x154: {  	v25 =	vld [tilespmem:$0xB2D0];
	_ =	sdelay $0x1  }
0x155: {  	v26 =	vor.u32 v10, v12;
	_ =	sdelay $0x2  }
0x156: {  	v13 =	vmax.f32 v13, v25  }
0x157: {  	[tilespmem:v24+s3+$0x0] =	vst.idx.msk $0xffff, v13  }
0x158: {  	v13 =	vld.idx.msk [tilespmem:v26+s3+$0x0], $0xffff  }
0x159: {  	v27 =	vld [tilespmem:$0xB2E0];
	_ =	sdelay $0x1  }
0x15a: {  	v12 =	vor.u32 v11, v12;
	_ =	sdelay $0x2  }
0x15b: {  	v13 =	vmax.f32 v13, v27  }
0x15c: {  	s26 =	sadd.s32 $0xFFFFFFF3, s20;
	[tilespmem:v26+s3+$0x0] =	vst.idx.msk $0xffff, v13  }
0x15d: {  	v28 =	vmov s26;
	v13 =	vld.idx.msk [tilespmem:v12+s3+$0x0], $0xffff  }
0x15e: {  	v14 =	vand.u32 $0xFFFFFFF2, v28;
	v15 =	vld [tilespmem:$0xB2F0]  }
0x15f: {  	v14 =	vbroadcast v14, $0x0;
	_ =	sdelay $0x3  }
0x160: {  	v13 =	vmax.f32 v13, v15  }
0x161: {  	[tilespmem:v12+s3+$0x0] =	vst.idx.msk $0xffff, v13  }
0x162: {  	v12 =	vld.idx.msk [tilespmem:v14+s11+$0x0], $0xffff;
	_ =	sdelay $0x4  }
0x163: {  	v12 =	vshll.u32 v12, $0x7  }
0x164: {  	v29 =	vor.u32 v2, v12;
	_ =	sdelay $0x3  }
0x165: {  	v31 =	vld [tilespmem:$0xB300]  }
0x166: {  	v30 =	vld.idx.msk [tilespmem:v29+s3+$0x0], $0xffff;
	_ =	sdelay $0x1  }
0x167: {  	v32 =	vor.u32 v5, v12;
	_ =	sdelay $0x2  }
0x168: {  	v14 =	vmax.f32 v30, v31  }
0x169: {  	[tilespmem:v29+s3+$0x0] =	vst.idx.msk $0xffff, v14  }
0x16a: {  	v13 =	vld.idx.msk [tilespmem:v32+s3+$0x0], $0xffff  }
0x16b: {  	v14 =	vld [tilespmem:$0xB310];
	_ =	sdelay $0x1  }
0x16c: {  	v33 =	vor.u32 v6, v12;
	_ =	sdelay $0x2  }
0x16d: {  	v13 =	vmax.f32 v13, v14  }
0x16e: {  	[tilespmem:v32+s3+$0x0] =	vst.idx.msk $0xffff, v13  }
0x16f: {  	v13 =	vld.idx.msk [tilespmem:v33+s3+$0x0], $0xffff  }
0x170: {  	v34 =	vld [tilespmem:$0xB320];
	_ =	sdelay $0x1  }
0x171: {  	v35 =	vor.u32 v7, v12;
	_ =	sdelay $0x2  }
0x172: {  	v13 =	vmax.f32 v13, v34  }
0x173: {  	[tilespmem:v33+s3+$0x0] =	vst.idx.msk $0xffff, v13  }
0x174: {  	v13 =	vld.idx.msk [tilespmem:v35+s3+$0x0], $0xffff  }
0x175: {  	v36 =	vld [tilespmem:$0xB330];
	_ =	sdelay $0x1  }
0x176: {  	v37 =	vor.u32 v8, v12;
	_ =	sdelay $0x2  }
0x177: {  	v13 =	vmax.f32 v13, v36  }
0x178: {  	[tilespmem:v35+s3+$0x0] =	vst.idx.msk $0xffff, v13  }
0x179: {  	v13 =	vld.idx.msk [tilespmem:v37+s3+$0x0], $0xffff  }
0x17a: {  	v38 =	vld [tilespmem:$0xB340];
	_ =	sdelay $0x1  }
0x17b: {  	v39 =	vor.u32 v9, v12;
	_ =	sdelay $0x2  }
0x17c: {  	v13 =	vmax.f32 v13, v38  }
0x17d: {  	[tilespmem:v37+s3+$0x0] =	vst.idx.msk $0xffff, v13  }
0x17e: {  	v13 =	vld.idx.msk [tilespmem:v39+s3+$0x0], $0xffff  }
0x17f: {  	v40 =	vld [tilespmem:$0xB350];
	_ =	sdelay $0x1  }
0x180: {  	v41 =	vor.u32 v10, v12;
	_ =	sdelay $0x2  }
0x181: {  	v13 =	vmax.f32 v13, v40  }
0x182: {  	[tilespmem:v39+s3+$0x0] =	vst.idx.msk $0xffff, v13  }
0x183: {  	v13 =	vld.idx.msk [tilespmem:v41+s3+$0x0], $0xffff  }
0x184: {  	v42 =	vld [tilespmem:$0xB360];
	_ =	sdelay $0x1  }
0x185: {  	v12 =	vor.u32 v11, v12;
	_ =	sdelay $0x2  }
0x186: {  	v13 =	vmax.f32 v13, v42  }
0x187: {  	s28 =	sadd.s32 $0xFFFFFFF4, s20;
	[tilespmem:v41+s3+$0x0] =	vst.idx.msk $0xffff, v13  }
0x188: {  	v43 =	vmov s28;
	v13 =	vld.idx.msk [tilespmem:v12+s3+$0x0], $0xffff  }
0x189: {  	v14 =	vand.u32 $0xFFFFFFF3, v43;
	v15 =	vld [tilespmem:$0xB370]  }
0x18a: {  	v14 =	vbroadcast v14, $0x0;
	_ =	sdelay $0x3  }
0x18b: {  	v13 =	vmax.f32 v13, v15  }
0x18c: {  	[tilespmem:v12+s3+$0x0] =	vst.idx.msk $0xffff, v13  }
0x18d: {  	v12 =	vld.idx.msk [tilespmem:v14+s11+$0x0], $0xffff;
	_ =	sdelay $0x4  }
0x18e: {  	v12 =	vshll.u32 v12, $0x7  }
0x18f: {  	v44 =	vor.u32 v2, v12;
	_ =	sdelay $0x3  }
0x190: {  	v46 =	vld [tilespmem:$0xB380]  }
0x191: {  	v45 =	vld.idx.msk [tilespmem:v44+s3+$0x0], $0xffff;
	_ =	sdelay $0x1  }
0x192: {  	v47 =	vor.u32 v5, v12;
	_ =	sdelay $0x2  }
0x193: {  	v14 =	vmax.f32 v45, v46  }
0x194: {  	[tilespmem:v44+s3+$0x0] =	vst.idx.msk $0xffff, v14  }
0x195: {  	v13 =	vld.idx.msk [tilespmem:v47+s3+$0x0], $0xffff  }
0x196: {  	v14 =	vld [tilespmem:$0xB390];
	_ =	sdelay $0x1  }
0x197: {  	v48 =	vor.u32 v6, v12;
	_ =	sdelay $0x2  }
0x198: {  	v13 =	vmax.f32 v13, v14  }
0x199: {  	[tilespmem:v47+s3+$0x0] =	vst.idx.msk $0xffff, v13  }
0x19a: {  	v13 =	vld.idx.msk [tilespmem:v48+s3+$0x0], $0xffff  }
0x19b: {  	v49 =	vld [tilespmem:$0xB3A0];
	_ =	sdelay $0x1  }
0x19c: {  	v50 =	vor.u32 v7, v12;
	_ =	sdelay $0x2  }
0x19d: {  	v13 =	vmax.f32 v13, v49  }
0x19e: {  	[tilespmem:v48+s3+$0x0] =	vst.idx.msk $0xffff, v13  }
0x19f: {  	v13 =	vld.idx.msk [tilespmem:v50+s3+$0x0], $0xffff  }
0x1a0: {  	v51 =	vld [tilespmem:$0xB3B0];
	_ =	sdelay $0x1  }
0x1a1: {  	v52 =	vor.u32 v8, v12;
	_ =	sdelay $0x2  }
0x1a2: {  	v13 =	vmax.f32 v13, v51  }
0x1a3: {  	[tilespmem:v50+s3+$0x0] =	vst.idx.msk $0xffff, v13  }
0x1a4: {  	v13 =	vld.idx.msk [tilespmem:v52+s3+$0x0], $0xffff  }
0x1a5: {  	v53 =	vld [tilespmem:$0xB3C0];
	_ =	sdelay $0x1  }
0x1a6: {  	v54 =	vor.u32 v9, v12;
	_ =	sdelay $0x2  }
0x1a7: {  	v13 =	vmax.f32 v13, v53  }
0x1a8: {  	[tilespmem:v52+s3+$0x0] =	vst.idx.msk $0xffff, v13  }
0x1a9: {  	v13 =	vld.idx.msk [tilespmem:v54+s3+$0x0], $0xffff  }
0x1aa: {  	v55 =	vld [tilespmem:$0xB3D0];
	_ =	sdelay $0x1  }
0x1ab: {  	v56 =	vor.u32 v10, v12;
	_ =	sdelay $0x2  }
0x1ac: {  	v13 =	vmax.f32 v13, v55  }
0x1ad: {  	[tilespmem:v54+s3+$0x0] =	vst.idx.msk $0xffff, v13  }
0x1ae: {  	v13 =	vld.idx.msk [tilespmem:v56+s3+$0x0], $0xffff  }
0x1af: {  	v57 =	vld [tilespmem:$0xB3E0];
	_ =	sdelay $0x1  }
0x1b0: {  	v12 =	vor.u32 v11, v12;
	_ =	sdelay $0x2  }
0x1b1: {  	v13 =	vmax.f32 v13, v57  }
0x1b2: {  	s29 =	sadd.s32 $0xFFFFFFF5, s20;
	[tilespmem:v56+s3+$0x0] =	vst.idx.msk $0xffff, v13  }
0x1b3: {  	v58 =	vmov s29;
	v13 =	vld.idx.msk [tilespmem:v12+s3+$0x0], $0xffff  }
0x1b4: {  	v14 =	vand.u32 $0xFFFFFFF4, v58;
	v15 =	vld [tilespmem:$0xB3F0]  }
0x1b5: {  	v14 =	vbroadcast v14, $0x0;
	_ =	sdelay $0x3  }
0x1b6: {  	v13 =	vmax.f32 v13, v15  }
0x1b7: {  	[tilespmem:v12+s3+$0x0] =	vst.idx.msk $0xffff, v13  }
0x1b8: {  	v12 =	vld.idx.msk [tilespmem:v14+s11+$0x0], $0xffff;
	_ =	sdelay $0x4  }
0x1b9: {  	v12 =	vshll.u32 v12, $0x7  }
0x1ba: {  	v59 =	vor.u32 v2, v12;
	_ =	sdelay $0x3  }
0x1bb: {  	v61 =	vld [tilespmem:$0xB400]  }
0x1bc: {  	v60 =	vld.idx.msk [tilespmem:v59+s3+$0x0], $0xffff;
	_ =	sdelay $0x1  }
0x1bd: {  	v62 =	vor.u32 v5, v12;
	_ =	sdelay $0x2  }
0x1be: {  	v14 =	vmax.f32 v60, v61  }
0x1bf: {  	[tilespmem:v59+s3+$0x0] =	vst.idx.msk $0xffff, v14  }
0x1c0: {  	v13 =	vld.idx.msk [tilespmem:v62+s3+$0x0], $0xffff  }
0x1c1: {  	v14 =	vld [tilespmem:$0xB410];
	_ =	sdelay $0x1  }
0x1c2: {  	v63 =	vor.u32 v6, v12;
	_ =	sdelay $0x2  }
0x1c3: {  	v13 =	vmax.f32 v13, v14  }
0x1c4: {  	[tilespmem:v62+s3+$0x0] =	vst.idx.msk $0xffff, v13  }
0x1c5: {  	v13 =	vld.idx.msk [tilespmem:v63+s3+$0x0], $0xffff  }
0x1c6: {  	v20 =	vld [tilespmem:$0xB420];
	_ =	sdelay $0x1  }
0x1c7: {  	v21 =	vor.u32 v7, v12;
	_ =	sdelay $0x2  }
0x1c8: {  	v13 =	vmax.f32 v13, v20  }
0x1c9: {  	[tilespmem:v63+s3+$0x0] =	vst.idx.msk $0xffff, v13  }
0x1ca: {  	v13 =	vld.idx.msk [tilespmem:v21+s3+$0x0], $0xffff  }
0x1cb: {  	v22 =	vld [tilespmem:$0xB430];
	_ =	sdelay $0x1  }
0x1cc: {  	v23 =	vor.u32 v8, v12;
	_ =	sdelay $0x2  }
0x1cd: {  	v13 =	vmax.f32 v13, v22  }
0x1ce: {  	[tilespmem:v21+s3+$0x0] =	vst.idx.msk $0xffff, v13  }
0x1cf: {  	v13 =	vld.idx.msk [tilespmem:v23+s3+$0x0], $0xffff  }
0x1d0: {  	v24 =	vld [tilespmem:$0xB440];
	_ =	sdelay $0x1  }
0x1d1: {  	v25 =	vor.u32 v9, v12;
	_ =	sdelay $0x2  }
0x1d2: {  	v13 =	vmax.f32 v13, v24  }
0x1d3: {  	[tilespmem:v23+s3+$0x0] =	vst.idx.msk $0xffff, v13  }
0x1d4: {  	v13 =	vld.idx.msk [tilespmem:v25+s3+$0x0], $0xffff  }
0x1d5: {  	v26 =	vld [tilespmem:$0xB450];
	_ =	sdelay $0x1  }
0x1d6: {  	v27 =	vor.u32 v10, v12;
	_ =	sdelay $0x2  }
0x1d7: {  	v13 =	vmax.f32 v13, v26  }
0x1d8: {  	[tilespmem:v25+s3+$0x0] =	vst.idx.msk $0xffff, v13  }
0x1d9: {  	v13 =	vld.idx.msk [tilespmem:v27+s3+$0x0], $0xffff  }
0x1da: {  	v28 =	vld [tilespmem:$0xB460];
	_ =	sdelay $0x1  }
0x1db: {  	v12 =	vor.u32 v11, v12;
	_ =	sdelay $0x2  }
0x1dc: {  	v13 =	vmax.f32 v13, v28  }
0x1dd: {  	s30 =	sadd.s32 $0xFFFFFFF6, s20;
	[tilespmem:v27+s3+$0x0] =	vst.idx.msk $0xffff, v13  }
0x1de: {  	v29 =	vmov s30;
	v13 =	vld.idx.msk [tilespmem:v12+s3+$0x0], $0xffff  }
0x1df: {  	v14 =	vand.u32 $0xFFFFFFF5, v29;
	v15 =	vld [tilespmem:$0xB470]  }
0x1e0: {  	v14 =	vbroadcast v14, $0x0;
	_ =	sdelay $0x3  }
0x1e1: {  	v13 =	vmax.f32 v13, v15  }
0x1e2: {  	[tilespmem:v12+s3+$0x0] =	vst.idx.msk $0xffff, v13  }
0x1e3: {  	v12 =	vld.idx.msk [tilespmem:v14+s11+$0x0], $0xffff;
	_ =	sdelay $0x4  }
0x1e4: {  	v12 =	vshll.u32 v12, $0x7  }
0x1e5: {  	v30 =	vor.u32 v2, v12;
	_ =	sdelay $0x3  }
0x1e6: {  	v32 =	vld [tilespmem:$0xB480]  }
0x1e7: {  	v31 =	vld.idx.msk [tilespmem:v30+s3+$0x0], $0xffff;
	_ =	sdelay $0x1  }
0x1e8: {  	v33 =	vor.u32 v5, v12;
	_ =	sdelay $0x2  }
0x1e9: {  	v14 =	vmax.f32 v31, v32  }
0x1ea: {  	[tilespmem:v30+s3+$0x0] =	vst.idx.msk $0xffff, v14  }
0x1eb: {  	v13 =	vld.idx.msk [tilespmem:v33+s3+$0x0], $0xffff  }
0x1ec: {  	v14 =	vld [tilespmem:$0xB490];
	_ =	sdelay $0x1  }
0x1ed: {  	v34 =	vor.u32 v6, v12;
	_ =	sdelay $0x2  }
0x1ee: {  	v13 =	vmax.f32 v13, v14  }
0x1ef: {  	[tilespmem:v33+s3+$0x0] =	vst.idx.msk $0xffff, v13  }
0x1f0: {  	v13 =	vld.idx.msk [tilespmem:v34+s3+$0x0], $0xffff  }
0x1f1: {  	v35 =	vld [tilespmem:$0xB4A0];
	_ =	sdelay $0x1  }
0x1f2: {  	v36 =	vor.u32 v7, v12;
	_ =	sdelay $0x2  }
0x1f3: {  	v13 =	vmax.f32 v13, v35  }
0x1f4: {  	[tilespmem:v34+s3+$0x0] =	vst.idx.msk $0xffff, v13  }
0x1f5: {  	v13 =	vld.idx.msk [tilespmem:v36+s3+$0x0], $0xffff  }
0x1f6: {  	v37 =	vld [tilespmem:$0xB4B0];
	_ =	sdelay $0x1  }
0x1f7: {  	v38 =	vor.u32 v8, v12;
	_ =	sdelay $0x2  }
0x1f8: {  	v13 =	vmax.f32 v13, v37  }
0x1f9: {  	[tilespmem:v36+s3+$0x0] =	vst.idx.msk $0xffff, v13  }
0x1fa: {  	v13 =	vld.idx.msk [tilespmem:v38+s3+$0x0], $0xffff  }
0x1fb: {  	v39 =	vld [tilespmem:$0xB4C0];
	_ =	sdelay $0x1  }
0x1fc: {  	v40 =	vor.u32 v9, v12;
	_ =	sdelay $0x2  }
0x1fd: {  	v13 =	vmax.f32 v13, v39  }
0x1fe: {  	[tilespmem:v38+s3+$0x0] =	vst.idx.msk $0xffff, v13  }
0x1ff: {  	v13 =	vld.idx.msk [tilespmem:v40+s3+$0x0], $0xffff  }
0x200: {  	v41 =	vld [tilespmem:$0xB4D0];
	_ =	sdelay $0x1  }
0x201: {  	v42 =	vor.u32 v10, v12;
	_ =	sdelay $0x2  }
0x202: {  	v13 =	vmax.f32 v13, v41  }
0x203: {  	[tilespmem:v40+s3+$0x0] =	vst.idx.msk $0xffff, v13  }
0x204: {  	v13 =	vld.idx.msk [tilespmem:v42+s3+$0x0], $0xffff  }
0x205: {  	v43 =	vld [tilespmem:$0xB4E0];
	_ =	sdelay $0x1  }
0x206: {  	v12 =	vor.u32 v11, v12;
	_ =	sdelay $0x2  }
0x207: {  	v13 =	vmax.f32 v13, v43  }
0x208: {  	s31 =	sadd.s32 $0xFFFFFFF7, s20;
	[tilespmem:v42+s3+$0x0] =	vst.idx.msk $0xffff, v13  }
0x209: {  	v44 =	vmov s31;
	v13 =	vld.idx.msk [tilespmem:v12+s3+$0x0], $0xffff  }
0x20a: {  	v14 =	vand.u32 $0xFFFFFFF6, v44;
	v15 =	vld [tilespmem:$0xB4F0]  }
0x20b: {  	v14 =	vbroadcast v14, $0x0;
	_ =	sdelay $0x3  }
0x20c: {  	v13 =	vmax.f32 v13, v15  }
0x20d: {  	[tilespmem:v12+s3+$0x0] =	vst.idx.msk $0xffff, v13  }
0x20e: {  	v12 =	vld.idx.msk [tilespmem:v14+s11+$0x0], $0xffff;
	_ =	sdelay $0x4  }
0x20f: {  	v12 =	vshll.u32 v12, $0x7  }
0x210: {  	v45 =	vor.u32 v2, v12;
	_ =	sdelay $0x3  }
0x211: {  	v47 =	vld [tilespmem:$0xB500]  }
0x212: {  	v46 =	vld.idx.msk [tilespmem:v45+s3+$0x0], $0xffff;
	_ =	sdelay $0x1  }
0x213: {  	v48 =	vor.u32 v5, v12;
	_ =	sdelay $0x2  }
0x214: {  	v14 =	vmax.f32 v46, v47  }
0x215: {  	[tilespmem:v45+s3+$0x0] =	vst.idx.msk $0xffff, v14  }
0x216: {  	v13 =	vld.idx.msk [tilespmem:v48+s3+$0x0], $0xffff  }
0x217: {  	v14 =	vld [tilespmem:$0xB510];
	_ =	sdelay $0x1  }
0x218: {  	v49 =	vor.u32 v6, v12;
	_ =	sdelay $0x2  }
0x219: {  	v13 =	vmax.f32 v13, v14  }
0x21a: {  	[tilespmem:v48+s3+$0x0] =	vst.idx.msk $0xffff, v13  }
0x21b: {  	v13 =	vld.idx.msk [tilespmem:v49+s3+$0x0], $0xffff  }
0x21c: {  	v50 =	vld [tilespmem:$0xB520];
	_ =	sdelay $0x1  }
0x21d: {  	v51 =	vor.u32 v7, v12;
	_ =	sdelay $0x2  }
0x21e: {  	v13 =	vmax.f32 v13, v50  }
0x21f: {  	[tilespmem:v49+s3+$0x0] =	vst.idx.msk $0xffff, v13  }
0x220: {  	v13 =	vld.idx.msk [tilespmem:v51+s3+$0x0], $0xffff  }
0x221: {  	v52 =	vld [tilespmem:$0xB530];
	_ =	sdelay $0x1  }
0x222: {  	v53 =	vor.u32 v8, v12;
	_ =	sdelay $0x2  }
0x223: {  	v13 =	vmax.f32 v13, v52  }
0x224: {  	[tilespmem:v51+s3+$0x0] =	vst.idx.msk $0xffff, v13  }
0x225: {  	v13 =	vld.idx.msk [tilespmem:v53+s3+$0x0], $0xffff  }
0x226: {  	v54 =	vld [tilespmem:$0xB540];
	_ =	sdelay $0x1  }
0x227: {  	v55 =	vor.u32 v9, v12;
	_ =	sdelay $0x2  }
0x228: {  	v13 =	vmax.f32 v13, v54  }
0x229: {  	[tilespmem:v53+s3+$0x0] =	vst.idx.msk $0xffff, v13  }
0x22a: {  	v13 =	vld.idx.msk [tilespmem:v55+s3+$0x0], $0xffff  }
0x22b: {  	v56 =	vld [tilespmem:$0xB550];
	_ =	sdelay $0x1  }
0x22c: {  	v57 =	vor.u32 v10, v12;
	_ =	sdelay $0x2  }
0x22d: {  	v13 =	vmax.f32 v13, v56  }
0x22e: {  	[tilespmem:v55+s3+$0x0] =	vst.idx.msk $0xffff, v13  }
0x22f: {  	v13 =	vld.idx.msk [tilespmem:v57+s3+$0x0], $0xffff  }
0x230: {  	v58 =	vld [tilespmem:$0xB560];
	_ =	sdelay $0x1  }
0x231: {  	v12 =	vor.u32 v11, v12;
	_ =	sdelay $0x2  }
0x232: {  	v13 =	vmax.f32 v13, v58  }
0x233: {  	s23 =	sadd.s32 $0xFFFFFFF8, s20;
	[tilespmem:v57+s3+$0x0] =	vst.idx.msk $0xffff, v13  }
0x234: {  	v59 =	vmov s23;
	v13 =	vld.idx.msk [tilespmem:v12+s3+$0x0], $0xffff  }
0x235: {  	v14 =	vand.u32 $0xFFFFFFF7, v59;
	v15 =	vld [tilespmem:$0xB570]  }
0x236: {  	v14 =	vbroadcast v14, $0x0;
	_ =	sdelay $0x3  }
0x237: {  	v13 =	vmax.f32 v13, v15  }
0x238: {  	[tilespmem:v12+s3+$0x0] =	vst.idx.msk $0xffff, v13  }
0x239: {  	v12 =	vld.idx.msk [tilespmem:v14+s11+$0x0], $0xffff;
	_ =	sdelay $0x4  }
0x23a: {  	v12 =	vshll.u32 v12, $0x7  }
0x23b: {  	v60 =	vor.u32 v2, v12;
	_ =	sdelay $0x3  }
0x23c: {  	v62 =	vld [tilespmem:$0xB580]  }
0x23d: {  	v61 =	vld.idx.msk [tilespmem:v60+s3+$0x0], $0xffff;
	_ =	sdelay $0x1  }
0x23e: {  	v63 =	vor.u32 v5, v12;
	_ =	sdelay $0x2  }
0x23f: {  	v14 =	vmax.f32 v61, v62  }
0x240: {  	[tilespmem:v60+s3+$0x0] =	vst.idx.msk $0xffff, v14  }
0x241: {  	v13 =	vld.idx.msk [tilespmem:v63+s3+$0x0], $0xffff  }
0x242: {  	v14 =	vld [tilespmem:$0xB590];
	_ =	sdelay $0x1  }
0x243: {  	v20 =	vor.u32 v6, v12;
	_ =	sdelay $0x2  }
0x244: {  	v13 =	vmax.f32 v13, v14  }
0x245: {  	[tilespmem:v63+s3+$0x0] =	vst.idx.msk $0xffff, v13  }
0x246: {  	v13 =	vld.idx.msk [tilespmem:v20+s3+$0x0], $0xffff  }
0x247: {  	v21 =	vld [tilespmem:$0xB5A0];
	_ =	sdelay $0x1  }
0x248: {  	v22 =	vor.u32 v7, v12;
	_ =	sdelay $0x2  }
0x249: {  	v13 =	vmax.f32 v13, v21  }
0x24a: {  	[tilespmem:v20+s3+$0x0] =	vst.idx.msk $0xffff, v13  }
0x24b: {  	v13 =	vld.idx.msk [tilespmem:v22+s3+$0x0], $0xffff  }
0x24c: {  	v23 =	vld [tilespmem:$0xB5B0];
	_ =	sdelay $0x1  }
0x24d: {  	v24 =	vor.u32 v8, v12;
	_ =	sdelay $0x2  }
0x24e: {  	v13 =	vmax.f32 v13, v23  }
0x24f: {  	[tilespmem:v22+s3+$0x0] =	vst.idx.msk $0xffff, v13  }
0x250: {  	v13 =	vld.idx.msk [tilespmem:v24+s3+$0x0], $0xffff  }
0x251: {  	v25 =	vld [tilespmem:$0xB5C0];
	_ =	sdelay $0x1  }
0x252: {  	v26 =	vor.u32 v9, v12;
	_ =	sdelay $0x2  }
0x253: {  	v13 =	vmax.f32 v13, v25  }
0x254: {  	[tilespmem:v24+s3+$0x0] =	vst.idx.msk $0xffff, v13  }
0x255: {  	v13 =	vld.idx.msk [tilespmem:v26+s3+$0x0], $0xffff  }
0x256: {  	v27 =	vld [tilespmem:$0xB5D0];
	_ =	sdelay $0x1  }
0x257: {  	v28 =	vor.u32 v10, v12;
	_ =	sdelay $0x2  }
0x258: {  	v13 =	vmax.f32 v13, v27  }
0x259: {  	[tilespmem:v26+s3+$0x0] =	vst.idx.msk $0xffff, v13  }
0x25a: {  	v13 =	vld.idx.msk [tilespmem:v28+s3+$0x0], $0xffff  }
0x25b: {  	v29 =	vld [tilespmem:$0xB5E0];
	_ =	sdelay $0x1  }
0x25c: {  	v12 =	vor.u32 v11, v12;
	_ =	sdelay $0x2  }
0x25d: {  	v13 =	vmax.f32 v13, v29  }
0x25e: {  	s24 =	sadd.s32 $0xFFFFFFF9, s20;
	[tilespmem:v28+s3+$0x0] =	vst.idx.msk $0xffff, v13  }
0x25f: {  	v30 =	vmov s24;
	v13 =	vld.idx.msk [tilespmem:v12+s3+$0x0], $0xffff  }
0x260: {  	v14 =	vand.u32 $0xFFFFFFF8, v30;
	v15 =	vld [tilespmem:$0xB5F0]  }
0x261: {  	v14 =	vbroadcast v14, $0x0;
	_ =	sdelay $0x3  }
0x262: {  	v13 =	vmax.f32 v13, v15  }
0x263: {  	[tilespmem:v12+s3+$0x0] =	vst.idx.msk $0xffff, v13  }
0x264: {  	v12 =	vld.idx.msk [tilespmem:v14+s11+$0x0], $0xffff;
	_ =	sdelay $0x4  }
0x265: {  	v12 =	vshll.u32 v12, $0x7  }
0x266: {  	v31 =	vor.u32 v2, v12;
	_ =	sdelay $0x3  }
0x267: {  	v33 =	vld [tilespmem:$0xB600]  }
0x268: {  	v32 =	vld.idx.msk [tilespmem:v31+s3+$0x0], $0xffff;
	_ =	sdelay $0x1  }
0x269: {  	v34 =	vor.u32 v5, v12;
	_ =	sdelay $0x2  }
0x26a: {  	v14 =	vmax.f32 v32, v33  }
0x26b: {  	[tilespmem:v31+s3+$0x0] =	vst.idx.msk $0xffff, v14  }
0x26c: {  	v13 =	vld.idx.msk [tilespmem:v34+s3+$0x0], $0xffff  }
0x26d: {  	v14 =	vld [tilespmem:$0xB610];
	_ =	sdelay $0x1  }
0x26e: {  	v35 =	vor.u32 v6, v12;
	_ =	sdelay $0x2  }
0x26f: {  	v13 =	vmax.f32 v13, v14  }
0x270: {  	[tilespmem:v34+s3+$0x0] =	vst.idx.msk $0xffff, v13  }
0x271: {  	v13 =	vld.idx.msk [tilespmem:v35+s3+$0x0], $0xffff  }
0x272: {  	v36 =	vld [tilespmem:$0xB620];
	_ =	sdelay $0x1  }
0x273: {  	v37 =	vor.u32 v7, v12;
	_ =	sdelay $0x2  }
0x274: {  	v13 =	vmax.f32 v13, v36  }
0x275: {  	[tilespmem:v35+s3+$0x0] =	vst.idx.msk $0xffff, v13  }
0x276: {  	v13 =	vld.idx.msk [tilespmem:v37+s3+$0x0], $0xffff  }
0x277: {  	v38 =	vld [tilespmem:$0xB630];
	_ =	sdelay $0x1  }
0x278: {  	v39 =	vor.u32 v8, v12;
	_ =	sdelay $0x2  }
0x279: {  	v13 =	vmax.f32 v13, v38  }
0x27a: {  	[tilespmem:v37+s3+$0x0] =	vst.idx.msk $0xffff, v13  }
0x27b: {  	v13 =	vld.idx.msk [tilespmem:v39+s3+$0x0], $0xffff  }
0x27c: {  	v40 =	vld [tilespmem:$0xB640];
	_ =	sdelay $0x1  }
0x27d: {  	v41 =	vor.u32 v9, v12;
	_ =	sdelay $0x2  }
0x27e: {  	v13 =	vmax.f32 v13, v40  }
0x27f: {  	[tilespmem:v39+s3+$0x0] =	vst.idx.msk $0xffff, v13  }
0x280: {  	v13 =	vld.idx.msk [tilespmem:v41+s3+$0x0], $0xffff  }
0x281: {  	v42 =	vld [tilespmem:$0xB650];
	_ =	sdelay $0x1  }
0x282: {  	v43 =	vor.u32 v10, v12;
	_ =	sdelay $0x2  }
0x283: {  	v13 =	vmax.f32 v13, v42  }
0x284: {  	[tilespmem:v41+s3+$0x0] =	vst.idx.msk $0xffff, v13  }
0x285: {  	v13 =	vld.idx.msk [tilespmem:v43+s3+$0x0], $0xffff  }
0x286: {  	v44 =	vld [tilespmem:$0xB660];
	_ =	sdelay $0x1  }
0x287: {  	v12 =	vor.u32 v11, v12;
	_ =	sdelay $0x2  }
0x288: {  	v13 =	vmax.f32 v13, v44  }
0x289: {  	s25 =	sadd.s32 $0xFFFFFFFA, s20;
	[tilespmem:v43+s3+$0x0] =	vst.idx.msk $0xffff, v13  }
0x28a: {  	v45 =	vmov s25;
	v13 =	vld.idx.msk [tilespmem:v12+s3+$0x0], $0xffff  }
0x28b: {  	v14 =	vand.u32 $0xFFFFFFF9, v45;
	v15 =	vld [tilespmem:$0xB670]  }
0x28c: {  	v14 =	vbroadcast v14, $0x0;
	_ =	sdelay $0x3  }
0x28d: {  	v13 =	vmax.f32 v13, v15  }
0x28e: {  	[tilespmem:v12+s3+$0x0] =	vst.idx.msk $0xffff, v13  }
0x28f: {  	v12 =	vld.idx.msk [tilespmem:v14+s11+$0x0], $0xffff;
	_ =	sdelay $0x4  }
0x290: {  	v12 =	vshll.u32 v12, $0x7  }
0x291: {  	v46 =	vor.u32 v2, v12;
	_ =	sdelay $0x3  }
0x292: {  	v48 =	vld [tilespmem:$0xB680]  }
0x293: {  	v47 =	vld.idx.msk [tilespmem:v46+s3+$0x0], $0xffff;
	_ =	sdelay $0x1  }
0x294: {  	v49 =	vor.u32 v5, v12;
	_ =	sdelay $0x2  }
0x295: {  	v14 =	vmax.f32 v47, v48  }
0x296: {  	[tilespmem:v46+s3+$0x0] =	vst.idx.msk $0xffff, v14  }
0x297: {  	v13 =	vld.idx.msk [tilespmem:v49+s3+$0x0], $0xffff  }
0x298: {  	v14 =	vld [tilespmem:$0xB690];
	_ =	sdelay $0x1  }
0x299: {  	v50 =	vor.u32 v6, v12;
	_ =	sdelay $0x2  }
0x29a: {  	v13 =	vmax.f32 v13, v14  }
0x29b: {  	[tilespmem:v49+s3+$0x0] =	vst.idx.msk $0xffff, v13  }
0x29c: {  	v13 =	vld.idx.msk [tilespmem:v50+s3+$0x0], $0xffff  }
0x29d: {  	v51 =	vld [tilespmem:$0xB6A0];
	_ =	sdelay $0x1  }
0x29e: {  	v52 =	vor.u32 v7, v12;
	_ =	sdelay $0x2  }
0x29f: {  	v13 =	vmax.f32 v13, v51  }
0x2a0: {  	[tilespmem:v50+s3+$0x0] =	vst.idx.msk $0xffff, v13  }
0x2a1: {  	v13 =	vld.idx.msk [tilespmem:v52+s3+$0x0], $0xffff  }
0x2a2: {  	v53 =	vld [tilespmem:$0xB6B0];
	_ =	sdelay $0x1  }
0x2a3: {  	v54 =	vor.u32 v8, v12;
	_ =	sdelay $0x2  }
0x2a4: {  	v13 =	vmax.f32 v13, v53  }
0x2a5: {  	[tilespmem:v52+s3+$0x0] =	vst.idx.msk $0xffff, v13  }
0x2a6: {  	v13 =	vld.idx.msk [tilespmem:v54+s3+$0x0], $0xffff  }
0x2a7: {  	v55 =	vld [tilespmem:$0xB6C0];
	_ =	sdelay $0x1  }
0x2a8: {  	v56 =	vor.u32 v9, v12;
	_ =	sdelay $0x2  }
0x2a9: {  	v13 =	vmax.f32 v13, v55  }
0x2aa: {  	[tilespmem:v54+s3+$0x0] =	vst.idx.msk $0xffff, v13  }
0x2ab: {  	v13 =	vld.idx.msk [tilespmem:v56+s3+$0x0], $0xffff  }
0x2ac: {  	v57 =	vld [tilespmem:$0xB6D0];
	_ =	sdelay $0x1  }
0x2ad: {  	v58 =	vor.u32 v10, v12;
	_ =	sdelay $0x2  }
0x2ae: {  	v13 =	vmax.f32 v13, v57  }
0x2af: {  	[tilespmem:v56+s3+$0x0] =	vst.idx.msk $0xffff, v13  }
0x2b0: {  	v13 =	vld.idx.msk [tilespmem:v58+s3+$0x0], $0xffff  }
0x2b1: {  	v59 =	vld [tilespmem:$0xB6E0];
	_ =	sdelay $0x1  }
0x2b2: {  	v12 =	vor.u32 v11, v12;
	_ =	sdelay $0x2  }
0x2b3: {  	v13 =	vmax.f32 v13, v59  }
0x2b4: {  	s26 =	sadd.s32 $0xFFFFFFFB, s20;
	[tilespmem:v58+s3+$0x0] =	vst.idx.msk $0xffff, v13  }
0x2b5: {  	v60 =	vmov s26;
	v13 =	vld.idx.msk [tilespmem:v12+s3+$0x0], $0xffff  }
0x2b6: {  	v14 =	vand.u32 $0xFFFFFFFA, v60;
	v15 =	vld [tilespmem:$0xB6F0]  }
0x2b7: {  	v14 =	vbroadcast v14, $0x0;
	_ =	sdelay $0x3  }
0x2b8: {  	v13 =	vmax.f32 v13, v15  }
0x2b9: {  	[tilespmem:v12+s3+$0x0] =	vst.idx.msk $0xffff, v13  }
0x2ba: {  	v12 =	vld.idx.msk [tilespmem:v14+s11+$0x0], $0xffff;
	_ =	sdelay $0x4  }
0x2bb: {  	v12 =	vshll.u32 v12, $0x7  }
0x2bc: {  	v61 =	vor.u32 v2, v12;
	_ =	sdelay $0x3  }
0x2bd: {  	v63 =	vld [tilespmem:$0xB700]  }
0x2be: {  	v62 =	vld.idx.msk [tilespmem:v61+s3+$0x0], $0xffff;
	_ =	sdelay $0x1  }
0x2bf: {  	v20 =	vor.u32 v5, v12;
	_ =	sdelay $0x2  }
0x2c0: {  	v14 =	vmax.f32 v62, v63  }
0x2c1: {  	[tilespmem:v61+s3+$0x0] =	vst.idx.msk $0xffff, v14  }
0x2c2: {  	v13 =	vld.idx.msk [tilespmem:v20+s3+$0x0], $0xffff  }
0x2c3: {  	v14 =	vld [tilespmem:$0xB710];
	_ =	sdelay $0x1  }
0x2c4: {  	v21 =	vor.u32 v6, v12;
	_ =	sdelay $0x2  }
0x2c5: {  	v13 =	vmax.f32 v13, v14  }
0x2c6: {  	[tilespmem:v20+s3+$0x0] =	vst.idx.msk $0xffff, v13  }
0x2c7: {  	v13 =	vld.idx.msk [tilespmem:v21+s3+$0x0], $0xffff  }
0x2c8: {  	v22 =	vld [tilespmem:$0xB720];
	_ =	sdelay $0x1  }
0x2c9: {  	v23 =	vor.u32 v7, v12;
	_ =	sdelay $0x2  }
0x2ca: {  	v13 =	vmax.f32 v13, v22  }
0x2cb: {  	[tilespmem:v21+s3+$0x0] =	vst.idx.msk $0xffff, v13  }
0x2cc: {  	v13 =	vld.idx.msk [tilespmem:v23+s3+$0x0], $0xffff  }
0x2cd: {  	v24 =	vld [tilespmem:$0xB730];
	_ =	sdelay $0x1  }
0x2ce: {  	v25 =	vor.u32 v8, v12;
	_ =	sdelay $0x2  }
0x2cf: {  	v13 =	vmax.f32 v13, v24  }
0x2d0: {  	[tilespmem:v23+s3+$0x0] =	vst.idx.msk $0xffff, v13  }
0x2d1: {  	v13 =	vld.idx.msk [tilespmem:v25+s3+$0x0], $0xffff  }
0x2d2: {  	v26 =	vld [tilespmem:$0xB740];
	_ =	sdelay $0x1  }
0x2d3: {  	v27 =	vor.u32 v9, v12;
	_ =	sdelay $0x2  }
0x2d4: {  	v13 =	vmax.f32 v13, v26  }
0x2d5: {  	[tilespmem:v25+s3+$0x0] =	vst.idx.msk $0xffff, v13  }
0x2d6: {  	v13 =	vld.idx.msk [tilespmem:v27+s3+$0x0], $0xffff  }
0x2d7: {  	v28 =	vld [tilespmem:$0xB750];
	_ =	sdelay $0x1  }
0x2d8: {  	v29 =	vor.u32 v10, v12;
	_ =	sdelay $0x2  }
0x2d9: {  	v13 =	vmax.f32 v13, v28  }
0x2da: {  	[tilespmem:v27+s3+$0x0] =	vst.idx.msk $0xffff, v13  }
0x2db: {  	v13 =	vld.idx.msk [tilespmem:v29+s3+$0x0], $0xffff  }
0x2dc: {  	v30 =	vld [tilespmem:$0xB760];
	_ =	sdelay $0x1  }
0x2dd: {  	v12 =	vor.u32 v11, v12;
	_ =	sdelay $0x2  }
0x2de: {  	v13 =	vmax.f32 v13, v30  }
0x2df: {  	s28 =	sadd.s32 $0xFFFFFFFC, s20;
	[tilespmem:v29+s3+$0x0] =	vst.idx.msk $0xffff, v13  }
0x2e0: {  	v31 =	vmov s28;
	v13 =	vld.idx.msk [tilespmem:v12+s3+$0x0], $0xffff  }
0x2e1: {  	v14 =	vand.u32 $0xFFFFFFFB, v31;
	v15 =	vld [tilespmem:$0xB770]  }
0x2e2: {  	v14 =	vbroadcast v14, $0x0;
	_ =	sdelay $0x3  }
0x2e3: {  	v13 =	vmax.f32 v13, v15  }
0x2e4: {  	[tilespmem:v12+s3+$0x0] =	vst.idx.msk $0xffff, v13  }
0x2e5: {  	v12 =	vld.idx.msk [tilespmem:v14+s11+$0x0], $0xffff;
	_ =	sdelay $0x4  }
0x2e6: {  	v12 =	vshll.u32 v12, $0x7  }
0x2e7: {  	v32 =	vor.u32 v2, v12;
	_ =	sdelay $0x3  }
0x2e8: {  	v34 =	vld [tilespmem:$0xB780]  }
0x2e9: {  	v33 =	vld.idx.msk [tilespmem:v32+s3+$0x0], $0xffff;
	_ =	sdelay $0x1  }
0x2ea: {  	v35 =	vor.u32 v5, v12;
	_ =	sdelay $0x2  }
0x2eb: {  	v14 =	vmax.f32 v33, v34  }
0x2ec: {  	[tilespmem:v32+s3+$0x0] =	vst.idx.msk $0xffff, v14  }
0x2ed: {  	v13 =	vld.idx.msk [tilespmem:v35+s3+$0x0], $0xffff  }
0x2ee: {  	v14 =	vld [tilespmem:$0xB790];
	_ =	sdelay $0x1  }
0x2ef: {  	v36 =	vor.u32 v6, v12;
	_ =	sdelay $0x2  }
0x2f0: {  	v13 =	vmax.f32 v13, v14  }
0x2f1: {  	[tilespmem:v35+s3+$0x0] =	vst.idx.msk $0xffff, v13  }
0x2f2: {  	v13 =	vld.idx.msk [tilespmem:v36+s3+$0x0], $0xffff  }
0x2f3: {  	v37 =	vld [tilespmem:$0xB7A0];
	_ =	sdelay $0x1  }
0x2f4: {  	v38 =	vor.u32 v7, v12;
	_ =	sdelay $0x2  }
0x2f5: {  	v13 =	vmax.f32 v13, v37  }
0x2f6: {  	[tilespmem:v36+s3+$0x0] =	vst.idx.msk $0xffff, v13  }
0x2f7: {  	v13 =	vld.idx.msk [tilespmem:v38+s3+$0x0], $0xffff  }
0x2f8: {  	v39 =	vld [tilespmem:$0xB7B0];
	_ =	sdelay $0x1  }
0x2f9: {  	v40 =	vor.u32 v8, v12;
	_ =	sdelay $0x2  }
0x2fa: {  	v13 =	vmax.f32 v13, v39  }
0x2fb: {  	[tilespmem:v38+s3+$0x0] =	vst.idx.msk $0xffff, v13  }
0x2fc: {  	v13 =	vld.idx.msk [tilespmem:v40+s3+$0x0], $0xffff  }
0x2fd: {  	v41 =	vld [tilespmem:$0xB7C0];
	_ =	sdelay $0x1  }
0x2fe: {  	v42 =	vor.u32 v9, v12;
	_ =	sdelay $0x2  }
0x2ff: {  	v13 =	vmax.f32 v13, v41  }
0x300: {  	[tilespmem:v40+s3+$0x0] =	vst.idx.msk $0xffff, v13  }
0x301: {  	v13 =	vld.idx.msk [tilespmem:v42+s3+$0x0], $0xffff  }
0x302: {  	v43 =	vld [tilespmem:$0xB7D0];
	_ =	sdelay $0x1  }
0x303: {  	v44 =	vor.u32 v10, v12;
	_ =	sdelay $0x2  }
0x304: {  	v13 =	vmax.f32 v13, v43  }
0x305: {  	[tilespmem:v42+s3+$0x0] =	vst.idx.msk $0xffff, v13  }
0x306: {  	v13 =	vld.idx.msk [tilespmem:v44+s3+$0x0], $0xffff  }
0x307: {  	v45 =	vld [tilespmem:$0xB7E0];
	_ =	sdelay $0x1  }
0x308: {  	v12 =	vor.u32 v11, v12;
	_ =	sdelay $0x2  }
0x309: {  	v13 =	vmax.f32 v13, v45  }
0x30a: {  	s29 =	sadd.s32 $0xFFFFFFFD, s20;
	[tilespmem:v44+s3+$0x0] =	vst.idx.msk $0xffff, v13  }
0x30b: {  	v46 =	vmov s29;
	v13 =	vld.idx.msk [tilespmem:v12+s3+$0x0], $0xffff  }
0x30c: {  	v14 =	vand.u32 $0xFFFFFFFC, v46;
	v15 =	vld [tilespmem:$0xB7F0]  }
0x30d: {  	v14 =	vbroadcast v14, $0x0;
	_ =	sdelay $0x3  }
0x30e: {  	v13 =	vmax.f32 v13, v15  }
0x30f: {  	[tilespmem:v12+s3+$0x0] =	vst.idx.msk $0xffff, v13  }
0x310: {  	v12 =	vld.idx.msk [tilespmem:v14+s11+$0x0], $0xffff;
	_ =	sdelay $0x4  }
0x311: {  	v12 =	vshll.u32 v12, $0x7  }
0x312: {  	v47 =	vor.u32 v2, v12;
	_ =	sdelay $0x3  }
0x313: {  	v49 =	vld [tilespmem:$0xB800]  }
0x314: {  	v48 =	vld.idx.msk [tilespmem:v47+s3+$0x0], $0xffff;
	_ =	sdelay $0x1  }
0x315: {  	v50 =	vor.u32 v5, v12;
	_ =	sdelay $0x2  }
0x316: {  	v14 =	vmax.f32 v48, v49  }
0x317: {  	[tilespmem:v47+s3+$0x0] =	vst.idx.msk $0xffff, v14  }
0x318: {  	v13 =	vld.idx.msk [tilespmem:v50+s3+$0x0], $0xffff  }
0x319: {  	v14 =	vld [tilespmem:$0xB810];
	_ =	sdelay $0x1  }
0x31a: {  	v51 =	vor.u32 v6, v12;
	_ =	sdelay $0x2  }
0x31b: {  	v13 =	vmax.f32 v13, v14  }
0x31c: {  	[tilespmem:v50+s3+$0x0] =	vst.idx.msk $0xffff, v13  }
0x31d: {  	v13 =	vld.idx.msk [tilespmem:v51+s3+$0x0], $0xffff  }
0x31e: {  	v52 =	vld [tilespmem:$0xB820];
	_ =	sdelay $0x1  }
0x31f: {  	v53 =	vor.u32 v7, v12;
	_ =	sdelay $0x2  }
0x320: {  	v13 =	vmax.f32 v13, v52  }
0x321: {  	[tilespmem:v51+s3+$0x0] =	vst.idx.msk $0xffff, v13  }
0x322: {  	v13 =	vld.idx.msk [tilespmem:v53+s3+$0x0], $0xffff  }
0x323: {  	v54 =	vld [tilespmem:$0xB830];
	_ =	sdelay $0x1  }
0x324: {  	v55 =	vor.u32 v8, v12;
	_ =	sdelay $0x2  }
0x325: {  	v13 =	vmax.f32 v13, v54  }
0x326: {  	[tilespmem:v53+s3+$0x0] =	vst.idx.msk $0xffff, v13  }
0x327: {  	v13 =	vld.idx.msk [tilespmem:v55+s3+$0x0], $0xffff  }
0x328: {  	v56 =	vld [tilespmem:$0xB840];
	_ =	sdelay $0x1  }
0x329: {  	v57 =	vor.u32 v9, v12;
	_ =	sdelay $0x2  }
0x32a: {  	v13 =	vmax.f32 v13, v56  }
0x32b: {  	[tilespmem:v55+s3+$0x0] =	vst.idx.msk $0xffff, v13  }
0x32c: {  	v13 =	vld.idx.msk [tilespmem:v57+s3+$0x0], $0xffff  }
0x32d: {  	v58 =	vld [tilespmem:$0xB850];
	_ =	sdelay $0x1  }
0x32e: {  	v59 =	vor.u32 v10, v12;
	_ =	sdelay $0x2  }
0x32f: {  	v13 =	vmax.f32 v13, v58  }
0x330: {  	[tilespmem:v57+s3+$0x0] =	vst.idx.msk $0xffff, v13  }
0x331: {  	v13 =	vld.idx.msk [tilespmem:v59+s3+$0x0], $0xffff  }
0x332: {  	v60 =	vld [tilespmem:$0xB860];
	_ =	sdelay $0x1  }
0x333: {  	v12 =	vor.u32 v11, v12;
	_ =	sdelay $0x2  }
0x334: {  	v13 =	vmax.f32 v13, v60  }
0x335: {  	s30 =	sadd.s32 $0xFFFFFFFE, s20;
	[tilespmem:v59+s3+$0x0] =	vst.idx.msk $0xffff, v13  }
0x336: {  	v61 =	vmov s30;
	v13 =	vld.idx.msk [tilespmem:v12+s3+$0x0], $0xffff  }
0x337: {  	v14 =	vand.u32 $0xFFFFFFFD, v61;
	v15 =	vld [tilespmem:$0xB870]  }
0x338: {  	v14 =	vbroadcast v14, $0x0;
	_ =	sdelay $0x3  }
0x339: {  	v13 =	vmax.f32 v13, v15  }
0x33a: {  	[tilespmem:v12+s3+$0x0] =	vst.idx.msk $0xffff, v13  }
0x33b: {  	v12 =	vld.idx.msk [tilespmem:v14+s11+$0x0], $0xffff;
	_ =	sdelay $0x4  }
0x33c: {  	v12 =	vshll.u32 v12, $0x7  }
0x33d: {  	v62 =	vor.u32 v2, v12;
	_ =	sdelay $0x3  }
0x33e: {  	v20 =	vld [tilespmem:$0xB880]  }
0x33f: {  	v63 =	vld.idx.msk [tilespmem:v62+s3+$0x0], $0xffff;
	_ =	sdelay $0x1  }
0x340: {  	v21 =	vor.u32 v5, v12;
	_ =	sdelay $0x2  }
0x341: {  	v14 =	vmax.f32 v63, v20  }
0x342: {  	[tilespmem:v62+s3+$0x0] =	vst.idx.msk $0xffff, v14  }
0x343: {  	v13 =	vld.idx.msk [tilespmem:v21+s3+$0x0], $0xffff  }
0x344: {  	v14 =	vld [tilespmem:$0xB890];
	_ =	sdelay $0x1  }
0x345: {  	v22 =	vor.u32 v6, v12;
	_ =	sdelay $0x2  }
0x346: {  	v13 =	vmax.f32 v13, v14  }
0x347: {  	[tilespmem:v21+s3+$0x0] =	vst.idx.msk $0xffff, v13  }
0x348: {  	v13 =	vld.idx.msk [tilespmem:v22+s3+$0x0], $0xffff  }
0x349: {  	v23 =	vld [tilespmem:$0xB8A0];
	_ =	sdelay $0x1  }
0x34a: {  	v24 =	vor.u32 v7, v12;
	_ =	sdelay $0x2  }
0x34b: {  	v13 =	vmax.f32 v13, v23  }
0x34c: {  	[tilespmem:v22+s3+$0x0] =	vst.idx.msk $0xffff, v13  }
0x34d: {  	v13 =	vld.idx.msk [tilespmem:v24+s3+$0x0], $0xffff  }
0x34e: {  	v25 =	vld [tilespmem:$0xB8B0];
	_ =	sdelay $0x1  }
0x34f: {  	v26 =	vor.u32 v8, v12;
	_ =	sdelay $0x2  }
0x350: {  	v13 =	vmax.f32 v13, v25  }
0x351: {  	[tilespmem:v24+s3+$0x0] =	vst.idx.msk $0xffff, v13  }
0x352: {  	v13 =	vld.idx.msk [tilespmem:v26+s3+$0x0], $0xffff  }
0x353: {  	v27 =	vld [tilespmem:$0xB8C0];
	_ =	sdelay $0x1  }
0x354: {  	v28 =	vor.u32 v9, v12;
	_ =	sdelay $0x2  }
0x355: {  	v13 =	vmax.f32 v13, v27  }
0x356: {  	[tilespmem:v26+s3+$0x0] =	vst.idx.msk $0xffff, v13  }
0x357: {  	v13 =	vld.idx.msk [tilespmem:v28+s3+$0x0], $0xffff  }
0x358: {  	v29 =	vld [tilespmem:$0xB8D0];
	_ =	sdelay $0x1  }
0x359: {  	v30 =	vor.u32 v10, v12;
	_ =	sdelay $0x2  }
0x35a: {  	v13 =	vmax.f32 v13, v29  }
0x35b: {  	[tilespmem:v28+s3+$0x0] =	vst.idx.msk $0xffff, v13  }
0x35c: {  	v13 =	vld.idx.msk [tilespmem:v30+s3+$0x0], $0xffff  }
0x35d: {  	v31 =	vld [tilespmem:$0xB8E0];
	_ =	sdelay $0x1  }
0x35e: {  	v12 =	vor.u32 v11, v12;
	_ =	sdelay $0x2  }
0x35f: {  	v13 =	vmax.f32 v13, v31  }
0x360: {  	s31 =	sadd.s32 $0xFFFFFFFF, s20;
	[tilespmem:v30+s3+$0x0] =	vst.idx.msk $0xffff, v13  }
0x361: {  	v32 =	vmov s31;
	v13 =	vld.idx.msk [tilespmem:v12+s3+$0x0], $0xffff  }
0x362: {  	v14 =	vand.u32 $0xFFFFFFFE, v32;
	v15 =	vld [tilespmem:$0xB8F0]  }
0x363: {  	v14 =	vbroadcast v14, $0x0;
	_ =	sdelay $0x3  }
0x364: {  	v13 =	vmax.f32 v13, v15  }
0x365: {  	[tilespmem:v12+s3+$0x0] =	vst.idx.msk $0xffff, v13  }
0x366: {  	v12 =	vld.idx.msk [tilespmem:v14+s11+$0x0], $0xffff;
	_ =	sdelay $0x4  }
0x367: {  	v12 =	vshll.u32 v12, $0x7  }
0x368: {  	v33 =	vor.u32 v2, v12;
	_ =	sdelay $0x3  }
0x369: {  	v35 =	vld [tilespmem:$0xB900]  }
0x36a: {  	v34 =	vld.idx.msk [tilespmem:v33+s3+$0x0], $0xffff;
	_ =	sdelay $0x1  }
0x36b: {  	v36 =	vor.u32 v5, v12;
	_ =	sdelay $0x2  }
0x36c: {  	v14 =	vmax.f32 v34, v35  }
0x36d: {  	[tilespmem:v33+s3+$0x0] =	vst.idx.msk $0xffff, v14  }
0x36e: {  	v13 =	vld.idx.msk [tilespmem:v36+s3+$0x0], $0xffff  }
0x36f: {  	v14 =	vld [tilespmem:$0xB910];
	_ =	sdelay $0x1  }
0x370: {  	v37 =	vor.u32 v6, v12;
	_ =	sdelay $0x2  }
0x371: {  	v13 =	vmax.f32 v13, v14  }
0x372: {  	[tilespmem:v36+s3+$0x0] =	vst.idx.msk $0xffff, v13  }
0x373: {  	v13 =	vld.idx.msk [tilespmem:v37+s3+$0x0], $0xffff  }
0x374: {  	v38 =	vld [tilespmem:$0xB920];
	_ =	sdelay $0x1  }
0x375: {  	v39 =	vor.u32 v7, v12;
	_ =	sdelay $0x2  }
0x376: {  	v13 =	vmax.f32 v13, v38  }
0x377: {  	[tilespmem:v37+s3+$0x0] =	vst.idx.msk $0xffff, v13  }
0x378: {  	v13 =	vld.idx.msk [tilespmem:v39+s3+$0x0], $0xffff  }
0x379: {  	v40 =	vld [tilespmem:$0xB930];
	_ =	sdelay $0x1  }
0x37a: {  	v41 =	vor.u32 v8, v12;
	_ =	sdelay $0x2  }
0x37b: {  	v13 =	vmax.f32 v13, v40  }
0x37c: {  	[tilespmem:v39+s3+$0x0] =	vst.idx.msk $0xffff, v13  }
0x37d: {  	v13 =	vld.idx.msk [tilespmem:v41+s3+$0x0], $0xffff  }
0x37e: {  	v42 =	vld [tilespmem:$0xB940];
	_ =	sdelay $0x1  }
0x37f: {  	v43 =	vor.u32 v9, v12;
	_ =	sdelay $0x2  }
0x380: {  	v13 =	vmax.f32 v13, v42  }
0x381: {  	[tilespmem:v41+s3+$0x0] =	vst.idx.msk $0xffff, v13  }
0x382: {  	v13 =	vld.idx.msk [tilespmem:v43+s3+$0x0], $0xffff  }
0x383: {  	v44 =	vld [tilespmem:$0xB950];
	_ =	sdelay $0x1  }
0x384: {  	v45 =	vor.u32 v10, v12;
	_ =	sdelay $0x2  }
0x385: {  	v13 =	vmax.f32 v13, v44  }
0x386: {  	[tilespmem:v43+s3+$0x0] =	vst.idx.msk $0xffff, v13  }
0x387: {  	v13 =	vld.idx.msk [tilespmem:v45+s3+$0x0], $0xffff  }
0x388: {  	v46 =	vld [tilespmem:$0xB960];
	_ =	sdelay $0x1  }
0x389: {  	v12 =	vor.u32 v11, v12;
	_ =	sdelay $0x2  }
0x38a: {  	v13 =	vmax.f32 v13, v46  }
0x38b: {  	[tilespmem:v45+s3+$0x0] =	vst.idx.msk $0xffff, v13  }
0x38c: {  	v13 =	vld.idx.msk [tilespmem:v12+s3+$0x0], $0xffff  }
0x38d: {  	v47 =	vld [tilespmem:$0xB970];
	_ =	sdelay $0x1  }
0x38e: {  	v48 =	vmov s20;
	_ =	sdelay $0x2  }
0x38f: {  	v13 =	vmax.f32 v13, v47  }
0x390: {  	[tilespmem:v12+s3+$0x0] =	vst.idx.msk $0xffff, v13  }
0x391: {  	v12 =	vld.idx.msk [tilespmem:v48+s11+$0x0], $0xffff;
	_ =	sdelay $0x4  }
0x392: {  	v12 =	vshll.u32 v12, $0x7  }
0x393: {  	v49 =	vor.u32 v2, v12;
	_ =	sdelay $0x3  }
0x394: {  	v51 =	vld [tilespmem:$0xB980]  }
0x395: {  	v50 =	vld.idx.msk [tilespmem:v49+s3+$0x0], $0xffff;
	_ =	sdelay $0x1  }
0x396: {  	v52 =	vor.u32 v5, v12;
	_ =	sdelay $0x2  }
0x397: {  	v14 =	vmax.f32 v50, v51  }
0x398: {  	[tilespmem:v49+s3+$0x0] =	vst.idx.msk $0xffff, v14  }
0x399: {  	v13 =	vld.idx.msk [tilespmem:v52+s3+$0x0], $0xffff  }
0x39a: {  	v14 =	vld [tilespmem:$0xB990];
	_ =	sdelay $0x1  }
0x39b: {  	v53 =	vor.u32 v6, v12;
	_ =	sdelay $0x2  }
0x39c: {  	v13 =	vmax.f32 v13, v14  }
0x39d: {  	[tilespmem:v52+s3+$0x0] =	vst.idx.msk $0xffff, v13  }
0x39e: {  	v13 =	vld.idx.msk [tilespmem:v53+s3+$0x0], $0xffff  }
0x39f: {  	v54 =	vld [tilespmem:$0xB9A0];
	_ =	sdelay $0x1  }
0x3a0: {  	v55 =	vor.u32 v7, v12;
	_ =	sdelay $0x2  }
0x3a1: {  	v13 =	vmax.f32 v13, v54  }
0x3a2: {  	[tilespmem:v53+s3+$0x0] =	vst.idx.msk $0xffff, v13  }
0x3a3: {  	v13 =	vld.idx.msk [tilespmem:v55+s3+$0x0], $0xffff  }
0x3a4: {  	v56 =	vld [tilespmem:$0xB9B0];
	_ =	sdelay $0x1  }
0x3a5: {  	v57 =	vor.u32 v8, v12;
	_ =	sdelay $0x2  }
0x3a6: {  	v13 =	vmax.f32 v13, v56  }
0x3a7: {  	[tilespmem:v55+s3+$0x0] =	vst.idx.msk $0xffff, v13  }
0x3a8: {  	v13 =	vld.idx.msk [tilespmem:v57+s3+$0x0], $0xffff  }
0x3a9: {  	v58 =	vld [tilespmem:$0xB9C0];
	_ =	sdelay $0x1  }
0x3aa: {  	v59 =	vor.u32 v9, v12;
	_ =	sdelay $0x2  }
0x3ab: {  	v13 =	vmax.f32 v13, v58  }
0x3ac: {  	[tilespmem:v57+s3+$0x0] =	vst.idx.msk $0xffff, v13  }
0x3ad: {  	v13 =	vld.idx.msk [tilespmem:v59+s3+$0x0], $0xffff  }
0x3ae: {  	v60 =	vld [tilespmem:$0xB9D0];
	_ =	sdelay $0x1  }
0x3af: {  	v61 =	vor.u32 v10, v12;
	_ =	sdelay $0x2  }
0x3b0: {  	v13 =	vmax.f32 v13, v60  }
0x3b1: {  	[tilespmem:v59+s3+$0x0] =	vst.idx.msk $0xffff, v13  }
0x3b2: {  	v13 =	vld.idx.msk [tilespmem:v61+s3+$0x0], $0xffff  }
0x3b3: {  	v62 =	vld [tilespmem:$0xB9E0];
	_ =	sdelay $0x1  }
0x3b4: {  	v12 =	vor.u32 v11, v12;
	_ =	sdelay $0x2  }
0x3b5: {  	v13 =	vmax.f32 v13, v62  }
0x3b6: {  	[tilespmem:v61+s3+$0x0] =	vst.idx.msk $0xffff, v13  }
0x3b7: {  	v13 =	vld.idx.msk [tilespmem:v12+s3+$0x0], $0xffff  }
0x3b8: {  	v63 =	vld [tilespmem:$0xB9F0]  }
0x3b9: {  	p0 =	sne.s32 s19, $0x1  }
.Ltmp7:
0x3ba: {  	_ = 	snop;
	(pc) =	sbr.rel @p0 .LBB2_8-.Ltmp7, $3  }
0x3bb: {  	_ =	sdelay $0x1  }
0x3bc: {  	v13 =	vmax.f32 v13, v63  }
0x3bd: {  	s21 =	sadd.s32 $0x10, s21;
	s19 =	sadd.s32 $0xFFFFFFFF, s19;
	s20 =	sadd.s32 $0x10, s20;
	[tilespmem:v12+s3+$0x0] =	vst.idx.msk $0xffff, v13  }
.Ltmp8:
0x3be: {  	_ = 	snop;
	(pc) =	sbr.rel .LBB2_9-.Ltmp8, $1  }
0x3bf: {  	_ =	sdelay $0x3  }
.LBB2_11:
0x3c0: {  	_ =	sfence.sel $0x180000  }
0x3c1: {  	[bflag:$0x0] =	sbarrier.arrive $0xFFFF  }
0x3c2: {  	p0 =	sne.s32 s0, $0x0;
	_ =	strace $0x90000047  }
0x3c3: {  	s0 =	sadd.s32 @!p0 $0x100000, s1;
	[bflag:$0x2] =	sbarrier.arrive $0xFFFF  }
0x3c4: {  	[sflag:s0] =	ssyncadd.tile.s32 @!p0 $0x1;
	_ =	shalt  }
.Lfunc_end2:
_tile_overlayer_lowered:
.L_overlay_start_2:
0x3c5: {  	(tag) =	ssettag $0x2  }
0x3c6: {  	s0 =	rddreg [dreg:$0x0];
	s2 =	stileid.u32  }
0x3c7: {  	s1 =	rddreg [dreg:$0x1];
	p0 =	sne.s32 s2, $0x0  }
0x3c8: {  	s3 =	rddreg [dreg:$0x2];
	[bflag:$0x3] =	sbarrier.arrive $0xFFFF;
	s2 =	simm.s32 @!p0 $0x1C02  }
0x3c9: {  	[timem:s3], [sflag:s2] =	dma.local @!p0 [hbm:s0], s1  }
0x3ca: {  	s0 =	simm.s32 @!p0 $0x2  }
0x3cb: {  	_ =	swait.ge @!p0 [sflag:s0], s1  }
0x3cc: {  	s1 =	ssub.s32 @!p0 $0x0, s1;
	[sflag:s0] =	ssyncset.done @!p0 $0x0  }
0x3cd: {  	[sflag:s0] =	ssyncadd.s32 @!p0 s1  }
0x3ce: {  	[bflag:$0x3] =	sbarrier.arrive $0xFFFF  }
0x3cf: {  	_ =	shalt  }

</sc_bundles>
